<compile_context>
chip_gen: v7x
topology: tpu7x:2x2x1
jax: 0.10.2.dev20260603
libtpu: 0.0.44.dev20260713+nightly
codegen_flags: <defaults>
</compile_context>

<pallas_src>
import functools

import jax
import jax.numpy as jnp
from jax import lax
from jax.experimental import pallas as pl
from jax.experimental.pallas import tpu as pltpu
from jax.experimental.pallas import tpu_sc as plsc

NUM_NT = 1024
NT_DIM = 64
DECAY = 0.99

_R = 5120
_P = _R // 128
_W = 128
_NTILE = 16
_RPT = 1600
_CHUNK = 160
_SUB = 80


def _tc_body(xt_ref, mask_ref, cb_ref,
             idx_ref, push_ref, w_ref):
    cb = cb_ref[...]
    cbsq = jnp.sum(cb * cb, axis=1, keepdims=True)
    sel0 = (lax.broadcasted_iota(jnp.int32, (_W - NT_DIM, 128), 0) == 0
            ).astype(jnp.float32)
    idx_rows = []
    for p in range(_P):
        xT = xt_ref[p]
        scoresT = lax.dot_general(cb, xT, (((1,), (0,)), ((), ())),
                                  preferred_element_type=jnp.float32)
        xsqT = jnp.sum(xT * xT, axis=0, keepdims=True)
        d2T = xsqT - 2.0 * scoresT + cbsq
        idx_rows.append(jnp.argmin(d2T, axis=0).astype(jnp.int32)[None, :])
        mrow = mask_ref[0, p, :][None, :]
        wT = jnp.concatenate([xT * mrow, sel0 * mrow], axis=0)
        w_ref[pl.ds(p * 128, 128), :] = jnp.transpose(wT, (1, 0))
    idx2 = jnp.concatenate(idx_rows, axis=0)
    m2 = mask_ref[0]
    idx_ref[0] = idx2
    push_ref[0] = idx2 * m2.astype(jnp.int32)


def _sc_body(idx_hbm, w_hbm, cb_hbm, maccx_hbm, zero_hbm,
             quant_hbm, newx_hbm,
             idx_g, idx_v, gbuf0, gbuf1, wbuf0, wbuf1, eacc_v, emax_v,
             accum_sh, sem_g, sem_o, sem_w):
    cid = lax.axis_index("c")
    sid = lax.axis_index("s")
    rows_acc = NUM_NT // _NTILE
    base = sid * _RPT
    nch = _RPT // _CHUNK
    nsub = _CHUNK // _SUB
    gbufs = (gbuf0, gbuf1)
    wbufs = (wbuf0, wbuf1)

    @pl.when(cid == 1)
    def _gather():
        pltpu.sync_copy(idx_hbm.at[pl.ds(base, _RPT)], idx_g)
        gh, oh = {}, {}
        for ch in range(nch + 1):
            if ch >= 1:
                for c in gh[ch - 1]:
                    c.wait()
                oh[ch - 1] = pltpu.async_copy(
                    gbufs[(ch - 1) & 1],
                    quant_hbm.at[pl.ds(base + (ch - 1) * _CHUNK, _CHUNK)],
                    sem_o)
            if ch >= 2:
                oh[ch - 2].wait()
            if ch < nch:
                gh[ch] = [
                    pltpu.async_copy(
                        cb_hbm.at[idx_g.at[pl.ds(ch * _CHUNK + j * _SUB,
                                                 _SUB)]],
                        gbufs[ch & 1].at[pl.ds(j * _SUB, _SUB)], sem_g)
                    for j in range(nsub)
                ]
        oh[nch - 1].wait()

    @pl.when(cid == 0)
    def _scatter():
        idx_copies = [
            pltpu.async_copy(idx_hbm.at[pl.ds(base + j * _SUB, _SUB)],
                             idx_v.at[j], sem_g)
            for j in range(_RPT // _SUB)
        ]
        r0 = sid * rows_acc
        pltpu.sync_copy(zero_hbm.at[pl.ds(r0, rows_acc)],
                        accum_sh.at[pl.ds(r0, rows_acc)])
        wdma = {0: pltpu.async_copy(w_hbm.at[sid, pl.ds(0, _CHUNK)],
                                    wbufs[0], sem_w)}
        for c in idx_copies:
            c.wait()
        plsc.subcore_barrier()
        for ch in range(nch):
            wdma[ch].wait()
            if ch + 1 < nch:
                wdma[ch + 1] = pltpu.async_copy(
                    w_hbm.at[sid, pl.ds((ch + 1) * _CHUNK, _CHUNK)],
                    wbufs[(ch + 1) & 1], sem_w)
            for j in range(nsub):
                pltpu.sync_copy(
                    wbufs[ch & 1].at[pl.ds(j * _SUB, _SUB)],
                    accum_sh.at[idx_v.at[ch * nsub + j]],
                    add=True)
        plsc.subcore_barrier()
        pltpu.sync_copy(accum_sh.at[pl.ds(r0, rows_acc)], eacc_v)
        pltpu.sync_copy(maccx_hbm.at[pl.ds(r0, rows_acc)], emax_v)

        def row_fn(rr, _):
            for c4 in range(_W // 16):
                s = pl.ds(c4 * 16, 16)
                emax_v[rr, s] = (DECAY * emax_v[rr, s]
                                 + (1.0 - DECAY) * eacc_v[rr, s])
            return 0

        lax.fori_loop(0, rows_acc, row_fn, 0)
        pltpu.sync_copy(emax_v, newx_hbm.at[pl.ds(r0, rows_acc)])


def kernel(codes, step_mask, codebook, m_acc, n_acc):
    B, T, two, D = codes.shape
    K = codebook.shape[0]
    N = B * T * two
    nsteps = N // _R
    xt3 = codes.transpose(1, 2, 3, 0).reshape(T * two, D, B)
    maskf = jnp.broadcast_to(
        step_mask.T[:, None, :], (T, two, B)).reshape(nsteps, _P, 128)

    idx3, push3, weighted = pl.pallas_call(
        _tc_body,
        grid=(nsteps,),
        in_specs=[
            pl.BlockSpec((_P, D, 128), lambda i: (i, 0, 0)),
            pl.BlockSpec((1, _P, 128), lambda i: (i, 0, 0)),
            pl.BlockSpec((K, D), lambda i: (0, 0)),
        ],
        out_specs=[
            pl.BlockSpec((1, _P, 128), lambda i: (i, 0, 0)),
            pl.BlockSpec((1, _P, 128), lambda i: (i, 0, 0)),
            pl.BlockSpec((_R, _W), lambda i: (i, 0)),
        ],
        out_shape=(
            jax.ShapeDtypeStruct((nsteps, _P, 128), jnp.int32),
            jax.ShapeDtypeStruct((nsteps, _P, 128), jnp.int32),
            jax.ShapeDtypeStruct((N, _W), jnp.float32),
        ),
    )(xt3, maskf, codebook)

    idx_t = idx3.reshape(N)
    w_t = weighted.reshape(_NTILE, _RPT, _W)
    cb128 = jnp.pad(codebook, ((0, 0), (0, _W - D)))
    maccx = jnp.concatenate(
        [m_acc, n_acc[:, None], jnp.zeros((K, _W - D - 1), jnp.float32)],
        axis=1)
    zeros = jnp.zeros((K, _W), jnp.float32)

    mesh = plsc.VectorSubcoreMesh(core_axis_name="c", subcore_axis_name="s")
    sc = functools.partial(
        pl.kernel,
        mesh=mesh,
        out_type=(
            jax.ShapeDtypeStruct((N, _W), jnp.float32),
            jax.ShapeDtypeStruct((K, _W), jnp.float32),
        ),
        scratch_types=[
            pltpu.VMEM((_RPT,), jnp.int32),
            pltpu.VMEM((_RPT // _SUB, _SUB), jnp.int32),
            pltpu.VMEM((_CHUNK, _W), jnp.float32),
            pltpu.VMEM((_CHUNK, _W), jnp.float32),
            pltpu.VMEM((_CHUNK, _W), jnp.float32),
            pltpu.VMEM((_CHUNK, _W), jnp.float32),
            pltpu.VMEM((K // _NTILE, _W), jnp.float32),
            pltpu.VMEM((K // _NTILE, _W), jnp.float32),
            pltpu.VMEM_SHARED((K, _W), jnp.float32),
            pltpu.SemaphoreType.DMA,
            pltpu.SemaphoreType.DMA,
            pltpu.SemaphoreType.DMA,
        ],
    )(_sc_body)
    quant128, newx = sc(idx_t, w_t, cb128, maccx, zeros)

    return (quant128[:, :D].reshape(T, two, B, D).transpose(2, 0, 1, 3),
            push3.reshape(T, two, B).transpose(2, 0, 1),
            newx[:, :D],
            newx[:, D])

# --- scband reference (transcript-rebuilt; emitter-appended) ---
"""Pipeline reference for scband-neural-pda-86328842649766 (READ-ONLY COPY).

The authoritative reference and input builder live on the scoring server;
editing this copy changes nothing except your own understanding.
"""

import jax, jax.numpy as jnp
import numpy as np

NUM_NT = 1024
NT_DIM = 64
BATCH = 128
STEPS = 100
DECAY = 0.99


def setup_inputs(seed: int = 0) -> dict:
    key = jax.random.key(seed)
    k1, k2 = jax.random.split(key, 2)
    # raw NT codes emitted by the nt_decoder across all decoding steps: (B, T, 2, d)
    codes = jax.random.normal(k1, (BATCH, STEPS, 2, NT_DIM), dtype=jnp.float32)
    # per-step validity mask (x_mask * stack top_mask in the original loop)
    step_mask = jnp.ones((BATCH, STEPS), dtype=jnp.float32)
    # learned codebook, row-normalized at init as in __init__
    cb = jax.random.normal(k2, (NUM_NT, NT_DIM), dtype=jnp.float32)
    codebook = cb / (jnp.linalg.norm(cb, axis=-1, keepdims=True) + 1e-12)
    # EMA accumulators (_code_m_acc, _code_n_acc)
    m_acc = codebook.copy()
    n_acc = jnp.full((NUM_NT,), 1.0, dtype=jnp.float32)
    return {"codes": codes, "step_mask": step_mask, "codebook": codebook, "m_acc": m_acc, "n_acc": n_acc}


def reference(codes, step_mask, codebook, m_acc, n_acc):
    B, T, two, D = codes.shape
    K = codebook.shape[0]
    # _quantize_code: nearest codebook entry by L2 distance
    flat = codes.reshape(-1, D)
    d2 = (jnp.sum(flat * flat, axis=-1, keepdims=True)
          - 2.0 * flat @ codebook.T
          + jnp.sum(codebook * codebook, axis=-1)[None, :])
    idx = jnp.argmin(d2, axis=-1)
    quantized_code = jnp.take(codebook, idx, axis=0).reshape(B, T, two, D)
    quantized_idx = idx.reshape(B, T, two)
    # push_mask = quantized_idx * step_mask.unsqueeze(-1)
    push_mask = (quantized_idx * step_mask.astype(jnp.int32)[:, :, None]).astype(jnp.int32)
    # _get_step_moving_averages accumulated over all steps (training branch)
    qidx_onehot = (quantized_idx[..., None] == jnp.arange(K)[None, None, None, :]).astype(codes.dtype)  # (B,T,2,K)
    filtered = step_mask[:, :, None, None] * qidx_onehot
    acc_n = filtered.sum(axis=(0, 1, 2))                       # (K,)
    acc_m = jnp.einsum('btck,btcd->kd', filtered, codes)        # (K, D)
    r = DECAY
    new_m_acc = r * m_acc + (1.0 - r) * acc_m
    new_n_acc = r * n_acc + (1.0 - r) * acc_n
    return quantized_code, push_mask, new_m_acc, new_n_acc

if __name__ == "__main__":
    import jax
    _d = setup_inputs()
    print(jax.jit(kernel)(*tuple(_d.values())))

</pallas_src>

<mosaic_0001>
#map = affine_map<(d0, d1) -> (0)>
#map1 = affine_map<(d0, d1) -> (0, 0, 0)>
#map2 = affine_map<(d0, d1) -> (0, 0)>
module attributes {stable_mosaic.version = 14 : i64} {
  func.func @_sc_body(%arg0: i32, %arg1: i32, %arg2: memref<25600xi32, #tpu.memory_space<hbm>>, %arg3: memref<16x1600x128xf32, #tpu.memory_space<hbm>>, %arg4: memref<1024x128xf32, #tpu.memory_space<hbm>>, %arg5: memref<1024x128xf32, #tpu.memory_space<hbm>>, %arg6: memref<1024x128xf32, #tpu.memory_space<hbm>>, %arg7: memref<25600x128xf32, #tpu.memory_space<hbm>>, %arg8: memref<1024x128xf32, #tpu.memory_space<hbm>>, %arg9: memref<1600xi32, #tpu.memory_space<vmem>>, %arg10: memref<20x80xi32, #tpu.memory_space<vmem>>, %arg11: memref<160x128xf32, #tpu.memory_space<vmem>>, %arg12: memref<160x128xf32, #tpu.memory_space<vmem>>, %arg13: memref<160x128xf32, #tpu.memory_space<vmem>>, %arg14: memref<160x128xf32, #tpu.memory_space<vmem>>, %arg15: memref<64x128xf32, #tpu.memory_space<vmem>>, %arg16: memref<64x128xf32, #tpu.memory_space<vmem>>, %arg17: memref<1024x128xf32, #tpu.memory_space<vmem_shared>>, %arg18: memref<!tpu.dma_semaphore, #tpu.memory_space<semaphore_mem>>, %arg19: memref<!tpu.dma_semaphore, #tpu.memory_space<semaphore_mem>>, %arg20: memref<!tpu.dma_semaphore, #tpu.memory_space<semaphore_mem>>) attributes {dimension_semantics = [#tpu.dimension_semantics<core_parallel>, #tpu.dimension_semantics<subcore_parallel>], iteration_bounds = array<i64: 2, 16>, scalar_prefetch = 0 : i64, scratch_operands = 12 : i64, tpu.core_type = #tpu.core_type<sc_vector_subcore>, window_params = [{transform_indices = #map}, {transform_indices = #map1}, {transform_indices = #map2}, {transform_indices = #map2}, {transform_indices = #map2}, {transform_indices = #map2}, {transform_indices = #map2}]} {
    %mul3A = arith.constant 1600 : i32
    %mul3A_0 = arith.muli %arg1, %mul3A : i32
    %eq3A = arith.constant 1 : i32
    %eq3A_1 = arith.cmpi eq, %arg0, %eq3A : i32
    %convert_element_type3A = arith.extui %eq3A_1 : i1 to i32
    %cond3A = arith.constant 0 : i32
    %cond3A_2 = arith.cmpi ne, %convert_element_type3A, %cond3A : i32
    scf.if %cond3A_2 {
      "tpu.region"() ({
        %run_scoped3A = tpu.sem_alloc : memref<!tpu.dma_semaphore, #tpu.memory_space<semaphore_mem>>
        %dma_start3A_425 = tpu.memref_slice %arg2[%mul3A_0] : memref<25600xi32, #tpu.memory_space<hbm>> -> memref<1600xi32, #tpu.memory_space<hbm>>
        %dma_start3A_426 = tpu.memref_slice %arg2[%mul3A_0] : memref<25600xi32, #tpu.memory_space<hbm>> -> memref<1600xi32, #tpu.memory_space<hbm>>
        tpu.enqueue_dma source(%dma_start3A_426 : memref<1600xi32, #tpu.memory_space<hbm>>) target(%arg9 : memref<1600xi32, #tpu.memory_space<vmem>>) target_semaphore(%run_scoped3A : memref<!tpu.dma_semaphore, #tpu.memory_space<semaphore_mem>>)
        %dma_wait3A_427 = tpu.memref_slice %arg2[%mul3A_0] : memref<25600xi32, #tpu.memory_space<hbm>> -> memref<1600xi32, #tpu.memory_space<hbm>>
        %dma_wait3A_428 = tpu.memref_slice %arg2[%mul3A_0] : memref<25600xi32, #tpu.memory_space<hbm>> -> memref<1600xi32, #tpu.memory_space<hbm>>
        tpu.wait_dma2 semaphore(%run_scoped3A : memref<!tpu.dma_semaphore, #tpu.memory_space<semaphore_mem>>) src(%dma_wait3A_428 : memref<1600xi32, #tpu.memory_space<hbm>>) dst(%arg9 : memref<1600xi32, #tpu.memory_space<vmem>>)
        tpu.yield
      }) : () -> ()
      %dma_start3A = arith.constant 0 : i32
      %dma_start3A_8 = arith.constant 0 : i32
      %dma_start3A_9 = tpu.memref_slice %arg11[%dma_start3A, %dma_start3A_8] : memref<160x128xf32, #tpu.memory_space<vmem>> -> memref<80x128xf32, #tpu.memory_space<vmem>>
      %dma_start3A_10 = arith.constant 0 : i32
      %dma_start3A_11 = tpu.memref_slice %arg9[%dma_start3A_10] : memref<1600xi32, #tpu.memory_space<vmem>> -> memref<80xi32, #tpu.memory_space<vmem>>
      %dma_start3A_12 = arith.constant 0 : i32
      %dma_start3A_13 = arith.constant 0 : i32
      %dma_start3A_14 = tpu.memref_slice %arg4[%dma_start3A_12, %dma_start3A_13] : memref<1024x128xf32, #tpu.memory_space<hbm>> -> memref<1024x128xf32, #tpu.memory_space<hbm>>
      tpu.enqueue_indirect_dma source(%dma_start3A_14 : memref<1024x128xf32, #tpu.memory_space<hbm>>) target(%dma_start3A_9 : memref<80x128xf32, #tpu.memory_space<vmem>>) offsets(%dma_start3A_11 : memref<80xi32, #tpu.memory_space<vmem>>) semaphore(%arg18 : memref<!tpu.dma_semaphore, #tpu.memory_space<semaphore_mem>>)
      %dma_start3A_15 = arith.constant 80 : i32
      %dma_start3A_16 = arith.constant 0 : i32
      %dma_start3A_17 = tpu.memref_slice %arg11[%dma_start3A_15, %dma_start3A_16] : memref<160x128xf32, #tpu.memory_space<vmem>> -> memref<80x128xf32, #tpu.memory_space<vmem>>
      %dma_start3A_18 = arith.constant 80 : i32
      %dma_start3A_19 = tpu.memref_slice %arg9[%dma_start3A_18] : memref<1600xi32, #tpu.memory_space<vmem>> -> memref<80xi32, #tpu.memory_space<vmem>>
      %dma_start3A_20 = arith.constant 0 : i32
      %dma_start3A_21 = arith.constant 0 : i32
      %dma_start3A_22 = tpu.memref_slice %arg4[%dma_start3A_20, %dma_start3A_21] : memref<1024x128xf32, #tpu.memory_space<hbm>> -> memref<1024x128xf32, #tpu.memory_space<hbm>>
      tpu.enqueue_indirect_dma source(%dma_start3A_22 : memref<1024x128xf32, #tpu.memory_space<hbm>>) target(%dma_start3A_17 : memref<80x128xf32, #tpu.memory_space<vmem>>) offsets(%dma_start3A_19 : memref<80xi32, #tpu.memory_space<vmem>>) semaphore(%arg18 : memref<!tpu.dma_semaphore, #tpu.memory_space<semaphore_mem>>)
      %dma_wait3A = arith.constant 0 : i32
      %dma_wait3A_23 = arith.constant 0 : i32
      %dma_wait3A_24 = tpu.memref_slice %arg11[%dma_wait3A, %dma_wait3A_23] : memref<160x128xf32, #tpu.memory_space<vmem>> -> memref<80x128xf32, #tpu.memory_space<vmem>>
      %dma_wait3A_25 = arith.constant 0 : i32
      %dma_wait3A_26 = tpu.memref_slice %arg9[%dma_wait3A_25] : memref<1600xi32, #tpu.memory_space<vmem>> -> memref<80xi32, #tpu.memory_space<vmem>>
      %dma_wait3A_27 = arith.constant 0 : i32
      %dma_wait3A_28 = arith.constant 0 : i32
      %dma_wait3A_29 = tpu.memref_slice %arg4[%dma_wait3A_27, %dma_wait3A_28] : memref<1024x128xf32, #tpu.memory_space<hbm>> -> memref<1024x128xf32, #tpu.memory_space<hbm>>
      tpu.wait_indirect_dma semaphore(%arg18 : memref<!tpu.dma_semaphore, #tpu.memory_space<semaphore_mem>>) src(%dma_wait3A_29 : memref<1024x128xf32, #tpu.memory_space<hbm>>) dst(%dma_wait3A_24 : memref<80x128xf32, #tpu.memory_space<vmem>>)
      %dma_wait3A_30 = arith.constant 80 : i32
      %dma_wait3A_31 = arith.constant 0 : i32
      %dma_wait3A_32 = tpu.memref_slice %arg11[%dma_wait3A_30, %dma_wait3A_31] : memref<160x128xf32, #tpu.memory_space<vmem>> -> memref<80x128xf32, #tpu.memory_space<vmem>>
      %dma_wait3A_33 = arith.constant 80 : i32
      %dma_wait3A_34 = tpu.memref_slice %arg9[%dma_wait3A_33] : memref<1600xi32, #tpu.memory_space<vmem>> -> memref<80xi32, #tpu.memory_space<vmem>>
      %dma_wait3A_35 = arith.constant 0 : i32
      %dma_wait3A_36 = arith.constant 0 : i32
      %dma_wait3A_37 = tpu.memref_slice %arg4[%dma_wait3A_35, %dma_wait3A_36] : memref<1024x128xf32, #tpu.memory_space<hbm>> -> memref<1024x128xf32, #tpu.memory_space<hbm>>
      tpu.wait_indirect_dma semaphore(%arg18 : memref<!tpu.dma_semaphore, #tpu.memory_space<semaphore_mem>>) src(%dma_wait3A_37 : memref<1024x128xf32, #tpu.memory_space<hbm>>) dst(%dma_wait3A_32 : memref<80x128xf32, #tpu.memory_space<vmem>>)
      %add3A = arith.constant 0 : i32
      %add3A_38 = arith.addi %mul3A_0, %add3A : i32
      %dma_start3A_39 = arith.constant 0 : i32
      %dma_start3A_40 = tpu.memref_slice %arg7[%add3A_38, %dma_start3A_39] : memref<25600x128xf32, #tpu.memory_space<hbm>> -> memref<160x128xf32, #tpu.memory_space<hbm>>
      %dma_start3A_41 = arith.constant 0 : i32
      %dma_start3A_42 = tpu.memref_slice %arg7[%add3A_38, %dma_start3A_41] : memref<25600x128xf32, #tpu.memory_space<hbm>> -> memref<160x128xf32, #tpu.memory_space<hbm>>
      tpu.enqueue_dma source(%arg11 : memref<160x128xf32, #tpu.memory_space<vmem>>) target(%dma_start3A_42 : memref<160x128xf32, #tpu.memory_space<hbm>>) target_semaphore(%arg19 : memref<!tpu.dma_semaphore, #tpu.memory_space<semaphore_mem>>)
      %dma_start3A_43 = arith.constant 0 : i32
      %dma_start3A_44 = arith.constant 0 : i32
      %dma_start3A_45 = tpu.memref_slice %arg12[%dma_start3A_43, %dma_start3A_44] : memref<160x128xf32, #tpu.memory_space<vmem>> -> memref<80x128xf32, #tpu.memory_space<vmem>>
      %dma_start3A_46 = arith.constant 160 : i32
      %dma_start3A_47 = tpu.memref_slice %arg9[%dma_start3A_46] : memref<1600xi32, #tpu.memory_space<vmem>> -> memref<80xi32, #tpu.memory_space<vmem>>
      %dma_start3A_48 = arith.constant 0 : i32
      %dma_start3A_49 = arith.constant 0 : i32
      %dma_start3A_50 = tpu.memref_slice %arg4[%dma_start3A_48, %dma_start3A_49] : memref<1024x128xf32, #tpu.memory_space<hbm>> -> memref<1024x128xf32, #tpu.memory_space<hbm>>
      tpu.enqueue_indirect_dma source(%dma_start3A_50 : memref<1024x128xf32, #tpu.memory_space<hbm>>) target(%dma_start3A_45 : memref<80x128xf32, #tpu.memory_space<vmem>>) offsets(%dma_start3A_47 : memref<80xi32, #tpu.memory_space<vmem>>) semaphore(%arg18 : memref<!tpu.dma_semaphore, #tpu.memory_space<semaphore_mem>>)
      %dma_start3A_51 = arith.constant 80 : i32
      %dma_start3A_52 = arith.constant 0 : i32
      %dma_start3A_53 = tpu.memref_slice %arg12[%dma_start3A_51, %dma_start3A_52] : memref<160x128xf32, #tpu.memory_space<vmem>> -> memref<80x128xf32, #tpu.memory_space<vmem>>
      %dma_start3A_54 = arith.constant 240 : i32
      %dma_start3A_55 = tpu.memref_slice %arg9[%dma_start3A_54] : memref<1600xi32, #tpu.memory_space<vmem>> -> memref<80xi32, #tpu.memory_space<vmem>>
      %dma_start3A_56 = arith.constant 0 : i32
      %dma_start3A_57 = arith.constant 0 : i32
      %dma_start3A_58 = tpu.memref_slice %arg4[%dma_start3A_56, %dma_start3A_57] : memref<1024x128xf32, #tpu.memory_space<hbm>> -> memref<1024x128xf32, #tpu.memory_space<hbm>>
      tpu.enqueue_indirect_dma source(%dma_start3A_58 : memref<1024x128xf32, #tpu.memory_space<hbm>>) target(%dma_start3A_53 : memref<80x128xf32, #tpu.memory_space<vmem>>) offsets(%dma_start3A_55 : memref<80xi32, #tpu.memory_space<vmem>>) semaphore(%arg18 : memref<!tpu.dma_semaphore, #tpu.memory_space<semaphore_mem>>)
      %dma_wait3A_59 = arith.constant 0 : i32
      %dma_wait3A_60 = arith.constant 0 : i32
      %dma_wait3A_61 = tpu.memref_slice %arg12[%dma_wait3A_59, %dma_wait3A_60] : memref<160x128xf32, #tpu.memory_space<vmem>> -> memref<80x128xf32, #tpu.memory_space<vmem>>
      %dma_wait3A_62 = arith.constant 160 : i32
      %dma_wait3A_63 = tpu.memref_slice %arg9[%dma_wait3A_62] : memref<1600xi32, #tpu.memory_space<vmem>> -> memref<80xi32, #tpu.memory_space<vmem>>
      %dma_wait3A_64 = arith.constant 0 : i32
      %dma_wait3A_65 = arith.constant 0 : i32
      %dma_wait3A_66 = tpu.memref_slice %arg4[%dma_wait3A_64, %dma_wait3A_65] : memref<1024x128xf32, #tpu.memory_space<hbm>> -> memref<1024x128xf32, #tpu.memory_space<hbm>>
      tpu.wait_indirect_dma semaphore(%arg18 : memref<!tpu.dma_semaphore, #tpu.memory_space<semaphore_mem>>) src(%dma_wait3A_66 : memref<1024x128xf32, #tpu.memory_space<hbm>>) dst(%dma_wait3A_61 : memref<80x128xf32, #tpu.memory_space<vmem>>)
      %dma_wait3A_67 = arith.constant 80 : i32
      %dma_wait3A_68 = arith.constant 0 : i32
      %dma_wait3A_69 = tpu.memref_slice %arg12[%dma_wait3A_67, %dma_wait3A_68] : memref<160x128xf32, #tpu.memory_space<vmem>> -> memref<80x128xf32, #tpu.memory_space<vmem>>
      %dma_wait3A_70 = arith.constant 240 : i32
      %dma_wait3A_71 = tpu.memref_slice %arg9[%dma_wait3A_70] : memref<1600xi32, #tpu.memory_space<vmem>> -> memref<80xi32, #tpu.memory_space<vmem>>
      %dma_wait3A_72 = arith.constant 0 : i32
      %dma_wait3A_73 = arith.constant 0 : i32
      %dma_wait3A_74 = tpu.memref_slice %arg4[%dma_wait3A_72, %dma_wait3A_73] : memref<1024x128xf32, #tpu.memory_space<hbm>> -> memref<1024x128xf32, #tpu.memory_space<hbm>>
      tpu.wait_indirect_dma semaphore(%arg18 : memref<!tpu.dma_semaphore, #tpu.memory_space<semaphore_mem>>) src(%dma_wait3A_74 : memref<1024x128xf32, #tpu.memory_space<hbm>>) dst(%dma_wait3A_69 : memref<80x128xf32, #tpu.memory_space<vmem>>)
      %add3A_75 = arith.constant 160 : i32
      %add3A_76 = arith.addi %mul3A_0, %add3A_75 : i32
      %dma_start3A_77 = arith.constant 0 : i32
      %dma_start3A_78 = tpu.memref_slice %arg7[%add3A_76, %dma_start3A_77] : memref<25600x128xf32, #tpu.memory_space<hbm>> -> memref<160x128xf32, #tpu.memory_space<hbm>>
      %dma_start3A_79 = arith.constant 0 : i32
      %dma_start3A_80 = tpu.memref_slice %arg7[%add3A_76, %dma_start3A_79] : memref<25600x128xf32, #tpu.memory_space<hbm>> -> memref<160x128xf32, #tpu.memory_space<hbm>>
      tpu.enqueue_dma source(%arg12 : memref<160x128xf32, #tpu.memory_space<vmem>>) target(%dma_start3A_80 : memref<160x128xf32, #tpu.memory_space<hbm>>) target_semaphore(%arg19 : memref<!tpu.dma_semaphore, #tpu.memory_space<semaphore_mem>>)
      %dma_wait3A_81 = arith.constant 0 : i32
      %dma_wait3A_82 = tpu.memref_slice %arg7[%add3A_38, %dma_wait3A_81] : memref<25600x128xf32, #tpu.memory_space<hbm>> -> memref<160x128xf32, #tpu.memory_space<hbm>>
      %dma_wait3A_83 = arith.constant 0 : i32
      %dma_wait3A_84 = tpu.memref_slice %arg7[%add3A_38, %dma_wait3A_83] : memref<25600x128xf32, #tpu.memory_space<hbm>> -> memref<160x128xf32, #tpu.memory_space<hbm>>
      tpu.wait_dma2 semaphore(%arg19 : memref<!tpu.dma_semaphore, #tpu.memory_space<semaphore_mem>>) src(%arg11 : memref<160x128xf32, #tpu.memory_space<vmem>>) dst(%dma_wait3A_84 : memref<160x128xf32, #tpu.memory_space<hbm>>)
      %dma_start3A_85 = arith.constant 0 : i32
      %dma_start3A_86 = arith.constant 0 : i32
      %dma_start3A_87 = tpu.memref_slice %arg11[%dma_start3A_85, %dma_start3A_86] : memref<160x128xf32, #tpu.memory_space<vmem>> -> memref<80x128xf32, #tpu.memory_space<vmem>>
      %dma_start3A_88 = arith.constant 320 : i32
      %dma_start3A_89 = tpu.memref_slice %arg9[%dma_start3A_88] : memref<1600xi32, #tpu.memory_space<vmem>> -> memref<80xi32, #tpu.memory_space<vmem>>
      %dma_start3A_90 = arith.constant 0 : i32
      %dma_start3A_91 = arith.constant 0 : i32
      %dma_start3A_92 = tpu.memref_slice %arg4[%dma_start3A_90, %dma_start3A_91] : memref<1024x128xf32, #tpu.memory_space<hbm>> -> memref<1024x128xf32, #tpu.memory_space<hbm>>
      tpu.enqueue_indirect_dma source(%dma_start3A_92 : memref<1024x128xf32, #tpu.memory_space<hbm>>) target(%dma_start3A_87 : memref<80x128xf32, #tpu.memory_space<vmem>>) offsets(%dma_start3A_89 : memref<80xi32, #tpu.memory_space<vmem>>) semaphore(%arg18 : memref<!tpu.dma_semaphore, #tpu.memory_space<semaphore_mem>>)
      %dma_start3A_93 = arith.constant 80 : i32
      %dma_start3A_94 = arith.constant 0 : i32
      %dma_start3A_95 = tpu.memref_slice %arg11[%dma_start3A_93, %dma_start3A_94] : memref<160x128xf32, #tpu.memory_space<vmem>> -> memref<80x128xf32, #tpu.memory_space<vmem>>
      %dma_start3A_96 = arith.constant 400 : i32
      %dma_start3A_97 = tpu.memref_slice %arg9[%dma_start3A_96] : memref<1600xi32, #tpu.memory_space<vmem>> -> memref<80xi32, #tpu.memory_space<vmem>>
      %dma_start3A_98 = arith.constant 0 : i32
      %dma_start3A_99 = arith.constant 0 : i32
      %dma_start3A_100 = tpu.memref_slice %arg4[%dma_start3A_98, %dma_start3A_99] : memref<1024x128xf32, #tpu.memory_space<hbm>> -> memref<1024x128xf32, #tpu.memory_space<hbm>>
      tpu.enqueue_indirect_dma source(%dma_start3A_100 : memref<1024x128xf32, #tpu.memory_space<hbm>>) target(%dma_start3A_95 : memref<80x128xf32, #tpu.memory_space<vmem>>) offsets(%dma_start3A_97 : memref<80xi32, #tpu.memory_space<vmem>>) semaphore(%arg18 : memref<!tpu.dma_semaphore, #tpu.memory_space<semaphore_mem>>)
      %dma_wait3A_101 = arith.constant 0 : i32
      %dma_wait3A_102 = arith.constant 0 : i32
      %dma_wait3A_103 = tpu.memref_slice %arg11[%dma_wait3A_101, %dma_wait3A_102] : memref<160x128xf32, #tpu.memory_space<vmem>> -> memref<80x128xf32, #tpu.memory_space<vmem>>
      %dma_wait3A_104 = arith.constant 320 : i32
      %dma_wait3A_105 = tpu.memref_slice %arg9[%dma_wait3A_104] : memref<1600xi32, #tpu.memory_space<vmem>> -> memref<80xi32, #tpu.memory_space<vmem>>
      %dma_wait3A_106 = arith.constant 0 : i32
      %dma_wait3A_107 = arith.constant 0 : i32
      %dma_wait3A_108 = tpu.memref_slice %arg4[%dma_wait3A_106, %dma_wait3A_107] : memref<1024x128xf32, #tpu.memory_space<hbm>> -> memref<1024x128xf32, #tpu.memory_space<hbm>>
      tpu.wait_indirect_dma semaphore(%arg18 : memref<!tpu.dma_semaphore, #tpu.memory_space<semaphore_mem>>) src(%dma_wait3A_108 : memref<1024x128xf32, #tpu.memory_space<hbm>>) dst(%dma_wait3A_103 : memref<80x128xf32, #tpu.memory_space<vmem>>)
      %dma_wait3A_109 = arith.constant 80 : i32
      %dma_wait3A_110 = arith.constant 0 : i32
      %dma_wait3A_111 = tpu.memref_slice %arg11[%dma_wait3A_109, %dma_wait3A_110] : memref<160x128xf32, #tpu.memory_space<vmem>> -> memref<80x128xf32, #tpu.memory_space<vmem>>
      %dma_wait3A_112 = arith.constant 400 : i32
      %dma_wait3A_113 = tpu.memref_slice %arg9[%dma_wait3A_112] : memref<1600xi32, #tpu.memory_space<vmem>> -> memref<80xi32, #tpu.memory_space<vmem>>
      %dma_wait3A_114 = arith.constant 0 : i32
      %dma_wait3A_115 = arith.constant 0 : i32
      %dma_wait3A_116 = tpu.memref_slice %arg4[%dma_wait3A_114, %dma_wait3A_115] : memref<1024x128xf32, #tpu.memory_space<hbm>> -> memref<1024x128xf32, #tpu.memory_space<hbm>>
      tpu.wait_indirect_dma semaphore(%arg18 : memref<!tpu.dma_semaphore, #tpu.memory_space<semaphore_mem>>) src(%dma_wait3A_116 : memref<1024x128xf32, #tpu.memory_space<hbm>>) dst(%dma_wait3A_111 : memref<80x128xf32, #tpu.memory_space<vmem>>)
      %add3A_117 = arith.constant 320 : i32
      %add3A_118 = arith.addi %mul3A_0, %add3A_117 : i32
      %dma_start3A_119 = arith.constant 0 : i32
      %dma_start3A_120 = tpu.memref_slice %arg7[%add3A_118, %dma_start3A_119] : memref<25600x128xf32, #tpu.memory_space<hbm>> -> memref<160x128xf32, #tpu.memory_space<hbm>>
      %dma_start3A_121 = arith.constant 0 : i32
      %dma_start3A_122 = tpu.memref_slice %arg7[%add3A_118, %dma_start3A_121] : memref<25600x128xf32, #tpu.memory_space<hbm>> -> memref<160x128xf32, #tpu.memory_space<hbm>>
      tpu.enqueue_dma source(%arg11 : memref<160x128xf32, #tpu.memory_space<vmem>>) target(%dma_start3A_122 : memref<160x128xf32, #tpu.memory_space<hbm>>) target_semaphore(%arg19 : memref<!tpu.dma_semaphore, #tpu.memory_space<semaphore_mem>>)
      %dma_wait3A_123 = arith.constant 0 : i32
      %dma_wait3A_124 = tpu.memref_slice %arg7[%add3A_76, %dma_wait3A_123] : memref<25600x128xf32, #tpu.memory_space<hbm>> -> memref<160x128xf32, #tpu.memory_space<hbm>>
      %dma_wait3A_125 = arith.constant 0 : i32
      %dma_wait3A_126 = tpu.memref_slice %arg7[%add3A_76, %dma_wait3A_125] : memref<25600x128xf32, #tpu.memory_space<hbm>> -> memref<160x128xf32, #tpu.memory_space<hbm>>
      tpu.wait_dma2 semaphore(%arg19 : memref<!tpu.dma_semaphore, #tpu.memory_space<semaphore_mem>>) src(%arg12 : memref<160x128xf32, #tpu.memory_space<vmem>>) dst(%dma_wait3A_126 : memref<160x128xf32, #tpu.memory_space<hbm>>)
      %dma_start3A_127 = arith.constant 0 : i32
      %dma_start3A_128 = arith.constant 0 : i32
      %dma_start3A_129 = tpu.memref_slice %arg12[%dma_start3A_127, %dma_start3A_128] : memref<160x128xf32, #tpu.memory_space<vmem>> -> memref<80x128xf32, #tpu.memory_space<vmem>>
      %dma_start3A_130 = arith.constant 480 : i32
      %dma_start3A_131 = tpu.memref_slice %arg9[%dma_start3A_130] : memref<1600xi32, #tpu.memory_space<vmem>> -> memref<80xi32, #tpu.memory_space<vmem>>
      %dma_start3A_132 = arith.constant 0 : i32
      %dma_start3A_133 = arith.constant 0 : i32
      %dma_start3A_134 = tpu.memref_slice %arg4[%dma_start3A_132, %dma_start3A_133] : memref<1024x128xf32, #tpu.memory_space<hbm>> -> memref<1024x128xf32, #tpu.memory_space<hbm>>
      tpu.enqueue_indirect_dma source(%dma_start3A_134 : memref<1024x128xf32, #tpu.memory_space<hbm>>) target(%dma_start3A_129 : memref<80x128xf32, #tpu.memory_space<vmem>>) offsets(%dma_start3A_131 : memref<80xi32, #tpu.memory_space<vmem>>) semaphore(%arg18 : memref<!tpu.dma_semaphore, #tpu.memory_space<semaphore_mem>>)
      %dma_start3A_135 = arith.constant 80 : i32
      %dma_start3A_136 = arith.constant 0 : i32
      %dma_start3A_137 = tpu.memref_slice %arg12[%dma_start3A_135, %dma_start3A_136] : memref<160x128xf32, #tpu.memory_space<vmem>> -> memref<80x128xf32, #tpu.memory_space<vmem>>
      %dma_start3A_138 = arith.constant 560 : i32
      %dma_start3A_139 = tpu.memref_slice %arg9[%dma_start3A_138] : memref<1600xi32, #tpu.memory_space<vmem>> -> memref<80xi32, #tpu.memory_space<vmem>>
      %dma_start3A_140 = arith.constant 0 : i32
      %dma_start3A_141 = arith.constant 0 : i32
      %dma_start3A_142 = tpu.memref_slice %arg4[%dma_start3A_140, %dma_start3A_141] : memref<1024x128xf32, #tpu.memory_space<hbm>> -> memref<1024x128xf32, #tpu.memory_space<hbm>>
      tpu.enqueue_indirect_dma source(%dma_start3A_142 : memref<1024x128xf32, #tpu.memory_space<hbm>>) target(%dma_start3A_137 : memref<80x128xf32, #tpu.memory_space<vmem>>) offsets(%dma_start3A_139 : memref<80xi32, #tpu.memory_space<vmem>>) semaphore(%arg18 : memref<!tpu.dma_semaphore, #tpu.memory_space<semaphore_mem>>)
      %dma_wait3A_143 = arith.constant 0 : i32
      %dma_wait3A_144 = arith.constant 0 : i32
      %dma_wait3A_145 = tpu.memref_slice %arg12[%dma_wait3A_143, %dma_wait3A_144] : memref<160x128xf32, #tpu.memory_space<vmem>> -> memref<80x128xf32, #tpu.memory_space<vmem>>
      %dma_wait3A_146 = arith.constant 480 : i32
      %dma_wait3A_147 = tpu.memref_slice %arg9[%dma_wait3A_146] : memref<1600xi32, #tpu.memory_space<vmem>> -> memref<80xi32, #tpu.memory_space<vmem>>
      %dma_wait3A_148 = arith.constant 0 : i32
      %dma_wait3A_149 = arith.constant 0 : i32
      %dma_wait3A_150 = tpu.memref_slice %arg4[%dma_wait3A_148, %dma_wait3A_149] : memref<1024x128xf32, #tpu.memory_space<hbm>> -> memref<1024x128xf32, #tpu.memory_space<hbm>>
      tpu.wait_indirect_dma semaphore(%arg18 : memref<!tpu.dma_semaphore, #tpu.memory_space<semaphore_mem>>) src(%dma_wait3A_150 : memref<1024x128xf32, #tpu.memory_space<hbm>>) dst(%dma_wait3A_145 : memref<80x128xf32, #tpu.memory_space<vmem>>)
      %dma_wait3A_151 = arith.constant 80 : i32
      %dma_wait3A_152 = arith.constant 0 : i32
      %dma_wait3A_153 = tpu.memref_slice %arg12[%dma_wait3A_151, %dma_wait3A_152] : memref<160x128xf32, #tpu.memory_space<vmem>> -> memref<80x128xf32, #tpu.memory_space<vmem>>
      %dma_wait3A_154 = arith.constant 560 : i32
      %dma_wait3A_155 = tpu.memref_slice %arg9[%dma_wait3A_154] : memref<1600xi32, #tpu.memory_space<vmem>> -> memref<80xi32, #tpu.memory_space<vmem>>
      %dma_wait3A_156 = arith.constant 0 : i32
      %dma_wait3A_157 = arith.constant 0 : i32
      %dma_wait3A_158 = tpu.memref_slice %arg4[%dma_wait3A_156, %dma_wait3A_157] : memref<1024x128xf32, #tpu.memory_space<hbm>> -> memref<1024x128xf32, #tpu.memory_space<hbm>>
      tpu.wait_indirect_dma semaphore(%arg18 : memref<!tpu.dma_semaphore, #tpu.memory_space<semaphore_mem>>) src(%dma_wait3A_158 : memref<1024x128xf32, #tpu.memory_space<hbm>>) dst(%dma_wait3A_153 : memref<80x128xf32, #tpu.memory_space<vmem>>)
      %add3A_159 = arith.constant 480 : i32
      %add3A_160 = arith.addi %mul3A_0, %add3A_159 : i32
      %dma_start3A_161 = arith.constant 0 : i32
      %dma_start3A_162 = tpu.memref_slice %arg7[%add3A_160, %dma_start3A_161] : memref<25600x128xf32, #tpu.memory_space<hbm>> -> memref<160x128xf32, #tpu.memory_space<hbm>>
      %dma_start3A_163 = arith.constant 0 : i32
      %dma_start3A_164 = tpu.memref_slice %arg7[%add3A_160, %dma_start3A_163] : memref<25600x128xf32, #tpu.memory_space<hbm>> -> memref<160x128xf32, #tpu.memory_space<hbm>>
      tpu.enqueue_dma source(%arg12 : memref<160x128xf32, #tpu.memory_space<vmem>>) target(%dma_start3A_164 : memref<160x128xf32, #tpu.memory_space<hbm>>) target_semaphore(%arg19 : memref<!tpu.dma_semaphore, #tpu.memory_space<semaphore_mem>>)
      %dma_wait3A_165 = arith.constant 0 : i32
      %dma_wait3A_166 = tpu.memref_slice %arg7[%add3A_118, %dma_wait3A_165] : memref<25600x128xf32, #tpu.memory_space<hbm>> -> memref<160x128xf32, #tpu.memory_space<hbm>>
      %dma_wait3A_167 = arith.constant 0 : i32
      %dma_wait3A_168 = tpu.memref_slice %arg7[%add3A_118, %dma_wait3A_167] : memref<25600x128xf32, #tpu.memory_space<hbm>> -> memref<160x128xf32, #tpu.memory_space<hbm>>
      tpu.wait_dma2 semaphore(%arg19 : memref<!tpu.dma_semaphore, #tpu.memory_space<semaphore_mem>>) src(%arg11 : memref<160x128xf32, #tpu.memory_space<vmem>>) dst(%dma_wait3A_168 : memref<160x128xf32, #tpu.memory_space<hbm>>)
      %dma_start3A_169 = arith.constant 0 : i32
      %dma_start3A_170 = arith.constant 0 : i32
      %dma_start3A_171 = tpu.memref_slice %arg11[%dma_start3A_169, %dma_start3A_170] : memref<160x128xf32, #tpu.memory_space<vmem>> -> memref<80x128xf32, #tpu.memory_space<vmem>>
      %dma_start3A_172 = arith.constant 640 : i32
      %dma_start3A_173 = tpu.memref_slice %arg9[%dma_start3A_172] : memref<1600xi32, #tpu.memory_space<vmem>> -> memref<80xi32, #tpu.memory_space<vmem>>
      %dma_start3A_174 = arith.constant 0 : i32
      %dma_start3A_175 = arith.constant 0 : i32
      %dma_start3A_176 = tpu.memref_slice %arg4[%dma_start3A_174, %dma_start3A_175] : memref<1024x128xf32, #tpu.memory_space<hbm>> -> memref<1024x128xf32, #tpu.memory_space<hbm>>
      tpu.enqueue_indirect_dma source(%dma_start3A_176 : memref<1024x128xf32, #tpu.memory_space<hbm>>) target(%dma_start3A_171 : memref<80x128xf32, #tpu.memory_space<vmem>>) offsets(%dma_start3A_173 : memref<80xi32, #tpu.memory_space<vmem>>) semaphore(%arg18 : memref<!tpu.dma_semaphore, #tpu.memory_space<semaphore_mem>>)
      %dma_start3A_177 = arith.constant 80 : i32
      %dma_start3A_178 = arith.constant 0 : i32
      %dma_start3A_179 = tpu.memref_slice %arg11[%dma_start3A_177, %dma_start3A_178] : memref<160x128xf32, #tpu.memory_space<vmem>> -> memref<80x128xf32, #tpu.memory_space<vmem>>
      %dma_start3A_180 = arith.constant 720 : i32
      %dma_start3A_181 = tpu.memref_slice %arg9[%dma_start3A_180] : memref<1600xi32, #tpu.memory_space<vmem>> -> memref<80xi32, #tpu.memory_space<vmem>>
      %dma_start3A_182 = arith.constant 0 : i32
      %dma_start3A_183 = arith.constant 0 : i32
      %dma_start3A_184 = tpu.memref_slice %arg4[%dma_start3A_182, %dma_start3A_183] : memref<1024x128xf32, #tpu.memory_space<hbm>> -> memref<1024x128xf32, #tpu.memory_space<hbm>>
      tpu.enqueue_indirect_dma source(%dma_start3A_184 : memref<1024x128xf32, #tpu.memory_space<hbm>>) target(%dma_start3A_179 : memref<80x128xf32, #tpu.memory_space<vmem>>) offsets(%dma_start3A_181 : memref<80xi32, #tpu.memory_space<vmem>>) semaphore(%arg18 : memref<!tpu.dma_semaphore, #tpu.memory_space<semaphore_mem>>)
      %dma_wait3A_185 = arith.constant 0 : i32
      %dma_wait3A_186 = arith.constant 0 : i32
      %dma_wait3A_187 = tpu.memref_slice %arg11[%dma_wait3A_185, %dma_wait3A_186] : memref<160x128xf32, #tpu.memory_space<vmem>> -> memref<80x128xf32, #tpu.memory_space<vmem>>
      %dma_wait3A_188 = arith.constant 640 : i32
      %dma_wait3A_189 = tpu.memref_slice %arg9[%dma_wait3A_188] : memref<1600xi32, #tpu.memory_space<vmem>> -> memref<80xi32, #tpu.memory_space<vmem>>
      %dma_wait3A_190 = arith.constant 0 : i32
      %dma_wait3A_191 = arith.constant 0 : i32
      %dma_wait3A_192 = tpu.memref_slice %arg4[%dma_wait3A_190, %dma_wait3A_191] : memref<1024x128xf32, #tpu.memory_space<hbm>> -> memref<1024x128xf32, #tpu.memory_space<hbm>>
      tpu.wait_indirect_dma semaphore(%arg18 : memref<!tpu.dma_semaphore, #tpu.memory_space<semaphore_mem>>) src(%dma_wait3A_192 : memref<1024x128xf32, #tpu.memory_space<hbm>>) dst(%dma_wait3A_187 : memref<80x128xf32, #tpu.memory_space<vmem>>)
      %dma_wait3A_193 = arith.constant 80 : i32
      %dma_wait3A_194 = arith.constant 0 : i32
      %dma_wait3A_195 = tpu.memref_slice %arg11[%dma_wait3A_193, %dma_wait3A_194] : memref<160x128xf32, #tpu.memory_space<vmem>> -> memref<80x128xf32, #tpu.memory_space<vmem>>
      %dma_wait3A_196 = arith.constant 720 : i32
      %dma_wait3A_197 = tpu.memref_slice %arg9[%dma_wait3A_196] : memref<1600xi32, #tpu.memory_space<vmem>> -> memref<80xi32, #tpu.memory_space<vmem>>
      %dma_wait3A_198 = arith.constant 0 : i32
      %dma_wait3A_199 = arith.constant 0 : i32
      %dma_wait3A_200 = tpu.memref_slice %arg4[%dma_wait3A_198, %dma_wait3A_199] : memref<1024x128xf32, #tpu.memory_space<hbm>> -> memref<1024x128xf32, #tpu.memory_space<hbm>>
      tpu.wait_indirect_dma semaphore(%arg18 : memref<!tpu.dma_semaphore, #tpu.memory_space<semaphore_mem>>) src(%dma_wait3A_200 : memref<1024x128xf32, #tpu.memory_space<hbm>>) dst(%dma_wait3A_195 : memref<80x128xf32, #tpu.memory_space<vmem>>)
      %add3A_201 = arith.constant 640 : i32
      %add3A_202 = arith.addi %mul3A_0, %add3A_201 : i32
      %dma_start3A_203 = arith.constant 0 : i32
      %dma_start3A_204 = tpu.memref_slice %arg7[%add3A_202, %dma_start3A_203] : memref<25600x128xf32, #tpu.memory_space<hbm>> -> memref<160x128xf32, #tpu.memory_space<hbm>>
      %dma_start3A_205 = arith.constant 0 : i32
      %dma_start3A_206 = tpu.memref_slice %arg7[%add3A_202, %dma_start3A_205] : memref<25600x128xf32, #tpu.memory_space<hbm>> -> memref<160x128xf32, #tpu.memory_space<hbm>>
      tpu.enqueue_dma source(%arg11 : memref<160x128xf32, #tpu.memory_space<vmem>>) target(%dma_start3A_206 : memref<160x128xf32, #tpu.memory_space<hbm>>) target_semaphore(%arg19 : memref<!tpu.dma_semaphore, #tpu.memory_space<semaphore_mem>>)
      %dma_wait3A_207 = arith.constant 0 : i32
      %dma_wait3A_208 = tpu.memref_slice %arg7[%add3A_160, %dma_wait3A_207] : memref<25600x128xf32, #tpu.memory_space<hbm>> -> memref<160x128xf32, #tpu.memory_space<hbm>>
      %dma_wait3A_209 = arith.constant 0 : i32
      %dma_wait3A_210 = tpu.memref_slice %arg7[%add3A_160, %dma_wait3A_209] : memref<25600x128xf32, #tpu.memory_space<hbm>> -> memref<160x128xf32, #tpu.memory_space<hbm>>
      tpu.wait_dma2 semaphore(%arg19 : memref<!tpu.dma_semaphore, #tpu.memory_space<semaphore_mem>>) src(%arg12 : memref<160x128xf32, #tpu.memory_space<vmem>>) dst(%dma_wait3A_210 : memref<160x128xf32, #tpu.memory_space<hbm>>)
      %dma_start3A_211 = arith.constant 0 : i32
      %dma_start3A_212 = arith.constant 0 : i32
      %dma_start3A_213 = tpu.memref_slice %arg12[%dma_start3A_211, %dma_start3A_212] : memref<160x128xf32, #tpu.memory_space<vmem>> -> memref<80x128xf32, #tpu.memory_space<vmem>>
      %dma_start3A_214 = arith.constant 800 : i32
      %dma_start3A_215 = tpu.memref_slice %arg9[%dma_start3A_214] : memref<1600xi32, #tpu.memory_space<vmem>> -> memref<80xi32, #tpu.memory_space<vmem>>
      %dma_start3A_216 = arith.constant 0 : i32
      %dma_start3A_217 = arith.constant 0 : i32
      %dma_start3A_218 = tpu.memref_slice %arg4[%dma_start3A_216, %dma_start3A_217] : memref<1024x128xf32, #tpu.memory_space<hbm>> -> memref<1024x128xf32, #tpu.memory_space<hbm>>
      tpu.enqueue_indirect_dma source(%dma_start3A_218 : memref<1024x128xf32, #tpu.memory_space<hbm>>) target(%dma_start3A_213 : memref<80x128xf32, #tpu.memory_space<vmem>>) offsets(%dma_start3A_215 : memref<80xi32, #tpu.memory_space<vmem>>) semaphore(%arg18 : memref<!tpu.dma_semaphore, #tpu.memory_space<semaphore_mem>>)
      %dma_start3A_219 = arith.constant 80 : i32
      %dma_start3A_220 = arith.constant 0 : i32
      %dma_start3A_221 = tpu.memref_slice %arg12[%dma_start3A_219, %dma_start3A_220] : memref<160x128xf32, #tpu.memory_space<vmem>> -> memref<80x128xf32, #tpu.memory_space<vmem>>
      %dma_start3A_222 = arith.constant 880 : i32
      %dma_start3A_223 = tpu.memref_slice %arg9[%dma_start3A_222] : memref<1600xi32, #tpu.memory_space<vmem>> -> memref<80xi32, #tpu.memory_space<vmem>>
      %dma_start3A_224 = arith.constant 0 : i32
      %dma_start3A_225 = arith.constant 0 : i32
      %dma_start3A_226 = tpu.memref_slice %arg4[%dma_start3A_224, %dma_start3A_225] : memref<1024x128xf32, #tpu.memory_space<hbm>> -> memref<1024x128xf32, #tpu.memory_space<hbm>>
      tpu.enqueue_indirect_dma source(%dma_start3A_226 : memref<1024x128xf32, #tpu.memory_space<hbm>>) target(%dma_start3A_221 : memref<80x128xf32, #tpu.memory_space<vmem>>) offsets(%dma_start3A_223 : memref<80xi32, #tpu.memory_space<vmem>>) semaphore(%arg18 : memref<!tpu.dma_semaphore, #tpu.memory_space<semaphore_mem>>)
      %dma_wait3A_227 = arith.constant 0 : i32
      %dma_wait3A_228 = arith.constant 0 : i32
      %dma_wait3A_229 = tpu.memref_slice %arg12[%dma_wait3A_227, %dma_wait3A_228] : memref<160x128xf32, #tpu.memory_space<vmem>> -> memref<80x128xf32, #tpu.memory_space<vmem>>
      %dma_wait3A_230 = arith.constant 800 : i32
      %dma_wait3A_231 = tpu.memref_slice %arg9[%dma_wait3A_230] : memref<1600xi32, #tpu.memory_space<vmem>> -> memref<80xi32, #tpu.memory_space<vmem>>
      %dma_wait3A_232 = arith.constant 0 : i32
      %dma_wait3A_233 = arith.constant 0 : i32
      %dma_wait3A_234 = tpu.memref_slice %arg4[%dma_wait3A_232, %dma_wait3A_233] : memref<1024x128xf32, #tpu.memory_space<hbm>> -> memref<1024x128xf32, #tpu.memory_space<hbm>>
      tpu.wait_indirect_dma semaphore(%arg18 : memref<!tpu.dma_semaphore, #tpu.memory_space<semaphore_mem>>) src(%dma_wait3A_234 : memref<1024x128xf32, #tpu.memory_space<hbm>>) dst(%dma_wait3A_229 : memref<80x128xf32, #tpu.memory_space<vmem>>)
      %dma_wait3A_235 = arith.constant 80 : i32
      %dma_wait3A_236 = arith.constant 0 : i32
      %dma_wait3A_237 = tpu.memref_slice %arg12[%dma_wait3A_235, %dma_wait3A_236] : memref<160x128xf32, #tpu.memory_space<vmem>> -> memref<80x128xf32, #tpu.memory_space<vmem>>
      %dma_wait3A_238 = arith.constant 880 : i32
      %dma_wait3A_239 = tpu.memref_slice %arg9[%dma_wait3A_238] : memref<1600xi32, #tpu.memory_space<vmem>> -> memref<80xi32, #tpu.memory_space<vmem>>
      %dma_wait3A_240 = arith.constant 0 : i32
      %dma_wait3A_241 = arith.constant 0 : i32
      %dma_wait3A_242 = tpu.memref_slice %arg4[%dma_wait3A_240, %dma_wait3A_241] : memref<1024x128xf32, #tpu.memory_space<hbm>> -> memref<1024x128xf32, #tpu.memory_space<hbm>>
      tpu.wait_indirect_dma semaphore(%arg18 : memref<!tpu.dma_semaphore, #tpu.memory_space<semaphore_mem>>) src(%dma_wait3A_242 : memref<1024x128xf32, #tpu.memory_space<hbm>>) dst(%dma_wait3A_237 : memref<80x128xf32, #tpu.memory_space<vmem>>)
      %add3A_243 = arith.constant 800 : i32
      %add3A_244 = arith.addi %mul3A_0, %add3A_243 : i32
      %dma_start3A_245 = arith.constant 0 : i32
      %dma_start3A_246 = tpu.memref_slice %arg7[%add3A_244, %dma_start3A_245] : memref<25600x128xf32, #tpu.memory_space<hbm>> -> memref<160x128xf32, #tpu.memory_space<hbm>>
      %dma_start3A_247 = arith.constant 0 : i32
      %dma_start3A_248 = tpu.memref_slice %arg7[%add3A_244, %dma_start3A_247] : memref<25600x128xf32, #tpu.memory_space<hbm>> -> memref<160x128xf32, #tpu.memory_space<hbm>>
      tpu.enqueue_dma source(%arg12 : memref<160x128xf32, #tpu.memory_space<vmem>>) target(%dma_start3A_248 : memref<160x128xf32, #tpu.memory_space<hbm>>) target_semaphore(%arg19 : memref<!tpu.dma_semaphore, #tpu.memory_space<semaphore_mem>>)
      %dma_wait3A_249 = arith.constant 0 : i32
      %dma_wait3A_250 = tpu.memref_slice %arg7[%add3A_202, %dma_wait3A_249] : memref<25600x128xf32, #tpu.memory_space<hbm>> -> memref<160x128xf32, #tpu.memory_space<hbm>>
      %dma_wait3A_251 = arith.constant 0 : i32
      %dma_wait3A_252 = tpu.memref_slice %arg7[%add3A_202, %dma_wait3A_251] : memref<25600x128xf32, #tpu.memory_space<hbm>> -> memref<160x128xf32, #tpu.memory_space<hbm>>
      tpu.wait_dma2 semaphore(%arg19 : memref<!tpu.dma_semaphore, #tpu.memory_space<semaphore_mem>>) src(%arg11 : memref<160x128xf32, #tpu.memory_space<vmem>>) dst(%dma_wait3A_252 : memref<160x128xf32, #tpu.memory_space<hbm>>)
      %dma_start3A_253 = arith.constant 0 : i32
      %dma_start3A_254 = arith.constant 0 : i32
      %dma_start3A_255 = tpu.memref_slice %arg11[%dma_start3A_253, %dma_start3A_254] : memref<160x128xf32, #tpu.memory_space<vmem>> -> memref<80x128xf32, #tpu.memory_space<vmem>>
      %dma_start3A_256 = arith.constant 960 : i32
      %dma_start3A_257 = tpu.memref_slice %arg9[%dma_start3A_256] : memref<1600xi32, #tpu.memory_space<vmem>> -> memref<80xi32, #tpu.memory_space<vmem>>
      %dma_start3A_258 = arith.constant 0 : i32
      %dma_start3A_259 = arith.constant 0 : i32
      %dma_start3A_260 = tpu.memref_slice %arg4[%dma_start3A_258, %dma_start3A_259] : memref<1024x128xf32, #tpu.memory_space<hbm>> -> memref<1024x128xf32, #tpu.memory_space<hbm>>
      tpu.enqueue_indirect_dma source(%dma_start3A_260 : memref<1024x128xf32, #tpu.memory_space<hbm>>) target(%dma_start3A_255 : memref<80x128xf32, #tpu.memory_space<vmem>>) offsets(%dma_start3A_257 : memref<80xi32, #tpu.memory_space<vmem>>) semaphore(%arg18 : memref<!tpu.dma_semaphore, #tpu.memory_space<semaphore_mem>>)
      %dma_start3A_261 = arith.constant 80 : i32
      %dma_start3A_262 = arith.constant 0 : i32
      %dma_start3A_263 = tpu.memref_slice %arg11[%dma_start3A_261, %dma_start3A_262] : memref<160x128xf32, #tpu.memory_space<vmem>> -> memref<80x128xf32, #tpu.memory_space<vmem>>
      %dma_start3A_264 = arith.constant 1040 : i32
      %dma_start3A_265 = tpu.memref_slice %arg9[%dma_start3A_264] : memref<1600xi32, #tpu.memory_space<vmem>> -> memref<80xi32, #tpu.memory_space<vmem>>
      %dma_start3A_266 = arith.constant 0 : i32
      %dma_start3A_267 = arith.constant 0 : i32
      %dma_start3A_268 = tpu.memref_slice %arg4[%dma_start3A_266, %dma_start3A_267] : memref<1024x128xf32, #tpu.memory_space<hbm>> -> memref<1024x128xf32, #tpu.memory_space<hbm>>
      tpu.enqueue_indirect_dma source(%dma_start3A_268 : memref<1024x128xf32, #tpu.memory_space<hbm>>) target(%dma_start3A_263 : memref<80x128xf32, #tpu.memory_space<vmem>>) offsets(%dma_start3A_265 : memref<80xi32, #tpu.memory_space<vmem>>) semaphore(%arg18 : memref<!tpu.dma_semaphore, #tpu.memory_space<semaphore_mem>>)
      %dma_wait3A_269 = arith.constant 0 : i32
      %dma_wait3A_270 = arith.constant 0 : i32
      %dma_wait3A_271 = tpu.memref_slice %arg11[%dma_wait3A_269, %dma_wait3A_270] : memref<160x128xf32, #tpu.memory_space<vmem>> -> memref<80x128xf32, #tpu.memory_space<vmem>>
      %dma_wait3A_272 = arith.constant 960 : i32
      %dma_wait3A_273 = tpu.memref_slice %arg9[%dma_wait3A_272] : memref<1600xi32, #tpu.memory_space<vmem>> -> memref<80xi32, #tpu.memory_space<vmem>>
      %dma_wait3A_274 = arith.constant 0 : i32
      %dma_wait3A_275 = arith.constant 0 : i32
      %dma_wait3A_276 = tpu.memref_slice %arg4[%dma_wait3A_274, %dma_wait3A_275] : memref<1024x128xf32, #tpu.memory_space<hbm>> -> memref<1024x128xf32, #tpu.memory_space<hbm>>
      tpu.wait_indirect_dma semaphore(%arg18 : memref<!tpu.dma_semaphore, #tpu.memory_space<semaphore_mem>>) src(%dma_wait3A_276 : memref<1024x128xf32, #tpu.memory_space<hbm>>) dst(%dma_wait3A_271 : memref<80x128xf32, #tpu.memory_space<vmem>>)
      %dma_wait3A_277 = arith.constant 80 : i32
      %dma_wait3A_278 = arith.constant 0 : i32
      %dma_wait3A_279 = tpu.memref_slice %arg11[%dma_wait3A_277, %dma_wait3A_278] : memref<160x128xf32, #tpu.memory_space<vmem>> -> memref<80x128xf32, #tpu.memory_space<vmem>>
      %dma_wait3A_280 = arith.constant 1040 : i32
      %dma_wait3A_281 = tpu.memref_slice %arg9[%dma_wait3A_280] : memref<1600xi32, #tpu.memory_space<vmem>> -> memref<80xi32, #tpu.memory_space<vmem>>
      %dma_wait3A_282 = arith.constant 0 : i32
      %dma_wait3A_283 = arith.constant 0 : i32
      %dma_wait3A_284 = tpu.memref_slice %arg4[%dma_wait3A_282, %dma_wait3A_283] : memref<1024x128xf32, #tpu.memory_space<hbm>> -> memref<1024x128xf32, #tpu.memory_space<hbm>>
      tpu.wait_indirect_dma semaphore(%arg18 : memref<!tpu.dma_semaphore, #tpu.memory_space<semaphore_mem>>) src(%dma_wait3A_284 : memref<1024x128xf32, #tpu.memory_space<hbm>>) dst(%dma_wait3A_279 : memref<80x128xf32, #tpu.memory_space<vmem>>)
      %add3A_285 = arith.constant 960 : i32
      %add3A_286 = arith.addi %mul3A_0, %add3A_285 : i32
      %dma_start3A_287 = arith.constant 0 : i32
      %dma_start3A_288 = tpu.memref_slice %arg7[%add3A_286, %dma_start3A_287] : memref<25600x128xf32, #tpu.memory_space<hbm>> -> memref<160x128xf32, #tpu.memory_space<hbm>>
      %dma_start3A_289 = arith.constant 0 : i32
      %dma_start3A_290 = tpu.memref_slice %arg7[%add3A_286, %dma_start3A_289] : memref<25600x128xf32, #tpu.memory_space<hbm>> -> memref<160x128xf32, #tpu.memory_space<hbm>>
      tpu.enqueue_dma source(%arg11 : memref<160x128xf32, #tpu.memory_space<vmem>>) target(%dma_start3A_290 : memref<160x128xf32, #tpu.memory_space<hbm>>) target_semaphore(%arg19 : memref<!tpu.dma_semaphore, #tpu.memory_space<semaphore_mem>>)
      %dma_wait3A_291 = arith.constant 0 : i32
      %dma_wait3A_292 = tpu.memref_slice %arg7[%add3A_244, %dma_wait3A_291] : memref<25600x128xf32, #tpu.memory_space<hbm>> -> memref<160x128xf32, #tpu.memory_space<hbm>>
      %dma_wait3A_293 = arith.constant 0 : i32
      %dma_wait3A_294 = tpu.memref_slice %arg7[%add3A_244, %dma_wait3A_293] : memref<25600x128xf32, #tpu.memory_space<hbm>> -> memref<160x128xf32, #tpu.memory_space<hbm>>
      tpu.wait_dma2 semaphore(%arg19 : memref<!tpu.dma_semaphore, #tpu.memory_space<semaphore_mem>>) src(%arg12 : memref<160x128xf32, #tpu.memory_space<vmem>>) dst(%dma_wait3A_294 : memref<160x128xf32, #tpu.memory_space<hbm>>)
      %dma_start3A_295 = arith.constant 0 : i32
      %dma_start3A_296 = arith.constant 0 : i32
      %dma_start3A_297 = tpu.memref_slice %arg12[%dma_start3A_295, %dma_start3A_296] : memref<160x128xf32, #tpu.memory_space<vmem>> -> memref<80x128xf32, #tpu.memory_space<vmem>>
      %dma_start3A_298 = arith.constant 1120 : i32
      %dma_start3A_299 = tpu.memref_slice %arg9[%dma_start3A_298] : memref<1600xi32, #tpu.memory_space<vmem>> -> memref<80xi32, #tpu.memory_space<vmem>>
      %dma_start3A_300 = arith.constant 0 : i32
      %dma_start3A_301 = arith.constant 0 : i32
      %dma_start3A_302 = tpu.memref_slice %arg4[%dma_start3A_300, %dma_start3A_301] : memref<1024x128xf32, #tpu.memory_space<hbm>> -> memref<1024x128xf32, #tpu.memory_space<hbm>>
      tpu.enqueue_indirect_dma source(%dma_start3A_302 : memref<1024x128xf32, #tpu.memory_space<hbm>>) target(%dma_start3A_297 : memref<80x128xf32, #tpu.memory_space<vmem>>) offsets(%dma_start3A_299 : memref<80xi32, #tpu.memory_space<vmem>>) semaphore(%arg18 : memref<!tpu.dma_semaphore, #tpu.memory_space<semaphore_mem>>)
      %dma_start3A_303 = arith.constant 80 : i32
      %dma_start3A_304 = arith.constant 0 : i32
      %dma_start3A_305 = tpu.memref_slice %arg12[%dma_start3A_303, %dma_start3A_304] : memref<160x128xf32, #tpu.memory_space<vmem>> -> memref<80x128xf32, #tpu.memory_space<vmem>>
      %dma_start3A_306 = arith.constant 1200 : i32
      %dma_start3A_307 = tpu.memref_slice %arg9[%dma_start3A_306] : memref<1600xi32, #tpu.memory_space<vmem>> -> memref<80xi32, #tpu.memory_space<vmem>>
      %dma_start3A_308 = arith.constant 0 : i32
      %dma_start3A_309 = arith.constant 0 : i32
      %dma_start3A_310 = tpu.memref_slice %arg4[%dma_start3A_308, %dma_start3A_309] : memref<1024x128xf32, #tpu.memory_space<hbm>> -> memref<1024x128xf32, #tpu.memory_space<hbm>>
      tpu.enqueue_indirect_dma source(%dma_start3A_310 : memref<1024x128xf32, #tpu.memory_space<hbm>>) target(%dma_start3A_305 : memref<80x128xf32, #tpu.memory_space<vmem>>) offsets(%dma_start3A_307 : memref<80xi32, #tpu.memory_space<vmem>>) semaphore(%arg18 : memref<!tpu.dma_semaphore, #tpu.memory_space<semaphore_mem>>)
      %dma_wait3A_311 = arith.constant 0 : i32
      %dma_wait3A_312 = arith.constant 0 : i32
      %dma_wait3A_313 = tpu.memref_slice %arg12[%dma_wait3A_311, %dma_wait3A_312] : memref<160x128xf32, #tpu.memory_space<vmem>> -> memref<80x128xf32, #tpu.memory_space<vmem>>
      %dma_wait3A_314 = arith.constant 1120 : i32
      %dma_wait3A_315 = tpu.memref_slice %arg9[%dma_wait3A_314] : memref<1600xi32, #tpu.memory_space<vmem>> -> memref<80xi32, #tpu.memory_space<vmem>>
      %dma_wait3A_316 = arith.constant 0 : i32
      %dma_wait3A_317 = arith.constant 0 : i32
      %dma_wait3A_318 = tpu.memref_slice %arg4[%dma_wait3A_316, %dma_wait3A_317] : memref<1024x128xf32, #tpu.memory_space<hbm>> -> memref<1024x128xf32, #tpu.memory_space<hbm>>
      tpu.wait_indirect_dma semaphore(%arg18 : memref<!tpu.dma_semaphore, #tpu.memory_space<semaphore_mem>>) src(%dma_wait3A_318 : memref<1024x128xf32, #tpu.memory_space<hbm>>) dst(%dma_wait3A_313 : memref<80x128xf32, #tpu.memory_space<vmem>>)
      %dma_wait3A_319 = arith.constant 80 : i32
      %dma_wait3A_320 = arith.constant 0 : i32
      %dma_wait3A_321 = tpu.memref_slice %arg12[%dma_wait3A_319, %dma_wait3A_320] : memref<160x128xf32, #tpu.memory_space<vmem>> -> memref<80x128xf32, #tpu.memory_space<vmem>>
      %dma_wait3A_322 = arith.constant 1200 : i32
      %dma_wait3A_323 = tpu.memref_slice %arg9[%dma_wait3A_322] : memref<1600xi32, #tpu.memory_space<vmem>> -> memref<80xi32, #tpu.memory_space<vmem>>
      %dma_wait3A_324 = arith.constant 0 : i32
      %dma_wait3A_325 = arith.constant 0 : i32
      %dma_wait3A_326 = tpu.memref_slice %arg4[%dma_wait3A_324, %dma_wait3A_325] : memref<1024x128xf32, #tpu.memory_space<hbm>> -> memref<1024x128xf32, #tpu.memory_space<hbm>>
      tpu.wait_indirect_dma semaphore(%arg18 : memref<!tpu.dma_semaphore, #tpu.memory_space<semaphore_mem>>) src(%dma_wait3A_326 : memref<1024x128xf32, #tpu.memory_space<hbm>>) dst(%dma_wait3A_321 : memref<80x128xf32, #tpu.memory_space<vmem>>)
      %add3A_327 = arith.constant 1120 : i32
      %add3A_328 = arith.addi %mul3A_0, %add3A_327 : i32
      %dma_start3A_329 = arith.constant 0 : i32
      %dma_start3A_330 = tpu.memref_slice %arg7[%add3A_328, %dma_start3A_329] : memref<25600x128xf32, #tpu.memory_space<hbm>> -> memref<160x128xf32, #tpu.memory_space<hbm>>
      %dma_start3A_331 = arith.constant 0 : i32
      %dma_start3A_332 = tpu.memref_slice %arg7[%add3A_328, %dma_start3A_331] : memref<25600x128xf32, #tpu.memory_space<hbm>> -> memref<160x128xf32, #tpu.memory_space<hbm>>
      tpu.enqueue_dma source(%arg12 : memref<160x128xf32, #tpu.memory_space<vmem>>) target(%dma_start3A_332 : memref<160x128xf32, #tpu.memory_space<hbm>>) target_semaphore(%arg19 : memref<!tpu.dma_semaphore, #tpu.memory_space<semaphore_mem>>)
      %dma_wait3A_333 = arith.constant 0 : i32
      %dma_wait3A_334 = tpu.memref_slice %arg7[%add3A_286, %dma_wait3A_333] : memref<25600x128xf32, #tpu.memory_space<hbm>> -> memref<160x128xf32, #tpu.memory_space<hbm>>
      %dma_wait3A_335 = arith.constant 0 : i32
      %dma_wait3A_336 = tpu.memref_slice %arg7[%add3A_286, %dma_wait3A_335] : memref<25600x128xf32, #tpu.memory_space<hbm>> -> memref<160x128xf32, #tpu.memory_space<hbm>>
      tpu.wait_dma2 semaphore(%arg19 : memref<!tpu.dma_semaphore, #tpu.memory_space<semaphore_mem>>) src(%arg11 : memref<160x128xf32, #tpu.memory_space<vmem>>) dst(%dma_wait3A_336 : memref<160x128xf32, #tpu.memory_space<hbm>>)
      %dma_start3A_337 = arith.constant 0 : i32
      %dma_start3A_338 = arith.constant 0 : i32
      %dma_start3A_339 = tpu.memref_slice %arg11[%dma_start3A_337, %dma_start3A_338] : memref<160x128xf32, #tpu.memory_space<vmem>> -> memref<80x128xf32, #tpu.memory_space<vmem>>
      %dma_start3A_340 = arith.constant 1280 : i32
      %dma_start3A_341 = tpu.memref_slice %arg9[%dma_start3A_340] : memref<1600xi32, #tpu.memory_space<vmem>> -> memref<80xi32, #tpu.memory_space<vmem>>
      %dma_start3A_342 = arith.constant 0 : i32
      %dma_start3A_343 = arith.constant 0 : i32
      %dma_start3A_344 = tpu.memref_slice %arg4[%dma_start3A_342, %dma_start3A_343] : memref<1024x128xf32, #tpu.memory_space<hbm>> -> memref<1024x128xf32, #tpu.memory_space<hbm>>
      tpu.enqueue_indirect_dma source(%dma_start3A_344 : memref<1024x128xf32, #tpu.memory_space<hbm>>) target(%dma_start3A_339 : memref<80x128xf32, #tpu.memory_space<vmem>>) offsets(%dma_start3A_341 : memref<80xi32, #tpu.memory_space<vmem>>) semaphore(%arg18 : memref<!tpu.dma_semaphore, #tpu.memory_space<semaphore_mem>>)
      %dma_start3A_345 = arith.constant 80 : i32
      %dma_start3A_346 = arith.constant 0 : i32
      %dma_start3A_347 = tpu.memref_slice %arg11[%dma_start3A_345, %dma_start3A_346] : memref<160x128xf32, #tpu.memory_space<vmem>> -> memref<80x128xf32, #tpu.memory_space<vmem>>
      %dma_start3A_348 = arith.constant 1360 : i32
      %dma_start3A_349 = tpu.memref_slice %arg9[%dma_start3A_348] : memref<1600xi32, #tpu.memory_space<vmem>> -> memref<80xi32, #tpu.memory_space<vmem>>
      %dma_start3A_350 = arith.constant 0 : i32
      %dma_start3A_351 = arith.constant 0 : i32
      %dma_start3A_352 = tpu.memref_slice %arg4[%dma_start3A_350, %dma_start3A_351] : memref<1024x128xf32, #tpu.memory_space<hbm>> -> memref<1024x128xf32, #tpu.memory_space<hbm>>
      tpu.enqueue_indirect_dma source(%dma_start3A_352 : memref<1024x128xf32, #tpu.memory_space<hbm>>) target(%dma_start3A_347 : memref<80x128xf32, #tpu.memory_space<vmem>>) offsets(%dma_start3A_349 : memref<80xi32, #tpu.memory_space<vmem>>) semaphore(%arg18 : memref<!tpu.dma_semaphore, #tpu.memory_space<semaphore_mem>>)
      %dma_wait3A_353 = arith.constant 0 : i32
      %dma_wait3A_354 = arith.constant 0 : i32
      %dma_wait3A_355 = tpu.memref_slice %arg11[%dma_wait3A_353, %dma_wait3A_354] : memref<160x128xf32, #tpu.memory_space<vmem>> -> memref<80x128xf32, #tpu.memory_space<vmem>>
      %dma_wait3A_356 = arith.constant 1280 : i32
      %dma_wait3A_357 = tpu.memref_slice %arg9[%dma_wait3A_356] : memref<1600xi32, #tpu.memory_space<vmem>> -> memref<80xi32, #tpu.memory_space<vmem>>
      %dma_wait3A_358 = arith.constant 0 : i32
      %dma_wait3A_359 = arith.constant 0 : i32
      %dma_wait3A_360 = tpu.memref_slice %arg4[%dma_wait3A_358, %dma_wait3A_359] : memref<1024x128xf32, #tpu.memory_space<hbm>> -> memref<1024x128xf32, #tpu.memory_space<hbm>>
      tpu.wait_indirect_dma semaphore(%arg18 : memref<!tpu.dma_semaphore, #tpu.memory_space<semaphore_mem>>) src(%dma_wait3A_360 : memref<1024x128xf32, #tpu.memory_space<hbm>>) dst(%dma_wait3A_355 : memref<80x128xf32, #tpu.memory_space<vmem>>)
      %dma_wait3A_361 = arith.constant 80 : i32
      %dma_wait3A_362 = arith.constant 0 : i32
      %dma_wait3A_363 = tpu.memref_slice %arg11[%dma_wait3A_361, %dma_wait3A_362] : memref<160x128xf32, #tpu.memory_space<vmem>> -> memref<80x128xf32, #tpu.memory_space<vmem>>
      %dma_wait3A_364 = arith.constant 1360 : i32
      %dma_wait3A_365 = tpu.memref_slice %arg9[%dma_wait3A_364] : memref<1600xi32, #tpu.memory_space<vmem>> -> memref<80xi32, #tpu.memory_space<vmem>>
      %dma_wait3A_366 = arith.constant 0 : i32
      %dma_wait3A_367 = arith.constant 0 : i32
      %dma_wait3A_368 = tpu.memref_slice %arg4[%dma_wait3A_366, %dma_wait3A_367] : memref<1024x128xf32, #tpu.memory_space<hbm>> -> memref<1024x128xf32, #tpu.memory_space<hbm>>
      tpu.wait_indirect_dma semaphore(%arg18 : memref<!tpu.dma_semaphore, #tpu.memory_space<semaphore_mem>>) src(%dma_wait3A_368 : memref<1024x128xf32, #tpu.memory_space<hbm>>) dst(%dma_wait3A_363 : memref<80x128xf32, #tpu.memory_space<vmem>>)
      %add3A_369 = arith.constant 1280 : i32
      %add3A_370 = arith.addi %mul3A_0, %add3A_369 : i32
      %dma_start3A_371 = arith.constant 0 : i32
      %dma_start3A_372 = tpu.memref_slice %arg7[%add3A_370, %dma_start3A_371] : memref<25600x128xf32, #tpu.memory_space<hbm>> -> memref<160x128xf32, #tpu.memory_space<hbm>>
      %dma_start3A_373 = arith.constant 0 : i32
      %dma_start3A_374 = tpu.memref_slice %arg7[%add3A_370, %dma_start3A_373] : memref<25600x128xf32, #tpu.memory_space<hbm>> -> memref<160x128xf32, #tpu.memory_space<hbm>>
      tpu.enqueue_dma source(%arg11 : memref<160x128xf32, #tpu.memory_space<vmem>>) target(%dma_start3A_374 : memref<160x128xf32, #tpu.memory_space<hbm>>) target_semaphore(%arg19 : memref<!tpu.dma_semaphore, #tpu.memory_space<semaphore_mem>>)
      %dma_wait3A_375 = arith.constant 0 : i32
      %dma_wait3A_376 = tpu.memref_slice %arg7[%add3A_328, %dma_wait3A_375] : memref<25600x128xf32, #tpu.memory_space<hbm>> -> memref<160x128xf32, #tpu.memory_space<hbm>>
      %dma_wait3A_377 = arith.constant 0 : i32
      %dma_wait3A_378 = tpu.memref_slice %arg7[%add3A_328, %dma_wait3A_377] : memref<25600x128xf32, #tpu.memory_space<hbm>> -> memref<160x128xf32, #tpu.memory_space<hbm>>
      tpu.wait_dma2 semaphore(%arg19 : memref<!tpu.dma_semaphore, #tpu.memory_space<semaphore_mem>>) src(%arg12 : memref<160x128xf32, #tpu.memory_space<vmem>>) dst(%dma_wait3A_378 : memref<160x128xf32, #tpu.memory_space<hbm>>)
      %dma_start3A_379 = arith.constant 0 : i32
      %dma_start3A_380 = arith.constant 0 : i32
      %dma_start3A_381 = tpu.memref_slice %arg12[%dma_start3A_379, %dma_start3A_380] : memref<160x128xf32, #tpu.memory_space<vmem>> -> memref<80x128xf32, #tpu.memory_space<vmem>>
      %dma_start3A_382 = arith.constant 1440 : i32
      %dma_start3A_383 = tpu.memref_slice %arg9[%dma_start3A_382] : memref<1600xi32, #tpu.memory_space<vmem>> -> memref<80xi32, #tpu.memory_space<vmem>>
      %dma_start3A_384 = arith.constant 0 : i32
      %dma_start3A_385 = arith.constant 0 : i32
      %dma_start3A_386 = tpu.memref_slice %arg4[%dma_start3A_384, %dma_start3A_385] : memref<1024x128xf32, #tpu.memory_space<hbm>> -> memref<1024x128xf32, #tpu.memory_space<hbm>>
      tpu.enqueue_indirect_dma source(%dma_start3A_386 : memref<1024x128xf32, #tpu.memory_space<hbm>>) target(%dma_start3A_381 : memref<80x128xf32, #tpu.memory_space<vmem>>) offsets(%dma_start3A_383 : memref<80xi32, #tpu.memory_space<vmem>>) semaphore(%arg18 : memref<!tpu.dma_semaphore, #tpu.memory_space<semaphore_mem>>)
      %dma_start3A_387 = arith.constant 80 : i32
      %dma_start3A_388 = arith.constant 0 : i32
      %dma_start3A_389 = tpu.memref_slice %arg12[%dma_start3A_387, %dma_start3A_388] : memref<160x128xf32, #tpu.memory_space<vmem>> -> memref<80x128xf32, #tpu.memory_space<vmem>>
      %dma_start3A_390 = arith.constant 1520 : i32
      %dma_start3A_391 = tpu.memref_slice %arg9[%dma_start3A_390] : memref<1600xi32, #tpu.memory_space<vmem>> -> memref<80xi32, #tpu.memory_space<vmem>>
      %dma_start3A_392 = arith.constant 0 : i32
      %dma_start3A_393 = arith.constant 0 : i32
      %dma_start3A_394 = tpu.memref_slice %arg4[%dma_start3A_392, %dma_start3A_393] : memref<1024x128xf32, #tpu.memory_space<hbm>> -> memref<1024x128xf32, #tpu.memory_space<hbm>>
      tpu.enqueue_indirect_dma source(%dma_start3A_394 : memref<1024x128xf32, #tpu.memory_space<hbm>>) target(%dma_start3A_389 : memref<80x128xf32, #tpu.memory_space<vmem>>) offsets(%dma_start3A_391 : memref<80xi32, #tpu.memory_space<vmem>>) semaphore(%arg18 : memref<!tpu.dma_semaphore, #tpu.memory_space<semaphore_mem>>)
      %dma_wait3A_395 = arith.constant 0 : i32
      %dma_wait3A_396 = arith.constant 0 : i32
      %dma_wait3A_397 = tpu.memref_slice %arg12[%dma_wait3A_395, %dma_wait3A_396] : memref<160x128xf32, #tpu.memory_space<vmem>> -> memref<80x128xf32, #tpu.memory_space<vmem>>
      %dma_wait3A_398 = arith.constant 1440 : i32
      %dma_wait3A_399 = tpu.memref_slice %arg9[%dma_wait3A_398] : memref<1600xi32, #tpu.memory_space<vmem>> -> memref<80xi32, #tpu.memory_space<vmem>>
      %dma_wait3A_400 = arith.constant 0 : i32
      %dma_wait3A_401 = arith.constant 0 : i32
      %dma_wait3A_402 = tpu.memref_slice %arg4[%dma_wait3A_400, %dma_wait3A_401] : memref<1024x128xf32, #tpu.memory_space<hbm>> -> memref<1024x128xf32, #tpu.memory_space<hbm>>
      tpu.wait_indirect_dma semaphore(%arg18 : memref<!tpu.dma_semaphore, #tpu.memory_space<semaphore_mem>>) src(%dma_wait3A_402 : memref<1024x128xf32, #tpu.memory_space<hbm>>) dst(%dma_wait3A_397 : memref<80x128xf32, #tpu.memory_space<vmem>>)
      %dma_wait3A_403 = arith.constant 80 : i32
      %dma_wait3A_404 = arith.constant 0 : i32
      %dma_wait3A_405 = tpu.memref_slice %arg12[%dma_wait3A_403, %dma_wait3A_404] : memref<160x128xf32, #tpu.memory_space<vmem>> -> memref<80x128xf32, #tpu.memory_space<vmem>>
      %dma_wait3A_406 = arith.constant 1520 : i32
      %dma_wait3A_407 = tpu.memref_slice %arg9[%dma_wait3A_406] : memref<1600xi32, #tpu.memory_space<vmem>> -> memref<80xi32, #tpu.memory_space<vmem>>
      %dma_wait3A_408 = arith.constant 0 : i32
      %dma_wait3A_409 = arith.constant 0 : i32
      %dma_wait3A_410 = tpu.memref_slice %arg4[%dma_wait3A_408, %dma_wait3A_409] : memref<1024x128xf32, #tpu.memory_space<hbm>> -> memref<1024x128xf32, #tpu.memory_space<hbm>>
      tpu.wait_indirect_dma semaphore(%arg18 : memref<!tpu.dma_semaphore, #tpu.memory_space<semaphore_mem>>) src(%dma_wait3A_410 : memref<1024x128xf32, #tpu.memory_space<hbm>>) dst(%dma_wait3A_405 : memref<80x128xf32, #tpu.memory_space<vmem>>)
      %add3A_411 = arith.constant 1440 : i32
      %add3A_412 = arith.addi %mul3A_0, %add3A_411 : i32
      %dma_start3A_413 = arith.constant 0 : i32
      %dma_start3A_414 = tpu.memref_slice %arg7[%add3A_412, %dma_start3A_413] : memref<25600x128xf32, #tpu.memory_space<hbm>> -> memref<160x128xf32, #tpu.memory_space<hbm>>
      %dma_start3A_415 = arith.constant 0 : i32
      %dma_start3A_416 = tpu.memref_slice %arg7[%add3A_412, %dma_start3A_415] : memref<25600x128xf32, #tpu.memory_space<hbm>> -> memref<160x128xf32, #tpu.memory_space<hbm>>
      tpu.enqueue_dma source(%arg12 : memref<160x128xf32, #tpu.memory_space<vmem>>) target(%dma_start3A_416 : memref<160x128xf32, #tpu.memory_space<hbm>>) target_semaphore(%arg19 : memref<!tpu.dma_semaphore, #tpu.memory_space<semaphore_mem>>)
      %dma_wait3A_417 = arith.constant 0 : i32
      %dma_wait3A_418 = tpu.memref_slice %arg7[%add3A_370, %dma_wait3A_417] : memref<25600x128xf32, #tpu.memory_space<hbm>> -> memref<160x128xf32, #tpu.memory_space<hbm>>
      %dma_wait3A_419 = arith.constant 0 : i32
      %dma_wait3A_420 = tpu.memref_slice %arg7[%add3A_370, %dma_wait3A_419] : memref<25600x128xf32, #tpu.memory_space<hbm>> -> memref<160x128xf32, #tpu.memory_space<hbm>>
      tpu.wait_dma2 semaphore(%arg19 : memref<!tpu.dma_semaphore, #tpu.memory_space<semaphore_mem>>) src(%arg11 : memref<160x128xf32, #tpu.memory_space<vmem>>) dst(%dma_wait3A_420 : memref<160x128xf32, #tpu.memory_space<hbm>>)
      %dma_wait3A_421 = arith.constant 0 : i32
      %dma_wait3A_422 = tpu.memref_slice %arg7[%add3A_412, %dma_wait3A_421] : memref<25600x128xf32, #tpu.memory_space<hbm>> -> memref<160x128xf32, #tpu.memory_space<hbm>>
      %dma_wait3A_423 = arith.constant 0 : i32
      %dma_wait3A_424 = tpu.memref_slice %arg7[%add3A_412, %dma_wait3A_423] : memref<25600x128xf32, #tpu.memory_space<hbm>> -> memref<160x128xf32, #tpu.memory_space<hbm>>
      tpu.wait_dma2 semaphore(%arg19 : memref<!tpu.dma_semaphore, #tpu.memory_space<semaphore_mem>>) src(%arg12 : memref<160x128xf32, #tpu.memory_space<vmem>>) dst(%dma_wait3A_424 : memref<160x128xf32, #tpu.memory_space<hbm>>)
    } else {
    }
    %eq3A_3 = arith.constant 0 : i32
    %eq3A_4 = arith.cmpi eq, %arg0, %eq3A_3 : i32
    %convert_element_type3A_5 = arith.extui %eq3A_4 : i1 to i32
    %cond3A_6 = arith.constant 0 : i32
    %cond3A_7 = arith.cmpi ne, %convert_element_type3A_5, %cond3A_6 : i32
    scf.if %cond3A_7 {
      %add3A = arith.constant 0 : i32
      %add3A_8 = arith.addi %mul3A_0, %add3A : i32
      %dma_start3A = arith.constant 0 : i32
      %dma_start3A_9 = arith.constant 0 : i32
      %dma_start3A_10 = tpu.memref_slice %arg10[%dma_start3A, %dma_start3A_9] : memref<20x80xi32, #tpu.memory_space<vmem>> -> memref<1x80xi32, #tpu.memory_space<vmem>>
      %dma_start3A_11 = tpu.memref_squeeze %dma_start3A_10 : memref<1x80xi32, #tpu.memory_space<vmem>> -> memref<80xi32, #tpu.memory_space<vmem>>
      %dma_start3A_12 = tpu.memref_slice %arg2[%add3A_8] : memref<25600xi32, #tpu.memory_space<hbm>> -> memref<80xi32, #tpu.memory_space<hbm>>
      %dma_start3A_13 = arith.constant 0 : i32
      %dma_start3A_14 = tpu.memref_slice %arg10[%dma_start3A, %dma_start3A_13] : memref<20x80xi32, #tpu.memory_space<vmem>> -> memref<1x80xi32, #tpu.memory_space<vmem>>
      %dma_start3A_15 = tpu.memref_squeeze %dma_start3A_14 : memref<1x80xi32, #tpu.memory_space<vmem>> -> memref<80xi32, #tpu.memory_space<vmem>>
      %dma_start3A_16 = tpu.memref_slice %arg2[%add3A_8] : memref<25600xi32, #tpu.memory_space<hbm>> -> memref<80xi32, #tpu.memory_space<hbm>>
      tpu.enqueue_dma source(%dma_start3A_16 : memref<80xi32, #tpu.memory_space<hbm>>) target(%dma_start3A_15 : memref<80xi32, #tpu.memory_space<vmem>>) target_semaphore(%arg18 : memref<!tpu.dma_semaphore, #tpu.memory_space<semaphore_mem>>)
      %add3A_17 = arith.constant 80 : i32
      %add3A_18 = arith.addi %mul3A_0, %add3A_17 : i32
      %dma_start3A_19 = arith.constant 1 : i32
      %dma_start3A_20 = arith.constant 0 : i32
      %dma_start3A_21 = tpu.memref_slice %arg10[%dma_start3A_19, %dma_start3A_20] : memref<20x80xi32, #tpu.memory_space<vmem>> -> memref<1x80xi32, #tpu.memory_space<vmem>>
      %dma_start3A_22 = tpu.memref_squeeze %dma_start3A_21 : memref<1x80xi32, #tpu.memory_space<vmem>> -> memref<80xi32, #tpu.memory_space<vmem>>
      %dma_start3A_23 = tpu.memref_slice %arg2[%add3A_18] : memref<25600xi32, #tpu.memory_space<hbm>> -> memref<80xi32, #tpu.memory_space<hbm>>
      %dma_start3A_24 = arith.constant 0 : i32
      %dma_start3A_25 = tpu.memref_slice %arg10[%dma_start3A_19, %dma_start3A_24] : memref<20x80xi32, #tpu.memory_space<vmem>> -> memref<1x80xi32, #tpu.memory_space<vmem>>
      %dma_start3A_26 = tpu.memref_squeeze %dma_start3A_25 : memref<1x80xi32, #tpu.memory_space<vmem>> -> memref<80xi32, #tpu.memory_space<vmem>>
      %dma_start3A_27 = tpu.memref_slice %arg2[%add3A_18] : memref<25600xi32, #tpu.memory_space<hbm>> -> memref<80xi32, #tpu.memory_space<hbm>>
      tpu.enqueue_dma source(%dma_start3A_27 : memref<80xi32, #tpu.memory_space<hbm>>) target(%dma_start3A_26 : memref<80xi32, #tpu.memory_space<vmem>>) target_semaphore(%arg18 : memref<!tpu.dma_semaphore, #tpu.memory_space<semaphore_mem>>)
      %add3A_28 = arith.constant 160 : i32
      %add3A_29 = arith.addi %mul3A_0, %add3A_28 : i32
      %dma_start3A_30 = arith.constant 2 : i32
      %dma_start3A_31 = arith.constant 0 : i32
      %dma_start3A_32 = tpu.memref_slice %arg10[%dma_start3A_30, %dma_start3A_31] : memref<20x80xi32, #tpu.memory_space<vmem>> -> memref<1x80xi32, #tpu.memory_space<vmem>>
      %dma_start3A_33 = tpu.memref_squeeze %dma_start3A_32 : memref<1x80xi32, #tpu.memory_space<vmem>> -> memref<80xi32, #tpu.memory_space<vmem>>
      %dma_start3A_34 = tpu.memref_slice %arg2[%add3A_29] : memref<25600xi32, #tpu.memory_space<hbm>> -> memref<80xi32, #tpu.memory_space<hbm>>
      %dma_start3A_35 = arith.constant 0 : i32
      %dma_start3A_36 = tpu.memref_slice %arg10[%dma_start3A_30, %dma_start3A_35] : memref<20x80xi32, #tpu.memory_space<vmem>> -> memref<1x80xi32, #tpu.memory_space<vmem>>
      %dma_start3A_37 = tpu.memref_squeeze %dma_start3A_36 : memref<1x80xi32, #tpu.memory_space<vmem>> -> memref<80xi32, #tpu.memory_space<vmem>>
      %dma_start3A_38 = tpu.memref_slice %arg2[%add3A_29] : memref<25600xi32, #tpu.memory_space<hbm>> -> memref<80xi32, #tpu.memory_space<hbm>>
      tpu.enqueue_dma source(%dma_start3A_38 : memref<80xi32, #tpu.memory_space<hbm>>) target(%dma_start3A_37 : memref<80xi32, #tpu.memory_space<vmem>>) target_semaphore(%arg18 : memref<!tpu.dma_semaphore, #tpu.memory_space<semaphore_mem>>)
      %add3A_39 = arith.constant 240 : i32
      %add3A_40 = arith.addi %mul3A_0, %add3A_39 : i32
      %dma_start3A_41 = arith.constant 3 : i32
      %dma_start3A_42 = arith.constant 0 : i32
      %dma_start3A_43 = tpu.memref_slice %arg10[%dma_start3A_41, %dma_start3A_42] : memref<20x80xi32, #tpu.memory_space<vmem>> -> memref<1x80xi32, #tpu.memory_space<vmem>>
      %dma_start3A_44 = tpu.memref_squeeze %dma_start3A_43 : memref<1x80xi32, #tpu.memory_space<vmem>> -> memref<80xi32, #tpu.memory_space<vmem>>
      %dma_start3A_45 = tpu.memref_slice %arg2[%add3A_40] : memref<25600xi32, #tpu.memory_space<hbm>> -> memref<80xi32, #tpu.memory_space<hbm>>
      %dma_start3A_46 = arith.constant 0 : i32
      %dma_start3A_47 = tpu.memref_slice %arg10[%dma_start3A_41, %dma_start3A_46] : memref<20x80xi32, #tpu.memory_space<vmem>> -> memref<1x80xi32, #tpu.memory_space<vmem>>
      %dma_start3A_48 = tpu.memref_squeeze %dma_start3A_47 : memref<1x80xi32, #tpu.memory_space<vmem>> -> memref<80xi32, #tpu.memory_space<vmem>>
      %dma_start3A_49 = tpu.memref_slice %arg2[%add3A_40] : memref<25600xi32, #tpu.memory_space<hbm>> -> memref<80xi32, #tpu.memory_space<hbm>>
      tpu.enqueue_dma source(%dma_start3A_49 : memref<80xi32, #tpu.memory_space<hbm>>) target(%dma_start3A_48 : memref<80xi32, #tpu.memory_space<vmem>>) target_semaphore(%arg18 : memref<!tpu.dma_semaphore, #tpu.memory_space<semaphore_mem>>)
      %add3A_50 = arith.constant 320 : i32
      %add3A_51 = arith.addi %mul3A_0, %add3A_50 : i32
      %dma_start3A_52 = arith.constant 4 : i32
      %dma_start3A_53 = arith.constant 0 : i32
      %dma_start3A_54 = tpu.memref_slice %arg10[%dma_start3A_52, %dma_start3A_53] : memref<20x80xi32, #tpu.memory_space<vmem>> -> memref<1x80xi32, #tpu.memory_space<vmem>>
      %dma_start3A_55 = tpu.memref_squeeze %dma_start3A_54 : memref<1x80xi32, #tpu.memory_space<vmem>> -> memref<80xi32, #tpu.memory_space<vmem>>
      %dma_start3A_56 = tpu.memref_slice %arg2[%add3A_51] : memref<25600xi32, #tpu.memory_space<hbm>> -> memref<80xi32, #tpu.memory_space<hbm>>
      %dma_start3A_57 = arith.constant 0 : i32
      %dma_start3A_58 = tpu.memref_slice %arg10[%dma_start3A_52, %dma_start3A_57] : memref<20x80xi32, #tpu.memory_space<vmem>> -> memref<1x80xi32, #tpu.memory_space<vmem>>
      %dma_start3A_59 = tpu.memref_squeeze %dma_start3A_58 : memref<1x80xi32, #tpu.memory_space<vmem>> -> memref<80xi32, #tpu.memory_space<vmem>>
      %dma_start3A_60 = tpu.memref_slice %arg2[%add3A_51] : memref<25600xi32, #tpu.memory_space<hbm>> -> memref<80xi32, #tpu.memory_space<hbm>>
      tpu.enqueue_dma source(%dma_start3A_60 : memref<80xi32, #tpu.memory_space<hbm>>) target(%dma_start3A_59 : memref<80xi32, #tpu.memory_space<vmem>>) target_semaphore(%arg18 : memref<!tpu.dma_semaphore, #tpu.memory_space<semaphore_mem>>)
      %add3A_61 = arith.constant 400 : i32
      %add3A_62 = arith.addi %mul3A_0, %add3A_61 : i32
      %dma_start3A_63 = arith.constant 5 : i32
      %dma_start3A_64 = arith.constant 0 : i32
      %dma_start3A_65 = tpu.memref_slice %arg10[%dma_start3A_63, %dma_start3A_64] : memref<20x80xi32, #tpu.memory_space<vmem>> -> memref<1x80xi32, #tpu.memory_space<vmem>>
      %dma_start3A_66 = tpu.memref_squeeze %dma_start3A_65 : memref<1x80xi32, #tpu.memory_space<vmem>> -> memref<80xi32, #tpu.memory_space<vmem>>
      %dma_start3A_67 = tpu.memref_slice %arg2[%add3A_62] : memref<25600xi32, #tpu.memory_space<hbm>> -> memref<80xi32, #tpu.memory_space<hbm>>
      %dma_start3A_68 = arith.constant 0 : i32
      %dma_start3A_69 = tpu.memref_slice %arg10[%dma_start3A_63, %dma_start3A_68] : memref<20x80xi32, #tpu.memory_space<vmem>> -> memref<1x80xi32, #tpu.memory_space<vmem>>
      %dma_start3A_70 = tpu.memref_squeeze %dma_start3A_69 : memref<1x80xi32, #tpu.memory_space<vmem>> -> memref<80xi32, #tpu.memory_space<vmem>>
      %dma_start3A_71 = tpu.memref_slice %arg2[%add3A_62] : memref<25600xi32, #tpu.memory_space<hbm>> -> memref<80xi32, #tpu.memory_space<hbm>>
      tpu.enqueue_dma source(%dma_start3A_71 : memref<80xi32, #tpu.memory_space<hbm>>) target(%dma_start3A_70 : memref<80xi32, #tpu.memory_space<vmem>>) target_semaphore(%arg18 : memref<!tpu.dma_semaphore, #tpu.memory_space<semaphore_mem>>)
      %add3A_72 = arith.constant 480 : i32
      %add3A_73 = arith.addi %mul3A_0, %add3A_72 : i32
      %dma_start3A_74 = arith.constant 6 : i32
      %dma_start3A_75 = arith.constant 0 : i32
      %dma_start3A_76 = tpu.memref_slice %arg10[%dma_start3A_74, %dma_start3A_75] : memref<20x80xi32, #tpu.memory_space<vmem>> -> memref<1x80xi32, #tpu.memory_space<vmem>>
      %dma_start3A_77 = tpu.memref_squeeze %dma_start3A_76 : memref<1x80xi32, #tpu.memory_space<vmem>> -> memref<80xi32, #tpu.memory_space<vmem>>
      %dma_start3A_78 = tpu.memref_slice %arg2[%add3A_73] : memref<25600xi32, #tpu.memory_space<hbm>> -> memref<80xi32, #tpu.memory_space<hbm>>
      %dma_start3A_79 = arith.constant 0 : i32
      %dma_start3A_80 = tpu.memref_slice %arg10[%dma_start3A_74, %dma_start3A_79] : memref<20x80xi32, #tpu.memory_space<vmem>> -> memref<1x80xi32, #tpu.memory_space<vmem>>
      %dma_start3A_81 = tpu.memref_squeeze %dma_start3A_80 : memref<1x80xi32, #tpu.memory_space<vmem>> -> memref<80xi32, #tpu.memory_space<vmem>>
      %dma_start3A_82 = tpu.memref_slice %arg2[%add3A_73] : memref<25600xi32, #tpu.memory_space<hbm>> -> memref<80xi32, #tpu.memory_space<hbm>>
      tpu.enqueue_dma source(%dma_start3A_82 : memref<80xi32, #tpu.memory_space<hbm>>) target(%dma_start3A_81 : memref<80xi32, #tpu.memory_space<vmem>>) target_semaphore(%arg18 : memref<!tpu.dma_semaphore, #tpu.memory_space<semaphore_mem>>)
      %add3A_83 = arith.constant 560 : i32
      %add3A_84 = arith.addi %mul3A_0, %add3A_83 : i32
      %dma_start3A_85 = arith.constant 7 : i32
      %dma_start3A_86 = arith.constant 0 : i32
      %dma_start3A_87 = tpu.memref_slice %arg10[%dma_start3A_85, %dma_start3A_86] : memref<20x80xi32, #tpu.memory_space<vmem>> -> memref<1x80xi32, #tpu.memory_space<vmem>>
      %dma_start3A_88 = tpu.memref_squeeze %dma_start3A_87 : memref<1x80xi32, #tpu.memory_space<vmem>> -> memref<80xi32, #tpu.memory_space<vmem>>
      %dma_start3A_89 = tpu.memref_slice %arg2[%add3A_84] : memref<25600xi32, #tpu.memory_space<hbm>> -> memref<80xi32, #tpu.memory_space<hbm>>
      %dma_start3A_90 = arith.constant 0 : i32
      %dma_start3A_91 = tpu.memref_slice %arg10[%dma_start3A_85, %dma_start3A_90] : memref<20x80xi32, #tpu.memory_space<vmem>> -> memref<1x80xi32, #tpu.memory_space<vmem>>
      %dma_start3A_92 = tpu.memref_squeeze %dma_start3A_91 : memref<1x80xi32, #tpu.memory_space<vmem>> -> memref<80xi32, #tpu.memory_space<vmem>>
      %dma_start3A_93 = tpu.memref_slice %arg2[%add3A_84] : memref<25600xi32, #tpu.memory_space<hbm>> -> memref<80xi32, #tpu.memory_space<hbm>>
      tpu.enqueue_dma source(%dma_start3A_93 : memref<80xi32, #tpu.memory_space<hbm>>) target(%dma_start3A_92 : memref<80xi32, #tpu.memory_space<vmem>>) target_semaphore(%arg18 : memref<!tpu.dma_semaphore, #tpu.memory_space<semaphore_mem>>)
      %add3A_94 = arith.constant 640 : i32
      %add3A_95 = arith.addi %mul3A_0, %add3A_94 : i32
      %dma_start3A_96 = arith.constant 8 : i32
      %dma_start3A_97 = arith.constant 0 : i32
      %dma_start3A_98 = tpu.memref_slice %arg10[%dma_start3A_96, %dma_start3A_97] : memref<20x80xi32, #tpu.memory_space<vmem>> -> memref<1x80xi32, #tpu.memory_space<vmem>>
      %dma_start3A_99 = tpu.memref_squeeze %dma_start3A_98 : memref<1x80xi32, #tpu.memory_space<vmem>> -> memref<80xi32, #tpu.memory_space<vmem>>
      %dma_start3A_100 = tpu.memref_slice %arg2[%add3A_95] : memref<25600xi32, #tpu.memory_space<hbm>> -> memref<80xi32, #tpu.memory_space<hbm>>
      %dma_start3A_101 = arith.constant 0 : i32
      %dma_start3A_102 = tpu.memref_slice %arg10[%dma_start3A_96, %dma_start3A_101] : memref<20x80xi32, #tpu.memory_space<vmem>> -> memref<1x80xi32, #tpu.memory_space<vmem>>
      %dma_start3A_103 = tpu.memref_squeeze %dma_start3A_102 : memref<1x80xi32, #tpu.memory_space<vmem>> -> memref<80xi32, #tpu.memory_space<vmem>>
      %dma_start3A_104 = tpu.memref_slice %arg2[%add3A_95] : memref<25600xi32, #tpu.memory_space<hbm>> -> memref<80xi32, #tpu.memory_space<hbm>>
      tpu.enqueue_dma source(%dma_start3A_104 : memref<80xi32, #tpu.memory_space<hbm>>) target(%dma_start3A_103 : memref<80xi32, #tpu.memory_space<vmem>>) target_semaphore(%arg18 : memref<!tpu.dma_semaphore, #tpu.memory_space<semaphore_mem>>)
      %add3A_105 = arith.constant 720 : i32
      %add3A_106 = arith.addi %mul3A_0, %add3A_105 : i32
      %dma_start3A_107 = arith.constant 9 : i32
      %dma_start3A_108 = arith.constant 0 : i32
      %dma_start3A_109 = tpu.memref_slice %arg10[%dma_start3A_107, %dma_start3A_108] : memref<20x80xi32, #tpu.memory_space<vmem>> -> memref<1x80xi32, #tpu.memory_space<vmem>>
      %dma_start3A_110 = tpu.memref_squeeze %dma_start3A_109 : memref<1x80xi32, #tpu.memory_space<vmem>> -> memref<80xi32, #tpu.memory_space<vmem>>
      %dma_start3A_111 = tpu.memref_slice %arg2[%add3A_106] : memref<25600xi32, #tpu.memory_space<hbm>> -> memref<80xi32, #tpu.memory_space<hbm>>
      %dma_start3A_112 = arith.constant 0 : i32
      %dma_start3A_113 = tpu.memref_slice %arg10[%dma_start3A_107, %dma_start3A_112] : memref<20x80xi32, #tpu.memory_space<vmem>> -> memref<1x80xi32, #tpu.memory_space<vmem>>
      %dma_start3A_114 = tpu.memref_squeeze %dma_start3A_113 : memref<1x80xi32, #tpu.memory_space<vmem>> -> memref<80xi32, #tpu.memory_space<vmem>>
      %dma_start3A_115 = tpu.memref_slice %arg2[%add3A_106] : memref<25600xi32, #tpu.memory_space<hbm>> -> memref<80xi32, #tpu.memory_space<hbm>>
      tpu.enqueue_dma source(%dma_start3A_115 : memref<80xi32, #tpu.memory_space<hbm>>) target(%dma_start3A_114 : memref<80xi32, #tpu.memory_space<vmem>>) target_semaphore(%arg18 : memref<!tpu.dma_semaphore, #tpu.memory_space<semaphore_mem>>)
      %add3A_116 = arith.constant 800 : i32
      %add3A_117 = arith.addi %mul3A_0, %add3A_116 : i32
      %dma_start3A_118 = arith.constant 10 : i32
      %dma_start3A_119 = arith.constant 0 : i32
      %dma_start3A_120 = tpu.memref_slice %arg10[%dma_start3A_118, %dma_start3A_119] : memref<20x80xi32, #tpu.memory_space<vmem>> -> memref<1x80xi32, #tpu.memory_space<vmem>>
      %dma_start3A_121 = tpu.memref_squeeze %dma_start3A_120 : memref<1x80xi32, #tpu.memory_space<vmem>> -> memref<80xi32, #tpu.memory_space<vmem>>
      %dma_start3A_122 = tpu.memref_slice %arg2[%add3A_117] : memref<25600xi32, #tpu.memory_space<hbm>> -> memref<80xi32, #tpu.memory_space<hbm>>
      %dma_start3A_123 = arith.constant 0 : i32
      %dma_start3A_124 = tpu.memref_slice %arg10[%dma_start3A_118, %dma_start3A_123] : memref<20x80xi32, #tpu.memory_space<vmem>> -> memref<1x80xi32, #tpu.memory_space<vmem>>
      %dma_start3A_125 = tpu.memref_squeeze %dma_start3A_124 : memref<1x80xi32, #tpu.memory_space<vmem>> -> memref<80xi32, #tpu.memory_space<vmem>>
      %dma_start3A_126 = tpu.memref_slice %arg2[%add3A_117] : memref<25600xi32, #tpu.memory_space<hbm>> -> memref<80xi32, #tpu.memory_space<hbm>>
      tpu.enqueue_dma source(%dma_start3A_126 : memref<80xi32, #tpu.memory_space<hbm>>) target(%dma_start3A_125 : memref<80xi32, #tpu.memory_space<vmem>>) target_semaphore(%arg18 : memref<!tpu.dma_semaphore, #tpu.memory_space<semaphore_mem>>)
      %add3A_127 = arith.constant 880 : i32
      %add3A_128 = arith.addi %mul3A_0, %add3A_127 : i32
      %dma_start3A_129 = arith.constant 11 : i32
      %dma_start3A_130 = arith.constant 0 : i32
      %dma_start3A_131 = tpu.memref_slice %arg10[%dma_start3A_129, %dma_start3A_130] : memref<20x80xi32, #tpu.memory_space<vmem>> -> memref<1x80xi32, #tpu.memory_space<vmem>>
      %dma_start3A_132 = tpu.memref_squeeze %dma_start3A_131 : memref<1x80xi32, #tpu.memory_space<vmem>> -> memref<80xi32, #tpu.memory_space<vmem>>
      %dma_start3A_133 = tpu.memref_slice %arg2[%add3A_128] : memref<25600xi32, #tpu.memory_space<hbm>> -> memref<80xi32, #tpu.memory_space<hbm>>
      %dma_start3A_134 = arith.constant 0 : i32
      %dma_start3A_135 = tpu.memref_slice %arg10[%dma_start3A_129, %dma_start3A_134] : memref<20x80xi32, #tpu.memory_space<vmem>> -> memref<1x80xi32, #tpu.memory_space<vmem>>
      %dma_start3A_136 = tpu.memref_squeeze %dma_start3A_135 : memref<1x80xi32, #tpu.memory_space<vmem>> -> memref<80xi32, #tpu.memory_space<vmem>>
      %dma_start3A_137 = tpu.memref_slice %arg2[%add3A_128] : memref<25600xi32, #tpu.memory_space<hbm>> -> memref<80xi32, #tpu.memory_space<hbm>>
      tpu.enqueue_dma source(%dma_start3A_137 : memref<80xi32, #tpu.memory_space<hbm>>) target(%dma_start3A_136 : memref<80xi32, #tpu.memory_space<vmem>>) target_semaphore(%arg18 : memref<!tpu.dma_semaphore, #tpu.memory_space<semaphore_mem>>)
      %add3A_138 = arith.constant 960 : i32
      %add3A_139 = arith.addi %mul3A_0, %add3A_138 : i32
      %dma_start3A_140 = arith.constant 12 : i32
      %dma_start3A_141 = arith.constant 0 : i32
      %dma_start3A_142 = tpu.memref_slice %arg10[%dma_start3A_140, %dma_start3A_141] : memref<20x80xi32, #tpu.memory_space<vmem>> -> memref<1x80xi32, #tpu.memory_space<vmem>>
      %dma_start3A_143 = tpu.memref_squeeze %dma_start3A_142 : memref<1x80xi32, #tpu.memory_space<vmem>> -> memref<80xi32, #tpu.memory_space<vmem>>
      %dma_start3A_144 = tpu.memref_slice %arg2[%add3A_139] : memref<25600xi32, #tpu.memory_space<hbm>> -> memref<80xi32, #tpu.memory_space<hbm>>
      %dma_start3A_145 = arith.constant 0 : i32
      %dma_start3A_146 = tpu.memref_slice %arg10[%dma_start3A_140, %dma_start3A_145] : memref<20x80xi32, #tpu.memory_space<vmem>> -> memref<1x80xi32, #tpu.memory_space<vmem>>
      %dma_start3A_147 = tpu.memref_squeeze %dma_start3A_146 : memref<1x80xi32, #tpu.memory_space<vmem>> -> memref<80xi32, #tpu.memory_space<vmem>>
      %dma_start3A_148 = tpu.memref_slice %arg2[%add3A_139] : memref<25600xi32, #tpu.memory_space<hbm>> -> memref<80xi32, #tpu.memory_space<hbm>>
      tpu.enqueue_dma source(%dma_start3A_148 : memref<80xi32, #tpu.memory_space<hbm>>) target(%dma_start3A_147 : memref<80xi32, #tpu.memory_space<vmem>>) target_semaphore(%arg18 : memref<!tpu.dma_semaphore, #tpu.memory_space<semaphore_mem>>)
      %add3A_149 = arith.constant 1040 : i32
      %add3A_150 = arith.addi %mul3A_0, %add3A_149 : i32
      %dma_start3A_151 = arith.constant 13 : i32
      %dma_start3A_152 = arith.constant 0 : i32
      %dma_start3A_153 = tpu.memref_slice %arg10[%dma_start3A_151, %dma_start3A_152] : memref<20x80xi32, #tpu.memory_space<vmem>> -> memref<1x80xi32, #tpu.memory_space<vmem>>
      %dma_start3A_154 = tpu.memref_squeeze %dma_start3A_153 : memref<1x80xi32, #tpu.memory_space<vmem>> -> memref<80xi32, #tpu.memory_space<vmem>>
      %dma_start3A_155 = tpu.memref_slice %arg2[%add3A_150] : memref<25600xi32, #tpu.memory_space<hbm>> -> memref<80xi32, #tpu.memory_space<hbm>>
      %dma_start3A_156 = arith.constant 0 : i32
      %dma_start3A_157 = tpu.memref_slice %arg10[%dma_start3A_151, %dma_start3A_156] : memref<20x80xi32, #tpu.memory_space<vmem>> -> memref<1x80xi32, #tpu.memory_space<vmem>>
      %dma_start3A_158 = tpu.memref_squeeze %dma_start3A_157 : memref<1x80xi32, #tpu.memory_space<vmem>> -> memref<80xi32, #tpu.memory_space<vmem>>
      %dma_start3A_159 = tpu.memref_slice %arg2[%add3A_150] : memref<25600xi32, #tpu.memory_space<hbm>> -> memref<80xi32, #tpu.memory_space<hbm>>
      tpu.enqueue_dma source(%dma_start3A_159 : memref<80xi32, #tpu.memory_space<hbm>>) target(%dma_start3A_158 : memref<80xi32, #tpu.memory_space<vmem>>) target_semaphore(%arg18 : memref<!tpu.dma_semaphore, #tpu.memory_space<semaphore_mem>>)
      %add3A_160 = arith.constant 1120 : i32
      %add3A_161 = arith.addi %mul3A_0, %add3A_160 : i32
      %dma_start3A_162 = arith.constant 14 : i32
      %dma_start3A_163 = arith.constant 0 : i32
      %dma_start3A_164 = tpu.memref_slice %arg10[%dma_start3A_162, %dma_start3A_163] : memref<20x80xi32, #tpu.memory_space<vmem>> -> memref<1x80xi32, #tpu.memory_space<vmem>>
      %dma_start3A_165 = tpu.memref_squeeze %dma_start3A_164 : memref<1x80xi32, #tpu.memory_space<vmem>> -> memref<80xi32, #tpu.memory_space<vmem>>
      %dma_start3A_166 = tpu.memref_slice %arg2[%add3A_161] : memref<25600xi32, #tpu.memory_space<hbm>> -> memref<80xi32, #tpu.memory_space<hbm>>
      %dma_start3A_167 = arith.constant 0 : i32
      %dma_start3A_168 = tpu.memref_slice %arg10[%dma_start3A_162, %dma_start3A_167] : memref<20x80xi32, #tpu.memory_space<vmem>> -> memref<1x80xi32, #tpu.memory_space<vmem>>
      %dma_start3A_169 = tpu.memref_squeeze %dma_start3A_168 : memref<1x80xi32, #tpu.memory_space<vmem>> -> memref<80xi32, #tpu.memory_space<vmem>>
      %dma_start3A_170 = tpu.memref_slice %arg2[%add3A_161] : memref<25600xi32, #tpu.memory_space<hbm>> -> memref<80xi32, #tpu.memory_space<hbm>>
      tpu.enqueue_dma source(%dma_start3A_170 : memref<80xi32, #tpu.memory_space<hbm>>) target(%dma_start3A_169 : memref<80xi32, #tpu.memory_space<vmem>>) target_semaphore(%arg18 : memref<!tpu.dma_semaphore, #tpu.memory_space<semaphore_mem>>)
      %add3A_171 = arith.constant 1200 : i32
      %add3A_172 = arith.addi %mul3A_0, %add3A_171 : i32
      %dma_start3A_173 = arith.constant 15 : i32
      %dma_start3A_174 = arith.constant 0 : i32
      %dma_start3A_175 = tpu.memref_slice %arg10[%dma_start3A_173, %dma_start3A_174] : memref<20x80xi32, #tpu.memory_space<vmem>> -> memref<1x80xi32, #tpu.memory_space<vmem>>
      %dma_start3A_176 = tpu.memref_squeeze %dma_start3A_175 : memref<1x80xi32, #tpu.memory_space<vmem>> -> memref<80xi32, #tpu.memory_space<vmem>>
      %dma_start3A_177 = tpu.memref_slice %arg2[%add3A_172] : memref<25600xi32, #tpu.memory_space<hbm>> -> memref<80xi32, #tpu.memory_space<hbm>>
      %dma_start3A_178 = arith.constant 0 : i32
      %dma_start3A_179 = tpu.memref_slice %arg10[%dma_start3A_173, %dma_start3A_178] : memref<20x80xi32, #tpu.memory_space<vmem>> -> memref<1x80xi32, #tpu.memory_space<vmem>>
      %dma_start3A_180 = tpu.memref_squeeze %dma_start3A_179 : memref<1x80xi32, #tpu.memory_space<vmem>> -> memref<80xi32, #tpu.memory_space<vmem>>
      %dma_start3A_181 = tpu.memref_slice %arg2[%add3A_172] : memref<25600xi32, #tpu.memory_space<hbm>> -> memref<80xi32, #tpu.memory_space<hbm>>
      tpu.enqueue_dma source(%dma_start3A_181 : memref<80xi32, #tpu.memory_space<hbm>>) target(%dma_start3A_180 : memref<80xi32, #tpu.memory_space<vmem>>) target_semaphore(%arg18 : memref<!tpu.dma_semaphore, #tpu.memory_space<semaphore_mem>>)
      %add3A_182 = arith.constant 1280 : i32
      %add3A_183 = arith.addi %mul3A_0, %add3A_182 : i32
      %dma_start3A_184 = arith.constant 16 : i32
      %dma_start3A_185 = arith.constant 0 : i32
      %dma_start3A_186 = tpu.memref_slice %arg10[%dma_start3A_184, %dma_start3A_185] : memref<20x80xi32, #tpu.memory_space<vmem>> -> memref<1x80xi32, #tpu.memory_space<vmem>>
      %dma_start3A_187 = tpu.memref_squeeze %dma_start3A_186 : memref<1x80xi32, #tpu.memory_space<vmem>> -> memref<80xi32, #tpu.memory_space<vmem>>
      %dma_start3A_188 = tpu.memref_slice %arg2[%add3A_183] : memref<25600xi32, #tpu.memory_space<hbm>> -> memref<80xi32, #tpu.memory_space<hbm>>
      %dma_start3A_189 = arith.constant 0 : i32
      %dma_start3A_190 = tpu.memref_slice %arg10[%dma_start3A_184, %dma_start3A_189] : memref<20x80xi32, #tpu.memory_space<vmem>> -> memref<1x80xi32, #tpu.memory_space<vmem>>
      %dma_start3A_191 = tpu.memref_squeeze %dma_start3A_190 : memref<1x80xi32, #tpu.memory_space<vmem>> -> memref<80xi32, #tpu.memory_space<vmem>>
      %dma_start3A_192 = tpu.memref_slice %arg2[%add3A_183] : memref<25600xi32, #tpu.memory_space<hbm>> -> memref<80xi32, #tpu.memory_space<hbm>>
      tpu.enqueue_dma source(%dma_start3A_192 : memref<80xi32, #tpu.memory_space<hbm>>) target(%dma_start3A_191 : memref<80xi32, #tpu.memory_space<vmem>>) target_semaphore(%arg18 : memref<!tpu.dma_semaphore, #tpu.memory_space<semaphore_mem>>)
      %add3A_193 = arith.constant 1360 : i32
      %add3A_194 = arith.addi %mul3A_0, %add3A_193 : i32
      %dma_start3A_195 = arith.constant 17 : i32
      %dma_start3A_196 = arith.constant 0 : i32
      %dma_start3A_197 = tpu.memref_slice %arg10[%dma_start3A_195, %dma_start3A_196] : memref<20x80xi32, #tpu.memory_space<vmem>> -> memref<1x80xi32, #tpu.memory_space<vmem>>
      %dma_start3A_198 = tpu.memref_squeeze %dma_start3A_197 : memref<1x80xi32, #tpu.memory_space<vmem>> -> memref<80xi32, #tpu.memory_space<vmem>>
      %dma_start3A_199 = tpu.memref_slice %arg2[%add3A_194] : memref<25600xi32, #tpu.memory_space<hbm>> -> memref<80xi32, #tpu.memory_space<hbm>>
      %dma_start3A_200 = arith.constant 0 : i32
      %dma_start3A_201 = tpu.memref_slice %arg10[%dma_start3A_195, %dma_start3A_200] : memref<20x80xi32, #tpu.memory_space<vmem>> -> memref<1x80xi32, #tpu.memory_space<vmem>>
      %dma_start3A_202 = tpu.memref_squeeze %dma_start3A_201 : memref<1x80xi32, #tpu.memory_space<vmem>> -> memref<80xi32, #tpu.memory_space<vmem>>
      %dma_start3A_203 = tpu.memref_slice %arg2[%add3A_194] : memref<25600xi32, #tpu.memory_space<hbm>> -> memref<80xi32, #tpu.memory_space<hbm>>
      tpu.enqueue_dma source(%dma_start3A_203 : memref<80xi32, #tpu.memory_space<hbm>>) target(%dma_start3A_202 : memref<80xi32, #tpu.memory_space<vmem>>) target_semaphore(%arg18 : memref<!tpu.dma_semaphore, #tpu.memory_space<semaphore_mem>>)
      %add3A_204 = arith.constant 1440 : i32
      %add3A_205 = arith.addi %mul3A_0, %add3A_204 : i32
      %dma_start3A_206 = arith.constant 18 : i32
      %dma_start3A_207 = arith.constant 0 : i32
      %dma_start3A_208 = tpu.memref_slice %arg10[%dma_start3A_206, %dma_start3A_207] : memref<20x80xi32, #tpu.memory_space<vmem>> -> memref<1x80xi32, #tpu.memory_space<vmem>>
      %dma_start3A_209 = tpu.memref_squeeze %dma_start3A_208 : memref<1x80xi32, #tpu.memory_space<vmem>> -> memref<80xi32, #tpu.memory_space<vmem>>
      %dma_start3A_210 = tpu.memref_slice %arg2[%add3A_205] : memref<25600xi32, #tpu.memory_space<hbm>> -> memref<80xi32, #tpu.memory_space<hbm>>
      %dma_start3A_211 = arith.constant 0 : i32
      %dma_start3A_212 = tpu.memref_slice %arg10[%dma_start3A_206, %dma_start3A_211] : memref<20x80xi32, #tpu.memory_space<vmem>> -> memref<1x80xi32, #tpu.memory_space<vmem>>
      %dma_start3A_213 = tpu.memref_squeeze %dma_start3A_212 : memref<1x80xi32, #tpu.memory_space<vmem>> -> memref<80xi32, #tpu.memory_space<vmem>>
      %dma_start3A_214 = tpu.memref_slice %arg2[%add3A_205] : memref<25600xi32, #tpu.memory_space<hbm>> -> memref<80xi32, #tpu.memory_space<hbm>>
      tpu.enqueue_dma source(%dma_start3A_214 : memref<80xi32, #tpu.memory_space<hbm>>) target(%dma_start3A_213 : memref<80xi32, #tpu.memory_space<vmem>>) target_semaphore(%arg18 : memref<!tpu.dma_semaphore, #tpu.memory_space<semaphore_mem>>)
      %add3A_215 = arith.constant 1520 : i32
      %add3A_216 = arith.addi %mul3A_0, %add3A_215 : i32
      %dma_start3A_217 = arith.constant 19 : i32
      %dma_start3A_218 = arith.constant 0 : i32
      %dma_start3A_219 = tpu.memref_slice %arg10[%dma_start3A_217, %dma_start3A_218] : memref<20x80xi32, #tpu.memory_space<vmem>> -> memref<1x80xi32, #tpu.memory_space<vmem>>
      %dma_start3A_220 = tpu.memref_squeeze %dma_start3A_219 : memref<1x80xi32, #tpu.memory_space<vmem>> -> memref<80xi32, #tpu.memory_space<vmem>>
      %dma_start3A_221 = tpu.memref_slice %arg2[%add3A_216] : memref<25600xi32, #tpu.memory_space<hbm>> -> memref<80xi32, #tpu.memory_space<hbm>>
      %dma_start3A_222 = arith.constant 0 : i32
      %dma_start3A_223 = tpu.memref_slice %arg10[%dma_start3A_217, %dma_start3A_222] : memref<20x80xi32, #tpu.memory_space<vmem>> -> memref<1x80xi32, #tpu.memory_space<vmem>>
      %dma_start3A_224 = tpu.memref_squeeze %dma_start3A_223 : memref<1x80xi32, #tpu.memory_space<vmem>> -> memref<80xi32, #tpu.memory_space<vmem>>
      %dma_start3A_225 = tpu.memref_slice %arg2[%add3A_216] : memref<25600xi32, #tpu.memory_space<hbm>> -> memref<80xi32, #tpu.memory_space<hbm>>
      tpu.enqueue_dma source(%dma_start3A_225 : memref<80xi32, #tpu.memory_space<hbm>>) target(%dma_start3A_224 : memref<80xi32, #tpu.memory_space<vmem>>) target_semaphore(%arg18 : memref<!tpu.dma_semaphore, #tpu.memory_space<semaphore_mem>>)
      %mul3A_226 = arith.constant 64 : i32
      %mul3A_227 = arith.muli %arg1, %mul3A_226 : i32
      "tpu.region"() ({
        %run_scoped3A_593 = tpu.sem_alloc : memref<!tpu.dma_semaphore, #tpu.memory_space<semaphore_mem>>
        %dma_start3A_594 = arith.constant 0 : i32
        %dma_start3A_595 = tpu.memref_slice %arg17[%mul3A_227, %dma_start3A_594] : memref<1024x128xf32, #tpu.memory_space<vmem_shared>> -> memref<64x128xf32, #tpu.memory_space<vmem_shared>>
        %dma_start3A_596 = arith.constant 0 : i32
        %dma_start3A_597 = tpu.memref_slice %arg6[%mul3A_227, %dma_start3A_596] : memref<1024x128xf32, #tpu.memory_space<hbm>> -> memref<64x128xf32, #tpu.memory_space<hbm>>
        tpu.enqueue_dma source(%dma_start3A_597 : memref<64x128xf32, #tpu.memory_space<hbm>>) target(%dma_start3A_595 : memref<64x128xf32, #tpu.memory_space<vmem_shared>>) target_semaphore(%run_scoped3A_593 : memref<!tpu.dma_semaphore, #tpu.memory_space<semaphore_mem>>)
        %dma_wait3A_598 = arith.constant 0 : i32
        %dma_wait3A_599 = tpu.memref_slice %arg17[%mul3A_227, %dma_wait3A_598] : memref<1024x128xf32, #tpu.memory_space<vmem_shared>> -> memref<64x128xf32, #tpu.memory_space<vmem_shared>>
        %dma_wait3A_600 = arith.constant 0 : i32
        %dma_wait3A_601 = tpu.memref_slice %arg6[%mul3A_227, %dma_wait3A_600] : memref<1024x128xf32, #tpu.memory_space<hbm>> -> memref<64x128xf32, #tpu.memory_space<hbm>>
        tpu.wait_dma2 semaphore(%run_scoped3A_593 : memref<!tpu.dma_semaphore, #tpu.memory_space<semaphore_mem>>) src(%dma_wait3A_601 : memref<64x128xf32, #tpu.memory_space<hbm>>) dst(%dma_wait3A_599 : memref<64x128xf32, #tpu.memory_space<vmem_shared>>)
        tpu.yield
      }) : () -> ()
      %dma_start3A_228 = arith.constant 0 : i32
      %dma_start3A_229 = arith.constant 0 : i32
      %dma_start3A_230 = tpu.memref_slice %arg3[%arg1, %dma_start3A_228, %dma_start3A_229] : memref<16x1600x128xf32, #tpu.memory_space<hbm>> -> memref<1x160x128xf32, #tpu.memory_space<hbm>>
      %dma_start3A_231 = tpu.memref_squeeze %dma_start3A_230 : memref<1x160x128xf32, #tpu.memory_space<hbm>> -> memref<160x128xf32, #tpu.memory_space<hbm>>
      %dma_start3A_232 = arith.constant 0 : i32
      %dma_start3A_233 = arith.constant 0 : i32
      %dma_start3A_234 = tpu.memref_slice %arg3[%arg1, %dma_start3A_232, %dma_start3A_233] : memref<16x1600x128xf32, #tpu.memory_space<hbm>> -> memref<1x160x128xf32, #tpu.memory_space<hbm>>
      %dma_start3A_235 = tpu.memref_squeeze %dma_start3A_234 : memref<1x160x128xf32, #tpu.memory_space<hbm>> -> memref<160x128xf32, #tpu.memory_space<hbm>>
      tpu.enqueue_dma source(%dma_start3A_235 : memref<160x128xf32, #tpu.memory_space<hbm>>) target(%arg13 : memref<160x128xf32, #tpu.memory_space<vmem>>) target_semaphore(%arg20 : memref<!tpu.dma_semaphore, #tpu.memory_space<semaphore_mem>>)
      %dma_wait3A = arith.constant 0 : i32
      %dma_wait3A_236 = arith.constant 0 : i32
      %dma_wait3A_237 = tpu.memref_slice %arg10[%dma_wait3A, %dma_wait3A_236] : memref<20x80xi32, #tpu.memory_space<vmem>> -> memref<1x80xi32, #tpu.memory_space<vmem>>
      %dma_wait3A_238 = tpu.memref_squeeze %dma_wait3A_237 : memref<1x80xi32, #tpu.memory_space<vmem>> -> memref<80xi32, #tpu.memory_space<vmem>>
      %dma_wait3A_239 = tpu.memref_slice %arg2[%add3A_8] : memref<25600xi32, #tpu.memory_space<hbm>> -> memref<80xi32, #tpu.memory_space<hbm>>
      %dma_wait3A_240 = arith.constant 0 : i32
      %dma_wait3A_241 = tpu.memref_slice %arg10[%dma_wait3A, %dma_wait3A_240] : memref<20x80xi32, #tpu.memory_space<vmem>> -> memref<1x80xi32, #tpu.memory_space<vmem>>
      %dma_wait3A_242 = tpu.memref_squeeze %dma_wait3A_241 : memref<1x80xi32, #tpu.memory_space<vmem>> -> memref<80xi32, #tpu.memory_space<vmem>>
      %dma_wait3A_243 = tpu.memref_slice %arg2[%add3A_8] : memref<25600xi32, #tpu.memory_space<hbm>> -> memref<80xi32, #tpu.memory_space<hbm>>
      tpu.wait_dma2 semaphore(%arg18 : memref<!tpu.dma_semaphore, #tpu.memory_space<semaphore_mem>>) src(%dma_wait3A_243 : memref<80xi32, #tpu.memory_space<hbm>>) dst(%dma_wait3A_242 : memref<80xi32, #tpu.memory_space<vmem>>)
      %dma_wait3A_244 = arith.constant 1 : i32
      %dma_wait3A_245 = arith.constant 0 : i32
      %dma_wait3A_246 = tpu.memref_slice %arg10[%dma_wait3A_244, %dma_wait3A_245] : memref<20x80xi32, #tpu.memory_space<vmem>> -> memref<1x80xi32, #tpu.memory_space<vmem>>
      %dma_wait3A_247 = tpu.memref_squeeze %dma_wait3A_246 : memref<1x80xi32, #tpu.memory_space<vmem>> -> memref<80xi32, #tpu.memory_space<vmem>>
      %dma_wait3A_248 = tpu.memref_slice %arg2[%add3A_18] : memref<25600xi32, #tpu.memory_space<hbm>> -> memref<80xi32, #tpu.memory_space<hbm>>
      %dma_wait3A_249 = arith.constant 0 : i32
      %dma_wait3A_250 = tpu.memref_slice %arg10[%dma_wait3A_244, %dma_wait3A_249] : memref<20x80xi32, #tpu.memory_space<vmem>> -> memref<1x80xi32, #tpu.memory_space<vmem>>
      %dma_wait3A_251 = tpu.memref_squeeze %dma_wait3A_250 : memref<1x80xi32, #tpu.memory_space<vmem>> -> memref<80xi32, #tpu.memory_space<vmem>>
      %dma_wait3A_252 = tpu.memref_slice %arg2[%add3A_18] : memref<25600xi32, #tpu.memory_space<hbm>> -> memref<80xi32, #tpu.memory_space<hbm>>
      tpu.wait_dma2 semaphore(%arg18 : memref<!tpu.dma_semaphore, #tpu.memory_space<semaphore_mem>>) src(%dma_wait3A_252 : memref<80xi32, #tpu.memory_space<hbm>>) dst(%dma_wait3A_251 : memref<80xi32, #tpu.memory_space<vmem>>)
      %dma_wait3A_253 = arith.constant 2 : i32
      %dma_wait3A_254 = arith.constant 0 : i32
      %dma_wait3A_255 = tpu.memref_slice %arg10[%dma_wait3A_253, %dma_wait3A_254] : memref<20x80xi32, #tpu.memory_space<vmem>> -> memref<1x80xi32, #tpu.memory_space<vmem>>
      %dma_wait3A_256 = tpu.memref_squeeze %dma_wait3A_255 : memref<1x80xi32, #tpu.memory_space<vmem>> -> memref<80xi32, #tpu.memory_space<vmem>>
      %dma_wait3A_257 = tpu.memref_slice %arg2[%add3A_29] : memref<25600xi32, #tpu.memory_space<hbm>> -> memref<80xi32, #tpu.memory_space<hbm>>
      %dma_wait3A_258 = arith.constant 0 : i32
      %dma_wait3A_259 = tpu.memref_slice %arg10[%dma_wait3A_253, %dma_wait3A_258] : memref<20x80xi32, #tpu.memory_space<vmem>> -> memref<1x80xi32, #tpu.memory_space<vmem>>
      %dma_wait3A_260 = tpu.memref_squeeze %dma_wait3A_259 : memref<1x80xi32, #tpu.memory_space<vmem>> -> memref<80xi32, #tpu.memory_space<vmem>>
      %dma_wait3A_261 = tpu.memref_slice %arg2[%add3A_29] : memref<25600xi32, #tpu.memory_space<hbm>> -> memref<80xi32, #tpu.memory_space<hbm>>
      tpu.wait_dma2 semaphore(%arg18 : memref<!tpu.dma_semaphore, #tpu.memory_space<semaphore_mem>>) src(%dma_wait3A_261 : memref<80xi32, #tpu.memory_space<hbm>>) dst(%dma_wait3A_260 : memref<80xi32, #tpu.memory_space<vmem>>)
      %dma_wait3A_262 = arith.constant 3 : i32
      %dma_wait3A_263 = arith.constant 0 : i32
      %dma_wait3A_264 = tpu.memref_slice %arg10[%dma_wait3A_262, %dma_wait3A_263] : memref<20x80xi32, #tpu.memory_space<vmem>> -> memref<1x80xi32, #tpu.memory_space<vmem>>
      %dma_wait3A_265 = tpu.memref_squeeze %dma_wait3A_264 : memref<1x80xi32, #tpu.memory_space<vmem>> -> memref<80xi32, #tpu.memory_space<vmem>>
      %dma_wait3A_266 = tpu.memref_slice %arg2[%add3A_40] : memref<25600xi32, #tpu.memory_space<hbm>> -> memref<80xi32, #tpu.memory_space<hbm>>
      %dma_wait3A_267 = arith.constant 0 : i32
      %dma_wait3A_268 = tpu.memref_slice %arg10[%dma_wait3A_262, %dma_wait3A_267] : memref<20x80xi32, #tpu.memory_space<vmem>> -> memref<1x80xi32, #tpu.memory_space<vmem>>
      %dma_wait3A_269 = tpu.memref_squeeze %dma_wait3A_268 : memref<1x80xi32, #tpu.memory_space<vmem>> -> memref<80xi32, #tpu.memory_space<vmem>>
      %dma_wait3A_270 = tpu.memref_slice %arg2[%add3A_40] : memref<25600xi32, #tpu.memory_space<hbm>> -> memref<80xi32, #tpu.memory_space<hbm>>
      tpu.wait_dma2 semaphore(%arg18 : memref<!tpu.dma_semaphore, #tpu.memory_space<semaphore_mem>>) src(%dma_wait3A_270 : memref<80xi32, #tpu.memory_space<hbm>>) dst(%dma_wait3A_269 : memref<80xi32, #tpu.memory_space<vmem>>)
      %dma_wait3A_271 = arith.constant 4 : i32
      %dma_wait3A_272 = arith.constant 0 : i32
      %dma_wait3A_273 = tpu.memref_slice %arg10[%dma_wait3A_271, %dma_wait3A_272] : memref<20x80xi32, #tpu.memory_space<vmem>> -> memref<1x80xi32, #tpu.memory_space<vmem>>
      %dma_wait3A_274 = tpu.memref_squeeze %dma_wait3A_273 : memref<1x80xi32, #tpu.memory_space<vmem>> -> memref<80xi32, #tpu.memory_space<vmem>>
      %dma_wait3A_275 = tpu.memref_slice %arg2[%add3A_51] : memref<25600xi32, #tpu.memory_space<hbm>> -> memref<80xi32, #tpu.memory_space<hbm>>
      %dma_wait3A_276 = arith.constant 0 : i32
      %dma_wait3A_277 = tpu.memref_slice %arg10[%dma_wait3A_271, %dma_wait3A_276] : memref<20x80xi32, #tpu.memory_space<vmem>> -> memref<1x80xi32, #tpu.memory_space<vmem>>
      %dma_wait3A_278 = tpu.memref_squeeze %dma_wait3A_277 : memref<1x80xi32, #tpu.memory_space<vmem>> -> memref<80xi32, #tpu.memory_space<vmem>>
      %dma_wait3A_279 = tpu.memref_slice %arg2[%add3A_51] : memref<25600xi32, #tpu.memory_space<hbm>> -> memref<80xi32, #tpu.memory_space<hbm>>
      tpu.wait_dma2 semaphore(%arg18 : memref<!tpu.dma_semaphore, #tpu.memory_space<semaphore_mem>>) src(%dma_wait3A_279 : memref<80xi32, #tpu.memory_space<hbm>>) dst(%dma_wait3A_278 : memref<80xi32, #tpu.memory_space<vmem>>)
      %dma_wait3A_280 = arith.constant 5 : i32
      %dma_wait3A_281 = arith.constant 0 : i32
      %dma_wait3A_282 = tpu.memref_slice %arg10[%dma_wait3A_280, %dma_wait3A_281] : memref<20x80xi32, #tpu.memory_space<vmem>> -> memref<1x80xi32, #tpu.memory_space<vmem>>
      %dma_wait3A_283 = tpu.memref_squeeze %dma_wait3A_282 : memref<1x80xi32, #tpu.memory_space<vmem>> -> memref<80xi32, #tpu.memory_space<vmem>>
      %dma_wait3A_284 = tpu.memref_slice %arg2[%add3A_62] : memref<25600xi32, #tpu.memory_space<hbm>> -> memref<80xi32, #tpu.memory_space<hbm>>
      %dma_wait3A_285 = arith.constant 0 : i32
      %dma_wait3A_286 = tpu.memref_slice %arg10[%dma_wait3A_280, %dma_wait3A_285] : memref<20x80xi32, #tpu.memory_space<vmem>> -> memref<1x80xi32, #tpu.memory_space<vmem>>
      %dma_wait3A_287 = tpu.memref_squeeze %dma_wait3A_286 : memref<1x80xi32, #tpu.memory_space<vmem>> -> memref<80xi32, #tpu.memory_space<vmem>>
      %dma_wait3A_288 = tpu.memref_slice %arg2[%add3A_62] : memref<25600xi32, #tpu.memory_space<hbm>> -> memref<80xi32, #tpu.memory_space<hbm>>
      tpu.wait_dma2 semaphore(%arg18 : memref<!tpu.dma_semaphore, #tpu.memory_space<semaphore_mem>>) src(%dma_wait3A_288 : memref<80xi32, #tpu.memory_space<hbm>>) dst(%dma_wait3A_287 : memref<80xi32, #tpu.memory_space<vmem>>)
      %dma_wait3A_289 = arith.constant 6 : i32
      %dma_wait3A_290 = arith.constant 0 : i32
      %dma_wait3A_291 = tpu.memref_slice %arg10[%dma_wait3A_289, %dma_wait3A_290] : memref<20x80xi32, #tpu.memory_space<vmem>> -> memref<1x80xi32, #tpu.memory_space<vmem>>
      %dma_wait3A_292 = tpu.memref_squeeze %dma_wait3A_291 : memref<1x80xi32, #tpu.memory_space<vmem>> -> memref<80xi32, #tpu.memory_space<vmem>>
      %dma_wait3A_293 = tpu.memref_slice %arg2[%add3A_73] : memref<25600xi32, #tpu.memory_space<hbm>> -> memref<80xi32, #tpu.memory_space<hbm>>
      %dma_wait3A_294 = arith.constant 0 : i32
      %dma_wait3A_295 = tpu.memref_slice %arg10[%dma_wait3A_289, %dma_wait3A_294] : memref<20x80xi32, #tpu.memory_space<vmem>> -> memref<1x80xi32, #tpu.memory_space<vmem>>
      %dma_wait3A_296 = tpu.memref_squeeze %dma_wait3A_295 : memref<1x80xi32, #tpu.memory_space<vmem>> -> memref<80xi32, #tpu.memory_space<vmem>>
      %dma_wait3A_297 = tpu.memref_slice %arg2[%add3A_73] : memref<25600xi32, #tpu.memory_space<hbm>> -> memref<80xi32, #tpu.memory_space<hbm>>
      tpu.wait_dma2 semaphore(%arg18 : memref<!tpu.dma_semaphore, #tpu.memory_space<semaphore_mem>>) src(%dma_wait3A_297 : memref<80xi32, #tpu.memory_space<hbm>>) dst(%dma_wait3A_296 : memref<80xi32, #tpu.memory_space<vmem>>)
      %dma_wait3A_298 = arith.constant 7 : i32
      %dma_wait3A_299 = arith.constant 0 : i32
      %dma_wait3A_300 = tpu.memref_slice %arg10[%dma_wait3A_298, %dma_wait3A_299] : memref<20x80xi32, #tpu.memory_space<vmem>> -> memref<1x80xi32, #tpu.memory_space<vmem>>
      %dma_wait3A_301 = tpu.memref_squeeze %dma_wait3A_300 : memref<1x80xi32, #tpu.memory_space<vmem>> -> memref<80xi32, #tpu.memory_space<vmem>>
      %dma_wait3A_302 = tpu.memref_slice %arg2[%add3A_84] : memref<25600xi32, #tpu.memory_space<hbm>> -> memref<80xi32, #tpu.memory_space<hbm>>
      %dma_wait3A_303 = arith.constant 0 : i32
      %dma_wait3A_304 = tpu.memref_slice %arg10[%dma_wait3A_298, %dma_wait3A_303] : memref<20x80xi32, #tpu.memory_space<vmem>> -> memref<1x80xi32, #tpu.memory_space<vmem>>
      %dma_wait3A_305 = tpu.memref_squeeze %dma_wait3A_304 : memref<1x80xi32, #tpu.memory_space<vmem>> -> memref<80xi32, #tpu.memory_space<vmem>>
      %dma_wait3A_306 = tpu.memref_slice %arg2[%add3A_84] : memref<25600xi32, #tpu.memory_space<hbm>> -> memref<80xi32, #tpu.memory_space<hbm>>
      tpu.wait_dma2 semaphore(%arg18 : memref<!tpu.dma_semaphore, #tpu.memory_space<semaphore_mem>>) src(%dma_wait3A_306 : memref<80xi32, #tpu.memory_space<hbm>>) dst(%dma_wait3A_305 : memref<80xi32, #tpu.memory_space<vmem>>)
      %dma_wait3A_307 = arith.constant 8 : i32
      %dma_wait3A_308 = arith.constant 0 : i32
      %dma_wait3A_309 = tpu.memref_slice %arg10[%dma_wait3A_307, %dma_wait3A_308] : memref<20x80xi32, #tpu.memory_space<vmem>> -> memref<1x80xi32, #tpu.memory_space<vmem>>
      %dma_wait3A_310 = tpu.memref_squeeze %dma_wait3A_309 : memref<1x80xi32, #tpu.memory_space<vmem>> -> memref<80xi32, #tpu.memory_space<vmem>>
      %dma_wait3A_311 = tpu.memref_slice %arg2[%add3A_95] : memref<25600xi32, #tpu.memory_space<hbm>> -> memref<80xi32, #tpu.memory_space<hbm>>
      %dma_wait3A_312 = arith.constant 0 : i32
      %dma_wait3A_313 = tpu.memref_slice %arg10[%dma_wait3A_307, %dma_wait3A_312] : memref<20x80xi32, #tpu.memory_space<vmem>> -> memref<1x80xi32, #tpu.memory_space<vmem>>
      %dma_wait3A_314 = tpu.memref_squeeze %dma_wait3A_313 : memref<1x80xi32, #tpu.memory_space<vmem>> -> memref<80xi32, #tpu.memory_space<vmem>>
      %dma_wait3A_315 = tpu.memref_slice %arg2[%add3A_95] : memref<25600xi32, #tpu.memory_space<hbm>> -> memref<80xi32, #tpu.memory_space<hbm>>
      tpu.wait_dma2 semaphore(%arg18 : memref<!tpu.dma_semaphore, #tpu.memory_space<semaphore_mem>>) src(%dma_wait3A_315 : memref<80xi32, #tpu.memory_space<hbm>>) dst(%dma_wait3A_314 : memref<80xi32, #tpu.memory_space<vmem>>)
      %dma_wait3A_316 = arith.constant 9 : i32
      %dma_wait3A_317 = arith.constant 0 : i32
      %dma_wait3A_318 = tpu.memref_slice %arg10[%dma_wait3A_316, %dma_wait3A_317] : memref<20x80xi32, #tpu.memory_space<vmem>> -> memref<1x80xi32, #tpu.memory_space<vmem>>
      %dma_wait3A_319 = tpu.memref_squeeze %dma_wait3A_318 : memref<1x80xi32, #tpu.memory_space<vmem>> -> memref<80xi32, #tpu.memory_space<vmem>>
      %dma_wait3A_320 = tpu.memref_slice %arg2[%add3A_106] : memref<25600xi32, #tpu.memory_space<hbm>> -> memref<80xi32, #tpu.memory_space<hbm>>
      %dma_wait3A_321 = arith.constant 0 : i32
      %dma_wait3A_322 = tpu.memref_slice %arg10[%dma_wait3A_316, %dma_wait3A_321] : memref<20x80xi32, #tpu.memory_space<vmem>> -> memref<1x80xi32, #tpu.memory_space<vmem>>
      %dma_wait3A_323 = tpu.memref_squeeze %dma_wait3A_322 : memref<1x80xi32, #tpu.memory_space<vmem>> -> memref<80xi32, #tpu.memory_space<vmem>>
      %dma_wait3A_324 = tpu.memref_slice %arg2[%add3A_106] : memref<25600xi32, #tpu.memory_space<hbm>> -> memref<80xi32, #tpu.memory_space<hbm>>
      tpu.wait_dma2 semaphore(%arg18 : memref<!tpu.dma_semaphore, #tpu.memory_space<semaphore_mem>>) src(%dma_wait3A_324 : memref<80xi32, #tpu.memory_space<hbm>>) dst(%dma_wait3A_323 : memref<80xi32, #tpu.memory_space<vmem>>)
      %dma_wait3A_325 = arith.constant 10 : i32
      %dma_wait3A_326 = arith.constant 0 : i32
      %dma_wait3A_327 = tpu.memref_slice %arg10[%dma_wait3A_325, %dma_wait3A_326] : memref<20x80xi32, #tpu.memory_space<vmem>> -> memref<1x80xi32, #tpu.memory_space<vmem>>
      %dma_wait3A_328 = tpu.memref_squeeze %dma_wait3A_327 : memref<1x80xi32, #tpu.memory_space<vmem>> -> memref<80xi32, #tpu.memory_space<vmem>>
      %dma_wait3A_329 = tpu.memref_slice %arg2[%add3A_117] : memref<25600xi32, #tpu.memory_space<hbm>> -> memref<80xi32, #tpu.memory_space<hbm>>
      %dma_wait3A_330 = arith.constant 0 : i32
      %dma_wait3A_331 = tpu.memref_slice %arg10[%dma_wait3A_325, %dma_wait3A_330] : memref<20x80xi32, #tpu.memory_space<vmem>> -> memref<1x80xi32, #tpu.memory_space<vmem>>
      %dma_wait3A_332 = tpu.memref_squeeze %dma_wait3A_331 : memref<1x80xi32, #tpu.memory_space<vmem>> -> memref<80xi32, #tpu.memory_space<vmem>>
      %dma_wait3A_333 = tpu.memref_slice %arg2[%add3A_117] : memref<25600xi32, #tpu.memory_space<hbm>> -> memref<80xi32, #tpu.memory_space<hbm>>
      tpu.wait_dma2 semaphore(%arg18 : memref<!tpu.dma_semaphore, #tpu.memory_space<semaphore_mem>>) src(%dma_wait3A_333 : memref<80xi32, #tpu.memory_space<hbm>>) dst(%dma_wait3A_332 : memref<80xi32, #tpu.memory_space<vmem>>)
      %dma_wait3A_334 = arith.constant 11 : i32
      %dma_wait3A_335 = arith.constant 0 : i32
      %dma_wait3A_336 = tpu.memref_slice %arg10[%dma_wait3A_334, %dma_wait3A_335] : memref<20x80xi32, #tpu.memory_space<vmem>> -> memref<1x80xi32, #tpu.memory_space<vmem>>
      %dma_wait3A_337 = tpu.memref_squeeze %dma_wait3A_336 : memref<1x80xi32, #tpu.memory_space<vmem>> -> memref<80xi32, #tpu.memory_space<vmem>>
      %dma_wait3A_338 = tpu.memref_slice %arg2[%add3A_128] : memref<25600xi32, #tpu.memory_space<hbm>> -> memref<80xi32, #tpu.memory_space<hbm>>
      %dma_wait3A_339 = arith.constant 0 : i32
      %dma_wait3A_340 = tpu.memref_slice %arg10[%dma_wait3A_334, %dma_wait3A_339] : memref<20x80xi32, #tpu.memory_space<vmem>> -> memref<1x80xi32, #tpu.memory_space<vmem>>
      %dma_wait3A_341 = tpu.memref_squeeze %dma_wait3A_340 : memref<1x80xi32, #tpu.memory_space<vmem>> -> memref<80xi32, #tpu.memory_space<vmem>>
      %dma_wait3A_342 = tpu.memref_slice %arg2[%add3A_128] : memref<25600xi32, #tpu.memory_space<hbm>> -> memref<80xi32, #tpu.memory_space<hbm>>
      tpu.wait_dma2 semaphore(%arg18 : memref<!tpu.dma_semaphore, #tpu.memory_space<semaphore_mem>>) src(%dma_wait3A_342 : memref<80xi32, #tpu.memory_space<hbm>>) dst(%dma_wait3A_341 : memref<80xi32, #tpu.memory_space<vmem>>)
      %dma_wait3A_343 = arith.constant 12 : i32
      %dma_wait3A_344 = arith.constant 0 : i32
      %dma_wait3A_345 = tpu.memref_slice %arg10[%dma_wait3A_343, %dma_wait3A_344] : memref<20x80xi32, #tpu.memory_space<vmem>> -> memref<1x80xi32, #tpu.memory_space<vmem>>
      %dma_wait3A_346 = tpu.memref_squeeze %dma_wait3A_345 : memref<1x80xi32, #tpu.memory_space<vmem>> -> memref<80xi32, #tpu.memory_space<vmem>>
      %dma_wait3A_347 = tpu.memref_slice %arg2[%add3A_139] : memref<25600xi32, #tpu.memory_space<hbm>> -> memref<80xi32, #tpu.memory_space<hbm>>
      %dma_wait3A_348 = arith.constant 0 : i32
      %dma_wait3A_349 = tpu.memref_slice %arg10[%dma_wait3A_343, %dma_wait3A_348] : memref<20x80xi32, #tpu.memory_space<vmem>> -> memref<1x80xi32, #tpu.memory_space<vmem>>
      %dma_wait3A_350 = tpu.memref_squeeze %dma_wait3A_349 : memref<1x80xi32, #tpu.memory_space<vmem>> -> memref<80xi32, #tpu.memory_space<vmem>>
      %dma_wait3A_351 = tpu.memref_slice %arg2[%add3A_139] : memref<25600xi32, #tpu.memory_space<hbm>> -> memref<80xi32, #tpu.memory_space<hbm>>
      tpu.wait_dma2 semaphore(%arg18 : memref<!tpu.dma_semaphore, #tpu.memory_space<semaphore_mem>>) src(%dma_wait3A_351 : memref<80xi32, #tpu.memory_space<hbm>>) dst(%dma_wait3A_350 : memref<80xi32, #tpu.memory_space<vmem>>)
      %dma_wait3A_352 = arith.constant 13 : i32
      %dma_wait3A_353 = arith.constant 0 : i32
      %dma_wait3A_354 = tpu.memref_slice %arg10[%dma_wait3A_352, %dma_wait3A_353] : memref<20x80xi32, #tpu.memory_space<vmem>> -> memref<1x80xi32, #tpu.memory_space<vmem>>
      %dma_wait3A_355 = tpu.memref_squeeze %dma_wait3A_354 : memref<1x80xi32, #tpu.memory_space<vmem>> -> memref<80xi32, #tpu.memory_space<vmem>>
      %dma_wait3A_356 = tpu.memref_slice %arg2[%add3A_150] : memref<25600xi32, #tpu.memory_space<hbm>> -> memref<80xi32, #tpu.memory_space<hbm>>
      %dma_wait3A_357 = arith.constant 0 : i32
      %dma_wait3A_358 = tpu.memref_slice %arg10[%dma_wait3A_352, %dma_wait3A_357] : memref<20x80xi32, #tpu.memory_space<vmem>> -> memref<1x80xi32, #tpu.memory_space<vmem>>
      %dma_wait3A_359 = tpu.memref_squeeze %dma_wait3A_358 : memref<1x80xi32, #tpu.memory_space<vmem>> -> memref<80xi32, #tpu.memory_space<vmem>>
      %dma_wait3A_360 = tpu.memref_slice %arg2[%add3A_150] : memref<25600xi32, #tpu.memory_space<hbm>> -> memref<80xi32, #tpu.memory_space<hbm>>
      tpu.wait_dma2 semaphore(%arg18 : memref<!tpu.dma_semaphore, #tpu.memory_space<semaphore_mem>>) src(%dma_wait3A_360 : memref<80xi32, #tpu.memory_space<hbm>>) dst(%dma_wait3A_359 : memref<80xi32, #tpu.memory_space<vmem>>)
      %dma_wait3A_361 = arith.constant 14 : i32
      %dma_wait3A_362 = arith.constant 0 : i32
      %dma_wait3A_363 = tpu.memref_slice %arg10[%dma_wait3A_361, %dma_wait3A_362] : memref<20x80xi32, #tpu.memory_space<vmem>> -> memref<1x80xi32, #tpu.memory_space<vmem>>
      %dma_wait3A_364 = tpu.memref_squeeze %dma_wait3A_363 : memref<1x80xi32, #tpu.memory_space<vmem>> -> memref<80xi32, #tpu.memory_space<vmem>>
      %dma_wait3A_365 = tpu.memref_slice %arg2[%add3A_161] : memref<25600xi32, #tpu.memory_space<hbm>> -> memref<80xi32, #tpu.memory_space<hbm>>
      %dma_wait3A_366 = arith.constant 0 : i32
      %dma_wait3A_367 = tpu.memref_slice %arg10[%dma_wait3A_361, %dma_wait3A_366] : memref<20x80xi32, #tpu.memory_space<vmem>> -> memref<1x80xi32, #tpu.memory_space<vmem>>
      %dma_wait3A_368 = tpu.memref_squeeze %dma_wait3A_367 : memref<1x80xi32, #tpu.memory_space<vmem>> -> memref<80xi32, #tpu.memory_space<vmem>>
      %dma_wait3A_369 = tpu.memref_slice %arg2[%add3A_161] : memref<25600xi32, #tpu.memory_space<hbm>> -> memref<80xi32, #tpu.memory_space<hbm>>
      tpu.wait_dma2 semaphore(%arg18 : memref<!tpu.dma_semaphore, #tpu.memory_space<semaphore_mem>>) src(%dma_wait3A_369 : memref<80xi32, #tpu.memory_space<hbm>>) dst(%dma_wait3A_368 : memref<80xi32, #tpu.memory_space<vmem>>)
      %dma_wait3A_370 = arith.constant 15 : i32
      %dma_wait3A_371 = arith.constant 0 : i32
      %dma_wait3A_372 = tpu.memref_slice %arg10[%dma_wait3A_370, %dma_wait3A_371] : memref<20x80xi32, #tpu.memory_space<vmem>> -> memref<1x80xi32, #tpu.memory_space<vmem>>
      %dma_wait3A_373 = tpu.memref_squeeze %dma_wait3A_372 : memref<1x80xi32, #tpu.memory_space<vmem>> -> memref<80xi32, #tpu.memory_space<vmem>>
      %dma_wait3A_374 = tpu.memref_slice %arg2[%add3A_172] : memref<25600xi32, #tpu.memory_space<hbm>> -> memref<80xi32, #tpu.memory_space<hbm>>
      %dma_wait3A_375 = arith.constant 0 : i32
      %dma_wait3A_376 = tpu.memref_slice %arg10[%dma_wait3A_370, %dma_wait3A_375] : memref<20x80xi32, #tpu.memory_space<vmem>> -> memref<1x80xi32, #tpu.memory_space<vmem>>
      %dma_wait3A_377 = tpu.memref_squeeze %dma_wait3A_376 : memref<1x80xi32, #tpu.memory_space<vmem>> -> memref<80xi32, #tpu.memory_space<vmem>>
      %dma_wait3A_378 = tpu.memref_slice %arg2[%add3A_172] : memref<25600xi32, #tpu.memory_space<hbm>> -> memref<80xi32, #tpu.memory_space<hbm>>
      tpu.wait_dma2 semaphore(%arg18 : memref<!tpu.dma_semaphore, #tpu.memory_space<semaphore_mem>>) src(%dma_wait3A_378 : memref<80xi32, #tpu.memory_space<hbm>>) dst(%dma_wait3A_377 : memref<80xi32, #tpu.memory_space<vmem>>)
      %dma_wait3A_379 = arith.constant 16 : i32
      %dma_wait3A_380 = arith.constant 0 : i32
      %dma_wait3A_381 = tpu.memref_slice %arg10[%dma_wait3A_379, %dma_wait3A_380] : memref<20x80xi32, #tpu.memory_space<vmem>> -> memref<1x80xi32, #tpu.memory_space<vmem>>
      %dma_wait3A_382 = tpu.memref_squeeze %dma_wait3A_381 : memref<1x80xi32, #tpu.memory_space<vmem>> -> memref<80xi32, #tpu.memory_space<vmem>>
      %dma_wait3A_383 = tpu.memref_slice %arg2[%add3A_183] : memref<25600xi32, #tpu.memory_space<hbm>> -> memref<80xi32, #tpu.memory_space<hbm>>
      %dma_wait3A_384 = arith.constant 0 : i32
      %dma_wait3A_385 = tpu.memref_slice %arg10[%dma_wait3A_379, %dma_wait3A_384] : memref<20x80xi32, #tpu.memory_space<vmem>> -> memref<1x80xi32, #tpu.memory_space<vmem>>
      %dma_wait3A_386 = tpu.memref_squeeze %dma_wait3A_385 : memref<1x80xi32, #tpu.memory_space<vmem>> -> memref<80xi32, #tpu.memory_space<vmem>>
      %dma_wait3A_387 = tpu.memref_slice %arg2[%add3A_183] : memref<25600xi32, #tpu.memory_space<hbm>> -> memref<80xi32, #tpu.memory_space<hbm>>
      tpu.wait_dma2 semaphore(%arg18 : memref<!tpu.dma_semaphore, #tpu.memory_space<semaphore_mem>>) src(%dma_wait3A_387 : memref<80xi32, #tpu.memory_space<hbm>>) dst(%dma_wait3A_386 : memref<80xi32, #tpu.memory_space<vmem>>)
      %dma_wait3A_388 = arith.constant 17 : i32
      %dma_wait3A_389 = arith.constant 0 : i32
      %dma_wait3A_390 = tpu.memref_slice %arg10[%dma_wait3A_388, %dma_wait3A_389] : memref<20x80xi32, #tpu.memory_space<vmem>> -> memref<1x80xi32, #tpu.memory_space<vmem>>
      %dma_wait3A_391 = tpu.memref_squeeze %dma_wait3A_390 : memref<1x80xi32, #tpu.memory_space<vmem>> -> memref<80xi32, #tpu.memory_space<vmem>>
      %dma_wait3A_392 = tpu.memref_slice %arg2[%add3A_194] : memref<25600xi32, #tpu.memory_space<hbm>> -> memref<80xi32, #tpu.memory_space<hbm>>
      %dma_wait3A_393 = arith.constant 0 : i32
      %dma_wait3A_394 = tpu.memref_slice %arg10[%dma_wait3A_388, %dma_wait3A_393] : memref<20x80xi32, #tpu.memory_space<vmem>> -> memref<1x80xi32, #tpu.memory_space<vmem>>
      %dma_wait3A_395 = tpu.memref_squeeze %dma_wait3A_394 : memref<1x80xi32, #tpu.memory_space<vmem>> -> memref<80xi32, #tpu.memory_space<vmem>>
      %dma_wait3A_396 = tpu.memref_slice %arg2[%add3A_194] : memref<25600xi32, #tpu.memory_space<hbm>> -> memref<80xi32, #tpu.memory_space<hbm>>
      tpu.wait_dma2 semaphore(%arg18 : memref<!tpu.dma_semaphore, #tpu.memory_space<semaphore_mem>>) src(%dma_wait3A_396 : memref<80xi32, #tpu.memory_space<hbm>>) dst(%dma_wait3A_395 : memref<80xi32, #tpu.memory_space<vmem>>)
      %dma_wait3A_397 = arith.constant 18 : i32
      %dma_wait3A_398 = arith.constant 0 : i32
      %dma_wait3A_399 = tpu.memref_slice %arg10[%dma_wait3A_397, %dma_wait3A_398] : memref<20x80xi32, #tpu.memory_space<vmem>> -> memref<1x80xi32, #tpu.memory_space<vmem>>
      %dma_wait3A_400 = tpu.memref_squeeze %dma_wait3A_399 : memref<1x80xi32, #tpu.memory_space<vmem>> -> memref<80xi32, #tpu.memory_space<vmem>>
      %dma_wait3A_401 = tpu.memref_slice %arg2[%add3A_205] : memref<25600xi32, #tpu.memory_space<hbm>> -> memref<80xi32, #tpu.memory_space<hbm>>
      %dma_wait3A_402 = arith.constant 0 : i32
      %dma_wait3A_403 = tpu.memref_slice %arg10[%dma_wait3A_397, %dma_wait3A_402] : memref<20x80xi32, #tpu.memory_space<vmem>> -> memref<1x80xi32, #tpu.memory_space<vmem>>
      %dma_wait3A_404 = tpu.memref_squeeze %dma_wait3A_403 : memref<1x80xi32, #tpu.memory_space<vmem>> -> memref<80xi32, #tpu.memory_space<vmem>>
      %dma_wait3A_405 = tpu.memref_slice %arg2[%add3A_205] : memref<25600xi32, #tpu.memory_space<hbm>> -> memref<80xi32, #tpu.memory_space<hbm>>
      tpu.wait_dma2 semaphore(%arg18 : memref<!tpu.dma_semaphore, #tpu.memory_space<semaphore_mem>>) src(%dma_wait3A_405 : memref<80xi32, #tpu.memory_space<hbm>>) dst(%dma_wait3A_404 : memref<80xi32, #tpu.memory_space<vmem>>)
      %dma_wait3A_406 = arith.constant 19 : i32
      %dma_wait3A_407 = arith.constant 0 : i32
      %dma_wait3A_408 = tpu.memref_slice %arg10[%dma_wait3A_406, %dma_wait3A_407] : memref<20x80xi32, #tpu.memory_space<vmem>> -> memref<1x80xi32, #tpu.memory_space<vmem>>
      %dma_wait3A_409 = tpu.memref_squeeze %dma_wait3A_408 : memref<1x80xi32, #tpu.memory_space<vmem>> -> memref<80xi32, #tpu.memory_space<vmem>>
      %dma_wait3A_410 = tpu.memref_slice %arg2[%add3A_216] : memref<25600xi32, #tpu.memory_space<hbm>> -> memref<80xi32, #tpu.memory_space<hbm>>
      %dma_wait3A_411 = arith.constant 0 : i32
      %dma_wait3A_412 = tpu.memref_slice %arg10[%dma_wait3A_406, %dma_wait3A_411] : memref<20x80xi32, #tpu.memory_space<vmem>> -> memref<1x80xi32, #tpu.memory_space<vmem>>
      %dma_wait3A_413 = tpu.memref_squeeze %dma_wait3A_412 : memref<1x80xi32, #tpu.memory_space<vmem>> -> memref<80xi32, #tpu.memory_space<vmem>>
      %dma_wait3A_414 = tpu.memref_slice %arg2[%add3A_216] : memref<25600xi32, #tpu.memory_space<hbm>> -> memref<80xi32, #tpu.memory_space<hbm>>
      tpu.wait_dma2 semaphore(%arg18 : memref<!tpu.dma_semaphore, #tpu.memory_space<semaphore_mem>>) src(%dma_wait3A_414 : memref<80xi32, #tpu.memory_space<hbm>>) dst(%dma_wait3A_413 : memref<80xi32, #tpu.memory_space<vmem>>)
      %barrier3A = arith.constant 0 : index
      tpu.barrier barrier_id(%barrier3A)
      %dma_wait3A_415 = arith.constant 0 : i32
      %dma_wait3A_416 = arith.constant 0 : i32
      %dma_wait3A_417 = tpu.memref_slice %arg3[%arg1, %dma_wait3A_415, %dma_wait3A_416] : memref<16x1600x128xf32, #tpu.memory_space<hbm>> -> memref<1x160x128xf32, #tpu.memory_space<hbm>>
      %dma_wait3A_418 = tpu.memref_squeeze %dma_wait3A_417 : memref<1x160x128xf32, #tpu.memory_space<hbm>> -> memref<160x128xf32, #tpu.memory_space<hbm>>
      %dma_wait3A_419 = arith.constant 0 : i32
      %dma_wait3A_420 = arith.constant 0 : i32
      %dma_wait3A_421 = tpu.memref_slice %arg3[%arg1, %dma_wait3A_419, %dma_wait3A_420] : memref<16x1600x128xf32, #tpu.memory_space<hbm>> -> memref<1x160x128xf32, #tpu.memory_space<hbm>>
      %dma_wait3A_422 = tpu.memref_squeeze %dma_wait3A_421 : memref<1x160x128xf32, #tpu.memory_space<hbm>> -> memref<160x128xf32, #tpu.memory_space<hbm>>
      tpu.wait_dma2 semaphore(%arg20 : memref<!tpu.dma_semaphore, #tpu.memory_space<semaphore_mem>>) src(%dma_wait3A_422 : memref<160x128xf32, #tpu.memory_space<hbm>>) dst(%arg13 : memref<160x128xf32, #tpu.memory_space<vmem>>)
      %dma_start3A_423 = arith.constant 160 : i32
      %dma_start3A_424 = arith.constant 0 : i32
      %dma_start3A_425 = tpu.memref_slice %arg3[%arg1, %dma_start3A_423, %dma_start3A_424] : memref<16x1600x128xf32, #tpu.memory_space<hbm>> -> memref<1x160x128xf32, #tpu.memory_space<hbm>>
      %dma_start3A_426 = tpu.memref_squeeze %dma_start3A_425 : memref<1x160x128xf32, #tpu.memory_space<hbm>> -> memref<160x128xf32, #tpu.memory_space<hbm>>
      %dma_start3A_427 = arith.constant 160 : i32
      %dma_start3A_428 = arith.constant 0 : i32
      %dma_start3A_429 = tpu.memref_slice %arg3[%arg1, %dma_start3A_427, %dma_start3A_428] : memref<16x1600x128xf32, #tpu.memory_space<hbm>> -> memref<1x160x128xf32, #tpu.memory_space<hbm>>
      %dma_start3A_430 = tpu.memref_squeeze %dma_start3A_429 : memref<1x160x128xf32, #tpu.memory_space<hbm>> -> memref<160x128xf32, #tpu.memory_space<hbm>>
      tpu.enqueue_dma source(%dma_start3A_430 : memref<160x128xf32, #tpu.memory_space<hbm>>) target(%arg14 : memref<160x128xf32, #tpu.memory_space<vmem>>) target_semaphore(%arg20 : memref<!tpu.dma_semaphore, #tpu.memory_space<semaphore_mem>>)
      %run_scoped3A = arith.constant 0 : i32
      "tpu.region"() ({
        %run_scoped3A_593 = tpu.sem_alloc : memref<!tpu.dma_semaphore, #tpu.memory_space<semaphore_mem>>
        %dma_start3A_594 = arith.constant 0 : i32
        %dma_start3A_595 = arith.constant 0 : i32
        %dma_start3A_596 = tpu.memref_slice %arg13[%dma_start3A_594, %dma_start3A_595] : memref<160x128xf32, #tpu.memory_space<vmem>> -> memref<80x128xf32, #tpu.memory_space<vmem>>
        %dma_start3A_597 = arith.constant 0 : i32
        %dma_start3A_598 = tpu.memref_slice %arg10[%run_scoped3A, %dma_start3A_597] : memref<20x80xi32, #tpu.memory_space<vmem>> -> memref<1x80xi32, #tpu.memory_space<vmem>>
        %dma_start3A_599 = tpu.memref_squeeze %dma_start3A_598 : memref<1x80xi32, #tpu.memory_space<vmem>> -> memref<80xi32, #tpu.memory_space<vmem>>
        %dma_start3A_600 = arith.constant 0 : i32
        %dma_start3A_601 = arith.constant 0 : i32
        %dma_start3A_602 = tpu.memref_slice %arg17[%dma_start3A_600, %dma_start3A_601] : memref<1024x128xf32, #tpu.memory_space<vmem_shared>> -> memref<1024x128xf32, #tpu.memory_space<vmem_shared>>
        tpu.enqueue_indirect_dma source(%dma_start3A_596 : memref<80x128xf32, #tpu.memory_space<vmem>>) target(%dma_start3A_602 : memref<1024x128xf32, #tpu.memory_space<vmem_shared>>) offsets(%dma_start3A_599 : memref<80xi32, #tpu.memory_space<vmem>>) semaphore(%run_scoped3A_593 : memref<!tpu.dma_semaphore, #tpu.memory_space<semaphore_mem>>) {add = true}
        %dma_wait3A_603 = arith.constant 0 : i32
        %dma_wait3A_604 = arith.constant 0 : i32
        %dma_wait3A_605 = tpu.memref_slice %arg13[%dma_wait3A_603, %dma_wait3A_604] : memref<160x128xf32, #tpu.memory_space<vmem>> -> memref<80x128xf32, #tpu.memory_space<vmem>>
        %dma_wait3A_606 = arith.constant 0 : i32
        %dma_wait3A_607 = tpu.memref_slice %arg10[%run_scoped3A, %dma_wait3A_606] : memref<20x80xi32, #tpu.memory_space<vmem>> -> memref<1x80xi32, #tpu.memory_space<vmem>>
        %dma_wait3A_608 = tpu.memref_squeeze %dma_wait3A_607 : memref<1x80xi32, #tpu.memory_space<vmem>> -> memref<80xi32, #tpu.memory_space<vmem>>
        %dma_wait3A_609 = arith.constant 0 : i32
        %dma_wait3A_610 = arith.constant 0 : i32
        %dma_wait3A_611 = tpu.memref_slice %arg17[%dma_wait3A_609, %dma_wait3A_610] : memref<1024x128xf32, #tpu.memory_space<vmem_shared>> -> memref<1024x128xf32, #tpu.memory_space<vmem_shared>>
        tpu.wait_indirect_dma semaphore(%run_scoped3A_593 : memref<!tpu.dma_semaphore, #tpu.memory_space<semaphore_mem>>) src(%dma_wait3A_605 : memref<80x128xf32, #tpu.memory_space<vmem>>) dst(%dma_wait3A_611 : memref<1024x128xf32, #tpu.memory_space<vmem_shared>>)
        tpu.yield
      }) : () -> ()
      %run_scoped3A_431 = arith.constant 1 : i32
      "tpu.region"() ({
        %run_scoped3A_593 = tpu.sem_alloc : memref<!tpu.dma_semaphore, #tpu.memory_space<semaphore_mem>>
        %dma_start3A_594 = arith.constant 80 : i32
        %dma_start3A_595 = arith.constant 0 : i32
        %dma_start3A_596 = tpu.memref_slice %arg13[%dma_start3A_594, %dma_start3A_595] : memref<160x128xf32, #tpu.memory_space<vmem>> -> memref<80x128xf32, #tpu.memory_space<vmem>>
        %dma_start3A_597 = arith.constant 0 : i32
        %dma_start3A_598 = tpu.memref_slice %arg10[%run_scoped3A_431, %dma_start3A_597] : memref<20x80xi32, #tpu.memory_space<vmem>> -> memref<1x80xi32, #tpu.memory_space<vmem>>
        %dma_start3A_599 = tpu.memref_squeeze %dma_start3A_598 : memref<1x80xi32, #tpu.memory_space<vmem>> -> memref<80xi32, #tpu.memory_space<vmem>>
        %dma_start3A_600 = arith.constant 0 : i32
        %dma_start3A_601 = arith.constant 0 : i32
        %dma_start3A_602 = tpu.memref_slice %arg17[%dma_start3A_600, %dma_start3A_601] : memref<1024x128xf32, #tpu.memory_space<vmem_shared>> -> memref<1024x128xf32, #tpu.memory_space<vmem_shared>>
        tpu.enqueue_indirect_dma source(%dma_start3A_596 : memref<80x128xf32, #tpu.memory_space<vmem>>) target(%dma_start3A_602 : memref<1024x128xf32, #tpu.memory_space<vmem_shared>>) offsets(%dma_start3A_599 : memref<80xi32, #tpu.memory_space<vmem>>) semaphore(%run_scoped3A_593 : memref<!tpu.dma_semaphore, #tpu.memory_space<semaphore_mem>>) {add = true}
        %dma_wait3A_603 = arith.constant 80 : i32
        %dma_wait3A_604 = arith.constant 0 : i32
        %dma_wait3A_605 = tpu.memref_slice %arg13[%dma_wait3A_603, %dma_wait3A_604] : memref<160x128xf32, #tpu.memory_space<vmem>> -> memref<80x128xf32, #tpu.memory_space<vmem>>
        %dma_wait3A_606 = arith.constant 0 : i32
        %dma_wait3A_607 = tpu.memref_slice %arg10[%run_scoped3A_431, %dma_wait3A_606] : memref<20x80xi32, #tpu.memory_space<vmem>> -> memref<1x80xi32, #tpu.memory_space<vmem>>
        %dma_wait3A_608 = tpu.memref_squeeze %dma_wait3A_607 : memref<1x80xi32, #tpu.memory_space<vmem>> -> memref<80xi32, #tpu.memory_space<vmem>>
        %dma_wait3A_609 = arith.constant 0 : i32
        %dma_wait3A_610 = arith.constant 0 : i32
        %dma_wait3A_611 = tpu.memref_slice %arg17[%dma_wait3A_609, %dma_wait3A_610] : memref<1024x128xf32, #tpu.memory_space<vmem_shared>> -> memref<1024x128xf32, #tpu.memory_space<vmem_shared>>
        tpu.wait_indirect_dma semaphore(%run_scoped3A_593 : memref<!tpu.dma_semaphore, #tpu.memory_space<semaphore_mem>>) src(%dma_wait3A_605 : memref<80x128xf32, #tpu.memory_space<vmem>>) dst(%dma_wait3A_611 : memref<1024x128xf32, #tpu.memory_space<vmem_shared>>)
        tpu.yield
      }) : () -> ()
      %dma_wait3A_432 = arith.constant 160 : i32
      %dma_wait3A_433 = arith.constant 0 : i32
      %dma_wait3A_434 = tpu.memref_slice %arg3[%arg1, %dma_wait3A_432, %dma_wait3A_433] : memref<16x1600x128xf32, #tpu.memory_space<hbm>> -> memref<1x160x128xf32, #tpu.memory_space<hbm>>
      %dma_wait3A_435 = tpu.memref_squeeze %dma_wait3A_434 : memref<1x160x128xf32, #tpu.memory_space<hbm>> -> memref<160x128xf32, #tpu.memory_space<hbm>>
      %dma_wait3A_436 = arith.constant 160 : i32
      %dma_wait3A_437 = arith.constant 0 : i32
      %dma_wait3A_438 = tpu.memref_slice %arg3[%arg1, %dma_wait3A_436, %dma_wait3A_437] : memref<16x1600x128xf32, #tpu.memory_space<hbm>> -> memref<1x160x128xf32, #tpu.memory_space<hbm>>
      %dma_wait3A_439 = tpu.memref_squeeze %dma_wait3A_438 : memref<1x160x128xf32, #tpu.memory_space<hbm>> -> memref<160x128xf32, #tpu.memory_space<hbm>>
      tpu.wait_dma2 semaphore(%arg20 : memref<!tpu.dma_semaphore, #tpu.memory_space<semaphore_mem>>) src(%dma_wait3A_439 : memref<160x128xf32, #tpu.memory_space<hbm>>) dst(%arg14 : memref<160x128xf32, #tpu.memory_space<vmem>>)
      %dma_start3A_440 = arith.constant 320 : i32
      %dma_start3A_441 = arith.constant 0 : i32
      %dma_start3A_442 = tpu.memref_slice %arg3[%arg1, %dma_start3A_440, %dma_start3A_441] : memref<16x1600x128xf32, #tpu.memory_space<hbm>> -> memref<1x160x128xf32, #tpu.memory_space<hbm>>
      %dma_start3A_443 = tpu.memref_squeeze %dma_start3A_442 : memref<1x160x128xf32, #tpu.memory_space<hbm>> -> memref<160x128xf32, #tpu.memory_space<hbm>>
      %dma_start3A_444 = arith.constant 320 : i32
      %dma_start3A_445 = arith.constant 0 : i32
      %dma_start3A_446 = tpu.memref_slice %arg3[%arg1, %dma_start3A_444, %dma_start3A_445] : memref<16x1600x128xf32, #tpu.memory_space<hbm>> -> memref<1x160x128xf32, #tpu.memory_space<hbm>>
      %dma_start3A_447 = tpu.memref_squeeze %dma_start3A_446 : memref<1x160x128xf32, #tpu.memory_space<hbm>> -> memref<160x128xf32, #tpu.memory_space<hbm>>
      tpu.enqueue_dma source(%dma_start3A_447 : memref<160x128xf32, #tpu.memory_space<hbm>>) target(%arg13 : memref<160x128xf32, #tpu.memory_space<vmem>>) target_semaphore(%arg20 : memref<!tpu.dma_semaphore, #tpu.memory_space<semaphore_mem>>)
      %run_scoped3A_448 = arith.constant 2 : i32
      "tpu.region"() ({
        %run_scoped3A_593 = tpu.sem_alloc : memref<!tpu.dma_semaphore, #tpu.memory_space<semaphore_mem>>
        %dma_start3A_594 = arith.constant 0 : i32
        %dma_start3A_595 = arith.constant 0 : i32
        %dma_start3A_596 = tpu.memref_slice %arg14[%dma_start3A_594, %dma_start3A_595] : memref<160x128xf32, #tpu.memory_space<vmem>> -> memref<80x128xf32, #tpu.memory_space<vmem>>
        %dma_start3A_597 = arith.constant 0 : i32
        %dma_start3A_598 = tpu.memref_slice %arg10[%run_scoped3A_448, %dma_start3A_597] : memref<20x80xi32, #tpu.memory_space<vmem>> -> memref<1x80xi32, #tpu.memory_space<vmem>>
        %dma_start3A_599 = tpu.memref_squeeze %dma_start3A_598 : memref<1x80xi32, #tpu.memory_space<vmem>> -> memref<80xi32, #tpu.memory_space<vmem>>
        %dma_start3A_600 = arith.constant 0 : i32
        %dma_start3A_601 = arith.constant 0 : i32
        %dma_start3A_602 = tpu.memref_slice %arg17[%dma_start3A_600, %dma_start3A_601] : memref<1024x128xf32, #tpu.memory_space<vmem_shared>> -> memref<1024x128xf32, #tpu.memory_space<vmem_shared>>
        tpu.enqueue_indirect_dma source(%dma_start3A_596 : memref<80x128xf32, #tpu.memory_space<vmem>>) target(%dma_start3A_602 : memref<1024x128xf32, #tpu.memory_space<vmem_shared>>) offsets(%dma_start3A_599 : memref<80xi32, #tpu.memory_space<vmem>>) semaphore(%run_scoped3A_593 : memref<!tpu.dma_semaphore, #tpu.memory_space<semaphore_mem>>) {add = true}
        %dma_wait3A_603 = arith.constant 0 : i32
        %dma_wait3A_604 = arith.constant 0 : i32
        %dma_wait3A_605 = tpu.memref_slice %arg14[%dma_wait3A_603, %dma_wait3A_604] : memref<160x128xf32, #tpu.memory_space<vmem>> -> memref<80x128xf32, #tpu.memory_space<vmem>>
        %dma_wait3A_606 = arith.constant 0 : i32
        %dma_wait3A_607 = tpu.memref_slice %arg10[%run_scoped3A_448, %dma_wait3A_606] : memref<20x80xi32, #tpu.memory_space<vmem>> -> memref<1x80xi32, #tpu.memory_space<vmem>>
        %dma_wait3A_608 = tpu.memref_squeeze %dma_wait3A_607 : memref<1x80xi32, #tpu.memory_space<vmem>> -> memref<80xi32, #tpu.memory_space<vmem>>
        %dma_wait3A_609 = arith.constant 0 : i32
        %dma_wait3A_610 = arith.constant 0 : i32
        %dma_wait3A_611 = tpu.memref_slice %arg17[%dma_wait3A_609, %dma_wait3A_610] : memref<1024x128xf32, #tpu.memory_space<vmem_shared>> -> memref<1024x128xf32, #tpu.memory_space<vmem_shared>>
        tpu.wait_indirect_dma semaphore(%run_scoped3A_593 : memref<!tpu.dma_semaphore, #tpu.memory_space<semaphore_mem>>) src(%dma_wait3A_605 : memref<80x128xf32, #tpu.memory_space<vmem>>) dst(%dma_wait3A_611 : memref<1024x128xf32, #tpu.memory_space<vmem_shared>>)
        tpu.yield
      }) : () -> ()
      %run_scoped3A_449 = arith.constant 3 : i32
      "tpu.region"() ({
        %run_scoped3A_593 = tpu.sem_alloc : memref<!tpu.dma_semaphore, #tpu.memory_space<semaphore_mem>>
        %dma_start3A_594 = arith.constant 80 : i32
        %dma_start3A_595 = arith.constant 0 : i32
        %dma_start3A_596 = tpu.memref_slice %arg14[%dma_start3A_594, %dma_start3A_595] : memref<160x128xf32, #tpu.memory_space<vmem>> -> memref<80x128xf32, #tpu.memory_space<vmem>>
        %dma_start3A_597 = arith.constant 0 : i32
        %dma_start3A_598 = tpu.memref_slice %arg10[%run_scoped3A_449, %dma_start3A_597] : memref<20x80xi32, #tpu.memory_space<vmem>> -> memref<1x80xi32, #tpu.memory_space<vmem>>
        %dma_start3A_599 = tpu.memref_squeeze %dma_start3A_598 : memref<1x80xi32, #tpu.memory_space<vmem>> -> memref<80xi32, #tpu.memory_space<vmem>>
        %dma_start3A_600 = arith.constant 0 : i32
        %dma_start3A_601 = arith.constant 0 : i32
        %dma_start3A_602 = tpu.memref_slice %arg17[%dma_start3A_600, %dma_start3A_601] : memref<1024x128xf32, #tpu.memory_space<vmem_shared>> -> memref<1024x128xf32, #tpu.memory_space<vmem_shared>>
        tpu.enqueue_indirect_dma source(%dma_start3A_596 : memref<80x128xf32, #tpu.memory_space<vmem>>) target(%dma_start3A_602 : memref<1024x128xf32, #tpu.memory_space<vmem_shared>>) offsets(%dma_start3A_599 : memref<80xi32, #tpu.memory_space<vmem>>) semaphore(%run_scoped3A_593 : memref<!tpu.dma_semaphore, #tpu.memory_space<semaphore_mem>>) {add = true}
        %dma_wait3A_603 = arith.constant 80 : i32
        %dma_wait3A_604 = arith.constant 0 : i32
        %dma_wait3A_605 = tpu.memref_slice %arg14[%dma_wait3A_603, %dma_wait3A_604] : memref<160x128xf32, #tpu.memory_space<vmem>> -> memref<80x128xf32, #tpu.memory_space<vmem>>
        %dma_wait3A_606 = arith.constant 0 : i32
        %dma_wait3A_607 = tpu.memref_slice %arg10[%run_scoped3A_449, %dma_wait3A_606] : memref<20x80xi32, #tpu.memory_space<vmem>> -> memref<1x80xi32, #tpu.memory_space<vmem>>
        %dma_wait3A_608 = tpu.memref_squeeze %dma_wait3A_607 : memref<1x80xi32, #tpu.memory_space<vmem>> -> memref<80xi32, #tpu.memory_space<vmem>>
        %dma_wait3A_609 = arith.constant 0 : i32
        %dma_wait3A_610 = arith.constant 0 : i32
        %dma_wait3A_611 = tpu.memref_slice %arg17[%dma_wait3A_609, %dma_wait3A_610] : memref<1024x128xf32, #tpu.memory_space<vmem_shared>> -> memref<1024x128xf32, #tpu.memory_space<vmem_shared>>
        tpu.wait_indirect_dma semaphore(%run_scoped3A_593 : memref<!tpu.dma_semaphore, #tpu.memory_space<semaphore_mem>>) src(%dma_wait3A_605 : memref<80x128xf32, #tpu.memory_space<vmem>>) dst(%dma_wait3A_611 : memref<1024x128xf32, #tpu.memory_space<vmem_shared>>)
        tpu.yield
      }) : () -> ()
      %dma_wait3A_450 = arith.constant 320 : i32
      %dma_wait3A_451 = arith.constant 0 : i32
      %dma_wait3A_452 = tpu.memref_slice %arg3[%arg1, %dma_wait3A_450, %dma_wait3A_451] : memref<16x1600x128xf32, #tpu.memory_space<hbm>> -> memref<1x160x128xf32, #tpu.memory_space<hbm>>
      %dma_wait3A_453 = tpu.memref_squeeze %dma_wait3A_452 : memref<1x160x128xf32, #tpu.memory_space<hbm>> -> memref<160x128xf32, #tpu.memory_space<hbm>>
      %dma_wait3A_454 = arith.constant 320 : i32
      %dma_wait3A_455 = arith.constant 0 : i32
      %dma_wait3A_456 = tpu.memref_slice %arg3[%arg1, %dma_wait3A_454, %dma_wait3A_455] : memref<16x1600x128xf32, #tpu.memory_space<hbm>> -> memref<1x160x128xf32, #tpu.memory_space<hbm>>
      %dma_wait3A_457 = tpu.memref_squeeze %dma_wait3A_456 : memref<1x160x128xf32, #tpu.memory_space<hbm>> -> memref<160x128xf32, #tpu.memory_space<hbm>>
      tpu.wait_dma2 semaphore(%arg20 : memref<!tpu.dma_semaphore, #tpu.memory_space<semaphore_mem>>) src(%dma_wait3A_457 : memref<160x128xf32, #tpu.memory_space<hbm>>) dst(%arg13 : memref<160x128xf32, #tpu.memory_space<vmem>>)
      %dma_start3A_458 = arith.constant 480 : i32
      %dma_start3A_459 = arith.constant 0 : i32
      %dma_start3A_460 = tpu.memref_slice %arg3[%arg1, %dma_start3A_458, %dma_start3A_459] : memref<16x1600x128xf32, #tpu.memory_space<hbm>> -> memref<1x160x128xf32, #tpu.memory_space<hbm>>
      %dma_start3A_461 = tpu.memref_squeeze %dma_start3A_460 : memref<1x160x128xf32, #tpu.memory_space<hbm>> -> memref<160x128xf32, #tpu.memory_space<hbm>>
      %dma_start3A_462 = arith.constant 480 : i32
      %dma_start3A_463 = arith.constant 0 : i32
      %dma_start3A_464 = tpu.memref_slice %arg3[%arg1, %dma_start3A_462, %dma_start3A_463] : memref<16x1600x128xf32, #tpu.memory_space<hbm>> -> memref<1x160x128xf32, #tpu.memory_space<hbm>>
      %dma_start3A_465 = tpu.memref_squeeze %dma_start3A_464 : memref<1x160x128xf32, #tpu.memory_space<hbm>> -> memref<160x128xf32, #tpu.memory_space<hbm>>
      tpu.enqueue_dma source(%dma_start3A_465 : memref<160x128xf32, #tpu.memory_space<hbm>>) target(%arg14 : memref<160x128xf32, #tpu.memory_space<vmem>>) target_semaphore(%arg20 : memref<!tpu.dma_semaphore, #tpu.memory_space<semaphore_mem>>)
      %run_scoped3A_466 = arith.constant 4 : i32
      "tpu.region"() ({
        %run_scoped3A_593 = tpu.sem_alloc : memref<!tpu.dma_semaphore, #tpu.memory_space<semaphore_mem>>
        %dma_start3A_594 = arith.constant 0 : i32
        %dma_start3A_595 = arith.constant 0 : i32
        %dma_start3A_596 = tpu.memref_slice %arg13[%dma_start3A_594, %dma_start3A_595] : memref<160x128xf32, #tpu.memory_space<vmem>> -> memref<80x128xf32, #tpu.memory_space<vmem>>
        %dma_start3A_597 = arith.constant 0 : i32
        %dma_start3A_598 = tpu.memref_slice %arg10[%run_scoped3A_466, %dma_start3A_597] : memref<20x80xi32, #tpu.memory_space<vmem>> -> memref<1x80xi32, #tpu.memory_space<vmem>>
        %dma_start3A_599 = tpu.memref_squeeze %dma_start3A_598 : memref<1x80xi32, #tpu.memory_space<vmem>> -> memref<80xi32, #tpu.memory_space<vmem>>
        %dma_start3A_600 = arith.constant 0 : i32
        %dma_start3A_601 = arith.constant 0 : i32
        %dma_start3A_602 = tpu.memref_slice %arg17[%dma_start3A_600, %dma_start3A_601] : memref<1024x128xf32, #tpu.memory_space<vmem_shared>> -> memref<1024x128xf32, #tpu.memory_space<vmem_shared>>
        tpu.enqueue_indirect_dma source(%dma_start3A_596 : memref<80x128xf32, #tpu.memory_space<vmem>>) target(%dma_start3A_602 : memref<1024x128xf32, #tpu.memory_space<vmem_shared>>) offsets(%dma_start3A_599 : memref<80xi32, #tpu.memory_space<vmem>>) semaphore(%run_scoped3A_593 : memref<!tpu.dma_semaphore, #tpu.memory_space<semaphore_mem>>) {add = true}
        %dma_wait3A_603 = arith.constant 0 : i32
        %dma_wait3A_604 = arith.constant 0 : i32
        %dma_wait3A_605 = tpu.memref_slice %arg13[%dma_wait3A_603, %dma_wait3A_604] : memref<160x128xf32, #tpu.memory_space<vmem>> -> memref<80x128xf32, #tpu.memory_space<vmem>>
        %dma_wait3A_606 = arith.constant 0 : i32
        %dma_wait3A_607 = tpu.memref_slice %arg10[%run_scoped3A_466, %dma_wait3A_606] : memref<20x80xi32, #tpu.memory_space<vmem>> -> memref<1x80xi32, #tpu.memory_space<vmem>>
        %dma_wait3A_608 = tpu.memref_squeeze %dma_wait3A_607 : memref<1x80xi32, #tpu.memory_space<vmem>> -> memref<80xi32, #tpu.memory_space<vmem>>
        %dma_wait3A_609 = arith.constant 0 : i32
        %dma_wait3A_610 = arith.constant 0 : i32
        %dma_wait3A_611 = tpu.memref_slice %arg17[%dma_wait3A_609, %dma_wait3A_610] : memref<1024x128xf32, #tpu.memory_space<vmem_shared>> -> memref<1024x128xf32, #tpu.memory_space<vmem_shared>>
        tpu.wait_indirect_dma semaphore(%run_scoped3A_593 : memref<!tpu.dma_semaphore, #tpu.memory_space<semaphore_mem>>) src(%dma_wait3A_605 : memref<80x128xf32, #tpu.memory_space<vmem>>) dst(%dma_wait3A_611 : memref<1024x128xf32, #tpu.memory_space<vmem_shared>>)
        tpu.yield
      }) : () -> ()
      %run_scoped3A_467 = arith.constant 5 : i32
      "tpu.region"() ({
        %run_scoped3A_593 = tpu.sem_alloc : memref<!tpu.dma_semaphore, #tpu.memory_space<semaphore_mem>>
        %dma_start3A_594 = arith.constant 80 : i32
        %dma_start3A_595 = arith.constant 0 : i32
        %dma_start3A_596 = tpu.memref_slice %arg13[%dma_start3A_594, %dma_start3A_595] : memref<160x128xf32, #tpu.memory_space<vmem>> -> memref<80x128xf32, #tpu.memory_space<vmem>>
        %dma_start3A_597 = arith.constant 0 : i32
        %dma_start3A_598 = tpu.memref_slice %arg10[%run_scoped3A_467, %dma_start3A_597] : memref<20x80xi32, #tpu.memory_space<vmem>> -> memref<1x80xi32, #tpu.memory_space<vmem>>
        %dma_start3A_599 = tpu.memref_squeeze %dma_start3A_598 : memref<1x80xi32, #tpu.memory_space<vmem>> -> memref<80xi32, #tpu.memory_space<vmem>>
        %dma_start3A_600 = arith.constant 0 : i32
        %dma_start3A_601 = arith.constant 0 : i32
        %dma_start3A_602 = tpu.memref_slice %arg17[%dma_start3A_600, %dma_start3A_601] : memref<1024x128xf32, #tpu.memory_space<vmem_shared>> -> memref<1024x128xf32, #tpu.memory_space<vmem_shared>>
        tpu.enqueue_indirect_dma source(%dma_start3A_596 : memref<80x128xf32, #tpu.memory_space<vmem>>) target(%dma_start3A_602 : memref<1024x128xf32, #tpu.memory_space<vmem_shared>>) offsets(%dma_start3A_599 : memref<80xi32, #tpu.memory_space<vmem>>) semaphore(%run_scoped3A_593 : memref<!tpu.dma_semaphore, #tpu.memory_space<semaphore_mem>>) {add = true}
        %dma_wait3A_603 = arith.constant 80 : i32
        %dma_wait3A_604 = arith.constant 0 : i32
        %dma_wait3A_605 = tpu.memref_slice %arg13[%dma_wait3A_603, %dma_wait3A_604] : memref<160x128xf32, #tpu.memory_space<vmem>> -> memref<80x128xf32, #tpu.memory_space<vmem>>
        %dma_wait3A_606 = arith.constant 0 : i32
        %dma_wait3A_607 = tpu.memref_slice %arg10[%run_scoped3A_467, %dma_wait3A_606] : memref<20x80xi32, #tpu.memory_space<vmem>> -> memref<1x80xi32, #tpu.memory_space<vmem>>
        %dma_wait3A_608 = tpu.memref_squeeze %dma_wait3A_607 : memref<1x80xi32, #tpu.memory_space<vmem>> -> memref<80xi32, #tpu.memory_space<vmem>>
        %dma_wait3A_609 = arith.constant 0 : i32
        %dma_wait3A_610 = arith.constant 0 : i32
        %dma_wait3A_611 = tpu.memref_slice %arg17[%dma_wait3A_609, %dma_wait3A_610] : memref<1024x128xf32, #tpu.memory_space<vmem_shared>> -> memref<1024x128xf32, #tpu.memory_space<vmem_shared>>
        tpu.wait_indirect_dma semaphore(%run_scoped3A_593 : memref<!tpu.dma_semaphore, #tpu.memory_space<semaphore_mem>>) src(%dma_wait3A_605 : memref<80x128xf32, #tpu.memory_space<vmem>>) dst(%dma_wait3A_611 : memref<1024x128xf32, #tpu.memory_space<vmem_shared>>)
        tpu.yield
      }) : () -> ()
      %dma_wait3A_468 = arith.constant 480 : i32
      %dma_wait3A_469 = arith.constant 0 : i32
      %dma_wait3A_470 = tpu.memref_slice %arg3[%arg1, %dma_wait3A_468, %dma_wait3A_469] : memref<16x1600x128xf32, #tpu.memory_space<hbm>> -> memref<1x160x128xf32, #tpu.memory_space<hbm>>
      %dma_wait3A_471 = tpu.memref_squeeze %dma_wait3A_470 : memref<1x160x128xf32, #tpu.memory_space<hbm>> -> memref<160x128xf32, #tpu.memory_space<hbm>>
      %dma_wait3A_472 = arith.constant 480 : i32
      %dma_wait3A_473 = arith.constant 0 : i32
      %dma_wait3A_474 = tpu.memref_slice %arg3[%arg1, %dma_wait3A_472, %dma_wait3A_473] : memref<16x1600x128xf32, #tpu.memory_space<hbm>> -> memref<1x160x128xf32, #tpu.memory_space<hbm>>
      %dma_wait3A_475 = tpu.memref_squeeze %dma_wait3A_474 : memref<1x160x128xf32, #tpu.memory_space<hbm>> -> memref<160x128xf32, #tpu.memory_space<hbm>>
      tpu.wait_dma2 semaphore(%arg20 : memref<!tpu.dma_semaphore, #tpu.memory_space<semaphore_mem>>) src(%dma_wait3A_475 : memref<160x128xf32, #tpu.memory_space<hbm>>) dst(%arg14 : memref<160x128xf32, #tpu.memory_space<vmem>>)
      %dma_start3A_476 = arith.constant 640 : i32
      %dma_start3A_477 = arith.constant 0 : i32
      %dma_start3A_478 = tpu.memref_slice %arg3[%arg1, %dma_start3A_476, %dma_start3A_477] : memref<16x1600x128xf32, #tpu.memory_space<hbm>> -> memref<1x160x128xf32, #tpu.memory_space<hbm>>
      %dma_start3A_479 = tpu.memref_squeeze %dma_start3A_478 : memref<1x160x128xf32, #tpu.memory_space<hbm>> -> memref<160x128xf32, #tpu.memory_space<hbm>>
      %dma_start3A_480 = arith.constant 640 : i32
      %dma_start3A_481 = arith.constant 0 : i32
      %dma_start3A_482 = tpu.memref_slice %arg3[%arg1, %dma_start3A_480, %dma_start3A_481] : memref<16x1600x128xf32, #tpu.memory_space<hbm>> -> memref<1x160x128xf32, #tpu.memory_space<hbm>>
      %dma_start3A_483 = tpu.memref_squeeze %dma_start3A_482 : memref<1x160x128xf32, #tpu.memory_space<hbm>> -> memref<160x128xf32, #tpu.memory_space<hbm>>
      tpu.enqueue_dma source(%dma_start3A_483 : memref<160x128xf32, #tpu.memory_space<hbm>>) target(%arg13 : memref<160x128xf32, #tpu.memory_space<vmem>>) target_semaphore(%arg20 : memref<!tpu.dma_semaphore, #tpu.memory_space<semaphore_mem>>)
      %run_scoped3A_484 = arith.constant 6 : i32
      "tpu.region"() ({
        %run_scoped3A_593 = tpu.sem_alloc : memref<!tpu.dma_semaphore, #tpu.memory_space<semaphore_mem>>
        %dma_start3A_594 = arith.constant 0 : i32
        %dma_start3A_595 = arith.constant 0 : i32
        %dma_start3A_596 = tpu.memref_slice %arg14[%dma_start3A_594, %dma_start3A_595] : memref<160x128xf32, #tpu.memory_space<vmem>> -> memref<80x128xf32, #tpu.memory_space<vmem>>
        %dma_start3A_597 = arith.constant 0 : i32
        %dma_start3A_598 = tpu.memref_slice %arg10[%run_scoped3A_484, %dma_start3A_597] : memref<20x80xi32, #tpu.memory_space<vmem>> -> memref<1x80xi32, #tpu.memory_space<vmem>>
        %dma_start3A_599 = tpu.memref_squeeze %dma_start3A_598 : memref<1x80xi32, #tpu.memory_space<vmem>> -> memref<80xi32, #tpu.memory_space<vmem>>
        %dma_start3A_600 = arith.constant 0 : i32
        %dma_start3A_601 = arith.constant 0 : i32
        %dma_start3A_602 = tpu.memref_slice %arg17[%dma_start3A_600, %dma_start3A_601] : memref<1024x128xf32, #tpu.memory_space<vmem_shared>> -> memref<1024x128xf32, #tpu.memory_space<vmem_shared>>
        tpu.enqueue_indirect_dma source(%dma_start3A_596 : memref<80x128xf32, #tpu.memory_space<vmem>>) target(%dma_start3A_602 : memref<1024x128xf32, #tpu.memory_space<vmem_shared>>) offsets(%dma_start3A_599 : memref<80xi32, #tpu.memory_space<vmem>>) semaphore(%run_scoped3A_593 : memref<!tpu.dma_semaphore, #tpu.memory_space<semaphore_mem>>) {add = true}
        %dma_wait3A_603 = arith.constant 0 : i32
        %dma_wait3A_604 = arith.constant 0 : i32
        %dma_wait3A_605 = tpu.memref_slice %arg14[%dma_wait3A_603, %dma_wait3A_604] : memref<160x128xf32, #tpu.memory_space<vmem>> -> memref<80x128xf32, #tpu.memory_space<vmem>>
        %dma_wait3A_606 = arith.constant 0 : i32
        %dma_wait3A_607 = tpu.memref_slice %arg10[%run_scoped3A_484, %dma_wait3A_606] : memref<20x80xi32, #tpu.memory_space<vmem>> -> memref<1x80xi32, #tpu.memory_space<vmem>>
        %dma_wait3A_608 = tpu.memref_squeeze %dma_wait3A_607 : memref<1x80xi32, #tpu.memory_space<vmem>> -> memref<80xi32, #tpu.memory_space<vmem>>
        %dma_wait3A_609 = arith.constant 0 : i32
        %dma_wait3A_610 = arith.constant 0 : i32
        %dma_wait3A_611 = tpu.memref_slice %arg17[%dma_wait3A_609, %dma_wait3A_610] : memref<1024x128xf32, #tpu.memory_space<vmem_shared>> -> memref<1024x128xf32, #tpu.memory_space<vmem_shared>>
        tpu.wait_indirect_dma semaphore(%run_scoped3A_593 : memref<!tpu.dma_semaphore, #tpu.memory_space<semaphore_mem>>) src(%dma_wait3A_605 : memref<80x128xf32, #tpu.memory_space<vmem>>) dst(%dma_wait3A_611 : memref<1024x128xf32, #tpu.memory_space<vmem_shared>>)
        tpu.yield
      }) : () -> ()
      %run_scoped3A_485 = arith.constant 7 : i32
      "tpu.region"() ({
        %run_scoped3A_593 = tpu.sem_alloc : memref<!tpu.dma_semaphore, #tpu.memory_space<semaphore_mem>>
        %dma_start3A_594 = arith.constant 80 : i32
        %dma_start3A_595 = arith.constant 0 : i32
        %dma_start3A_596 = tpu.memref_slice %arg14[%dma_start3A_594, %dma_start3A_595] : memref<160x128xf32, #tpu.memory_space<vmem>> -> memref<80x128xf32, #tpu.memory_space<vmem>>
        %dma_start3A_597 = arith.constant 0 : i32
        %dma_start3A_598 = tpu.memref_slice %arg10[%run_scoped3A_485, %dma_start3A_597] : memref<20x80xi32, #tpu.memory_space<vmem>> -> memref<1x80xi32, #tpu.memory_space<vmem>>
        %dma_start3A_599 = tpu.memref_squeeze %dma_start3A_598 : memref<1x80xi32, #tpu.memory_space<vmem>> -> memref<80xi32, #tpu.memory_space<vmem>>
        %dma_start3A_600 = arith.constant 0 : i32
        %dma_start3A_601 = arith.constant 0 : i32
        %dma_start3A_602 = tpu.memref_slice %arg17[%dma_start3A_600, %dma_start3A_601] : memref<1024x128xf32, #tpu.memory_space<vmem_shared>> -> memref<1024x128xf32, #tpu.memory_space<vmem_shared>>
        tpu.enqueue_indirect_dma source(%dma_start3A_596 : memref<80x128xf32, #tpu.memory_space<vmem>>) target(%dma_start3A_602 : memref<1024x128xf32, #tpu.memory_space<vmem_shared>>) offsets(%dma_start3A_599 : memref<80xi32, #tpu.memory_space<vmem>>) semaphore(%run_scoped3A_593 : memref<!tpu.dma_semaphore, #tpu.memory_space<semaphore_mem>>) {add = true}
        %dma_wait3A_603 = arith.constant 80 : i32
        %dma_wait3A_604 = arith.constant 0 : i32
        %dma_wait3A_605 = tpu.memref_slice %arg14[%dma_wait3A_603, %dma_wait3A_604] : memref<160x128xf32, #tpu.memory_space<vmem>> -> memref<80x128xf32, #tpu.memory_space<vmem>>
        %dma_wait3A_606 = arith.constant 0 : i32
        %dma_wait3A_607 = tpu.memref_slice %arg10[%run_scoped3A_485, %dma_wait3A_606] : memref<20x80xi32, #tpu.memory_space<vmem>> -> memref<1x80xi32, #tpu.memory_space<vmem>>
        %dma_wait3A_608 = tpu.memref_squeeze %dma_wait3A_607 : memref<1x80xi32, #tpu.memory_space<vmem>> -> memref<80xi32, #tpu.memory_space<vmem>>
        %dma_wait3A_609 = arith.constant 0 : i32
        %dma_wait3A_610 = arith.constant 0 : i32
        %dma_wait3A_611 = tpu.memref_slice %arg17[%dma_wait3A_609, %dma_wait3A_610] : memref<1024x128xf32, #tpu.memory_space<vmem_shared>> -> memref<1024x128xf32, #tpu.memory_space<vmem_shared>>
        tpu.wait_indirect_dma semaphore(%run_scoped3A_593 : memref<!tpu.dma_semaphore, #tpu.memory_space<semaphore_mem>>) src(%dma_wait3A_605 : memref<80x128xf32, #tpu.memory_space<vmem>>) dst(%dma_wait3A_611 : memref<1024x128xf32, #tpu.memory_space<vmem_shared>>)
        tpu.yield
      }) : () -> ()
      %dma_wait3A_486 = arith.constant 640 : i32
      %dma_wait3A_487 = arith.constant 0 : i32
      %dma_wait3A_488 = tpu.memref_slice %arg3[%arg1, %dma_wait3A_486, %dma_wait3A_487] : memref<16x1600x128xf32, #tpu.memory_space<hbm>> -> memref<1x160x128xf32, #tpu.memory_space<hbm>>
      %dma_wait3A_489 = tpu.memref_squeeze %dma_wait3A_488 : memref<1x160x128xf32, #tpu.memory_space<hbm>> -> memref<160x128xf32, #tpu.memory_space<hbm>>
      %dma_wait3A_490 = arith.constant 640 : i32
      %dma_wait3A_491 = arith.constant 0 : i32
      %dma_wait3A_492 = tpu.memref_slice %arg3[%arg1, %dma_wait3A_490, %dma_wait3A_491] : memref<16x1600x128xf32, #tpu.memory_space<hbm>> -> memref<1x160x128xf32, #tpu.memory_space<hbm>>
      %dma_wait3A_493 = tpu.memref_squeeze %dma_wait3A_492 : memref<1x160x128xf32, #tpu.memory_space<hbm>> -> memref<160x128xf32, #tpu.memory_space<hbm>>
      tpu.wait_dma2 semaphore(%arg20 : memref<!tpu.dma_semaphore, #tpu.memory_space<semaphore_mem>>) src(%dma_wait3A_493 : memref<160x128xf32, #tpu.memory_space<hbm>>) dst(%arg13 : memref<160x128xf32, #tpu.memory_space<vmem>>)
      %dma_start3A_494 = arith.constant 800 : i32
      %dma_start3A_495 = arith.constant 0 : i32
      %dma_start3A_496 = tpu.memref_slice %arg3[%arg1, %dma_start3A_494, %dma_start3A_495] : memref<16x1600x128xf32, #tpu.memory_space<hbm>> -> memref<1x160x128xf32, #tpu.memory_space<hbm>>
      %dma_start3A_497 = tpu.memref_squeeze %dma_start3A_496 : memref<1x160x128xf32, #tpu.memory_space<hbm>> -> memref<160x128xf32, #tpu.memory_space<hbm>>
      %dma_start3A_498 = arith.constant 800 : i32
      %dma_start3A_499 = arith.constant 0 : i32
      %dma_start3A_500 = tpu.memref_slice %arg3[%arg1, %dma_start3A_498, %dma_start3A_499] : memref<16x1600x128xf32, #tpu.memory_space<hbm>> -> memref<1x160x128xf32, #tpu.memory_space<hbm>>
      %dma_start3A_501 = tpu.memref_squeeze %dma_start3A_500 : memref<1x160x128xf32, #tpu.memory_space<hbm>> -> memref<160x128xf32, #tpu.memory_space<hbm>>
      tpu.enqueue_dma source(%dma_start3A_501 : memref<160x128xf32, #tpu.memory_space<hbm>>) target(%arg14 : memref<160x128xf32, #tpu.memory_space<vmem>>) target_semaphore(%arg20 : memref<!tpu.dma_semaphore, #tpu.memory_space<semaphore_mem>>)
      %run_scoped3A_502 = arith.constant 8 : i32
      "tpu.region"() ({
        %run_scoped3A_593 = tpu.sem_alloc : memref<!tpu.dma_semaphore, #tpu.memory_space<semaphore_mem>>
        %dma_start3A_594 = arith.constant 0 : i32
        %dma_start3A_595 = arith.constant 0 : i32
        %dma_start3A_596 = tpu.memref_slice %arg13[%dma_start3A_594, %dma_start3A_595] : memref<160x128xf32, #tpu.memory_space<vmem>> -> memref<80x128xf32, #tpu.memory_space<vmem>>
        %dma_start3A_597 = arith.constant 0 : i32
        %dma_start3A_598 = tpu.memref_slice %arg10[%run_scoped3A_502, %dma_start3A_597] : memref<20x80xi32, #tpu.memory_space<vmem>> -> memref<1x80xi32, #tpu.memory_space<vmem>>
        %dma_start3A_599 = tpu.memref_squeeze %dma_start3A_598 : memref<1x80xi32, #tpu.memory_space<vmem>> -> memref<80xi32, #tpu.memory_space<vmem>>
        %dma_start3A_600 = arith.constant 0 : i32
        %dma_start3A_601 = arith.constant 0 : i32
        %dma_start3A_602 = tpu.memref_slice %arg17[%dma_start3A_600, %dma_start3A_601] : memref<1024x128xf32, #tpu.memory_space<vmem_shared>> -> memref<1024x128xf32, #tpu.memory_space<vmem_shared>>
        tpu.enqueue_indirect_dma source(%dma_start3A_596 : memref<80x128xf32, #tpu.memory_space<vmem>>) target(%dma_start3A_602 : memref<1024x128xf32, #tpu.memory_space<vmem_shared>>) offsets(%dma_start3A_599 : memref<80xi32, #tpu.memory_space<vmem>>) semaphore(%run_scoped3A_593 : memref<!tpu.dma_semaphore, #tpu.memory_space<semaphore_mem>>) {add = true}
        %dma_wait3A_603 = arith.constant 0 : i32
        %dma_wait3A_604 = arith.constant 0 : i32
        %dma_wait3A_605 = tpu.memref_slice %arg13[%dma_wait3A_603, %dma_wait3A_604] : memref<160x128xf32, #tpu.memory_space<vmem>> -> memref<80x128xf32, #tpu.memory_space<vmem>>
        %dma_wait3A_606 = arith.constant 0 : i32
        %dma_wait3A_607 = tpu.memref_slice %arg10[%run_scoped3A_502, %dma_wait3A_606] : memref<20x80xi32, #tpu.memory_space<vmem>> -> memref<1x80xi32, #tpu.memory_space<vmem>>
        %dma_wait3A_608 = tpu.memref_squeeze %dma_wait3A_607 : memref<1x80xi32, #tpu.memory_space<vmem>> -> memref<80xi32, #tpu.memory_space<vmem>>
        %dma_wait3A_609 = arith.constant 0 : i32
        %dma_wait3A_610 = arith.constant 0 : i32
        %dma_wait3A_611 = tpu.memref_slice %arg17[%dma_wait3A_609, %dma_wait3A_610] : memref<1024x128xf32, #tpu.memory_space<vmem_shared>> -> memref<1024x128xf32, #tpu.memory_space<vmem_shared>>
        tpu.wait_indirect_dma semaphore(%run_scoped3A_593 : memref<!tpu.dma_semaphore, #tpu.memory_space<semaphore_mem>>) src(%dma_wait3A_605 : memref<80x128xf32, #tpu.memory_space<vmem>>) dst(%dma_wait3A_611 : memref<1024x128xf32, #tpu.memory_space<vmem_shared>>)
        tpu.yield
      }) : () -> ()
      %run_scoped3A_503 = arith.constant 9 : i32
      "tpu.region"() ({
        %run_scoped3A_593 = tpu.sem_alloc : memref<!tpu.dma_semaphore, #tpu.memory_space<semaphore_mem>>
        %dma_start3A_594 = arith.constant 80 : i32
        %dma_start3A_595 = arith.constant 0 : i32
        %dma_start3A_596 = tpu.memref_slice %arg13[%dma_start3A_594, %dma_start3A_595] : memref<160x128xf32, #tpu.memory_space<vmem>> -> memref<80x128xf32, #tpu.memory_space<vmem>>
        %dma_start3A_597 = arith.constant 0 : i32
        %dma_start3A_598 = tpu.memref_slice %arg10[%run_scoped3A_503, %dma_start3A_597] : memref<20x80xi32, #tpu.memory_space<vmem>> -> memref<1x80xi32, #tpu.memory_space<vmem>>
        %dma_start3A_599 = tpu.memref_squeeze %dma_start3A_598 : memref<1x80xi32, #tpu.memory_space<vmem>> -> memref<80xi32, #tpu.memory_space<vmem>>
        %dma_start3A_600 = arith.constant 0 : i32
        %dma_start3A_601 = arith.constant 0 : i32
        %dma_start3A_602 = tpu.memref_slice %arg17[%dma_start3A_600, %dma_start3A_601] : memref<1024x128xf32, #tpu.memory_space<vmem_shared>> -> memref<1024x128xf32, #tpu.memory_space<vmem_shared>>
        tpu.enqueue_indirect_dma source(%dma_start3A_596 : memref<80x128xf32, #tpu.memory_space<vmem>>) target(%dma_start3A_602 : memref<1024x128xf32, #tpu.memory_space<vmem_shared>>) offsets(%dma_start3A_599 : memref<80xi32, #tpu.memory_space<vmem>>) semaphore(%run_scoped3A_593 : memref<!tpu.dma_semaphore, #tpu.memory_space<semaphore_mem>>) {add = true}
        %dma_wait3A_603 = arith.constant 80 : i32
        %dma_wait3A_604 = arith.constant 0 : i32
        %dma_wait3A_605 = tpu.memref_slice %arg13[%dma_wait3A_603, %dma_wait3A_604] : memref<160x128xf32, #tpu.memory_space<vmem>> -> memref<80x128xf32, #tpu.memory_space<vmem>>
        %dma_wait3A_606 = arith.constant 0 : i32
        %dma_wait3A_607 = tpu.memref_slice %arg10[%run_scoped3A_503, %dma_wait3A_606] : memref<20x80xi32, #tpu.memory_space<vmem>> -> memref<1x80xi32, #tpu.memory_space<vmem>>
        %dma_wait3A_608 = tpu.memref_squeeze %dma_wait3A_607 : memref<1x80xi32, #tpu.memory_space<vmem>> -> memref<80xi32, #tpu.memory_space<vmem>>
        %dma_wait3A_609 = arith.constant 0 : i32
        %dma_wait3A_610 = arith.constant 0 : i32
        %dma_wait3A_611 = tpu.memref_slice %arg17[%dma_wait3A_609, %dma_wait3A_610] : memref<1024x128xf32, #tpu.memory_space<vmem_shared>> -> memref<1024x128xf32, #tpu.memory_space<vmem_shared>>
        tpu.wait_indirect_dma semaphore(%run_scoped3A_593 : memref<!tpu.dma_semaphore, #tpu.memory_space<semaphore_mem>>) src(%dma_wait3A_605 : memref<80x128xf32, #tpu.memory_space<vmem>>) dst(%dma_wait3A_611 : memref<1024x128xf32, #tpu.memory_space<vmem_shared>>)
        tpu.yield
      }) : () -> ()
      %dma_wait3A_504 = arith.constant 800 : i32
      %dma_wait3A_505 = arith.constant 0 : i32
      %dma_wait3A_506 = tpu.memref_slice %arg3[%arg1, %dma_wait3A_504, %dma_wait3A_505] : memref<16x1600x128xf32, #tpu.memory_space<hbm>> -> memref<1x160x128xf32, #tpu.memory_space<hbm>>
      %dma_wait3A_507 = tpu.memref_squeeze %dma_wait3A_506 : memref<1x160x128xf32, #tpu.memory_space<hbm>> -> memref<160x128xf32, #tpu.memory_space<hbm>>
      %dma_wait3A_508 = arith.constant 800 : i32
      %dma_wait3A_509 = arith.constant 0 : i32
      %dma_wait3A_510 = tpu.memref_slice %arg3[%arg1, %dma_wait3A_508, %dma_wait3A_509] : memref<16x1600x128xf32, #tpu.memory_space<hbm>> -> memref<1x160x128xf32, #tpu.memory_space<hbm>>
      %dma_wait3A_511 = tpu.memref_squeeze %dma_wait3A_510 : memref<1x160x128xf32, #tpu.memory_space<hbm>> -> memref<160x128xf32, #tpu.memory_space<hbm>>
      tpu.wait_dma2 semaphore(%arg20 : memref<!tpu.dma_semaphore, #tpu.memory_space<semaphore_mem>>) src(%dma_wait3A_511 : memref<160x128xf32, #tpu.memory_space<hbm>>) dst(%arg14 : memref<160x128xf32, #tpu.memory_space<vmem>>)
      %dma_start3A_512 = arith.constant 960 : i32
      %dma_start3A_513 = arith.constant 0 : i32
      %dma_start3A_514 = tpu.memref_slice %arg3[%arg1, %dma_start3A_512, %dma_start3A_513] : memref<16x1600x128xf32, #tpu.memory_space<hbm>> -> memref<1x160x128xf32, #tpu.memory_space<hbm>>
      %dma_start3A_515 = tpu.memref_squeeze %dma_start3A_514 : memref<1x160x128xf32, #tpu.memory_space<hbm>> -> memref<160x128xf32, #tpu.memory_space<hbm>>
      %dma_start3A_516 = arith.constant 960 : i32
      %dma_start3A_517 = arith.constant 0 : i32
      %dma_start3A_518 = tpu.memref_slice %arg3[%arg1, %dma_start3A_516, %dma_start3A_517] : memref<16x1600x128xf32, #tpu.memory_space<hbm>> -> memref<1x160x128xf32, #tpu.memory_space<hbm>>
      %dma_start3A_519 = tpu.memref_squeeze %dma_start3A_518 : memref<1x160x128xf32, #tpu.memory_space<hbm>> -> memref<160x128xf32, #tpu.memory_space<hbm>>
      tpu.enqueue_dma source(%dma_start3A_519 : memref<160x128xf32, #tpu.memory_space<hbm>>) target(%arg13 : memref<160x128xf32, #tpu.memory_space<vmem>>) target_semaphore(%arg20 : memref<!tpu.dma_semaphore, #tpu.memory_space<semaphore_mem>>)
      %run_scoped3A_520 = arith.constant 10 : i32
      "tpu.region"() ({
        %run_scoped3A_593 = tpu.sem_alloc : memref<!tpu.dma_semaphore, #tpu.memory_space<semaphore_mem>>
        %dma_start3A_594 = arith.constant 0 : i32
        %dma_start3A_595 = arith.constant 0 : i32
        %dma_start3A_596 = tpu.memref_slice %arg14[%dma_start3A_594, %dma_start3A_595] : memref<160x128xf32, #tpu.memory_space<vmem>> -> memref<80x128xf32, #tpu.memory_space<vmem>>
        %dma_start3A_597 = arith.constant 0 : i32
        %dma_start3A_598 = tpu.memref_slice %arg10[%run_scoped3A_520, %dma_start3A_597] : memref<20x80xi32, #tpu.memory_space<vmem>> -> memref<1x80xi32, #tpu.memory_space<vmem>>
        %dma_start3A_599 = tpu.memref_squeeze %dma_start3A_598 : memref<1x80xi32, #tpu.memory_space<vmem>> -> memref<80xi32, #tpu.memory_space<vmem>>
        %dma_start3A_600 = arith.constant 0 : i32
        %dma_start3A_601 = arith.constant 0 : i32
        %dma_start3A_602 = tpu.memref_slice %arg17[%dma_start3A_600, %dma_start3A_601] : memref<1024x128xf32, #tpu.memory_space<vmem_shared>> -> memref<1024x128xf32, #tpu.memory_space<vmem_shared>>
        tpu.enqueue_indirect_dma source(%dma_start3A_596 : memref<80x128xf32, #tpu.memory_space<vmem>>) target(%dma_start3A_602 : memref<1024x128xf32, #tpu.memory_space<vmem_shared>>) offsets(%dma_start3A_599 : memref<80xi32, #tpu.memory_space<vmem>>) semaphore(%run_scoped3A_593 : memref<!tpu.dma_semaphore, #tpu.memory_space<semaphore_mem>>) {add = true}
        %dma_wait3A_603 = arith.constant 0 : i32
        %dma_wait3A_604 = arith.constant 0 : i32
        %dma_wait3A_605 = tpu.memref_slice %arg14[%dma_wait3A_603, %dma_wait3A_604] : memref<160x128xf32, #tpu.memory_space<vmem>> -> memref<80x128xf32, #tpu.memory_space<vmem>>
        %dma_wait3A_606 = arith.constant 0 : i32
        %dma_wait3A_607 = tpu.memref_slice %arg10[%run_scoped3A_520, %dma_wait3A_606] : memref<20x80xi32, #tpu.memory_space<vmem>> -> memref<1x80xi32, #tpu.memory_space<vmem>>
        %dma_wait3A_608 = tpu.memref_squeeze %dma_wait3A_607 : memref<1x80xi32, #tpu.memory_space<vmem>> -> memref<80xi32, #tpu.memory_space<vmem>>
        %dma_wait3A_609 = arith.constant 0 : i32
        %dma_wait3A_610 = arith.constant 0 : i32
        %dma_wait3A_611 = tpu.memref_slice %arg17[%dma_wait3A_609, %dma_wait3A_610] : memref<1024x128xf32, #tpu.memory_space<vmem_shared>> -> memref<1024x128xf32, #tpu.memory_space<vmem_shared>>
        tpu.wait_indirect_dma semaphore(%run_scoped3A_593 : memref<!tpu.dma_semaphore, #tpu.memory_space<semaphore_mem>>) src(%dma_wait3A_605 : memref<80x128xf32, #tpu.memory_space<vmem>>) dst(%dma_wait3A_611 : memref<1024x128xf32, #tpu.memory_space<vmem_shared>>)
        tpu.yield
      }) : () -> ()
      %run_scoped3A_521 = arith.constant 11 : i32
      "tpu.region"() ({
        %run_scoped3A_593 = tpu.sem_alloc : memref<!tpu.dma_semaphore, #tpu.memory_space<semaphore_mem>>
        %dma_start3A_594 = arith.constant 80 : i32
        %dma_start3A_595 = arith.constant 0 : i32
        %dma_start3A_596 = tpu.memref_slice %arg14[%dma_start3A_594, %dma_start3A_595] : memref<160x128xf32, #tpu.memory_space<vmem>> -> memref<80x128xf32, #tpu.memory_space<vmem>>
        %dma_start3A_597 = arith.constant 0 : i32
        %dma_start3A_598 = tpu.memref_slice %arg10[%run_scoped3A_521, %dma_start3A_597] : memref<20x80xi32, #tpu.memory_space<vmem>> -> memref<1x80xi32, #tpu.memory_space<vmem>>
        %dma_start3A_599 = tpu.memref_squeeze %dma_start3A_598 : memref<1x80xi32, #tpu.memory_space<vmem>> -> memref<80xi32, #tpu.memory_space<vmem>>
        %dma_start3A_600 = arith.constant 0 : i32
        %dma_start3A_601 = arith.constant 0 : i32
        %dma_start3A_602 = tpu.memref_slice %arg17[%dma_start3A_600, %dma_start3A_601] : memref<1024x128xf32, #tpu.memory_space<vmem_shared>> -> memref<1024x128xf32, #tpu.memory_space<vmem_shared>>
        tpu.enqueue_indirect_dma source(%dma_start3A_596 : memref<80x128xf32, #tpu.memory_space<vmem>>) target(%dma_start3A_602 : memref<1024x128xf32, #tpu.memory_space<vmem_shared>>) offsets(%dma_start3A_599 : memref<80xi32, #tpu.memory_space<vmem>>) semaphore(%run_scoped3A_593 : memref<!tpu.dma_semaphore, #tpu.memory_space<semaphore_mem>>) {add = true}
        %dma_wait3A_603 = arith.constant 80 : i32
        %dma_wait3A_604 = arith.constant 0 : i32
        %dma_wait3A_605 = tpu.memref_slice %arg14[%dma_wait3A_603, %dma_wait3A_604] : memref<160x128xf32, #tpu.memory_space<vmem>> -> memref<80x128xf32, #tpu.memory_space<vmem>>
        %dma_wait3A_606 = arith.constant 0 : i32
        %dma_wait3A_607 = tpu.memref_slice %arg10[%run_scoped3A_521, %dma_wait3A_606] : memref<20x80xi32, #tpu.memory_space<vmem>> -> memref<1x80xi32, #tpu.memory_space<vmem>>
        %dma_wait3A_608 = tpu.memref_squeeze %dma_wait3A_607 : memref<1x80xi32, #tpu.memory_space<vmem>> -> memref<80xi32, #tpu.memory_space<vmem>>
        %dma_wait3A_609 = arith.constant 0 : i32
        %dma_wait3A_610 = arith.constant 0 : i32
        %dma_wait3A_611 = tpu.memref_slice %arg17[%dma_wait3A_609, %dma_wait3A_610] : memref<1024x128xf32, #tpu.memory_space<vmem_shared>> -> memref<1024x128xf32, #tpu.memory_space<vmem_shared>>
        tpu.wait_indirect_dma semaphore(%run_scoped3A_593 : memref<!tpu.dma_semaphore, #tpu.memory_space<semaphore_mem>>) src(%dma_wait3A_605 : memref<80x128xf32, #tpu.memory_space<vmem>>) dst(%dma_wait3A_611 : memref<1024x128xf32, #tpu.memory_space<vmem_shared>>)
        tpu.yield
      }) : () -> ()
      %dma_wait3A_522 = arith.constant 960 : i32
      %dma_wait3A_523 = arith.constant 0 : i32
      %dma_wait3A_524 = tpu.memref_slice %arg3[%arg1, %dma_wait3A_522, %dma_wait3A_523] : memref<16x1600x128xf32, #tpu.memory_space<hbm>> -> memref<1x160x128xf32, #tpu.memory_space<hbm>>
      %dma_wait3A_525 = tpu.memref_squeeze %dma_wait3A_524 : memref<1x160x128xf32, #tpu.memory_space<hbm>> -> memref<160x128xf32, #tpu.memory_space<hbm>>
      %dma_wait3A_526 = arith.constant 960 : i32
      %dma_wait3A_527 = arith.constant 0 : i32
      %dma_wait3A_528 = tpu.memref_slice %arg3[%arg1, %dma_wait3A_526, %dma_wait3A_527] : memref<16x1600x128xf32, #tpu.memory_space<hbm>> -> memref<1x160x128xf32, #tpu.memory_space<hbm>>
      %dma_wait3A_529 = tpu.memref_squeeze %dma_wait3A_528 : memref<1x160x128xf32, #tpu.memory_space<hbm>> -> memref<160x128xf32, #tpu.memory_space<hbm>>
      tpu.wait_dma2 semaphore(%arg20 : memref<!tpu.dma_semaphore, #tpu.memory_space<semaphore_mem>>) src(%dma_wait3A_529 : memref<160x128xf32, #tpu.memory_space<hbm>>) dst(%arg13 : memref<160x128xf32, #tpu.memory_space<vmem>>)
      %dma_start3A_530 = arith.constant 1120 : i32
      %dma_start3A_531 = arith.constant 0 : i32
      %dma_start3A_532 = tpu.memref_slice %arg3[%arg1, %dma_start3A_530, %dma_start3A_531] : memref<16x1600x128xf32, #tpu.memory_space<hbm>> -> memref<1x160x128xf32, #tpu.memory_space<hbm>>
      %dma_start3A_533 = tpu.memref_squeeze %dma_start3A_532 : memref<1x160x128xf32, #tpu.memory_space<hbm>> -> memref<160x128xf32, #tpu.memory_space<hbm>>
      %dma_start3A_534 = arith.constant 1120 : i32
      %dma_start3A_535 = arith.constant 0 : i32
      %dma_start3A_536 = tpu.memref_slice %arg3[%arg1, %dma_start3A_534, %dma_start3A_535] : memref<16x1600x128xf32, #tpu.memory_space<hbm>> -> memref<1x160x128xf32, #tpu.memory_space<hbm>>
      %dma_start3A_537 = tpu.memref_squeeze %dma_start3A_536 : memref<1x160x128xf32, #tpu.memory_space<hbm>> -> memref<160x128xf32, #tpu.memory_space<hbm>>
      tpu.enqueue_dma source(%dma_start3A_537 : memref<160x128xf32, #tpu.memory_space<hbm>>) target(%arg14 : memref<160x128xf32, #tpu.memory_space<vmem>>) target_semaphore(%arg20 : memref<!tpu.dma_semaphore, #tpu.memory_space<semaphore_mem>>)
      %run_scoped3A_538 = arith.constant 12 : i32
      "tpu.region"() ({
        %run_scoped3A_593 = tpu.sem_alloc : memref<!tpu.dma_semaphore, #tpu.memory_space<semaphore_mem>>
        %dma_start3A_594 = arith.constant 0 : i32
        %dma_start3A_595 = arith.constant 0 : i32
        %dma_start3A_596 = tpu.memref_slice %arg13[%dma_start3A_594, %dma_start3A_595] : memref<160x128xf32, #tpu.memory_space<vmem>> -> memref<80x128xf32, #tpu.memory_space<vmem>>
        %dma_start3A_597 = arith.constant 0 : i32
        %dma_start3A_598 = tpu.memref_slice %arg10[%run_scoped3A_538, %dma_start3A_597] : memref<20x80xi32, #tpu.memory_space<vmem>> -> memref<1x80xi32, #tpu.memory_space<vmem>>
        %dma_start3A_599 = tpu.memref_squeeze %dma_start3A_598 : memref<1x80xi32, #tpu.memory_space<vmem>> -> memref<80xi32, #tpu.memory_space<vmem>>
        %dma_start3A_600 = arith.constant 0 : i32
        %dma_start3A_601 = arith.constant 0 : i32
        %dma_start3A_602 = tpu.memref_slice %arg17[%dma_start3A_600, %dma_start3A_601] : memref<1024x128xf32, #tpu.memory_space<vmem_shared>> -> memref<1024x128xf32, #tpu.memory_space<vmem_shared>>
        tpu.enqueue_indirect_dma source(%dma_start3A_596 : memref<80x128xf32, #tpu.memory_space<vmem>>) target(%dma_start3A_602 : memref<1024x128xf32, #tpu.memory_space<vmem_shared>>) offsets(%dma_start3A_599 : memref<80xi32, #tpu.memory_space<vmem>>) semaphore(%run_scoped3A_593 : memref<!tpu.dma_semaphore, #tpu.memory_space<semaphore_mem>>) {add = true}
        %dma_wait3A_603 = arith.constant 0 : i32
        %dma_wait3A_604 = arith.constant 0 : i32
        %dma_wait3A_605 = tpu.memref_slice %arg13[%dma_wait3A_603, %dma_wait3A_604] : memref<160x128xf32, #tpu.memory_space<vmem>> -> memref<80x128xf32, #tpu.memory_space<vmem>>
        %dma_wait3A_606 = arith.constant 0 : i32
        %dma_wait3A_607 = tpu.memref_slice %arg10[%run_scoped3A_538, %dma_wait3A_606] : memref<20x80xi32, #tpu.memory_space<vmem>> -> memref<1x80xi32, #tpu.memory_space<vmem>>
        %dma_wait3A_608 = tpu.memref_squeeze %dma_wait3A_607 : memref<1x80xi32, #tpu.memory_space<vmem>> -> memref<80xi32, #tpu.memory_space<vmem>>
        %dma_wait3A_609 = arith.constant 0 : i32
        %dma_wait3A_610 = arith.constant 0 : i32
        %dma_wait3A_611 = tpu.memref_slice %arg17[%dma_wait3A_609, %dma_wait3A_610] : memref<1024x128xf32, #tpu.memory_space<vmem_shared>> -> memref<1024x128xf32, #tpu.memory_space<vmem_shared>>
        tpu.wait_indirect_dma semaphore(%run_scoped3A_593 : memref<!tpu.dma_semaphore, #tpu.memory_space<semaphore_mem>>) src(%dma_wait3A_605 : memref<80x128xf32, #tpu.memory_space<vmem>>) dst(%dma_wait3A_611 : memref<1024x128xf32, #tpu.memory_space<vmem_shared>>)
        tpu.yield
      }) : () -> ()
      %run_scoped3A_539 = arith.constant 13 : i32
      "tpu.region"() ({
        %run_scoped3A_593 = tpu.sem_alloc : memref<!tpu.dma_semaphore, #tpu.memory_space<semaphore_mem>>
        %dma_start3A_594 = arith.constant 80 : i32
        %dma_start3A_595 = arith.constant 0 : i32
        %dma_start3A_596 = tpu.memref_slice %arg13[%dma_start3A_594, %dma_start3A_595] : memref<160x128xf32, #tpu.memory_space<vmem>> -> memref<80x128xf32, #tpu.memory_space<vmem>>
        %dma_start3A_597 = arith.constant 0 : i32
        %dma_start3A_598 = tpu.memref_slice %arg10[%run_scoped3A_539, %dma_start3A_597] : memref<20x80xi32, #tpu.memory_space<vmem>> -> memref<1x80xi32, #tpu.memory_space<vmem>>
        %dma_start3A_599 = tpu.memref_squeeze %dma_start3A_598 : memref<1x80xi32, #tpu.memory_space<vmem>> -> memref<80xi32, #tpu.memory_space<vmem>>
        %dma_start3A_600 = arith.constant 0 : i32
        %dma_start3A_601 = arith.constant 0 : i32
        %dma_start3A_602 = tpu.memref_slice %arg17[%dma_start3A_600, %dma_start3A_601] : memref<1024x128xf32, #tpu.memory_space<vmem_shared>> -> memref<1024x128xf32, #tpu.memory_space<vmem_shared>>
        tpu.enqueue_indirect_dma source(%dma_start3A_596 : memref<80x128xf32, #tpu.memory_space<vmem>>) target(%dma_start3A_602 : memref<1024x128xf32, #tpu.memory_space<vmem_shared>>) offsets(%dma_start3A_599 : memref<80xi32, #tpu.memory_space<vmem>>) semaphore(%run_scoped3A_593 : memref<!tpu.dma_semaphore, #tpu.memory_space<semaphore_mem>>) {add = true}
        %dma_wait3A_603 = arith.constant 80 : i32
        %dma_wait3A_604 = arith.constant 0 : i32
        %dma_wait3A_605 = tpu.memref_slice %arg13[%dma_wait3A_603, %dma_wait3A_604] : memref<160x128xf32, #tpu.memory_space<vmem>> -> memref<80x128xf32, #tpu.memory_space<vmem>>
        %dma_wait3A_606 = arith.constant 0 : i32
        %dma_wait3A_607 = tpu.memref_slice %arg10[%run_scoped3A_539, %dma_wait3A_606] : memref<20x80xi32, #tpu.memory_space<vmem>> -> memref<1x80xi32, #tpu.memory_space<vmem>>
        %dma_wait3A_608 = tpu.memref_squeeze %dma_wait3A_607 : memref<1x80xi32, #tpu.memory_space<vmem>> -> memref<80xi32, #tpu.memory_space<vmem>>
        %dma_wait3A_609 = arith.constant 0 : i32
        %dma_wait3A_610 = arith.constant 0 : i32
        %dma_wait3A_611 = tpu.memref_slice %arg17[%dma_wait3A_609, %dma_wait3A_610] : memref<1024x128xf32, #tpu.memory_space<vmem_shared>> -> memref<1024x128xf32, #tpu.memory_space<vmem_shared>>
        tpu.wait_indirect_dma semaphore(%run_scoped3A_593 : memref<!tpu.dma_semaphore, #tpu.memory_space<semaphore_mem>>) src(%dma_wait3A_605 : memref<80x128xf32, #tpu.memory_space<vmem>>) dst(%dma_wait3A_611 : memref<1024x128xf32, #tpu.memory_space<vmem_shared>>)
        tpu.yield
      }) : () -> ()
      %dma_wait3A_540 = arith.constant 1120 : i32
      %dma_wait3A_541 = arith.constant 0 : i32
      %dma_wait3A_542 = tpu.memref_slice %arg3[%arg1, %dma_wait3A_540, %dma_wait3A_541] : memref<16x1600x128xf32, #tpu.memory_space<hbm>> -> memref<1x160x128xf32, #tpu.memory_space<hbm>>
      %dma_wait3A_543 = tpu.memref_squeeze %dma_wait3A_542 : memref<1x160x128xf32, #tpu.memory_space<hbm>> -> memref<160x128xf32, #tpu.memory_space<hbm>>
      %dma_wait3A_544 = arith.constant 1120 : i32
      %dma_wait3A_545 = arith.constant 0 : i32
      %dma_wait3A_546 = tpu.memref_slice %arg3[%arg1, %dma_wait3A_544, %dma_wait3A_545] : memref<16x1600x128xf32, #tpu.memory_space<hbm>> -> memref<1x160x128xf32, #tpu.memory_space<hbm>>
      %dma_wait3A_547 = tpu.memref_squeeze %dma_wait3A_546 : memref<1x160x128xf32, #tpu.memory_space<hbm>> -> memref<160x128xf32, #tpu.memory_space<hbm>>
      tpu.wait_dma2 semaphore(%arg20 : memref<!tpu.dma_semaphore, #tpu.memory_space<semaphore_mem>>) src(%dma_wait3A_547 : memref<160x128xf32, #tpu.memory_space<hbm>>) dst(%arg14 : memref<160x128xf32, #tpu.memory_space<vmem>>)
      %dma_start3A_548 = arith.constant 1280 : i32
      %dma_start3A_549 = arith.constant 0 : i32
      %dma_start3A_550 = tpu.memref_slice %arg3[%arg1, %dma_start3A_548, %dma_start3A_549] : memref<16x1600x128xf32, #tpu.memory_space<hbm>> -> memref<1x160x128xf32, #tpu.memory_space<hbm>>
      %dma_start3A_551 = tpu.memref_squeeze %dma_start3A_550 : memref<1x160x128xf32, #tpu.memory_space<hbm>> -> memref<160x128xf32, #tpu.memory_space<hbm>>
      %dma_start3A_552 = arith.constant 1280 : i32
      %dma_start3A_553 = arith.constant 0 : i32
      %dma_start3A_554 = tpu.memref_slice %arg3[%arg1, %dma_start3A_552, %dma_start3A_553] : memref<16x1600x128xf32, #tpu.memory_space<hbm>> -> memref<1x160x128xf32, #tpu.memory_space<hbm>>
      %dma_start3A_555 = tpu.memref_squeeze %dma_start3A_554 : memref<1x160x128xf32, #tpu.memory_space<hbm>> -> memref<160x128xf32, #tpu.memory_space<hbm>>
      tpu.enqueue_dma source(%dma_start3A_555 : memref<160x128xf32, #tpu.memory_space<hbm>>) target(%arg13 : memref<160x128xf32, #tpu.memory_space<vmem>>) target_semaphore(%arg20 : memref<!tpu.dma_semaphore, #tpu.memory_space<semaphore_mem>>)
      %run_scoped3A_556 = arith.constant 14 : i32
      "tpu.region"() ({
        %run_scoped3A_593 = tpu.sem_alloc : memref<!tpu.dma_semaphore, #tpu.memory_space<semaphore_mem>>
        %dma_start3A_594 = arith.constant 0 : i32
        %dma_start3A_595 = arith.constant 0 : i32
        %dma_start3A_596 = tpu.memref_slice %arg14[%dma_start3A_594, %dma_start3A_595] : memref<160x128xf32, #tpu.memory_space<vmem>> -> memref<80x128xf32, #tpu.memory_space<vmem>>
        %dma_start3A_597 = arith.constant 0 : i32
        %dma_start3A_598 = tpu.memref_slice %arg10[%run_scoped3A_556, %dma_start3A_597] : memref<20x80xi32, #tpu.memory_space<vmem>> -> memref<1x80xi32, #tpu.memory_space<vmem>>
        %dma_start3A_599 = tpu.memref_squeeze %dma_start3A_598 : memref<1x80xi32, #tpu.memory_space<vmem>> -> memref<80xi32, #tpu.memory_space<vmem>>
        %dma_start3A_600 = arith.constant 0 : i32
        %dma_start3A_601 = arith.constant 0 : i32
        %dma_start3A_602 = tpu.memref_slice %arg17[%dma_start3A_600, %dma_start3A_601] : memref<1024x128xf32, #tpu.memory_space<vmem_shared>> -> memref<1024x128xf32, #tpu.memory_space<vmem_shared>>
        tpu.enqueue_indirect_dma source(%dma_start3A_596 : memref<80x128xf32, #tpu.memory_space<vmem>>) target(%dma_start3A_602 : memref<1024x128xf32, #tpu.memory_space<vmem_shared>>) offsets(%dma_start3A_599 : memref<80xi32, #tpu.memory_space<vmem>>) semaphore(%run_scoped3A_593 : memref<!tpu.dma_semaphore, #tpu.memory_space<semaphore_mem>>) {add = true}
        %dma_wait3A_603 = arith.constant 0 : i32
        %dma_wait3A_604 = arith.constant 0 : i32
        %dma_wait3A_605 = tpu.memref_slice %arg14[%dma_wait3A_603, %dma_wait3A_604] : memref<160x128xf32, #tpu.memory_space<vmem>> -> memref<80x128xf32, #tpu.memory_space<vmem>>
        %dma_wait3A_606 = arith.constant 0 : i32
        %dma_wait3A_607 = tpu.memref_slice %arg10[%run_scoped3A_556, %dma_wait3A_606] : memref<20x80xi32, #tpu.memory_space<vmem>> -> memref<1x80xi32, #tpu.memory_space<vmem>>
        %dma_wait3A_608 = tpu.memref_squeeze %dma_wait3A_607 : memref<1x80xi32, #tpu.memory_space<vmem>> -> memref<80xi32, #tpu.memory_space<vmem>>
        %dma_wait3A_609 = arith.constant 0 : i32
        %dma_wait3A_610 = arith.constant 0 : i32
        %dma_wait3A_611 = tpu.memref_slice %arg17[%dma_wait3A_609, %dma_wait3A_610] : memref<1024x128xf32, #tpu.memory_space<vmem_shared>> -> memref<1024x128xf32, #tpu.memory_space<vmem_shared>>
        tpu.wait_indirect_dma semaphore(%run_scoped3A_593 : memref<!tpu.dma_semaphore, #tpu.memory_space<semaphore_mem>>) src(%dma_wait3A_605 : memref<80x128xf32, #tpu.memory_space<vmem>>) dst(%dma_wait3A_611 : memref<1024x128xf32, #tpu.memory_space<vmem_shared>>)
        tpu.yield
      }) : () -> ()
      %run_scoped3A_557 = arith.constant 15 : i32
      "tpu.region"() ({
        %run_scoped3A_593 = tpu.sem_alloc : memref<!tpu.dma_semaphore, #tpu.memory_space<semaphore_mem>>
        %dma_start3A_594 = arith.constant 80 : i32
        %dma_start3A_595 = arith.constant 0 : i32
        %dma_start3A_596 = tpu.memref_slice %arg14[%dma_start3A_594, %dma_start3A_595] : memref<160x128xf32, #tpu.memory_space<vmem>> -> memref<80x128xf32, #tpu.memory_space<vmem>>
        %dma_start3A_597 = arith.constant 0 : i32
        %dma_start3A_598 = tpu.memref_slice %arg10[%run_scoped3A_557, %dma_start3A_597] : memref<20x80xi32, #tpu.memory_space<vmem>> -> memref<1x80xi32, #tpu.memory_space<vmem>>
        %dma_start3A_599 = tpu.memref_squeeze %dma_start3A_598 : memref<1x80xi32, #tpu.memory_space<vmem>> -> memref<80xi32, #tpu.memory_space<vmem>>
        %dma_start3A_600 = arith.constant 0 : i32
        %dma_start3A_601 = arith.constant 0 : i32
        %dma_start3A_602 = tpu.memref_slice %arg17[%dma_start3A_600, %dma_start3A_601] : memref<1024x128xf32, #tpu.memory_space<vmem_shared>> -> memref<1024x128xf32, #tpu.memory_space<vmem_shared>>
        tpu.enqueue_indirect_dma source(%dma_start3A_596 : memref<80x128xf32, #tpu.memory_space<vmem>>) target(%dma_start3A_602 : memref<1024x128xf32, #tpu.memory_space<vmem_shared>>) offsets(%dma_start3A_599 : memref<80xi32, #tpu.memory_space<vmem>>) semaphore(%run_scoped3A_593 : memref<!tpu.dma_semaphore, #tpu.memory_space<semaphore_mem>>) {add = true}
        %dma_wait3A_603 = arith.constant 80 : i32
        %dma_wait3A_604 = arith.constant 0 : i32
        %dma_wait3A_605 = tpu.memref_slice %arg14[%dma_wait3A_603, %dma_wait3A_604] : memref<160x128xf32, #tpu.memory_space<vmem>> -> memref<80x128xf32, #tpu.memory_space<vmem>>
        %dma_wait3A_606 = arith.constant 0 : i32
        %dma_wait3A_607 = tpu.memref_slice %arg10[%run_scoped3A_557, %dma_wait3A_606] : memref<20x80xi32, #tpu.memory_space<vmem>> -> memref<1x80xi32, #tpu.memory_space<vmem>>
        %dma_wait3A_608 = tpu.memref_squeeze %dma_wait3A_607 : memref<1x80xi32, #tpu.memory_space<vmem>> -> memref<80xi32, #tpu.memory_space<vmem>>
        %dma_wait3A_609 = arith.constant 0 : i32
        %dma_wait3A_610 = arith.constant 0 : i32
        %dma_wait3A_611 = tpu.memref_slice %arg17[%dma_wait3A_609, %dma_wait3A_610] : memref<1024x128xf32, #tpu.memory_space<vmem_shared>> -> memref<1024x128xf32, #tpu.memory_space<vmem_shared>>
        tpu.wait_indirect_dma semaphore(%run_scoped3A_593 : memref<!tpu.dma_semaphore, #tpu.memory_space<semaphore_mem>>) src(%dma_wait3A_605 : memref<80x128xf32, #tpu.memory_space<vmem>>) dst(%dma_wait3A_611 : memref<1024x128xf32, #tpu.memory_space<vmem_shared>>)
        tpu.yield
      }) : () -> ()
      %dma_wait3A_558 = arith.constant 1280 : i32
      %dma_wait3A_559 = arith.constant 0 : i32
      %dma_wait3A_560 = tpu.memref_slice %arg3[%arg1, %dma_wait3A_558, %dma_wait3A_559] : memref<16x1600x128xf32, #tpu.memory_space<hbm>> -> memref<1x160x128xf32, #tpu.memory_space<hbm>>
      %dma_wait3A_561 = tpu.memref_squeeze %dma_wait3A_560 : memref<1x160x128xf32, #tpu.memory_space<hbm>> -> memref<160x128xf32, #tpu.memory_space<hbm>>
      %dma_wait3A_562 = arith.constant 1280 : i32
      %dma_wait3A_563 = arith.constant 0 : i32
      %dma_wait3A_564 = tpu.memref_slice %arg3[%arg1, %dma_wait3A_562, %dma_wait3A_563] : memref<16x1600x128xf32, #tpu.memory_space<hbm>> -> memref<1x160x128xf32, #tpu.memory_space<hbm>>
      %dma_wait3A_565 = tpu.memref_squeeze %dma_wait3A_564 : memref<1x160x128xf32, #tpu.memory_space<hbm>> -> memref<160x128xf32, #tpu.memory_space<hbm>>
      tpu.wait_dma2 semaphore(%arg20 : memref<!tpu.dma_semaphore, #tpu.memory_space<semaphore_mem>>) src(%dma_wait3A_565 : memref<160x128xf32, #tpu.memory_space<hbm>>) dst(%arg13 : memref<160x128xf32, #tpu.memory_space<vmem>>)
      %dma_start3A_566 = arith.constant 1440 : i32
      %dma_start3A_567 = arith.constant 0 : i32
      %dma_start3A_568 = tpu.memref_slice %arg3[%arg1, %dma_start3A_566, %dma_start3A_567] : memref<16x1600x128xf32, #tpu.memory_space<hbm>> -> memref<1x160x128xf32, #tpu.memory_space<hbm>>
      %dma_start3A_569 = tpu.memref_squeeze %dma_start3A_568 : memref<1x160x128xf32, #tpu.memory_space<hbm>> -> memref<160x128xf32, #tpu.memory_space<hbm>>
      %dma_start3A_570 = arith.constant 1440 : i32
      %dma_start3A_571 = arith.constant 0 : i32
      %dma_start3A_572 = tpu.memref_slice %arg3[%arg1, %dma_start3A_570, %dma_start3A_571] : memref<16x1600x128xf32, #tpu.memory_space<hbm>> -> memref<1x160x128xf32, #tpu.memory_space<hbm>>
      %dma_start3A_573 = tpu.memref_squeeze %dma_start3A_572 : memref<1x160x128xf32, #tpu.memory_space<hbm>> -> memref<160x128xf32, #tpu.memory_space<hbm>>
      tpu.enqueue_dma source(%dma_start3A_573 : memref<160x128xf32, #tpu.memory_space<hbm>>) target(%arg14 : memref<160x128xf32, #tpu.memory_space<vmem>>) target_semaphore(%arg20 : memref<!tpu.dma_semaphore, #tpu.memory_space<semaphore_mem>>)
      %run_scoped3A_574 = arith.constant 16 : i32
      "tpu.region"() ({
        %run_scoped3A_593 = tpu.sem_alloc : memref<!tpu.dma_semaphore, #tpu.memory_space<semaphore_mem>>
        %dma_start3A_594 = arith.constant 0 : i32
        %dma_start3A_595 = arith.constant 0 : i32
        %dma_start3A_596 = tpu.memref_slice %arg13[%dma_start3A_594, %dma_start3A_595] : memref<160x128xf32, #tpu.memory_space<vmem>> -> memref<80x128xf32, #tpu.memory_space<vmem>>
        %dma_start3A_597 = arith.constant 0 : i32
        %dma_start3A_598 = tpu.memref_slice %arg10[%run_scoped3A_574, %dma_start3A_597] : memref<20x80xi32, #tpu.memory_space<vmem>> -> memref<1x80xi32, #tpu.memory_space<vmem>>
        %dma_start3A_599 = tpu.memref_squeeze %dma_start3A_598 : memref<1x80xi32, #tpu.memory_space<vmem>> -> memref<80xi32, #tpu.memory_space<vmem>>
        %dma_start3A_600 = arith.constant 0 : i32
        %dma_start3A_601 = arith.constant 0 : i32
        %dma_start3A_602 = tpu.memref_slice %arg17[%dma_start3A_600, %dma_start3A_601] : memref<1024x128xf32, #tpu.memory_space<vmem_shared>> -> memref<1024x128xf32, #tpu.memory_space<vmem_shared>>
        tpu.enqueue_indirect_dma source(%dma_start3A_596 : memref<80x128xf32, #tpu.memory_space<vmem>>) target(%dma_start3A_602 : memref<1024x128xf32, #tpu.memory_space<vmem_shared>>) offsets(%dma_start3A_599 : memref<80xi32, #tpu.memory_space<vmem>>) semaphore(%run_scoped3A_593 : memref<!tpu.dma_semaphore, #tpu.memory_space<semaphore_mem>>) {add = true}
        %dma_wait3A_603 = arith.constant 0 : i32
        %dma_wait3A_604 = arith.constant 0 : i32
        %dma_wait3A_605 = tpu.memref_slice %arg13[%dma_wait3A_603, %dma_wait3A_604] : memref<160x128xf32, #tpu.memory_space<vmem>> -> memref<80x128xf32, #tpu.memory_space<vmem>>
        %dma_wait3A_606 = arith.constant 0 : i32
        %dma_wait3A_607 = tpu.memref_slice %arg10[%run_scoped3A_574, %dma_wait3A_606] : memref<20x80xi32, #tpu.memory_space<vmem>> -> memref<1x80xi32, #tpu.memory_space<vmem>>
        %dma_wait3A_608 = tpu.memref_squeeze %dma_wait3A_607 : memref<1x80xi32, #tpu.memory_space<vmem>> -> memref<80xi32, #tpu.memory_space<vmem>>
        %dma_wait3A_609 = arith.constant 0 : i32
        %dma_wait3A_610 = arith.constant 0 : i32
        %dma_wait3A_611 = tpu.memref_slice %arg17[%dma_wait3A_609, %dma_wait3A_610] : memref<1024x128xf32, #tpu.memory_space<vmem_shared>> -> memref<1024x128xf32, #tpu.memory_space<vmem_shared>>
        tpu.wait_indirect_dma semaphore(%run_scoped3A_593 : memref<!tpu.dma_semaphore, #tpu.memory_space<semaphore_mem>>) src(%dma_wait3A_605 : memref<80x128xf32, #tpu.memory_space<vmem>>) dst(%dma_wait3A_611 : memref<1024x128xf32, #tpu.memory_space<vmem_shared>>)
        tpu.yield
      }) : () -> ()
      %run_scoped3A_575 = arith.constant 17 : i32
      "tpu.region"() ({
        %run_scoped3A_593 = tpu.sem_alloc : memref<!tpu.dma_semaphore, #tpu.memory_space<semaphore_mem>>
        %dma_start3A_594 = arith.constant 80 : i32
        %dma_start3A_595 = arith.constant 0 : i32
        %dma_start3A_596 = tpu.memref_slice %arg13[%dma_start3A_594, %dma_start3A_595] : memref<160x128xf32, #tpu.memory_space<vmem>> -> memref<80x128xf32, #tpu.memory_space<vmem>>
        %dma_start3A_597 = arith.constant 0 : i32
        %dma_start3A_598 = tpu.memref_slice %arg10[%run_scoped3A_575, %dma_start3A_597] : memref<20x80xi32, #tpu.memory_space<vmem>> -> memref<1x80xi32, #tpu.memory_space<vmem>>
        %dma_start3A_599 = tpu.memref_squeeze %dma_start3A_598 : memref<1x80xi32, #tpu.memory_space<vmem>> -> memref<80xi32, #tpu.memory_space<vmem>>
        %dma_start3A_600 = arith.constant 0 : i32
        %dma_start3A_601 = arith.constant 0 : i32
        %dma_start3A_602 = tpu.memref_slice %arg17[%dma_start3A_600, %dma_start3A_601] : memref<1024x128xf32, #tpu.memory_space<vmem_shared>> -> memref<1024x128xf32, #tpu.memory_space<vmem_shared>>
        tpu.enqueue_indirect_dma source(%dma_start3A_596 : memref<80x128xf32, #tpu.memory_space<vmem>>) target(%dma_start3A_602 : memref<1024x128xf32, #tpu.memory_space<vmem_shared>>) offsets(%dma_start3A_599 : memref<80xi32, #tpu.memory_space<vmem>>) semaphore(%run_scoped3A_593 : memref<!tpu.dma_semaphore, #tpu.memory_space<semaphore_mem>>) {add = true}
        %dma_wait3A_603 = arith.constant 80 : i32
        %dma_wait3A_604 = arith.constant 0 : i32
        %dma_wait3A_605 = tpu.memref_slice %arg13[%dma_wait3A_603, %dma_wait3A_604] : memref<160x128xf32, #tpu.memory_space<vmem>> -> memref<80x128xf32, #tpu.memory_space<vmem>>
        %dma_wait3A_606 = arith.constant 0 : i32
        %dma_wait3A_607 = tpu.memref_slice %arg10[%run_scoped3A_575, %dma_wait3A_606] : memref<20x80xi32, #tpu.memory_space<vmem>> -> memref<1x80xi32, #tpu.memory_space<vmem>>
        %dma_wait3A_608 = tpu.memref_squeeze %dma_wait3A_607 : memref<1x80xi32, #tpu.memory_space<vmem>> -> memref<80xi32, #tpu.memory_space<vmem>>
        %dma_wait3A_609 = arith.constant 0 : i32
        %dma_wait3A_610 = arith.constant 0 : i32
        %dma_wait3A_611 = tpu.memref_slice %arg17[%dma_wait3A_609, %dma_wait3A_610] : memref<1024x128xf32, #tpu.memory_space<vmem_shared>> -> memref<1024x128xf32, #tpu.memory_space<vmem_shared>>
        tpu.wait_indirect_dma semaphore(%run_scoped3A_593 : memref<!tpu.dma_semaphore, #tpu.memory_space<semaphore_mem>>) src(%dma_wait3A_605 : memref<80x128xf32, #tpu.memory_space<vmem>>) dst(%dma_wait3A_611 : memref<1024x128xf32, #tpu.memory_space<vmem_shared>>)
        tpu.yield
      }) : () -> ()
      %dma_wait3A_576 = arith.constant 1440 : i32
      %dma_wait3A_577 = arith.constant 0 : i32
      %dma_wait3A_578 = tpu.memref_slice %arg3[%arg1, %dma_wait3A_576, %dma_wait3A_577] : memref<16x1600x128xf32, #tpu.memory_space<hbm>> -> memref<1x160x128xf32, #tpu.memory_space<hbm>>
      %dma_wait3A_579 = tpu.memref_squeeze %dma_wait3A_578 : memref<1x160x128xf32, #tpu.memory_space<hbm>> -> memref<160x128xf32, #tpu.memory_space<hbm>>
      %dma_wait3A_580 = arith.constant 1440 : i32
      %dma_wait3A_581 = arith.constant 0 : i32
      %dma_wait3A_582 = tpu.memref_slice %arg3[%arg1, %dma_wait3A_580, %dma_wait3A_581] : memref<16x1600x128xf32, #tpu.memory_space<hbm>> -> memref<1x160x128xf32, #tpu.memory_space<hbm>>
      %dma_wait3A_583 = tpu.memref_squeeze %dma_wait3A_582 : memref<1x160x128xf32, #tpu.memory_space<hbm>> -> memref<160x128xf32, #tpu.memory_space<hbm>>
      tpu.wait_dma2 semaphore(%arg20 : memref<!tpu.dma_semaphore, #tpu.memory_space<semaphore_mem>>) src(%dma_wait3A_583 : memref<160x128xf32, #tpu.memory_space<hbm>>) dst(%arg14 : memref<160x128xf32, #tpu.memory_space<vmem>>)
      %run_scoped3A_584 = arith.constant 18 : i32
      "tpu.region"() ({
        %run_scoped3A_593 = tpu.sem_alloc : memref<!tpu.dma_semaphore, #tpu.memory_space<semaphore_mem>>
        %dma_start3A_594 = arith.constant 0 : i32
        %dma_start3A_595 = arith.constant 0 : i32
        %dma_start3A_596 = tpu.memref_slice %arg14[%dma_start3A_594, %dma_start3A_595] : memref<160x128xf32, #tpu.memory_space<vmem>> -> memref<80x128xf32, #tpu.memory_space<vmem>>
        %dma_start3A_597 = arith.constant 0 : i32
        %dma_start3A_598 = tpu.memref_slice %arg10[%run_scoped3A_584, %dma_start3A_597] : memref<20x80xi32, #tpu.memory_space<vmem>> -> memref<1x80xi32, #tpu.memory_space<vmem>>
        %dma_start3A_599 = tpu.memref_squeeze %dma_start3A_598 : memref<1x80xi32, #tpu.memory_space<vmem>> -> memref<80xi32, #tpu.memory_space<vmem>>
        %dma_start3A_600 = arith.constant 0 : i32
        %dma_start3A_601 = arith.constant 0 : i32
        %dma_start3A_602 = tpu.memref_slice %arg17[%dma_start3A_600, %dma_start3A_601] : memref<1024x128xf32, #tpu.memory_space<vmem_shared>> -> memref<1024x128xf32, #tpu.memory_space<vmem_shared>>
        tpu.enqueue_indirect_dma source(%dma_start3A_596 : memref<80x128xf32, #tpu.memory_space<vmem>>) target(%dma_start3A_602 : memref<1024x128xf32, #tpu.memory_space<vmem_shared>>) offsets(%dma_start3A_599 : memref<80xi32, #tpu.memory_space<vmem>>) semaphore(%run_scoped3A_593 : memref<!tpu.dma_semaphore, #tpu.memory_space<semaphore_mem>>) {add = true}
        %dma_wait3A_603 = arith.constant 0 : i32
        %dma_wait3A_604 = arith.constant 0 : i32
        %dma_wait3A_605 = tpu.memref_slice %arg14[%dma_wait3A_603, %dma_wait3A_604] : memref<160x128xf32, #tpu.memory_space<vmem>> -> memref<80x128xf32, #tpu.memory_space<vmem>>
        %dma_wait3A_606 = arith.constant 0 : i32
        %dma_wait3A_607 = tpu.memref_slice %arg10[%run_scoped3A_584, %dma_wait3A_606] : memref<20x80xi32, #tpu.memory_space<vmem>> -> memref<1x80xi32, #tpu.memory_space<vmem>>
        %dma_wait3A_608 = tpu.memref_squeeze %dma_wait3A_607 : memref<1x80xi32, #tpu.memory_space<vmem>> -> memref<80xi32, #tpu.memory_space<vmem>>
        %dma_wait3A_609 = arith.constant 0 : i32
        %dma_wait3A_610 = arith.constant 0 : i32
        %dma_wait3A_611 = tpu.memref_slice %arg17[%dma_wait3A_609, %dma_wait3A_610] : memref<1024x128xf32, #tpu.memory_space<vmem_shared>> -> memref<1024x128xf32, #tpu.memory_space<vmem_shared>>
        tpu.wait_indirect_dma semaphore(%run_scoped3A_593 : memref<!tpu.dma_semaphore, #tpu.memory_space<semaphore_mem>>) src(%dma_wait3A_605 : memref<80x128xf32, #tpu.memory_space<vmem>>) dst(%dma_wait3A_611 : memref<1024x128xf32, #tpu.memory_space<vmem_shared>>)
        tpu.yield
      }) : () -> ()
      %run_scoped3A_585 = arith.constant 19 : i32
      "tpu.region"() ({
        %run_scoped3A_593 = tpu.sem_alloc : memref<!tpu.dma_semaphore, #tpu.memory_space<semaphore_mem>>
        %dma_start3A_594 = arith.constant 80 : i32
        %dma_start3A_595 = arith.constant 0 : i32
        %dma_start3A_596 = tpu.memref_slice %arg14[%dma_start3A_594, %dma_start3A_595] : memref<160x128xf32, #tpu.memory_space<vmem>> -> memref<80x128xf32, #tpu.memory_space<vmem>>
        %dma_start3A_597 = arith.constant 0 : i32
        %dma_start3A_598 = tpu.memref_slice %arg10[%run_scoped3A_585, %dma_start3A_597] : memref<20x80xi32, #tpu.memory_space<vmem>> -> memref<1x80xi32, #tpu.memory_space<vmem>>
        %dma_start3A_599 = tpu.memref_squeeze %dma_start3A_598 : memref<1x80xi32, #tpu.memory_space<vmem>> -> memref<80xi32, #tpu.memory_space<vmem>>
        %dma_start3A_600 = arith.constant 0 : i32
        %dma_start3A_601 = arith.constant 0 : i32
        %dma_start3A_602 = tpu.memref_slice %arg17[%dma_start3A_600, %dma_start3A_601] : memref<1024x128xf32, #tpu.memory_space<vmem_shared>> -> memref<1024x128xf32, #tpu.memory_space<vmem_shared>>
        tpu.enqueue_indirect_dma source(%dma_start3A_596 : memref<80x128xf32, #tpu.memory_space<vmem>>) target(%dma_start3A_602 : memref<1024x128xf32, #tpu.memory_space<vmem_shared>>) offsets(%dma_start3A_599 : memref<80xi32, #tpu.memory_space<vmem>>) semaphore(%run_scoped3A_593 : memref<!tpu.dma_semaphore, #tpu.memory_space<semaphore_mem>>) {add = true}
        %dma_wait3A_603 = arith.constant 80 : i32
        %dma_wait3A_604 = arith.constant 0 : i32
        %dma_wait3A_605 = tpu.memref_slice %arg14[%dma_wait3A_603, %dma_wait3A_604] : memref<160x128xf32, #tpu.memory_space<vmem>> -> memref<80x128xf32, #tpu.memory_space<vmem>>
        %dma_wait3A_606 = arith.constant 0 : i32
        %dma_wait3A_607 = tpu.memref_slice %arg10[%run_scoped3A_585, %dma_wait3A_606] : memref<20x80xi32, #tpu.memory_space<vmem>> -> memref<1x80xi32, #tpu.memory_space<vmem>>
        %dma_wait3A_608 = tpu.memref_squeeze %dma_wait3A_607 : memref<1x80xi32, #tpu.memory_space<vmem>> -> memref<80xi32, #tpu.memory_space<vmem>>
        %dma_wait3A_609 = arith.constant 0 : i32
        %dma_wait3A_610 = arith.constant 0 : i32
        %dma_wait3A_611 = tpu.memref_slice %arg17[%dma_wait3A_609, %dma_wait3A_610] : memref<1024x128xf32, #tpu.memory_space<vmem_shared>> -> memref<1024x128xf32, #tpu.memory_space<vmem_shared>>
        tpu.wait_indirect_dma semaphore(%run_scoped3A_593 : memref<!tpu.dma_semaphore, #tpu.memory_space<semaphore_mem>>) src(%dma_wait3A_605 : memref<80x128xf32, #tpu.memory_space<vmem>>) dst(%dma_wait3A_611 : memref<1024x128xf32, #tpu.memory_space<vmem_shared>>)
        tpu.yield
      }) : () -> ()
      %barrier3A_586 = arith.constant 0 : index
      tpu.barrier barrier_id(%barrier3A_586)
      "tpu.region"() ({
        %run_scoped3A_593 = tpu.sem_alloc : memref<!tpu.dma_semaphore, #tpu.memory_space<semaphore_mem>>
        %dma_start3A_594 = arith.constant 0 : i32
        %dma_start3A_595 = tpu.memref_slice %arg17[%mul3A_227, %dma_start3A_594] : memref<1024x128xf32, #tpu.memory_space<vmem_shared>> -> memref<64x128xf32, #tpu.memory_space<vmem_shared>>
        %dma_start3A_596 = arith.constant 0 : i32
        %dma_start3A_597 = tpu.memref_slice %arg17[%mul3A_227, %dma_start3A_596] : memref<1024x128xf32, #tpu.memory_space<vmem_shared>> -> memref<64x128xf32, #tpu.memory_space<vmem_shared>>
        tpu.enqueue_dma source(%dma_start3A_597 : memref<64x128xf32, #tpu.memory_space<vmem_shared>>) target(%arg15 : memref<64x128xf32, #tpu.memory_space<vmem>>) target_semaphore(%run_scoped3A_593 : memref<!tpu.dma_semaphore, #tpu.memory_space<semaphore_mem>>)
        %dma_wait3A_598 = arith.constant 0 : i32
        %dma_wait3A_599 = tpu.memref_slice %arg17[%mul3A_227, %dma_wait3A_598] : memref<1024x128xf32, #tpu.memory_space<vmem_shared>> -> memref<64x128xf32, #tpu.memory_space<vmem_shared>>
        %dma_wait3A_600 = arith.constant 0 : i32
        %dma_wait3A_601 = tpu.memref_slice %arg17[%mul3A_227, %dma_wait3A_600] : memref<1024x128xf32, #tpu.memory_space<vmem_shared>> -> memref<64x128xf32, #tpu.memory_space<vmem_shared>>
        tpu.wait_dma2 semaphore(%run_scoped3A_593 : memref<!tpu.dma_semaphore, #tpu.memory_space<semaphore_mem>>) src(%dma_wait3A_601 : memref<64x128xf32, #tpu.memory_space<vmem_shared>>) dst(%arg15 : memref<64x128xf32, #tpu.memory_space<vmem>>)
        tpu.yield
      }) : () -> ()
      "tpu.region"() ({
        %run_scoped3A_593 = tpu.sem_alloc : memref<!tpu.dma_semaphore, #tpu.memory_space<semaphore_mem>>
        %dma_start3A_594 = arith.constant 0 : i32
        %dma_start3A_595 = tpu.memref_slice %arg5[%mul3A_227, %dma_start3A_594] : memref<1024x128xf32, #tpu.memory_space<hbm>> -> memref<64x128xf32, #tpu.memory_space<hbm>>
        %dma_start3A_596 = arith.constant 0 : i32
        %dma_start3A_597 = tpu.memref_slice %arg5[%mul3A_227, %dma_start3A_596] : memref<1024x128xf32, #tpu.memory_space<hbm>> -> memref<64x128xf32, #tpu.memory_space<hbm>>
        tpu.enqueue_dma source(%dma_start3A_597 : memref<64x128xf32, #tpu.memory_space<hbm>>) target(%arg16 : memref<64x128xf32, #tpu.memory_space<vmem>>) target_semaphore(%run_scoped3A_593 : memref<!tpu.dma_semaphore, #tpu.memory_space<semaphore_mem>>)
        %dma_wait3A_598 = arith.constant 0 : i32
        %dma_wait3A_599 = tpu.memref_slice %arg5[%mul3A_227, %dma_wait3A_598] : memref<1024x128xf32, #tpu.memory_space<hbm>> -> memref<64x128xf32, #tpu.memory_space<hbm>>
        %dma_wait3A_600 = arith.constant 0 : i32
        %dma_wait3A_601 = tpu.memref_slice %arg5[%mul3A_227, %dma_wait3A_600] : memref<1024x128xf32, #tpu.memory_space<hbm>> -> memref<64x128xf32, #tpu.memory_space<hbm>>
        tpu.wait_dma2 semaphore(%run_scoped3A_593 : memref<!tpu.dma_semaphore, #tpu.memory_space<semaphore_mem>>) src(%dma_wait3A_601 : memref<64x128xf32, #tpu.memory_space<hbm>>) dst(%arg16 : memref<64x128xf32, #tpu.memory_space<vmem>>)
        tpu.yield
      }) : () -> ()
      %scan3A = arith.constant 0 : i32
      %scan3A_587 = arith.constant 0 : i32
      %scan3A_588 = arith.constant 64 : i32
      %scan3A_589 = arith.addi %scan3A_587, %scan3A_588 : i32
      %scan3A_590 = arith.constant 1 : i32
      %scan3A_591 = scf.for %scan3A_593 = %scan3A_587 to %scan3A_589 step %scan3A_590 iter_args(%scan3A_594 = %scan3A) -> (i32)  : i32 {
        %get3A = arith.index_cast %scan3A_593 : i32 to index
        %get3A_595 = arith.constant 0 : index
        %get3A_596 = tpu.vector_load %arg16[%get3A, %get3A_595] {strides = array<i32>} : memref<64x128xf32, #tpu.memory_space<vmem>>, vector<1x16xf32>,
        %get3A_597 = vector.shape_cast %get3A_596 : vector<1x16xf32> to vector<16xf32>
        %mul3A_598 = arith.constant 9.900000e-01 : f32
        %mul3A_599 = vector.broadcast %mul3A_598 : f32 to vector<16xf32>
        %mul3A_600 = arith.mulf %mul3A_599, %get3A_597 : vector<16xf32>
        %get3A_601 = arith.index_cast %scan3A_593 : i32 to index
        %get3A_602 = arith.constant 0 : index
        %get3A_603 = tpu.vector_load %arg15[%get3A_601, %get3A_602] {strides = array<i32>} : memref<64x128xf32, #tpu.memory_space<vmem>>, vector<1x16xf32>,
        %get3A_604 = vector.shape_cast %get3A_603 : vector<1x16xf32> to vector<16xf32>
        %mul3A_605 = arith.constant 0.00999999977 : f32
        %mul3A_606 = vector.broadcast %mul3A_605 : f32 to vector<16xf32>
        %mul3A_607 = arith.mulf %mul3A_606, %get3A_604 : vector<16xf32>
        %add3A_608 = arith.addf %mul3A_600, %mul3A_607 : vector<16xf32>
        %swap3A = arith.index_cast %scan3A_593 : i32 to index
        %swap3A_609 = arith.constant 0 : index
        %swap3A_610 = tpu.vector_load %arg16[%swap3A, %swap3A_609] {strides = array<i32>} : memref<64x128xf32, #tpu.memory_space<vmem>>, vector<1x16xf32>,
        %swap3A_611 = vector.shape_cast %swap3A_610 : vector<1x16xf32> to vector<16xf32>
        %swap3A_612 = vector.shape_cast %add3A_608 : vector<16xf32> to vector<1x16xf32>
        tpu.vector_store %arg16[%swap3A, %swap3A_609], %swap3A_612 {strides = array<i32>} : memref<64x128xf32, #tpu.memory_space<vmem>>, vector<1x16xf32>,
        %get3A_613 = arith.index_cast %scan3A_593 : i32 to index
        %get3A_614 = arith.constant 16 : index
        %get3A_615 = tpu.vector_load %arg16[%get3A_613, %get3A_614] {strides = array<i32>} : memref<64x128xf32, #tpu.memory_space<vmem>>, vector<1x16xf32>,
        %get3A_616 = vector.shape_cast %get3A_615 : vector<1x16xf32> to vector<16xf32>
        %mul3A_617 = arith.constant 9.900000e-01 : f32
        %mul3A_618 = vector.broadcast %mul3A_617 : f32 to vector<16xf32>
        %mul3A_619 = arith.mulf %mul3A_618, %get3A_616 : vector<16xf32>
        %get3A_620 = arith.index_cast %scan3A_593 : i32 to index
        %get3A_621 = arith.constant 16 : index
        %get3A_622 = tpu.vector_load %arg15[%get3A_620, %get3A_621] {strides = array<i32>} : memref<64x128xf32, #tpu.memory_space<vmem>>, vector<1x16xf32>,
        %get3A_623 = vector.shape_cast %get3A_622 : vector<1x16xf32> to vector<16xf32>
        %mul3A_624 = arith.constant 0.00999999977 : f32
        %mul3A_625 = vector.broadcast %mul3A_624 : f32 to vector<16xf32>
        %mul3A_626 = arith.mulf %mul3A_625, %get3A_623 : vector<16xf32>
        %add3A_627 = arith.addf %mul3A_619, %mul3A_626 : vector<16xf32>
        %swap3A_628 = arith.index_cast %scan3A_593 : i32 to index
        %swap3A_629 = arith.constant 16 : index
        %swap3A_630 = tpu.vector_load %arg16[%swap3A_628, %swap3A_629] {strides = array<i32>} : memref<64x128xf32, #tpu.memory_space<vmem>>, vector<1x16xf32>,
        %swap3A_631 = vector.shape_cast %swap3A_630 : vector<1x16xf32> to vector<16xf32>
        %swap3A_632 = vector.shape_cast %add3A_627 : vector<16xf32> to vector<1x16xf32>
        tpu.vector_store %arg16[%swap3A_628, %swap3A_629], %swap3A_632 {strides = array<i32>} : memref<64x128xf32, #tpu.memory_space<vmem>>, vector<1x16xf32>,
        %get3A_633 = arith.index_cast %scan3A_593 : i32 to index
        %get3A_634 = arith.constant 32 : index
        %get3A_635 = tpu.vector_load %arg16[%get3A_633, %get3A_634] {strides = array<i32>} : memref<64x128xf32, #tpu.memory_space<vmem>>, vector<1x16xf32>,
        %get3A_636 = vector.shape_cast %get3A_635 : vector<1x16xf32> to vector<16xf32>
        %mul3A_637 = arith.constant 9.900000e-01 : f32
        %mul3A_638 = vector.broadcast %mul3A_637 : f32 to vector<16xf32>
        %mul3A_639 = arith.mulf %mul3A_638, %get3A_636 : vector<16xf32>
        %get3A_640 = arith.index_cast %scan3A_593 : i32 to index
        %get3A_641 = arith.constant 32 : index
        %get3A_642 = tpu.vector_load %arg15[%get3A_640, %get3A_641] {strides = array<i32>} : memref<64x128xf32, #tpu.memory_space<vmem>>, vector<1x16xf32>,
        %get3A_643 = vector.shape_cast %get3A_642 : vector<1x16xf32> to vector<16xf32>
        %mul3A_644 = arith.constant 0.00999999977 : f32
        %mul3A_645 = vector.broadcast %mul3A_644 : f32 to vector<16xf32>
        %mul3A_646 = arith.mulf %mul3A_645, %get3A_643 : vector<16xf32>
        %add3A_647 = arith.addf %mul3A_639, %mul3A_646 : vector<16xf32>
        %swap3A_648 = arith.index_cast %scan3A_593 : i32 to index
        %swap3A_649 = arith.constant 32 : index
        %swap3A_650 = tpu.vector_load %arg16[%swap3A_648, %swap3A_649] {strides = array<i32>} : memref<64x128xf32, #tpu.memory_space<vmem>>, vector<1x16xf32>,
        %swap3A_651 = vector.shape_cast %swap3A_650 : vector<1x16xf32> to vector<16xf32>
        %swap3A_652 = vector.shape_cast %add3A_647 : vector<16xf32> to vector<1x16xf32>
        tpu.vector_store %arg16[%swap3A_648, %swap3A_649], %swap3A_652 {strides = array<i32>} : memref<64x128xf32, #tpu.memory_space<vmem>>, vector<1x16xf32>,
        %get3A_653 = arith.index_cast %scan3A_593 : i32 to index
        %get3A_654 = arith.constant 48 : index
        %get3A_655 = tpu.vector_load %arg16[%get3A_653, %get3A_654] {strides = array<i32>} : memref<64x128xf32, #tpu.memory_space<vmem>>, vector<1x16xf32>,
        %get3A_656 = vector.shape_cast %get3A_655 : vector<1x16xf32> to vector<16xf32>
        %mul3A_657 = arith.constant 9.900000e-01 : f32
        %mul3A_658 = vector.broadcast %mul3A_657 : f32 to vector<16xf32>
        %mul3A_659 = arith.mulf %mul3A_658, %get3A_656 : vector<16xf32>
        %get3A_660 = arith.index_cast %scan3A_593 : i32 to index
        %get3A_661 = arith.constant 48 : index
        %get3A_662 = tpu.vector_load %arg15[%get3A_660, %get3A_661] {strides = array<i32>} : memref<64x128xf32, #tpu.memory_space<vmem>>, vector<1x16xf32>,
        %get3A_663 = vector.shape_cast %get3A_662 : vector<1x16xf32> to vector<16xf32>
        %mul3A_664 = arith.constant 0.00999999977 : f32
        %mul3A_665 = vector.broadcast %mul3A_664 : f32 to vector<16xf32>
        %mul3A_666 = arith.mulf %mul3A_665, %get3A_663 : vector<16xf32>
        %add3A_667 = arith.addf %mul3A_659, %mul3A_666 : vector<16xf32>
        %swap3A_668 = arith.index_cast %scan3A_593 : i32 to index
        %swap3A_669 = arith.constant 48 : index
        %swap3A_670 = tpu.vector_load %arg16[%swap3A_668, %swap3A_669] {strides = array<i32>} : memref<64x128xf32, #tpu.memory_space<vmem>>, vector<1x16xf32>,
        %swap3A_671 = vector.shape_cast %swap3A_670 : vector<1x16xf32> to vector<16xf32>
        %swap3A_672 = vector.shape_cast %add3A_667 : vector<16xf32> to vector<1x16xf32>
        tpu.vector_store %arg16[%swap3A_668, %swap3A_669], %swap3A_672 {strides = array<i32>} : memref<64x128xf32, #tpu.memory_space<vmem>>, vector<1x16xf32>,
        %get3A_673 = arith.index_cast %scan3A_593 : i32 to index
        %get3A_674 = arith.constant 64 : index
        %get3A_675 = tpu.vector_load %arg16[%get3A_673, %get3A_674] {strides = array<i32>} : memref<64x128xf32, #tpu.memory_space<vmem>>, vector<1x16xf32>,
        %get3A_676 = vector.shape_cast %get3A_675 : vector<1x16xf32> to vector<16xf32>
        %mul3A_677 = arith.constant 9.900000e-01 : f32
        %mul3A_678 = vector.broadcast %mul3A_677 : f32 to vector<16xf32>
        %mul3A_679 = arith.mulf %mul3A_678, %get3A_676 : vector<16xf32>
        %get3A_680 = arith.index_cast %scan3A_593 : i32 to index
        %get3A_681 = arith.constant 64 : index
        %get3A_682 = tpu.vector_load %arg15[%get3A_680, %get3A_681] {strides = array<i32>} : memref<64x128xf32, #tpu.memory_space<vmem>>, vector<1x16xf32>,
        %get3A_683 = vector.shape_cast %get3A_682 : vector<1x16xf32> to vector<16xf32>
        %mul3A_684 = arith.constant 0.00999999977 : f32
        %mul3A_685 = vector.broadcast %mul3A_684 : f32 to vector<16xf32>
        %mul3A_686 = arith.mulf %mul3A_685, %get3A_683 : vector<16xf32>
        %add3A_687 = arith.addf %mul3A_679, %mul3A_686 : vector<16xf32>
        %swap3A_688 = arith.index_cast %scan3A_593 : i32 to index
        %swap3A_689 = arith.constant 64 : index
        %swap3A_690 = tpu.vector_load %arg16[%swap3A_688, %swap3A_689] {strides = array<i32>} : memref<64x128xf32, #tpu.memory_space<vmem>>, vector<1x16xf32>,
        %swap3A_691 = vector.shape_cast %swap3A_690 : vector<1x16xf32> to vector<16xf32>
        %swap3A_692 = vector.shape_cast %add3A_687 : vector<16xf32> to vector<1x16xf32>
        tpu.vector_store %arg16[%swap3A_688, %swap3A_689], %swap3A_692 {strides = array<i32>} : memref<64x128xf32, #tpu.memory_space<vmem>>, vector<1x16xf32>,
        %get3A_693 = arith.index_cast %scan3A_593 : i32 to index
        %get3A_694 = arith.constant 80 : index
        %get3A_695 = tpu.vector_load %arg16[%get3A_693, %get3A_694] {strides = array<i32>} : memref<64x128xf32, #tpu.memory_space<vmem>>, vector<1x16xf32>,
        %get3A_696 = vector.shape_cast %get3A_695 : vector<1x16xf32> to vector<16xf32>
        %mul3A_697 = arith.constant 9.900000e-01 : f32
        %mul3A_698 = vector.broadcast %mul3A_697 : f32 to vector<16xf32>
        %mul3A_699 = arith.mulf %mul3A_698, %get3A_696 : vector<16xf32>
        %get3A_700 = arith.index_cast %scan3A_593 : i32 to index
        %get3A_701 = arith.constant 80 : index
        %get3A_702 = tpu.vector_load %arg15[%get3A_700, %get3A_701] {strides = array<i32>} : memref<64x128xf32, #tpu.memory_space<vmem>>, vector<1x16xf32>,
        %get3A_703 = vector.shape_cast %get3A_702 : vector<1x16xf32> to vector<16xf32>
        %mul3A_704 = arith.constant 0.00999999977 : f32
        %mul3A_705 = vector.broadcast %mul3A_704 : f32 to vector<16xf32>
        %mul3A_706 = arith.mulf %mul3A_705, %get3A_703 : vector<16xf32>
        %add3A_707 = arith.addf %mul3A_699, %mul3A_706 : vector<16xf32>
        %swap3A_708 = arith.index_cast %scan3A_593 : i32 to index
        %swap3A_709 = arith.constant 80 : index
        %swap3A_710 = tpu.vector_load %arg16[%swap3A_708, %swap3A_709] {strides = array<i32>} : memref<64x128xf32, #tpu.memory_space<vmem>>, vector<1x16xf32>,
        %swap3A_711 = vector.shape_cast %swap3A_710 : vector<1x16xf32> to vector<16xf32>
        %swap3A_712 = vector.shape_cast %add3A_707 : vector<16xf32> to vector<1x16xf32>
        tpu.vector_store %arg16[%swap3A_708, %swap3A_709], %swap3A_712 {strides = array<i32>} : memref<64x128xf32, #tpu.memory_space<vmem>>, vector<1x16xf32>,
        %get3A_713 = arith.index_cast %scan3A_593 : i32 to index
        %get3A_714 = arith.constant 96 : index
        %get3A_715 = tpu.vector_load %arg16[%get3A_713, %get3A_714] {strides = array<i32>} : memref<64x128xf32, #tpu.memory_space<vmem>>, vector<1x16xf32>,
        %get3A_716 = vector.shape_cast %get3A_715 : vector<1x16xf32> to vector<16xf32>
        %mul3A_717 = arith.constant 9.900000e-01 : f32
        %mul3A_718 = vector.broadcast %mul3A_717 : f32 to vector<16xf32>
        %mul3A_719 = arith.mulf %mul3A_718, %get3A_716 : vector<16xf32>
        %get3A_720 = arith.index_cast %scan3A_593 : i32 to index
        %get3A_721 = arith.constant 96 : index
        %get3A_722 = tpu.vector_load %arg15[%get3A_720, %get3A_721] {strides = array<i32>} : memref<64x128xf32, #tpu.memory_space<vmem>>, vector<1x16xf32>,
        %get3A_723 = vector.shape_cast %get3A_722 : vector<1x16xf32> to vector<16xf32>
        %mul3A_724 = arith.constant 0.00999999977 : f32
        %mul3A_725 = vector.broadcast %mul3A_724 : f32 to vector<16xf32>
        %mul3A_726 = arith.mulf %mul3A_725, %get3A_723 : vector<16xf32>
        %add3A_727 = arith.addf %mul3A_719, %mul3A_726 : vector<16xf32>
        %swap3A_728 = arith.index_cast %scan3A_593 : i32 to index
        %swap3A_729 = arith.constant 96 : index
        %swap3A_730 = tpu.vector_load %arg16[%swap3A_728, %swap3A_729] {strides = array<i32>} : memref<64x128xf32, #tpu.memory_space<vmem>>, vector<1x16xf32>,
        %swap3A_731 = vector.shape_cast %swap3A_730 : vector<1x16xf32> to vector<16xf32>
        %swap3A_732 = vector.shape_cast %add3A_727 : vector<16xf32> to vector<1x16xf32>
        tpu.vector_store %arg16[%swap3A_728, %swap3A_729], %swap3A_732 {strides = array<i32>} : memref<64x128xf32, #tpu.memory_space<vmem>>, vector<1x16xf32>,
        %get3A_733 = arith.index_cast %scan3A_593 : i32 to index
        %get3A_734 = arith.constant 112 : index
        %get3A_735 = tpu.vector_load %arg16[%get3A_733, %get3A_734] {strides = array<i32>} : memref<64x128xf32, #tpu.memory_space<vmem>>, vector<1x16xf32>,
        %get3A_736 = vector.shape_cast %get3A_735 : vector<1x16xf32> to vector<16xf32>
        %mul3A_737 = arith.constant 9.900000e-01 : f32
        %mul3A_738 = vector.broadcast %mul3A_737 : f32 to vector<16xf32>
        %mul3A_739 = arith.mulf %mul3A_738, %get3A_736 : vector<16xf32>
        %get3A_740 = arith.index_cast %scan3A_593 : i32 to index
        %get3A_741 = arith.constant 112 : index
        %get3A_742 = tpu.vector_load %arg15[%get3A_740, %get3A_741] {strides = array<i32>} : memref<64x128xf32, #tpu.memory_space<vmem>>, vector<1x16xf32>,
        %get3A_743 = vector.shape_cast %get3A_742 : vector<1x16xf32> to vector<16xf32>
        %mul3A_744 = arith.constant 0.00999999977 : f32
        %mul3A_745 = vector.broadcast %mul3A_744 : f32 to vector<16xf32>
        %mul3A_746 = arith.mulf %mul3A_745, %get3A_743 : vector<16xf32>
        %add3A_747 = arith.addf %mul3A_739, %mul3A_746 : vector<16xf32>
        %swap3A_748 = arith.index_cast %scan3A_593 : i32 to index
        %swap3A_749 = arith.constant 112 : index
        %swap3A_750 = tpu.vector_load %arg16[%swap3A_748, %swap3A_749] {strides = array<i32>} : memref<64x128xf32, #tpu.memory_space<vmem>>, vector<1x16xf32>,
        %swap3A_751 = vector.shape_cast %swap3A_750 : vector<1x16xf32> to vector<16xf32>
        %swap3A_752 = vector.shape_cast %add3A_747 : vector<16xf32> to vector<1x16xf32>
        tpu.vector_store %arg16[%swap3A_748, %swap3A_749], %swap3A_752 {strides = array<i32>} : memref<64x128xf32, #tpu.memory_space<vmem>>, vector<1x16xf32>,
        %scan3A_753 = arith.constant 0 : i32
        scf.yield %scan3A_753 : i32
      }
      %scan3A_592 = arith.constant 64 : i32
      "tpu.region"() ({
        %run_scoped3A_593 = tpu.sem_alloc : memref<!tpu.dma_semaphore, #tpu.memory_space<semaphore_mem>>
        %dma_start3A_594 = arith.constant 0 : i32
        %dma_start3A_595 = tpu.memref_slice %arg8[%mul3A_227, %dma_start3A_594] : memref<1024x128xf32, #tpu.memory_space<hbm>> -> memref<64x128xf32, #tpu.memory_space<hbm>>
        %dma_start3A_596 = arith.constant 0 : i32
        %dma_start3A_597 = tpu.memref_slice %arg8[%mul3A_227, %dma_start3A_596] : memref<1024x128xf32, #tpu.memory_space<hbm>> -> memref<64x128xf32, #tpu.memory_space<hbm>>
        tpu.enqueue_dma source(%arg16 : memref<64x128xf32, #tpu.memory_space<vmem>>) target(%dma_start3A_597 : memref<64x128xf32, #tpu.memory_space<hbm>>) target_semaphore(%run_scoped3A_593 : memref<!tpu.dma_semaphore, #tpu.memory_space<semaphore_mem>>)
        %dma_wait3A_598 = arith.constant 0 : i32
        %dma_wait3A_599 = tpu.memref_slice %arg8[%mul3A_227, %dma_wait3A_598] : memref<1024x128xf32, #tpu.memory_space<hbm>> -> memref<64x128xf32, #tpu.memory_space<hbm>>
        %dma_wait3A_600 = arith.constant 0 : i32
        %dma_wait3A_601 = tpu.memref_slice %arg8[%mul3A_227, %dma_wait3A_600] : memref<1024x128xf32, #tpu.memory_space<hbm>> -> memref<64x128xf32, #tpu.memory_space<hbm>>
        tpu.wait_dma2 semaphore(%run_scoped3A_593 : memref<!tpu.dma_semaphore, #tpu.memory_space<semaphore_mem>>) src(%arg16 : memref<64x128xf32, #tpu.memory_space<vmem>>) dst(%dma_wait3A_601 : memref<64x128xf32, #tpu.memory_space<hbm>>)
        tpu.yield
      }) : () -> ()
    } else {
    }
    return
  }
}

module attributes {stable_mosaic.version = 14 : i64} {
  func.func @_tc_body(%arg0: i32, %arg1: memref<40x64x128xf32, #tpu.memory_space<vmem>>, %arg2: memref<1x40x128xf32, #tpu.memory_space<vmem>>, %arg3: memref<1024x64xf32, #tpu.memory_space<vmem>>, %arg4: memref<1x40x128xi32, #tpu.memory_space<vmem>>, %arg5: memref<1x40x128xi32, #tpu.memory_space<vmem>>, %arg6: memref<5120x128xf32, #tpu.memory_space<vmem>>) attributes {dimension_semantics = [#tpu.dimension_semantics<arbitrary>], iteration_bounds = array<i64: 5>, scalar_prefetch = 0 : i64, scratch_operands = 0 : i64, tpu.core_type = #tpu.core_type<tc>, window_params = [{transform_indices = @transform_0, window_bounds = array<i64: 40, 64, 128>}, {transform_indices = @transform_1, window_bounds = array<i64: 1, 40, 128>}, {pipeline_mode = #tpu.pipeline_mode<synchronous>, transform_indices = @transform_2, window_bounds = array<i64: 1024, 64>}, {transform_indices = @transform_3, window_bounds = array<i64: 1, 40, 128>}, {transform_indices = @transform_4, window_bounds = array<i64: 1, 40, 128>}, {transform_indices = @transform_5, window_bounds = array<i64: 5120, 128>}]} {
    %get3A = arith.constant 0 : index
    %get3A_0 = arith.constant 0 : index
    %get3A_1 = vector.load %arg3[%get3A, %get3A_0] : memref<1024x64xf32, #tpu.memory_space<vmem>>, vector<1024x64xf32>
    %mul3A = arith.mulf %get3A_1, %get3A_1 : vector<1024x64xf32>
    %reduce_sum3A = arith.constant dense<0.000000e+00> : vector<1024xf32>
    %reduce_sum3A_2 = vector.multi_reduction <add>, %mul3A, %reduce_sum3A [1] : vector<1024x64xf32> to vector<1024xf32>
    %broadcast_in_dim3A = vector.shape_cast %reduce_sum3A_2 : vector<1024xf32> to vector<1024x1xf32>
    %iota3A = tpu.iota {dimensions = array<i32: 0>} : vector<64x128xi32>
    %eq3A = arith.constant 0 : i32
    %eq3A_3 = vector.broadcast %eq3A : i32 to vector<64x128xi32>
    %eq3A_4 = arith.cmpi eq, %iota3A, %eq3A_3 : vector<64x128xi32>
    %convert_element_type3A = arith.extui %eq3A_4 : vector<64x128xi1> to vector<64x128xi32>
    %convert_element_type3A_5 = arith.sitofp %convert_element_type3A : vector<64x128xi32> to vector<64x128xf32>
    %get3A_6 = arith.constant 0 : index
    %get3A_7 = arith.constant 0 : index
    %get3A_8 = arith.constant 0 : index
    %get3A_9 = vector.load %arg1[%get3A_6, %get3A_7, %get3A_8] : memref<40x64x128xf32, #tpu.memory_space<vmem>>, vector<1x64x128xf32>
    %get3A_10 = vector.shape_cast %get3A_9 : vector<1x64x128xf32> to vector<64x128xf32>
    %dot_general3A = arith.constant dense<0.000000e+00> : vector<1024x128xf32>
    %dot_general3A_11 = tpu.matmul %get3A_1, %get3A_10, %dot_general3A {dimension_numbers = #tpu.dot_dimension_numbers<[1], [0], [0], [1], [0, 0, 1, 1], [], []>, transpose_lhs_hint = false} : vector<1024x64xf32>, vector<64x128xf32>, vector<1024x128xf32> -> vector<1024x128xf32>
    %mul3A_12 = arith.mulf %get3A_10, %get3A_10 : vector<64x128xf32>
    %reduce_sum3A_13 = arith.constant dense<0.000000e+00> : vector<128xf32>
    %reduce_sum3A_14 = vector.multi_reduction <add>, %mul3A_12, %reduce_sum3A_13 [0] : vector<64x128xf32> to vector<128xf32>
    %broadcast_in_dim3A_15 = vector.shape_cast %reduce_sum3A_14 : vector<128xf32> to vector<1x128xf32>
    %mul3A_16 = arith.constant 2.000000e+00 : f32
    %mul3A_17 = vector.broadcast %mul3A_16 : f32 to vector<1024x128xf32>
    %mul3A_18 = arith.mulf %mul3A_17, %dot_general3A_11 : vector<1024x128xf32>
    %sub3A = vector.broadcast %broadcast_in_dim3A_15 : vector<1x128xf32> to vector<1024x128xf32>
    %sub3A_19 = arith.subf %sub3A, %mul3A_18 : vector<1024x128xf32>
    %add3A = vector.broadcast %broadcast_in_dim3A : vector<1024x1xf32> to vector<1024x128xf32>
    %add3A_20 = arith.addf %sub3A_19, %add3A : vector<1024x128xf32>
    %argmin3A = tpu.reduce_index %add3A_20 {axis = 0 : i32, kind = #tpu.reduction_kind<arg_min>} : vector<1024x128xf32> -> vector<128xi32>
    %broadcast_in_dim3A_21 = vector.shape_cast %argmin3A : vector<128xi32> to vector<1x128xi32>
    %get3A_22 = arith.constant 0 : index
    %get3A_23 = arith.constant 0 : index
    %get3A_24 = arith.constant 0 : index
    %get3A_25 = vector.load %arg2[%get3A_22, %get3A_23, %get3A_24] : memref<1x40x128xf32, #tpu.memory_space<vmem>>, vector<1x1x128xf32>
    %get3A_26 = vector.shape_cast %get3A_25 : vector<1x1x128xf32> to vector<128xf32>
    %broadcast_in_dim3A_27 = vector.shape_cast %get3A_26 : vector<128xf32> to vector<1x128xf32>
    %mul3A_28 = vector.broadcast %broadcast_in_dim3A_27 : vector<1x128xf32> to vector<64x128xf32>
    %mul3A_29 = arith.mulf %get3A_10, %mul3A_28 : vector<64x128xf32>
    %mul3A_30 = vector.broadcast %broadcast_in_dim3A_27 : vector<1x128xf32> to vector<64x128xf32>
    %mul3A_31 = arith.mulf %convert_element_type3A_5, %mul3A_30 : vector<64x128xf32>
    %concatenate3A = tpu.concatenate %mul3A_29, %mul3A_31 in 0 : vector<64x128xf32>, vector<64x128xf32> -> vector<128x128xf32>
    %transpose3A = tpu.transpose %concatenate3A, [1, 0] : vector<128x128xf32> -> vector<128x128xf32>
    %swap3A = arith.constant 0 : index
    %swap3A_32 = arith.constant 0 : index
    %swap3A_33 = vector.load %arg6[%swap3A, %swap3A_32] : memref<5120x128xf32, #tpu.memory_space<vmem>>, vector<128x128xf32>
    tpu.vector_store %arg6[%swap3A, %swap3A_32], %transpose3A {strides = array<i32>} : memref<5120x128xf32, #tpu.memory_space<vmem>>, vector<128x128xf32>,
    %get3A_34 = arith.constant 1 : index
    %get3A_35 = arith.constant 0 : index
    %get3A_36 = arith.constant 0 : index
    %get3A_37 = vector.load %arg1[%get3A_34, %get3A_35, %get3A_36] : memref<40x64x128xf32, #tpu.memory_space<vmem>>, vector<1x64x128xf32>
    %get3A_38 = vector.shape_cast %get3A_37 : vector<1x64x128xf32> to vector<64x128xf32>
    %dot_general3A_39 = arith.constant dense<0.000000e+00> : vector<1024x128xf32>
    %dot_general3A_40 = tpu.matmul %get3A_1, %get3A_38, %dot_general3A_39 {dimension_numbers = #tpu.dot_dimension_numbers<[1], [0], [0], [1], [0, 0, 1, 1], [], []>, transpose_lhs_hint = false} : vector<1024x64xf32>, vector<64x128xf32>, vector<1024x128xf32> -> vector<1024x128xf32>
    %mul3A_41 = arith.mulf %get3A_38, %get3A_38 : vector<64x128xf32>
    %reduce_sum3A_42 = arith.constant dense<0.000000e+00> : vector<128xf32>
    %reduce_sum3A_43 = vector.multi_reduction <add>, %mul3A_41, %reduce_sum3A_42 [0] : vector<64x128xf32> to vector<128xf32>
    %broadcast_in_dim3A_44 = vector.shape_cast %reduce_sum3A_43 : vector<128xf32> to vector<1x128xf32>
    %mul3A_45 = arith.constant 2.000000e+00 : f32
    %mul3A_46 = vector.broadcast %mul3A_45 : f32 to vector<1024x128xf32>
    %mul3A_47 = arith.mulf %mul3A_46, %dot_general3A_40 : vector<1024x128xf32>
    %sub3A_48 = vector.broadcast %broadcast_in_dim3A_44 : vector<1x128xf32> to vector<1024x128xf32>
    %sub3A_49 = arith.subf %sub3A_48, %mul3A_47 : vector<1024x128xf32>
    %add3A_50 = vector.broadcast %broadcast_in_dim3A : vector<1024x1xf32> to vector<1024x128xf32>
    %add3A_51 = arith.addf %sub3A_49, %add3A_50 : vector<1024x128xf32>
    %argmin3A_52 = tpu.reduce_index %add3A_51 {axis = 0 : i32, kind = #tpu.reduction_kind<arg_min>} : vector<1024x128xf32> -> vector<128xi32>
    %broadcast_in_dim3A_53 = vector.shape_cast %argmin3A_52 : vector<128xi32> to vector<1x128xi32>
    %get3A_54 = arith.constant 0 : index
    %get3A_55 = arith.constant 1 : index
    %get3A_56 = arith.constant 0 : index
    %get3A_57 = vector.load %arg2[%get3A_54, %get3A_55, %get3A_56] : memref<1x40x128xf32, #tpu.memory_space<vmem>>, vector<1x1x128xf32>
    %get3A_58 = vector.shape_cast %get3A_57 : vector<1x1x128xf32> to vector<128xf32>
    %broadcast_in_dim3A_59 = vector.shape_cast %get3A_58 : vector<128xf32> to vector<1x128xf32>
    %mul3A_60 = vector.broadcast %broadcast_in_dim3A_59 : vector<1x128xf32> to vector<64x128xf32>
    %mul3A_61 = arith.mulf %get3A_38, %mul3A_60 : vector<64x128xf32>
    %mul3A_62 = vector.broadcast %broadcast_in_dim3A_59 : vector<1x128xf32> to vector<64x128xf32>
    %mul3A_63 = arith.mulf %convert_element_type3A_5, %mul3A_62 : vector<64x128xf32>
    %concatenate3A_64 = tpu.concatenate %mul3A_61, %mul3A_63 in 0 : vector<64x128xf32>, vector<64x128xf32> -> vector<128x128xf32>
    %transpose3A_65 = tpu.transpose %concatenate3A_64, [1, 0] : vector<128x128xf32> -> vector<128x128xf32>
    %swap3A_66 = arith.constant 128 : index
    %swap3A_67 = arith.constant 0 : index
    %swap3A_68 = vector.load %arg6[%swap3A_66, %swap3A_67] : memref<5120x128xf32, #tpu.memory_space<vmem>>, vector<128x128xf32>
    tpu.vector_store %arg6[%swap3A_66, %swap3A_67], %transpose3A_65 {strides = array<i32>} : memref<5120x128xf32, #tpu.memory_space<vmem>>, vector<128x128xf32>,
    %get3A_69 = arith.constant 2 : index
    %get3A_70 = arith.constant 0 : index
    %get3A_71 = arith.constant 0 : index
    %get3A_72 = vector.load %arg1[%get3A_69, %get3A_70, %get3A_71] : memref<40x64x128xf32, #tpu.memory_space<vmem>>, vector<1x64x128xf32>
    %get3A_73 = vector.shape_cast %get3A_72 : vector<1x64x128xf32> to vector<64x128xf32>
    %dot_general3A_74 = arith.constant dense<0.000000e+00> : vector<1024x128xf32>
    %dot_general3A_75 = tpu.matmul %get3A_1, %get3A_73, %dot_general3A_74 {dimension_numbers = #tpu.dot_dimension_numbers<[1], [0], [0], [1], [0, 0, 1, 1], [], []>, transpose_lhs_hint = false} : vector<1024x64xf32>, vector<64x128xf32>, vector<1024x128xf32> -> vector<1024x128xf32>
    %mul3A_76 = arith.mulf %get3A_73, %get3A_73 : vector<64x128xf32>
    %reduce_sum3A_77 = arith.constant dense<0.000000e+00> : vector<128xf32>
    %reduce_sum3A_78 = vector.multi_reduction <add>, %mul3A_76, %reduce_sum3A_77 [0] : vector<64x128xf32> to vector<128xf32>
    %broadcast_in_dim3A_79 = vector.shape_cast %reduce_sum3A_78 : vector<128xf32> to vector<1x128xf32>
    %mul3A_80 = arith.constant 2.000000e+00 : f32
    %mul3A_81 = vector.broadcast %mul3A_80 : f32 to vector<1024x128xf32>
    %mul3A_82 = arith.mulf %mul3A_81, %dot_general3A_75 : vector<1024x128xf32>
    %sub3A_83 = vector.broadcast %broadcast_in_dim3A_79 : vector<1x128xf32> to vector<1024x128xf32>
    %sub3A_84 = arith.subf %sub3A_83, %mul3A_82 : vector<1024x128xf32>
    %add3A_85 = vector.broadcast %broadcast_in_dim3A : vector<1024x1xf32> to vector<1024x128xf32>
    %add3A_86 = arith.addf %sub3A_84, %add3A_85 : vector<1024x128xf32>
    %argmin3A_87 = tpu.reduce_index %add3A_86 {axis = 0 : i32, kind = #tpu.reduction_kind<arg_min>} : vector<1024x128xf32> -> vector<128xi32>
    %broadcast_in_dim3A_88 = vector.shape_cast %argmin3A_87 : vector<128xi32> to vector<1x128xi32>
    %get3A_89 = arith.constant 0 : index
    %get3A_90 = arith.constant 2 : index
    %get3A_91 = arith.constant 0 : index
    %get3A_92 = vector.load %arg2[%get3A_89, %get3A_90, %get3A_91] : memref<1x40x128xf32, #tpu.memory_space<vmem>>, vector<1x1x128xf32>
    %get3A_93 = vector.shape_cast %get3A_92 : vector<1x1x128xf32> to vector<128xf32>
    %broadcast_in_dim3A_94 = vector.shape_cast %get3A_93 : vector<128xf32> to vector<1x128xf32>
    %mul3A_95 = vector.broadcast %broadcast_in_dim3A_94 : vector<1x128xf32> to vector<64x128xf32>
    %mul3A_96 = arith.mulf %get3A_73, %mul3A_95 : vector<64x128xf32>
    %mul3A_97 = vector.broadcast %broadcast_in_dim3A_94 : vector<1x128xf32> to vector<64x128xf32>
    %mul3A_98 = arith.mulf %convert_element_type3A_5, %mul3A_97 : vector<64x128xf32>
    %concatenate3A_99 = tpu.concatenate %mul3A_96, %mul3A_98 in 0 : vector<64x128xf32>, vector<64x128xf32> -> vector<128x128xf32>
    %transpose3A_100 = tpu.transpose %concatenate3A_99, [1, 0] : vector<128x128xf32> -> vector<128x128xf32>
    %swap3A_101 = arith.constant 256 : index
    %swap3A_102 = arith.constant 0 : index
    %swap3A_103 = vector.load %arg6[%swap3A_101, %swap3A_102] : memref<5120x128xf32, #tpu.memory_space<vmem>>, vector<128x128xf32>
    tpu.vector_store %arg6[%swap3A_101, %swap3A_102], %transpose3A_100 {strides = array<i32>} : memref<5120x128xf32, #tpu.memory_space<vmem>>, vector<128x128xf32>,
    %get3A_104 = arith.constant 3 : index
    %get3A_105 = arith.constant 0 : index
    %get3A_106 = arith.constant 0 : index
    %get3A_107 = vector.load %arg1[%get3A_104, %get3A_105, %get3A_106] : memref<40x64x128xf32, #tpu.memory_space<vmem>>, vector<1x64x128xf32>
    %get3A_108 = vector.shape_cast %get3A_107 : vector<1x64x128xf32> to vector<64x128xf32>
    %dot_general3A_109 = arith.constant dense<0.000000e+00> : vector<1024x128xf32>
    %dot_general3A_110 = tpu.matmul %get3A_1, %get3A_108, %dot_general3A_109 {dimension_numbers = #tpu.dot_dimension_numbers<[1], [0], [0], [1], [0, 0, 1, 1], [], []>, transpose_lhs_hint = false} : vector<1024x64xf32>, vector<64x128xf32>, vector<1024x128xf32> -> vector<1024x128xf32>
    %mul3A_111 = arith.mulf %get3A_108, %get3A_108 : vector<64x128xf32>
    %reduce_sum3A_112 = arith.constant dense<0.000000e+00> : vector<128xf32>
    %reduce_sum3A_113 = vector.multi_reduction <add>, %mul3A_111, %reduce_sum3A_112 [0] : vector<64x128xf32> to vector<128xf32>
    %broadcast_in_dim3A_114 = vector.shape_cast %reduce_sum3A_113 : vector<128xf32> to vector<1x128xf32>
    %mul3A_115 = arith.constant 2.000000e+00 : f32
    %mul3A_116 = vector.broadcast %mul3A_115 : f32 to vector<1024x128xf32>
    %mul3A_117 = arith.mulf %mul3A_116, %dot_general3A_110 : vector<1024x128xf32>
    %sub3A_118 = vector.broadcast %broadcast_in_dim3A_114 : vector<1x128xf32> to vector<1024x128xf32>
    %sub3A_119 = arith.subf %sub3A_118, %mul3A_117 : vector<1024x128xf32>
    %add3A_120 = vector.broadcast %broadcast_in_dim3A : vector<1024x1xf32> to vector<1024x128xf32>
    %add3A_121 = arith.addf %sub3A_119, %add3A_120 : vector<1024x128xf32>
    %argmin3A_122 = tpu.reduce_index %add3A_121 {axis = 0 : i32, kind = #tpu.reduction_kind<arg_min>} : vector<1024x128xf32> -> vector<128xi32>
    %broadcast_in_dim3A_123 = vector.shape_cast %argmin3A_122 : vector<128xi32> to vector<1x128xi32>
    %get3A_124 = arith.constant 0 : index
    %get3A_125 = arith.constant 3 : index
    %get3A_126 = arith.constant 0 : index
    %get3A_127 = vector.load %arg2[%get3A_124, %get3A_125, %get3A_126] : memref<1x40x128xf32, #tpu.memory_space<vmem>>, vector<1x1x128xf32>
    %get3A_128 = vector.shape_cast %get3A_127 : vector<1x1x128xf32> to vector<128xf32>
    %broadcast_in_dim3A_129 = vector.shape_cast %get3A_128 : vector<128xf32> to vector<1x128xf32>
    %mul3A_130 = vector.broadcast %broadcast_in_dim3A_129 : vector<1x128xf32> to vector<64x128xf32>
    %mul3A_131 = arith.mulf %get3A_108, %mul3A_130 : vector<64x128xf32>
    %mul3A_132 = vector.broadcast %broadcast_in_dim3A_129 : vector<1x128xf32> to vector<64x128xf32>
    %mul3A_133 = arith.mulf %convert_element_type3A_5, %mul3A_132 : vector<64x128xf32>
    %concatenate3A_134 = tpu.concatenate %mul3A_131, %mul3A_133 in 0 : vector<64x128xf32>, vector<64x128xf32> -> vector<128x128xf32>
    %transpose3A_135 = tpu.transpose %concatenate3A_134, [1, 0] : vector<128x128xf32> -> vector<128x128xf32>
    %swap3A_136 = arith.constant 384 : index
    %swap3A_137 = arith.constant 0 : index
    %swap3A_138 = vector.load %arg6[%swap3A_136, %swap3A_137] : memref<5120x128xf32, #tpu.memory_space<vmem>>, vector<128x128xf32>
    tpu.vector_store %arg6[%swap3A_136, %swap3A_137], %transpose3A_135 {strides = array<i32>} : memref<5120x128xf32, #tpu.memory_space<vmem>>, vector<128x128xf32>,
    %get3A_139 = arith.constant 4 : index
    %get3A_140 = arith.constant 0 : index
    %get3A_141 = arith.constant 0 : index
    %get3A_142 = vector.load %arg1[%get3A_139, %get3A_140, %get3A_141] : memref<40x64x128xf32, #tpu.memory_space<vmem>>, vector<1x64x128xf32>
    %get3A_143 = vector.shape_cast %get3A_142 : vector<1x64x128xf32> to vector<64x128xf32>
    %dot_general3A_144 = arith.constant dense<0.000000e+00> : vector<1024x128xf32>
    %dot_general3A_145 = tpu.matmul %get3A_1, %get3A_143, %dot_general3A_144 {dimension_numbers = #tpu.dot_dimension_numbers<[1], [0], [0], [1], [0, 0, 1, 1], [], []>, transpose_lhs_hint = false} : vector<1024x64xf32>, vector<64x128xf32>, vector<1024x128xf32> -> vector<1024x128xf32>
    %mul3A_146 = arith.mulf %get3A_143, %get3A_143 : vector<64x128xf32>
    %reduce_sum3A_147 = arith.constant dense<0.000000e+00> : vector<128xf32>
    %reduce_sum3A_148 = vector.multi_reduction <add>, %mul3A_146, %reduce_sum3A_147 [0] : vector<64x128xf32> to vector<128xf32>
    %broadcast_in_dim3A_149 = vector.shape_cast %reduce_sum3A_148 : vector<128xf32> to vector<1x128xf32>
    %mul3A_150 = arith.constant 2.000000e+00 : f32
    %mul3A_151 = vector.broadcast %mul3A_150 : f32 to vector<1024x128xf32>
    %mul3A_152 = arith.mulf %mul3A_151, %dot_general3A_145 : vector<1024x128xf32>
    %sub3A_153 = vector.broadcast %broadcast_in_dim3A_149 : vector<1x128xf32> to vector<1024x128xf32>
    %sub3A_154 = arith.subf %sub3A_153, %mul3A_152 : vector<1024x128xf32>
    %add3A_155 = vector.broadcast %broadcast_in_dim3A : vector<1024x1xf32> to vector<1024x128xf32>
    %add3A_156 = arith.addf %sub3A_154, %add3A_155 : vector<1024x128xf32>
    %argmin3A_157 = tpu.reduce_index %add3A_156 {axis = 0 : i32, kind = #tpu.reduction_kind<arg_min>} : vector<1024x128xf32> -> vector<128xi32>
    %broadcast_in_dim3A_158 = vector.shape_cast %argmin3A_157 : vector<128xi32> to vector<1x128xi32>
    %get3A_159 = arith.constant 0 : index
    %get3A_160 = arith.constant 4 : index
    %get3A_161 = arith.constant 0 : index
    %get3A_162 = vector.load %arg2[%get3A_159, %get3A_160, %get3A_161] : memref<1x40x128xf32, #tpu.memory_space<vmem>>, vector<1x1x128xf32>
    %get3A_163 = vector.shape_cast %get3A_162 : vector<1x1x128xf32> to vector<128xf32>
    %broadcast_in_dim3A_164 = vector.shape_cast %get3A_163 : vector<128xf32> to vector<1x128xf32>
    %mul3A_165 = vector.broadcast %broadcast_in_dim3A_164 : vector<1x128xf32> to vector<64x128xf32>
    %mul3A_166 = arith.mulf %get3A_143, %mul3A_165 : vector<64x128xf32>
    %mul3A_167 = vector.broadcast %broadcast_in_dim3A_164 : vector<1x128xf32> to vector<64x128xf32>
    %mul3A_168 = arith.mulf %convert_element_type3A_5, %mul3A_167 : vector<64x128xf32>
    %concatenate3A_169 = tpu.concatenate %mul3A_166, %mul3A_168 in 0 : vector<64x128xf32>, vector<64x128xf32> -> vector<128x128xf32>
    %transpose3A_170 = tpu.transpose %concatenate3A_169, [1, 0] : vector<128x128xf32> -> vector<128x128xf32>
    %swap3A_171 = arith.constant 512 : index
    %swap3A_172 = arith.constant 0 : index
    %swap3A_173 = vector.load %arg6[%swap3A_171, %swap3A_172] : memref<5120x128xf32, #tpu.memory_space<vmem>>, vector<128x128xf32>
    tpu.vector_store %arg6[%swap3A_171, %swap3A_172], %transpose3A_170 {strides = array<i32>} : memref<5120x128xf32, #tpu.memory_space<vmem>>, vector<128x128xf32>,
    %get3A_174 = arith.constant 5 : index
    %get3A_175 = arith.constant 0 : index
    %get3A_176 = arith.constant 0 : index
    %get3A_177 = vector.load %arg1[%get3A_174, %get3A_175, %get3A_176] : memref<40x64x128xf32, #tpu.memory_space<vmem>>, vector<1x64x128xf32>
    %get3A_178 = vector.shape_cast %get3A_177 : vector<1x64x128xf32> to vector<64x128xf32>
    %dot_general3A_179 = arith.constant dense<0.000000e+00> : vector<1024x128xf32>
    %dot_general3A_180 = tpu.matmul %get3A_1, %get3A_178, %dot_general3A_179 {dimension_numbers = #tpu.dot_dimension_numbers<[1], [0], [0], [1], [0, 0, 1, 1], [], []>, transpose_lhs_hint = false} : vector<1024x64xf32>, vector<64x128xf32>, vector<1024x128xf32> -> vector<1024x128xf32>
    %mul3A_181 = arith.mulf %get3A_178, %get3A_178 : vector<64x128xf32>
    %reduce_sum3A_182 = arith.constant dense<0.000000e+00> : vector<128xf32>
    %reduce_sum3A_183 = vector.multi_reduction <add>, %mul3A_181, %reduce_sum3A_182 [0] : vector<64x128xf32> to vector<128xf32>
    %broadcast_in_dim3A_184 = vector.shape_cast %reduce_sum3A_183 : vector<128xf32> to vector<1x128xf32>
    %mul3A_185 = arith.constant 2.000000e+00 : f32
    %mul3A_186 = vector.broadcast %mul3A_185 : f32 to vector<1024x128xf32>
    %mul3A_187 = arith.mulf %mul3A_186, %dot_general3A_180 : vector<1024x128xf32>
    %sub3A_188 = vector.broadcast %broadcast_in_dim3A_184 : vector<1x128xf32> to vector<1024x128xf32>
    %sub3A_189 = arith.subf %sub3A_188, %mul3A_187 : vector<1024x128xf32>
    %add3A_190 = vector.broadcast %broadcast_in_dim3A : vector<1024x1xf32> to vector<1024x128xf32>
    %add3A_191 = arith.addf %sub3A_189, %add3A_190 : vector<1024x128xf32>
    %argmin3A_192 = tpu.reduce_index %add3A_191 {axis = 0 : i32, kind = #tpu.reduction_kind<arg_min>} : vector<1024x128xf32> -> vector<128xi32>
    %broadcast_in_dim3A_193 = vector.shape_cast %argmin3A_192 : vector<128xi32> to vector<1x128xi32>
    %get3A_194 = arith.constant 0 : index
    %get3A_195 = arith.constant 5 : index
    %get3A_196 = arith.constant 0 : index
    %get3A_197 = vector.load %arg2[%get3A_194, %get3A_195, %get3A_196] : memref<1x40x128xf32, #tpu.memory_space<vmem>>, vector<1x1x128xf32>
    %get3A_198 = vector.shape_cast %get3A_197 : vector<1x1x128xf32> to vector<128xf32>
    %broadcast_in_dim3A_199 = vector.shape_cast %get3A_198 : vector<128xf32> to vector<1x128xf32>
    %mul3A_200 = vector.broadcast %broadcast_in_dim3A_199 : vector<1x128xf32> to vector<64x128xf32>
    %mul3A_201 = arith.mulf %get3A_178, %mul3A_200 : vector<64x128xf32>
    %mul3A_202 = vector.broadcast %broadcast_in_dim3A_199 : vector<1x128xf32> to vector<64x128xf32>
    %mul3A_203 = arith.mulf %convert_element_type3A_5, %mul3A_202 : vector<64x128xf32>
    %concatenate3A_204 = tpu.concatenate %mul3A_201, %mul3A_203 in 0 : vector<64x128xf32>, vector<64x128xf32> -> vector<128x128xf32>
    %transpose3A_205 = tpu.transpose %concatenate3A_204, [1, 0] : vector<128x128xf32> -> vector<128x128xf32>
    %swap3A_206 = arith.constant 640 : index
    %swap3A_207 = arith.constant 0 : index
    %swap3A_208 = vector.load %arg6[%swap3A_206, %swap3A_207] : memref<5120x128xf32, #tpu.memory_space<vmem>>, vector<128x128xf32>
    tpu.vector_store %arg6[%swap3A_206, %swap3A_207], %transpose3A_205 {strides = array<i32>} : memref<5120x128xf32, #tpu.memory_space<vmem>>, vector<128x128xf32>,
    %get3A_209 = arith.constant 6 : index
    %get3A_210 = arith.constant 0 : index
    %get3A_211 = arith.constant 0 : index
    %get3A_212 = vector.load %arg1[%get3A_209, %get3A_210, %get3A_211] : memref<40x64x128xf32, #tpu.memory_space<vmem>>, vector<1x64x128xf32>
    %get3A_213 = vector.shape_cast %get3A_212 : vector<1x64x128xf32> to vector<64x128xf32>
    %dot_general3A_214 = arith.constant dense<0.000000e+00> : vector<1024x128xf32>
    %dot_general3A_215 = tpu.matmul %get3A_1, %get3A_213, %dot_general3A_214 {dimension_numbers = #tpu.dot_dimension_numbers<[1], [0], [0], [1], [0, 0, 1, 1], [], []>, transpose_lhs_hint = false} : vector<1024x64xf32>, vector<64x128xf32>, vector<1024x128xf32> -> vector<1024x128xf32>
    %mul3A_216 = arith.mulf %get3A_213, %get3A_213 : vector<64x128xf32>
    %reduce_sum3A_217 = arith.constant dense<0.000000e+00> : vector<128xf32>
    %reduce_sum3A_218 = vector.multi_reduction <add>, %mul3A_216, %reduce_sum3A_217 [0] : vector<64x128xf32> to vector<128xf32>
    %broadcast_in_dim3A_219 = vector.shape_cast %reduce_sum3A_218 : vector<128xf32> to vector<1x128xf32>
    %mul3A_220 = arith.constant 2.000000e+00 : f32
    %mul3A_221 = vector.broadcast %mul3A_220 : f32 to vector<1024x128xf32>
    %mul3A_222 = arith.mulf %mul3A_221, %dot_general3A_215 : vector<1024x128xf32>
    %sub3A_223 = vector.broadcast %broadcast_in_dim3A_219 : vector<1x128xf32> to vector<1024x128xf32>
    %sub3A_224 = arith.subf %sub3A_223, %mul3A_222 : vector<1024x128xf32>
    %add3A_225 = vector.broadcast %broadcast_in_dim3A : vector<1024x1xf32> to vector<1024x128xf32>
    %add3A_226 = arith.addf %sub3A_224, %add3A_225 : vector<1024x128xf32>
    %argmin3A_227 = tpu.reduce_index %add3A_226 {axis = 0 : i32, kind = #tpu.reduction_kind<arg_min>} : vector<1024x128xf32> -> vector<128xi32>
    %broadcast_in_dim3A_228 = vector.shape_cast %argmin3A_227 : vector<128xi32> to vector<1x128xi32>
    %get3A_229 = arith.constant 0 : index
    %get3A_230 = arith.constant 6 : index
    %get3A_231 = arith.constant 0 : index
    %get3A_232 = vector.load %arg2[%get3A_229, %get3A_230, %get3A_231] : memref<1x40x128xf32, #tpu.memory_space<vmem>>, vector<1x1x128xf32>
    %get3A_233 = vector.shape_cast %get3A_232 : vector<1x1x128xf32> to vector<128xf32>
    %broadcast_in_dim3A_234 = vector.shape_cast %get3A_233 : vector<128xf32> to vector<1x128xf32>
    %mul3A_235 = vector.broadcast %broadcast_in_dim3A_234 : vector<1x128xf32> to vector<64x128xf32>
    %mul3A_236 = arith.mulf %get3A_213, %mul3A_235 : vector<64x128xf32>
    %mul3A_237 = vector.broadcast %broadcast_in_dim3A_234 : vector<1x128xf32> to vector<64x128xf32>
    %mul3A_238 = arith.mulf %convert_element_type3A_5, %mul3A_237 : vector<64x128xf32>
    %concatenate3A_239 = tpu.concatenate %mul3A_236, %mul3A_238 in 0 : vector<64x128xf32>, vector<64x128xf32> -> vector<128x128xf32>
    %transpose3A_240 = tpu.transpose %concatenate3A_239, [1, 0] : vector<128x128xf32> -> vector<128x128xf32>
    %swap3A_241 = arith.constant 768 : index
    %swap3A_242 = arith.constant 0 : index
    %swap3A_243 = vector.load %arg6[%swap3A_241, %swap3A_242] : memref<5120x128xf32, #tpu.memory_space<vmem>>, vector<128x128xf32>
    tpu.vector_store %arg6[%swap3A_241, %swap3A_242], %transpose3A_240 {strides = array<i32>} : memref<5120x128xf32, #tpu.memory_space<vmem>>, vector<128x128xf32>,
    %get3A_244 = arith.constant 7 : index
    %get3A_245 = arith.constant 0 : index
    %get3A_246 = arith.constant 0 : index
    %get3A_247 = vector.load %arg1[%get3A_244, %get3A_245, %get3A_246] : memref<40x64x128xf32, #tpu.memory_space<vmem>>, vector<1x64x128xf32>
    %get3A_248 = vector.shape_cast %get3A_247 : vector<1x64x128xf32> to vector<64x128xf32>
    %dot_general3A_249 = arith.constant dense<0.000000e+00> : vector<1024x128xf32>
    %dot_general3A_250 = tpu.matmul %get3A_1, %get3A_248, %dot_general3A_249 {dimension_numbers = #tpu.dot_dimension_numbers<[1], [0], [0], [1], [0, 0, 1, 1], [], []>, transpose_lhs_hint = false} : vector<1024x64xf32>, vector<64x128xf32>, vector<1024x128xf32> -> vector<1024x128xf32>
    %mul3A_251 = arith.mulf %get3A_248, %get3A_248 : vector<64x128xf32>
    %reduce_sum3A_252 = arith.constant dense<0.000000e+00> : vector<128xf32>
    %reduce_sum3A_253 = vector.multi_reduction <add>, %mul3A_251, %reduce_sum3A_252 [0] : vector<64x128xf32> to vector<128xf32>
    %broadcast_in_dim3A_254 = vector.shape_cast %reduce_sum3A_253 : vector<128xf32> to vector<1x128xf32>
    %mul3A_255 = arith.constant 2.000000e+00 : f32
    %mul3A_256 = vector.broadcast %mul3A_255 : f32 to vector<1024x128xf32>
    %mul3A_257 = arith.mulf %mul3A_256, %dot_general3A_250 : vector<1024x128xf32>
    %sub3A_258 = vector.broadcast %broadcast_in_dim3A_254 : vector<1x128xf32> to vector<1024x128xf32>
    %sub3A_259 = arith.subf %sub3A_258, %mul3A_257 : vector<1024x128xf32>
    %add3A_260 = vector.broadcast %broadcast_in_dim3A : vector<1024x1xf32> to vector<1024x128xf32>
    %add3A_261 = arith.addf %sub3A_259, %add3A_260 : vector<1024x128xf32>
    %argmin3A_262 = tpu.reduce_index %add3A_261 {axis = 0 : i32, kind = #tpu.reduction_kind<arg_min>} : vector<1024x128xf32> -> vector<128xi32>
    %broadcast_in_dim3A_263 = vector.shape_cast %argmin3A_262 : vector<128xi32> to vector<1x128xi32>
    %get3A_264 = arith.constant 0 : index
    %get3A_265 = arith.constant 7 : index
    %get3A_266 = arith.constant 0 : index
    %get3A_267 = vector.load %arg2[%get3A_264, %get3A_265, %get3A_266] : memref<1x40x128xf32, #tpu.memory_space<vmem>>, vector<1x1x128xf32>
    %get3A_268 = vector.shape_cast %get3A_267 : vector<1x1x128xf32> to vector<128xf32>
    %broadcast_in_dim3A_269 = vector.shape_cast %get3A_268 : vector<128xf32> to vector<1x128xf32>
    %mul3A_270 = vector.broadcast %broadcast_in_dim3A_269 : vector<1x128xf32> to vector<64x128xf32>
    %mul3A_271 = arith.mulf %get3A_248, %mul3A_270 : vector<64x128xf32>
    %mul3A_272 = vector.broadcast %broadcast_in_dim3A_269 : vector<1x128xf32> to vector<64x128xf32>
    %mul3A_273 = arith.mulf %convert_element_type3A_5, %mul3A_272 : vector<64x128xf32>
    %concatenate3A_274 = tpu.concatenate %mul3A_271, %mul3A_273 in 0 : vector<64x128xf32>, vector<64x128xf32> -> vector<128x128xf32>
    %transpose3A_275 = tpu.transpose %concatenate3A_274, [1, 0] : vector<128x128xf32> -> vector<128x128xf32>
    %swap3A_276 = arith.constant 896 : index
    %swap3A_277 = arith.constant 0 : index
    %swap3A_278 = vector.load %arg6[%swap3A_276, %swap3A_277] : memref<5120x128xf32, #tpu.memory_space<vmem>>, vector<128x128xf32>
    tpu.vector_store %arg6[%swap3A_276, %swap3A_277], %transpose3A_275 {strides = array<i32>} : memref<5120x128xf32, #tpu.memory_space<vmem>>, vector<128x128xf32>,
    %get3A_279 = arith.constant 8 : index
    %get3A_280 = arith.constant 0 : index
    %get3A_281 = arith.constant 0 : index
    %get3A_282 = vector.load %arg1[%get3A_279, %get3A_280, %get3A_281] : memref<40x64x128xf32, #tpu.memory_space<vmem>>, vector<1x64x128xf32>
    %get3A_283 = vector.shape_cast %get3A_282 : vector<1x64x128xf32> to vector<64x128xf32>
    %dot_general3A_284 = arith.constant dense<0.000000e+00> : vector<1024x128xf32>
    %dot_general3A_285 = tpu.matmul %get3A_1, %get3A_283, %dot_general3A_284 {dimension_numbers = #tpu.dot_dimension_numbers<[1], [0], [0], [1], [0, 0, 1, 1], [], []>, transpose_lhs_hint = false} : vector<1024x64xf32>, vector<64x128xf32>, vector<1024x128xf32> -> vector<1024x128xf32>
    %mul3A_286 = arith.mulf %get3A_283, %get3A_283 : vector<64x128xf32>
    %reduce_sum3A_287 = arith.constant dense<0.000000e+00> : vector<128xf32>
    %reduce_sum3A_288 = vector.multi_reduction <add>, %mul3A_286, %reduce_sum3A_287 [0] : vector<64x128xf32> to vector<128xf32>
    %broadcast_in_dim3A_289 = vector.shape_cast %reduce_sum3A_288 : vector<128xf32> to vector<1x128xf32>
    %mul3A_290 = arith.constant 2.000000e+00 : f32
    %mul3A_291 = vector.broadcast %mul3A_290 : f32 to vector<1024x128xf32>
    %mul3A_292 = arith.mulf %mul3A_291, %dot_general3A_285 : vector<1024x128xf32>
    %sub3A_293 = vector.broadcast %broadcast_in_dim3A_289 : vector<1x128xf32> to vector<1024x128xf32>
    %sub3A_294 = arith.subf %sub3A_293, %mul3A_292 : vector<1024x128xf32>
    %add3A_295 = vector.broadcast %broadcast_in_dim3A : vector<1024x1xf32> to vector<1024x128xf32>
    %add3A_296 = arith.addf %sub3A_294, %add3A_295 : vector<1024x128xf32>
    %argmin3A_297 = tpu.reduce_index %add3A_296 {axis = 0 : i32, kind = #tpu.reduction_kind<arg_min>} : vector<1024x128xf32> -> vector<128xi32>
    %broadcast_in_dim3A_298 = vector.shape_cast %argmin3A_297 : vector<128xi32> to vector<1x128xi32>
    %get3A_299 = arith.constant 0 : index
    %get3A_300 = arith.constant 8 : index
    %get3A_301 = arith.constant 0 : index
    %get3A_302 = vector.load %arg2[%get3A_299, %get3A_300, %get3A_301] : memref<1x40x128xf32, #tpu.memory_space<vmem>>, vector<1x1x128xf32>
    %get3A_303 = vector.shape_cast %get3A_302 : vector<1x1x128xf32> to vector<128xf32>
    %broadcast_in_dim3A_304 = vector.shape_cast %get3A_303 : vector<128xf32> to vector<1x128xf32>
    %mul3A_305 = vector.broadcast %broadcast_in_dim3A_304 : vector<1x128xf32> to vector<64x128xf32>
    %mul3A_306 = arith.mulf %get3A_283, %mul3A_305 : vector<64x128xf32>
    %mul3A_307 = vector.broadcast %broadcast_in_dim3A_304 : vector<1x128xf32> to vector<64x128xf32>
    %mul3A_308 = arith.mulf %convert_element_type3A_5, %mul3A_307 : vector<64x128xf32>
    %concatenate3A_309 = tpu.concatenate %mul3A_306, %mul3A_308 in 0 : vector<64x128xf32>, vector<64x128xf32> -> vector<128x128xf32>
    %transpose3A_310 = tpu.transpose %concatenate3A_309, [1, 0] : vector<128x128xf32> -> vector<128x128xf32>
    %swap3A_311 = arith.constant 1024 : index
    %swap3A_312 = arith.constant 0 : index
    %swap3A_313 = vector.load %arg6[%swap3A_311, %swap3A_312] : memref<5120x128xf32, #tpu.memory_space<vmem>>, vector<128x128xf32>
    tpu.vector_store %arg6[%swap3A_311, %swap3A_312], %transpose3A_310 {strides = array<i32>} : memref<5120x128xf32, #tpu.memory_space<vmem>>, vector<128x128xf32>,
    %get3A_314 = arith.constant 9 : index
    %get3A_315 = arith.constant 0 : index
    %get3A_316 = arith.constant 0 : index
    %get3A_317 = vector.load %arg1[%get3A_314, %get3A_315, %get3A_316] : memref<40x64x128xf32, #tpu.memory_space<vmem>>, vector<1x64x128xf32>
    %get3A_318 = vector.shape_cast %get3A_317 : vector<1x64x128xf32> to vector<64x128xf32>
    %dot_general3A_319 = arith.constant dense<0.000000e+00> : vector<1024x128xf32>
    %dot_general3A_320 = tpu.matmul %get3A_1, %get3A_318, %dot_general3A_319 {dimension_numbers = #tpu.dot_dimension_numbers<[1], [0], [0], [1], [0, 0, 1, 1], [], []>, transpose_lhs_hint = false} : vector<1024x64xf32>, vector<64x128xf32>, vector<1024x128xf32> -> vector<1024x128xf32>
    %mul3A_321 = arith.mulf %get3A_318, %get3A_318 : vector<64x128xf32>
    %reduce_sum3A_322 = arith.constant dense<0.000000e+00> : vector<128xf32>
    %reduce_sum3A_323 = vector.multi_reduction <add>, %mul3A_321, %reduce_sum3A_322 [0] : vector<64x128xf32> to vector<128xf32>
    %broadcast_in_dim3A_324 = vector.shape_cast %reduce_sum3A_323 : vector<128xf32> to vector<1x128xf32>
    %mul3A_325 = arith.constant 2.000000e+00 : f32
    %mul3A_326 = vector.broadcast %mul3A_325 : f32 to vector<1024x128xf32>
    %mul3A_327 = arith.mulf %mul3A_326, %dot_general3A_320 : vector<1024x128xf32>
    %sub3A_328 = vector.broadcast %broadcast_in_dim3A_324 : vector<1x128xf32> to vector<1024x128xf32>
    %sub3A_329 = arith.subf %sub3A_328, %mul3A_327 : vector<1024x128xf32>
    %add3A_330 = vector.broadcast %broadcast_in_dim3A : vector<1024x1xf32> to vector<1024x128xf32>
    %add3A_331 = arith.addf %sub3A_329, %add3A_330 : vector<1024x128xf32>
    %argmin3A_332 = tpu.reduce_index %add3A_331 {axis = 0 : i32, kind = #tpu.reduction_kind<arg_min>} : vector<1024x128xf32> -> vector<128xi32>
    %broadcast_in_dim3A_333 = vector.shape_cast %argmin3A_332 : vector<128xi32> to vector<1x128xi32>
    %get3A_334 = arith.constant 0 : index
    %get3A_335 = arith.constant 9 : index
    %get3A_336 = arith.constant 0 : index
    %get3A_337 = vector.load %arg2[%get3A_334, %get3A_335, %get3A_336] : memref<1x40x128xf32, #tpu.memory_space<vmem>>, vector<1x1x128xf32>
    %get3A_338 = vector.shape_cast %get3A_337 : vector<1x1x128xf32> to vector<128xf32>
    %broadcast_in_dim3A_339 = vector.shape_cast %get3A_338 : vector<128xf32> to vector<1x128xf32>
    %mul3A_340 = vector.broadcast %broadcast_in_dim3A_339 : vector<1x128xf32> to vector<64x128xf32>
    %mul3A_341 = arith.mulf %get3A_318, %mul3A_340 : vector<64x128xf32>
    %mul3A_342 = vector.broadcast %broadcast_in_dim3A_339 : vector<1x128xf32> to vector<64x128xf32>
    %mul3A_343 = arith.mulf %convert_element_type3A_5, %mul3A_342 : vector<64x128xf32>
    %concatenate3A_344 = tpu.concatenate %mul3A_341, %mul3A_343 in 0 : vector<64x128xf32>, vector<64x128xf32> -> vector<128x128xf32>
    %transpose3A_345 = tpu.transpose %concatenate3A_344, [1, 0] : vector<128x128xf32> -> vector<128x128xf32>
    %swap3A_346 = arith.constant 1152 : index
    %swap3A_347 = arith.constant 0 : index
    %swap3A_348 = vector.load %arg6[%swap3A_346, %swap3A_347] : memref<5120x128xf32, #tpu.memory_space<vmem>>, vector<128x128xf32>
    tpu.vector_store %arg6[%swap3A_346, %swap3A_347], %transpose3A_345 {strides = array<i32>} : memref<5120x128xf32, #tpu.memory_space<vmem>>, vector<128x128xf32>,
    %get3A_349 = arith.constant 10 : index
    %get3A_350 = arith.constant 0 : index
    %get3A_351 = arith.constant 0 : index
    %get3A_352 = vector.load %arg1[%get3A_349, %get3A_350, %get3A_351] : memref<40x64x128xf32, #tpu.memory_space<vmem>>, vector<1x64x128xf32>
    %get3A_353 = vector.shape_cast %get3A_352 : vector<1x64x128xf32> to vector<64x128xf32>
    %dot_general3A_354 = arith.constant dense<0.000000e+00> : vector<1024x128xf32>
    %dot_general3A_355 = tpu.matmul %get3A_1, %get3A_353, %dot_general3A_354 {dimension_numbers = #tpu.dot_dimension_numbers<[1], [0], [0], [1], [0, 0, 1, 1], [], []>, transpose_lhs_hint = false} : vector<1024x64xf32>, vector<64x128xf32>, vector<1024x128xf32> -> vector<1024x128xf32>
    %mul3A_356 = arith.mulf %get3A_353, %get3A_353 : vector<64x128xf32>
    %reduce_sum3A_357 = arith.constant dense<0.000000e+00> : vector<128xf32>
    %reduce_sum3A_358 = vector.multi_reduction <add>, %mul3A_356, %reduce_sum3A_357 [0] : vector<64x128xf32> to vector<128xf32>
    %broadcast_in_dim3A_359 = vector.shape_cast %reduce_sum3A_358 : vector<128xf32> to vector<1x128xf32>
    %mul3A_360 = arith.constant 2.000000e+00 : f32
    %mul3A_361 = vector.broadcast %mul3A_360 : f32 to vector<1024x128xf32>
    %mul3A_362 = arith.mulf %mul3A_361, %dot_general3A_355 : vector<1024x128xf32>
    %sub3A_363 = vector.broadcast %broadcast_in_dim3A_359 : vector<1x128xf32> to vector<1024x128xf32>
    %sub3A_364 = arith.subf %sub3A_363, %mul3A_362 : vector<1024x128xf32>
    %add3A_365 = vector.broadcast %broadcast_in_dim3A : vector<1024x1xf32> to vector<1024x128xf32>
    %add3A_366 = arith.addf %sub3A_364, %add3A_365 : vector<1024x128xf32>
    %argmin3A_367 = tpu.reduce_index %add3A_366 {axis = 0 : i32, kind = #tpu.reduction_kind<arg_min>} : vector<1024x128xf32> -> vector<128xi32>
    %broadcast_in_dim3A_368 = vector.shape_cast %argmin3A_367 : vector<128xi32> to vector<1x128xi32>
    %get3A_369 = arith.constant 0 : index
    %get3A_370 = arith.constant 10 : index
    %get3A_371 = arith.constant 0 : index
    %get3A_372 = vector.load %arg2[%get3A_369, %get3A_370, %get3A_371] : memref<1x40x128xf32, #tpu.memory_space<vmem>>, vector<1x1x128xf32>
    %get3A_373 = vector.shape_cast %get3A_372 : vector<1x1x128xf32> to vector<128xf32>
    %broadcast_in_dim3A_374 = vector.shape_cast %get3A_373 : vector<128xf32> to vector<1x128xf32>
    %mul3A_375 = vector.broadcast %broadcast_in_dim3A_374 : vector<1x128xf32> to vector<64x128xf32>
    %mul3A_376 = arith.mulf %get3A_353, %mul3A_375 : vector<64x128xf32>
    %mul3A_377 = vector.broadcast %broadcast_in_dim3A_374 : vector<1x128xf32> to vector<64x128xf32>
    %mul3A_378 = arith.mulf %convert_element_type3A_5, %mul3A_377 : vector<64x128xf32>
    %concatenate3A_379 = tpu.concatenate %mul3A_376, %mul3A_378 in 0 : vector<64x128xf32>, vector<64x128xf32> -> vector<128x128xf32>
    %transpose3A_380 = tpu.transpose %concatenate3A_379, [1, 0] : vector<128x128xf32> -> vector<128x128xf32>
    %swap3A_381 = arith.constant 1280 : index
    %swap3A_382 = arith.constant 0 : index
    %swap3A_383 = vector.load %arg6[%swap3A_381, %swap3A_382] : memref<5120x128xf32, #tpu.memory_space<vmem>>, vector<128x128xf32>
    tpu.vector_store %arg6[%swap3A_381, %swap3A_382], %transpose3A_380 {strides = array<i32>} : memref<5120x128xf32, #tpu.memory_space<vmem>>, vector<128x128xf32>,
    %get3A_384 = arith.constant 11 : index
    %get3A_385 = arith.constant 0 : index
    %get3A_386 = arith.constant 0 : index
    %get3A_387 = vector.load %arg1[%get3A_384, %get3A_385, %get3A_386] : memref<40x64x128xf32, #tpu.memory_space<vmem>>, vector<1x64x128xf32>
    %get3A_388 = vector.shape_cast %get3A_387 : vector<1x64x128xf32> to vector<64x128xf32>
    %dot_general3A_389 = arith.constant dense<0.000000e+00> : vector<1024x128xf32>
    %dot_general3A_390 = tpu.matmul %get3A_1, %get3A_388, %dot_general3A_389 {dimension_numbers = #tpu.dot_dimension_numbers<[1], [0], [0], [1], [0, 0, 1, 1], [], []>, transpose_lhs_hint = false} : vector<1024x64xf32>, vector<64x128xf32>, vector<1024x128xf32> -> vector<1024x128xf32>
    %mul3A_391 = arith.mulf %get3A_388, %get3A_388 : vector<64x128xf32>
    %reduce_sum3A_392 = arith.constant dense<0.000000e+00> : vector<128xf32>
    %reduce_sum3A_393 = vector.multi_reduction <add>, %mul3A_391, %reduce_sum3A_392 [0] : vector<64x128xf32> to vector<128xf32>
    %broadcast_in_dim3A_394 = vector.shape_cast %reduce_sum3A_393 : vector<128xf32> to vector<1x128xf32>
    %mul3A_395 = arith.constant 2.000000e+00 : f32
    %mul3A_396 = vector.broadcast %mul3A_395 : f32 to vector<1024x128xf32>
    %mul3A_397 = arith.mulf %mul3A_396, %dot_general3A_390 : vector<1024x128xf32>
    %sub3A_398 = vector.broadcast %broadcast_in_dim3A_394 : vector<1x128xf32> to vector<1024x128xf32>
    %sub3A_399 = arith.subf %sub3A_398, %mul3A_397 : vector<1024x128xf32>
    %add3A_400 = vector.broadcast %broadcast_in_dim3A : vector<1024x1xf32> to vector<1024x128xf32>
    %add3A_401 = arith.addf %sub3A_399, %add3A_400 : vector<1024x128xf32>
    %argmin3A_402 = tpu.reduce_index %add3A_401 {axis = 0 : i32, kind = #tpu.reduction_kind<arg_min>} : vector<1024x128xf32> -> vector<128xi32>
    %broadcast_in_dim3A_403 = vector.shape_cast %argmin3A_402 : vector<128xi32> to vector<1x128xi32>
    %get3A_404 = arith.constant 0 : index
    %get3A_405 = arith.constant 11 : index
    %get3A_406 = arith.constant 0 : index
    %get3A_407 = vector.load %arg2[%get3A_404, %get3A_405, %get3A_406] : memref<1x40x128xf32, #tpu.memory_space<vmem>>, vector<1x1x128xf32>
    %get3A_408 = vector.shape_cast %get3A_407 : vector<1x1x128xf32> to vector<128xf32>
    %broadcast_in_dim3A_409 = vector.shape_cast %get3A_408 : vector<128xf32> to vector<1x128xf32>
    %mul3A_410 = vector.broadcast %broadcast_in_dim3A_409 : vector<1x128xf32> to vector<64x128xf32>
    %mul3A_411 = arith.mulf %get3A_388, %mul3A_410 : vector<64x128xf32>
    %mul3A_412 = vector.broadcast %broadcast_in_dim3A_409 : vector<1x128xf32> to vector<64x128xf32>
    %mul3A_413 = arith.mulf %convert_element_type3A_5, %mul3A_412 : vector<64x128xf32>
    %concatenate3A_414 = tpu.concatenate %mul3A_411, %mul3A_413 in 0 : vector<64x128xf32>, vector<64x128xf32> -> vector<128x128xf32>
    %transpose3A_415 = tpu.transpose %concatenate3A_414, [1, 0] : vector<128x128xf32> -> vector<128x128xf32>
    %swap3A_416 = arith.constant 1408 : index
    %swap3A_417 = arith.constant 0 : index
    %swap3A_418 = vector.load %arg6[%swap3A_416, %swap3A_417] : memref<5120x128xf32, #tpu.memory_space<vmem>>, vector<128x128xf32>
    tpu.vector_store %arg6[%swap3A_416, %swap3A_417], %transpose3A_415 {strides = array<i32>} : memref<5120x128xf32, #tpu.memory_space<vmem>>, vector<128x128xf32>,
    %get3A_419 = arith.constant 12 : index
    %get3A_420 = arith.constant 0 : index
    %get3A_421 = arith.constant 0 : index
    %get3A_422 = vector.load %arg1[%get3A_419, %get3A_420, %get3A_421] : memref<40x64x128xf32, #tpu.memory_space<vmem>>, vector<1x64x128xf32>
    %get3A_423 = vector.shape_cast %get3A_422 : vector<1x64x128xf32> to vector<64x128xf32>
    %dot_general3A_424 = arith.constant dense<0.000000e+00> : vector<1024x128xf32>
    %dot_general3A_425 = tpu.matmul %get3A_1, %get3A_423, %dot_general3A_424 {dimension_numbers = #tpu.dot_dimension_numbers<[1], [0], [0], [1], [0, 0, 1, 1], [], []>, transpose_lhs_hint = false} : vector<1024x64xf32>, vector<64x128xf32>, vector<1024x128xf32> -> vector<1024x128xf32>
    %mul3A_426 = arith.mulf %get3A_423, %get3A_423 : vector<64x128xf32>
    %reduce_sum3A_427 = arith.constant dense<0.000000e+00> : vector<128xf32>
    %reduce_sum3A_428 = vector.multi_reduction <add>, %mul3A_426, %reduce_sum3A_427 [0] : vector<64x128xf32> to vector<128xf32>
    %broadcast_in_dim3A_429 = vector.shape_cast %reduce_sum3A_428 : vector<128xf32> to vector<1x128xf32>
    %mul3A_430 = arith.constant 2.000000e+00 : f32
    %mul3A_431 = vector.broadcast %mul3A_430 : f32 to vector<1024x128xf32>
    %mul3A_432 = arith.mulf %mul3A_431, %dot_general3A_425 : vector<1024x128xf32>
    %sub3A_433 = vector.broadcast %broadcast_in_dim3A_429 : vector<1x128xf32> to vector<1024x128xf32>
    %sub3A_434 = arith.subf %sub3A_433, %mul3A_432 : vector<1024x128xf32>
    %add3A_435 = vector.broadcast %broadcast_in_dim3A : vector<1024x1xf32> to vector<1024x128xf32>
    %add3A_436 = arith.addf %sub3A_434, %add3A_435 : vector<1024x128xf32>
    %argmin3A_437 = tpu.reduce_index %add3A_436 {axis = 0 : i32, kind = #tpu.reduction_kind<arg_min>} : vector<1024x128xf32> -> vector<128xi32>
    %broadcast_in_dim3A_438 = vector.shape_cast %argmin3A_437 : vector<128xi32> to vector<1x128xi32>
    %get3A_439 = arith.constant 0 : index
    %get3A_440 = arith.constant 12 : index
    %get3A_441 = arith.constant 0 : index
    %get3A_442 = vector.load %arg2[%get3A_439, %get3A_440, %get3A_441] : memref<1x40x128xf32, #tpu.memory_space<vmem>>, vector<1x1x128xf32>
    %get3A_443 = vector.shape_cast %get3A_442 : vector<1x1x128xf32> to vector<128xf32>
    %broadcast_in_dim3A_444 = vector.shape_cast %get3A_443 : vector<128xf32> to vector<1x128xf32>
    %mul3A_445 = vector.broadcast %broadcast_in_dim3A_444 : vector<1x128xf32> to vector<64x128xf32>
    %mul3A_446 = arith.mulf %get3A_423, %mul3A_445 : vector<64x128xf32>
    %mul3A_447 = vector.broadcast %broadcast_in_dim3A_444 : vector<1x128xf32> to vector<64x128xf32>
    %mul3A_448 = arith.mulf %convert_element_type3A_5, %mul3A_447 : vector<64x128xf32>
    %concatenate3A_449 = tpu.concatenate %mul3A_446, %mul3A_448 in 0 : vector<64x128xf32>, vector<64x128xf32> -> vector<128x128xf32>
    %transpose3A_450 = tpu.transpose %concatenate3A_449, [1, 0] : vector<128x128xf32> -> vector<128x128xf32>
    %swap3A_451 = arith.constant 1536 : index
    %swap3A_452 = arith.constant 0 : index
    %swap3A_453 = vector.load %arg6[%swap3A_451, %swap3A_452] : memref<5120x128xf32, #tpu.memory_space<vmem>>, vector<128x128xf32>
    tpu.vector_store %arg6[%swap3A_451, %swap3A_452], %transpose3A_450 {strides = array<i32>} : memref<5120x128xf32, #tpu.memory_space<vmem>>, vector<128x128xf32>,
    %get3A_454 = arith.constant 13 : index
    %get3A_455 = arith.constant 0 : index
    %get3A_456 = arith.constant 0 : index
    %get3A_457 = vector.load %arg1[%get3A_454, %get3A_455, %get3A_456] : memref<40x64x128xf32, #tpu.memory_space<vmem>>, vector<1x64x128xf32>
    %get3A_458 = vector.shape_cast %get3A_457 : vector<1x64x128xf32> to vector<64x128xf32>
    %dot_general3A_459 = arith.constant dense<0.000000e+00> : vector<1024x128xf32>
    %dot_general3A_460 = tpu.matmul %get3A_1, %get3A_458, %dot_general3A_459 {dimension_numbers = #tpu.dot_dimension_numbers<[1], [0], [0], [1], [0, 0, 1, 1], [], []>, transpose_lhs_hint = false} : vector<1024x64xf32>, vector<64x128xf32>, vector<1024x128xf32> -> vector<1024x128xf32>
    %mul3A_461 = arith.mulf %get3A_458, %get3A_458 : vector<64x128xf32>
    %reduce_sum3A_462 = arith.constant dense<0.000000e+00> : vector<128xf32>
    %reduce_sum3A_463 = vector.multi_reduction <add>, %mul3A_461, %reduce_sum3A_462 [0] : vector<64x128xf32> to vector<128xf32>
    %broadcast_in_dim3A_464 = vector.shape_cast %reduce_sum3A_463 : vector<128xf32> to vector<1x128xf32>
    %mul3A_465 = arith.constant 2.000000e+00 : f32
    %mul3A_466 = vector.broadcast %mul3A_465 : f32 to vector<1024x128xf32>
    %mul3A_467 = arith.mulf %mul3A_466, %dot_general3A_460 : vector<1024x128xf32>
    %sub3A_468 = vector.broadcast %broadcast_in_dim3A_464 : vector<1x128xf32> to vector<1024x128xf32>
    %sub3A_469 = arith.subf %sub3A_468, %mul3A_467 : vector<1024x128xf32>
    %add3A_470 = vector.broadcast %broadcast_in_dim3A : vector<1024x1xf32> to vector<1024x128xf32>
    %add3A_471 = arith.addf %sub3A_469, %add3A_470 : vector<1024x128xf32>
    %argmin3A_472 = tpu.reduce_index %add3A_471 {axis = 0 : i32, kind = #tpu.reduction_kind<arg_min>} : vector<1024x128xf32> -> vector<128xi32>
    %broadcast_in_dim3A_473 = vector.shape_cast %argmin3A_472 : vector<128xi32> to vector<1x128xi32>
    %get3A_474 = arith.constant 0 : index
    %get3A_475 = arith.constant 13 : index
    %get3A_476 = arith.constant 0 : index
    %get3A_477 = vector.load %arg2[%get3A_474, %get3A_475, %get3A_476] : memref<1x40x128xf32, #tpu.memory_space<vmem>>, vector<1x1x128xf32>
    %get3A_478 = vector.shape_cast %get3A_477 : vector<1x1x128xf32> to vector<128xf32>
    %broadcast_in_dim3A_479 = vector.shape_cast %get3A_478 : vector<128xf32> to vector<1x128xf32>
    %mul3A_480 = vector.broadcast %broadcast_in_dim3A_479 : vector<1x128xf32> to vector<64x128xf32>
    %mul3A_481 = arith.mulf %get3A_458, %mul3A_480 : vector<64x128xf32>
    %mul3A_482 = vector.broadcast %broadcast_in_dim3A_479 : vector<1x128xf32> to vector<64x128xf32>
    %mul3A_483 = arith.mulf %convert_element_type3A_5, %mul3A_482 : vector<64x128xf32>
    %concatenate3A_484 = tpu.concatenate %mul3A_481, %mul3A_483 in 0 : vector<64x128xf32>, vector<64x128xf32> -> vector<128x128xf32>
    %transpose3A_485 = tpu.transpose %concatenate3A_484, [1, 0] : vector<128x128xf32> -> vector<128x128xf32>
    %swap3A_486 = arith.constant 1664 : index
    %swap3A_487 = arith.constant 0 : index
    %swap3A_488 = vector.load %arg6[%swap3A_486, %swap3A_487] : memref<5120x128xf32, #tpu.memory_space<vmem>>, vector<128x128xf32>
    tpu.vector_store %arg6[%swap3A_486, %swap3A_487], %transpose3A_485 {strides = array<i32>} : memref<5120x128xf32, #tpu.memory_space<vmem>>, vector<128x128xf32>,
    %get3A_489 = arith.constant 14 : index
    %get3A_490 = arith.constant 0 : index
    %get3A_491 = arith.constant 0 : index
    %get3A_492 = vector.load %arg1[%get3A_489, %get3A_490, %get3A_491] : memref<40x64x128xf32, #tpu.memory_space<vmem>>, vector<1x64x128xf32>
    %get3A_493 = vector.shape_cast %get3A_492 : vector<1x64x128xf32> to vector<64x128xf32>
    %dot_general3A_494 = arith.constant dense<0.000000e+00> : vector<1024x128xf32>
    %dot_general3A_495 = tpu.matmul %get3A_1, %get3A_493, %dot_general3A_494 {dimension_numbers = #tpu.dot_dimension_numbers<[1], [0], [0], [1], [0, 0, 1, 1], [], []>, transpose_lhs_hint = false} : vector<1024x64xf32>, vector<64x128xf32>, vector<1024x128xf32> -> vector<1024x128xf32>
    %mul3A_496 = arith.mulf %get3A_493, %get3A_493 : vector<64x128xf32>
    %reduce_sum3A_497 = arith.constant dense<0.000000e+00> : vector<128xf32>
    %reduce_sum3A_498 = vector.multi_reduction <add>, %mul3A_496, %reduce_sum3A_497 [0] : vector<64x128xf32> to vector<128xf32>
    %broadcast_in_dim3A_499 = vector.shape_cast %reduce_sum3A_498 : vector<128xf32> to vector<1x128xf32>
    %mul3A_500 = arith.constant 2.000000e+00 : f32
    %mul3A_501 = vector.broadcast %mul3A_500 : f32 to vector<1024x128xf32>
    %mul3A_502 = arith.mulf %mul3A_501, %dot_general3A_495 : vector<1024x128xf32>
    %sub3A_503 = vector.broadcast %broadcast_in_dim3A_499 : vector<1x128xf32> to vector<1024x128xf32>
    %sub3A_504 = arith.subf %sub3A_503, %mul3A_502 : vector<1024x128xf32>
    %add3A_505 = vector.broadcast %broadcast_in_dim3A : vector<1024x1xf32> to vector<1024x128xf32>
    %add3A_506 = arith.addf %sub3A_504, %add3A_505 : vector<1024x128xf32>
    %argmin3A_507 = tpu.reduce_index %add3A_506 {axis = 0 : i32, kind = #tpu.reduction_kind<arg_min>} : vector<1024x128xf32> -> vector<128xi32>
    %broadcast_in_dim3A_508 = vector.shape_cast %argmin3A_507 : vector<128xi32> to vector<1x128xi32>
    %get3A_509 = arith.constant 0 : index
    %get3A_510 = arith.constant 14 : index
    %get3A_511 = arith.constant 0 : index
    %get3A_512 = vector.load %arg2[%get3A_509, %get3A_510, %get3A_511] : memref<1x40x128xf32, #tpu.memory_space<vmem>>, vector<1x1x128xf32>
    %get3A_513 = vector.shape_cast %get3A_512 : vector<1x1x128xf32> to vector<128xf32>
    %broadcast_in_dim3A_514 = vector.shape_cast %get3A_513 : vector<128xf32> to vector<1x128xf32>
    %mul3A_515 = vector.broadcast %broadcast_in_dim3A_514 : vector<1x128xf32> to vector<64x128xf32>
    %mul3A_516 = arith.mulf %get3A_493, %mul3A_515 : vector<64x128xf32>
    %mul3A_517 = vector.broadcast %broadcast_in_dim3A_514 : vector<1x128xf32> to vector<64x128xf32>
    %mul3A_518 = arith.mulf %convert_element_type3A_5, %mul3A_517 : vector<64x128xf32>
    %concatenate3A_519 = tpu.concatenate %mul3A_516, %mul3A_518 in 0 : vector<64x128xf32>, vector<64x128xf32> -> vector<128x128xf32>
    %transpose3A_520 = tpu.transpose %concatenate3A_519, [1, 0] : vector<128x128xf32> -> vector<128x128xf32>
    %swap3A_521 = arith.constant 1792 : index
    %swap3A_522 = arith.constant 0 : index
    %swap3A_523 = vector.load %arg6[%swap3A_521, %swap3A_522] : memref<5120x128xf32, #tpu.memory_space<vmem>>, vector<128x128xf32>
    tpu.vector_store %arg6[%swap3A_521, %swap3A_522], %transpose3A_520 {strides = array<i32>} : memref<5120x128xf32, #tpu.memory_space<vmem>>, vector<128x128xf32>,
    %get3A_524 = arith.constant 15 : index
    %get3A_525 = arith.constant 0 : index
    %get3A_526 = arith.constant 0 : index
    %get3A_527 = vector.load %arg1[%get3A_524, %get3A_525, %get3A_526] : memref<40x64x128xf32, #tpu.memory_space<vmem>>, vector<1x64x128xf32>
    %get3A_528 = vector.shape_cast %get3A_527 : vector<1x64x128xf32> to vector<64x128xf32>
    %dot_general3A_529 = arith.constant dense<0.000000e+00> : vector<1024x128xf32>
    %dot_general3A_530 = tpu.matmul %get3A_1, %get3A_528, %dot_general3A_529 {dimension_numbers = #tpu.dot_dimension_numbers<[1], [0], [0], [1], [0, 0, 1, 1], [], []>, transpose_lhs_hint = false} : vector<1024x64xf32>, vector<64x128xf32>, vector<1024x128xf32> -> vector<1024x128xf32>
    %mul3A_531 = arith.mulf %get3A_528, %get3A_528 : vector<64x128xf32>
    %reduce_sum3A_532 = arith.constant dense<0.000000e+00> : vector<128xf32>
    %reduce_sum3A_533 = vector.multi_reduction <add>, %mul3A_531, %reduce_sum3A_532 [0] : vector<64x128xf32> to vector<128xf32>
    %broadcast_in_dim3A_534 = vector.shape_cast %reduce_sum3A_533 : vector<128xf32> to vector<1x128xf32>
    %mul3A_535 = arith.constant 2.000000e+00 : f32
    %mul3A_536 = vector.broadcast %mul3A_535 : f32 to vector<1024x128xf32>
    %mul3A_537 = arith.mulf %mul3A_536, %dot_general3A_530 : vector<1024x128xf32>
    %sub3A_538 = vector.broadcast %broadcast_in_dim3A_534 : vector<1x128xf32> to vector<1024x128xf32>
    %sub3A_539 = arith.subf %sub3A_538, %mul3A_537 : vector<1024x128xf32>
    %add3A_540 = vector.broadcast %broadcast_in_dim3A : vector<1024x1xf32> to vector<1024x128xf32>
    %add3A_541 = arith.addf %sub3A_539, %add3A_540 : vector<1024x128xf32>
    %argmin3A_542 = tpu.reduce_index %add3A_541 {axis = 0 : i32, kind = #tpu.reduction_kind<arg_min>} : vector<1024x128xf32> -> vector<128xi32>
    %broadcast_in_dim3A_543 = vector.shape_cast %argmin3A_542 : vector<128xi32> to vector<1x128xi32>
    %get3A_544 = arith.constant 0 : index
    %get3A_545 = arith.constant 15 : index
    %get3A_546 = arith.constant 0 : index
    %get3A_547 = vector.load %arg2[%get3A_544, %get3A_545, %get3A_546] : memref<1x40x128xf32, #tpu.memory_space<vmem>>, vector<1x1x128xf32>
    %get3A_548 = vector.shape_cast %get3A_547 : vector<1x1x128xf32> to vector<128xf32>
    %broadcast_in_dim3A_549 = vector.shape_cast %get3A_548 : vector<128xf32> to vector<1x128xf32>
    %mul3A_550 = vector.broadcast %broadcast_in_dim3A_549 : vector<1x128xf32> to vector<64x128xf32>
    %mul3A_551 = arith.mulf %get3A_528, %mul3A_550 : vector<64x128xf32>
    %mul3A_552 = vector.broadcast %broadcast_in_dim3A_549 : vector<1x128xf32> to vector<64x128xf32>
    %mul3A_553 = arith.mulf %convert_element_type3A_5, %mul3A_552 : vector<64x128xf32>
    %concatenate3A_554 = tpu.concatenate %mul3A_551, %mul3A_553 in 0 : vector<64x128xf32>, vector<64x128xf32> -> vector<128x128xf32>
    %transpose3A_555 = tpu.transpose %concatenate3A_554, [1, 0] : vector<128x128xf32> -> vector<128x128xf32>
    %swap3A_556 = arith.constant 1920 : index
    %swap3A_557 = arith.constant 0 : index
    %swap3A_558 = vector.load %arg6[%swap3A_556, %swap3A_557] : memref<5120x128xf32, #tpu.memory_space<vmem>>, vector<128x128xf32>
    tpu.vector_store %arg6[%swap3A_556, %swap3A_557], %transpose3A_555 {strides = array<i32>} : memref<5120x128xf32, #tpu.memory_space<vmem>>, vector<128x128xf32>,
    %get3A_559 = arith.constant 16 : index
    %get3A_560 = arith.constant 0 : index
    %get3A_561 = arith.constant 0 : index
    %get3A_562 = vector.load %arg1[%get3A_559, %get3A_560, %get3A_561] : memref<40x64x128xf32, #tpu.memory_space<vmem>>, vector<1x64x128xf32>
    %get3A_563 = vector.shape_cast %get3A_562 : vector<1x64x128xf32> to vector<64x128xf32>
    %dot_general3A_564 = arith.constant dense<0.000000e+00> : vector<1024x128xf32>
    %dot_general3A_565 = tpu.matmul %get3A_1, %get3A_563, %dot_general3A_564 {dimension_numbers = #tpu.dot_dimension_numbers<[1], [0], [0], [1], [0, 0, 1, 1], [], []>, transpose_lhs_hint = false} : vector<1024x64xf32>, vector<64x128xf32>, vector<1024x128xf32> -> vector<1024x128xf32>
    %mul3A_566 = arith.mulf %get3A_563, %get3A_563 : vector<64x128xf32>
    %reduce_sum3A_567 = arith.constant dense<0.000000e+00> : vector<128xf32>
    %reduce_sum3A_568 = vector.multi_reduction <add>, %mul3A_566, %reduce_sum3A_567 [0] : vector<64x128xf32> to vector<128xf32>
    %broadcast_in_dim3A_569 = vector.shape_cast %reduce_sum3A_568 : vector<128xf32> to vector<1x128xf32>
    %mul3A_570 = arith.constant 2.000000e+00 : f32
    %mul3A_571 = vector.broadcast %mul3A_570 : f32 to vector<1024x128xf32>
    %mul3A_572 = arith.mulf %mul3A_571, %dot_general3A_565 : vector<1024x128xf32>
    %sub3A_573 = vector.broadcast %broadcast_in_dim3A_569 : vector<1x128xf32> to vector<1024x128xf32>
    %sub3A_574 = arith.subf %sub3A_573, %mul3A_572 : vector<1024x128xf32>
    %add3A_575 = vector.broadcast %broadcast_in_dim3A : vector<1024x1xf32> to vector<1024x128xf32>
    %add3A_576 = arith.addf %sub3A_574, %add3A_575 : vector<1024x128xf32>
    %argmin3A_577 = tpu.reduce_index %add3A_576 {axis = 0 : i32, kind = #tpu.reduction_kind<arg_min>} : vector<1024x128xf32> -> vector<128xi32>
    %broadcast_in_dim3A_578 = vector.shape_cast %argmin3A_577 : vector<128xi32> to vector<1x128xi32>
    %get3A_579 = arith.constant 0 : index
    %get3A_580 = arith.constant 16 : index
    %get3A_581 = arith.constant 0 : index
    %get3A_582 = vector.load %arg2[%get3A_579, %get3A_580, %get3A_581] : memref<1x40x128xf32, #tpu.memory_space<vmem>>, vector<1x1x128xf32>
    %get3A_583 = vector.shape_cast %get3A_582 : vector<1x1x128xf32> to vector<128xf32>
    %broadcast_in_dim3A_584 = vector.shape_cast %get3A_583 : vector<128xf32> to vector<1x128xf32>
    %mul3A_585 = vector.broadcast %broadcast_in_dim3A_584 : vector<1x128xf32> to vector<64x128xf32>
    %mul3A_586 = arith.mulf %get3A_563, %mul3A_585 : vector<64x128xf32>
    %mul3A_587 = vector.broadcast %broadcast_in_dim3A_584 : vector<1x128xf32> to vector<64x128xf32>
    %mul3A_588 = arith.mulf %convert_element_type3A_5, %mul3A_587 : vector<64x128xf32>
    %concatenate3A_589 = tpu.concatenate %mul3A_586, %mul3A_588 in 0 : vector<64x128xf32>, vector<64x128xf32> -> vector<128x128xf32>
    %transpose3A_590 = tpu.transpose %concatenate3A_589, [1, 0] : vector<128x128xf32> -> vector<128x128xf32>
    %swap3A_591 = arith.constant 2048 : index
    %swap3A_592 = arith.constant 0 : index
    %swap3A_593 = vector.load %arg6[%swap3A_591, %swap3A_592] : memref<5120x128xf32, #tpu.memory_space<vmem>>, vector<128x128xf32>
    tpu.vector_store %arg6[%swap3A_591, %swap3A_592], %transpose3A_590 {strides = array<i32>} : memref<5120x128xf32, #tpu.memory_space<vmem>>, vector<128x128xf32>,
    %get3A_594 = arith.constant 17 : index
    %get3A_595 = arith.constant 0 : index
    %get3A_596 = arith.constant 0 : index
    %get3A_597 = vector.load %arg1[%get3A_594, %get3A_595, %get3A_596] : memref<40x64x128xf32, #tpu.memory_space<vmem>>, vector<1x64x128xf32>
    %get3A_598 = vector.shape_cast %get3A_597 : vector<1x64x128xf32> to vector<64x128xf32>
    %dot_general3A_599 = arith.constant dense<0.000000e+00> : vector<1024x128xf32>
    %dot_general3A_600 = tpu.matmul %get3A_1, %get3A_598, %dot_general3A_599 {dimension_numbers = #tpu.dot_dimension_numbers<[1], [0], [0], [1], [0, 0, 1, 1], [], []>, transpose_lhs_hint = false} : vector<1024x64xf32>, vector<64x128xf32>, vector<1024x128xf32> -> vector<1024x128xf32>
    %mul3A_601 = arith.mulf %get3A_598, %get3A_598 : vector<64x128xf32>
    %reduce_sum3A_602 = arith.constant dense<0.000000e+00> : vector<128xf32>
    %reduce_sum3A_603 = vector.multi_reduction <add>, %mul3A_601, %reduce_sum3A_602 [0] : vector<64x128xf32> to vector<128xf32>
    %broadcast_in_dim3A_604 = vector.shape_cast %reduce_sum3A_603 : vector<128xf32> to vector<1x128xf32>
    %mul3A_605 = arith.constant 2.000000e+00 : f32
    %mul3A_606 = vector.broadcast %mul3A_605 : f32 to vector<1024x128xf32>
    %mul3A_607 = arith.mulf %mul3A_606, %dot_general3A_600 : vector<1024x128xf32>
    %sub3A_608 = vector.broadcast %broadcast_in_dim3A_604 : vector<1x128xf32> to vector<1024x128xf32>
    %sub3A_609 = arith.subf %sub3A_608, %mul3A_607 : vector<1024x128xf32>
    %add3A_610 = vector.broadcast %broadcast_in_dim3A : vector<1024x1xf32> to vector<1024x128xf32>
    %add3A_611 = arith.addf %sub3A_609, %add3A_610 : vector<1024x128xf32>
    %argmin3A_612 = tpu.reduce_index %add3A_611 {axis = 0 : i32, kind = #tpu.reduction_kind<arg_min>} : vector<1024x128xf32> -> vector<128xi32>
    %broadcast_in_dim3A_613 = vector.shape_cast %argmin3A_612 : vector<128xi32> to vector<1x128xi32>
    %get3A_614 = arith.constant 0 : index
    %get3A_615 = arith.constant 17 : index
    %get3A_616 = arith.constant 0 : index
    %get3A_617 = vector.load %arg2[%get3A_614, %get3A_615, %get3A_616] : memref<1x40x128xf32, #tpu.memory_space<vmem>>, vector<1x1x128xf32>
    %get3A_618 = vector.shape_cast %get3A_617 : vector<1x1x128xf32> to vector<128xf32>
    %broadcast_in_dim3A_619 = vector.shape_cast %get3A_618 : vector<128xf32> to vector<1x128xf32>
    %mul3A_620 = vector.broadcast %broadcast_in_dim3A_619 : vector<1x128xf32> to vector<64x128xf32>
    %mul3A_621 = arith.mulf %get3A_598, %mul3A_620 : vector<64x128xf32>
    %mul3A_622 = vector.broadcast %broadcast_in_dim3A_619 : vector<1x128xf32> to vector<64x128xf32>
    %mul3A_623 = arith.mulf %convert_element_type3A_5, %mul3A_622 : vector<64x128xf32>
    %concatenate3A_624 = tpu.concatenate %mul3A_621, %mul3A_623 in 0 : vector<64x128xf32>, vector<64x128xf32> -> vector<128x128xf32>
    %transpose3A_625 = tpu.transpose %concatenate3A_624, [1, 0] : vector<128x128xf32> -> vector<128x128xf32>
    %swap3A_626 = arith.constant 2176 : index
    %swap3A_627 = arith.constant 0 : index
    %swap3A_628 = vector.load %arg6[%swap3A_626, %swap3A_627] : memref<5120x128xf32, #tpu.memory_space<vmem>>, vector<128x128xf32>
    tpu.vector_store %arg6[%swap3A_626, %swap3A_627], %transpose3A_625 {strides = array<i32>} : memref<5120x128xf32, #tpu.memory_space<vmem>>, vector<128x128xf32>,
    %get3A_629 = arith.constant 18 : index
    %get3A_630 = arith.constant 0 : index
    %get3A_631 = arith.constant 0 : index
    %get3A_632 = vector.load %arg1[%get3A_629, %get3A_630, %get3A_631] : memref<40x64x128xf32, #tpu.memory_space<vmem>>, vector<1x64x128xf32>
    %get3A_633 = vector.shape_cast %get3A_632 : vector<1x64x128xf32> to vector<64x128xf32>
    %dot_general3A_634 = arith.constant dense<0.000000e+00> : vector<1024x128xf32>
    %dot_general3A_635 = tpu.matmul %get3A_1, %get3A_633, %dot_general3A_634 {dimension_numbers = #tpu.dot_dimension_numbers<[1], [0], [0], [1], [0, 0, 1, 1], [], []>, transpose_lhs_hint = false} : vector<1024x64xf32>, vector<64x128xf32>, vector<1024x128xf32> -> vector<1024x128xf32>
    %mul3A_636 = arith.mulf %get3A_633, %get3A_633 : vector<64x128xf32>
    %reduce_sum3A_637 = arith.constant dense<0.000000e+00> : vector<128xf32>
    %reduce_sum3A_638 = vector.multi_reduction <add>, %mul3A_636, %reduce_sum3A_637 [0] : vector<64x128xf32> to vector<128xf32>
    %broadcast_in_dim3A_639 = vector.shape_cast %reduce_sum3A_638 : vector<128xf32> to vector<1x128xf32>
    %mul3A_640 = arith.constant 2.000000e+00 : f32
    %mul3A_641 = vector.broadcast %mul3A_640 : f32 to vector<1024x128xf32>
    %mul3A_642 = arith.mulf %mul3A_641, %dot_general3A_635 : vector<1024x128xf32>
    %sub3A_643 = vector.broadcast %broadcast_in_dim3A_639 : vector<1x128xf32> to vector<1024x128xf32>
    %sub3A_644 = arith.subf %sub3A_643, %mul3A_642 : vector<1024x128xf32>
    %add3A_645 = vector.broadcast %broadcast_in_dim3A : vector<1024x1xf32> to vector<1024x128xf32>
    %add3A_646 = arith.addf %sub3A_644, %add3A_645 : vector<1024x128xf32>
    %argmin3A_647 = tpu.reduce_index %add3A_646 {axis = 0 : i32, kind = #tpu.reduction_kind<arg_min>} : vector<1024x128xf32> -> vector<128xi32>
    %broadcast_in_dim3A_648 = vector.shape_cast %argmin3A_647 : vector<128xi32> to vector<1x128xi32>
    %get3A_649 = arith.constant 0 : index
    %get3A_650 = arith.constant 18 : index
    %get3A_651 = arith.constant 0 : index
    %get3A_652 = vector.load %arg2[%get3A_649, %get3A_650, %get3A_651] : memref<1x40x128xf32, #tpu.memory_space<vmem>>, vector<1x1x128xf32>
    %get3A_653 = vector.shape_cast %get3A_652 : vector<1x1x128xf32> to vector<128xf32>
    %broadcast_in_dim3A_654 = vector.shape_cast %get3A_653 : vector<128xf32> to vector<1x128xf32>
    %mul3A_655 = vector.broadcast %broadcast_in_dim3A_654 : vector<1x128xf32> to vector<64x128xf32>
    %mul3A_656 = arith.mulf %get3A_633, %mul3A_655 : vector<64x128xf32>
    %mul3A_657 = vector.broadcast %broadcast_in_dim3A_654 : vector<1x128xf32> to vector<64x128xf32>
    %mul3A_658 = arith.mulf %convert_element_type3A_5, %mul3A_657 : vector<64x128xf32>
    %concatenate3A_659 = tpu.concatenate %mul3A_656, %mul3A_658 in 0 : vector<64x128xf32>, vector<64x128xf32> -> vector<128x128xf32>
    %transpose3A_660 = tpu.transpose %concatenate3A_659, [1, 0] : vector<128x128xf32> -> vector<128x128xf32>
    %swap3A_661 = arith.constant 2304 : index
    %swap3A_662 = arith.constant 0 : index
    %swap3A_663 = vector.load %arg6[%swap3A_661, %swap3A_662] : memref<5120x128xf32, #tpu.memory_space<vmem>>, vector<128x128xf32>
    tpu.vector_store %arg6[%swap3A_661, %swap3A_662], %transpose3A_660 {strides = array<i32>} : memref<5120x128xf32, #tpu.memory_space<vmem>>, vector<128x128xf32>,
    %get3A_664 = arith.constant 19 : index
    %get3A_665 = arith.constant 0 : index
    %get3A_666 = arith.constant 0 : index
    %get3A_667 = vector.load %arg1[%get3A_664, %get3A_665, %get3A_666] : memref<40x64x128xf32, #tpu.memory_space<vmem>>, vector<1x64x128xf32>
    %get3A_668 = vector.shape_cast %get3A_667 : vector<1x64x128xf32> to vector<64x128xf32>
    %dot_general3A_669 = arith.constant dense<0.000000e+00> : vector<1024x128xf32>
    %dot_general3A_670 = tpu.matmul %get3A_1, %get3A_668, %dot_general3A_669 {dimension_numbers = #tpu.dot_dimension_numbers<[1], [0], [0], [1], [0, 0, 1, 1], [], []>, transpose_lhs_hint = false} : vector<1024x64xf32>, vector<64x128xf32>, vector<1024x128xf32> -> vector<1024x128xf32>
    %mul3A_671 = arith.mulf %get3A_668, %get3A_668 : vector<64x128xf32>
    %reduce_sum3A_672 = arith.constant dense<0.000000e+00> : vector<128xf32>
    %reduce_sum3A_673 = vector.multi_reduction <add>, %mul3A_671, %reduce_sum3A_672 [0] : vector<64x128xf32> to vector<128xf32>
    %broadcast_in_dim3A_674 = vector.shape_cast %reduce_sum3A_673 : vector<128xf32> to vector<1x128xf32>
    %mul3A_675 = arith.constant 2.000000e+00 : f32
    %mul3A_676 = vector.broadcast %mul3A_675 : f32 to vector<1024x128xf32>
    %mul3A_677 = arith.mulf %mul3A_676, %dot_general3A_670 : vector<1024x128xf32>
    %sub3A_678 = vector.broadcast %broadcast_in_dim3A_674 : vector<1x128xf32> to vector<1024x128xf32>
    %sub3A_679 = arith.subf %sub3A_678, %mul3A_677 : vector<1024x128xf32>
    %add3A_680 = vector.broadcast %broadcast_in_dim3A : vector<1024x1xf32> to vector<1024x128xf32>
    %add3A_681 = arith.addf %sub3A_679, %add3A_680 : vector<1024x128xf32>
    %argmin3A_682 = tpu.reduce_index %add3A_681 {axis = 0 : i32, kind = #tpu.reduction_kind<arg_min>} : vector<1024x128xf32> -> vector<128xi32>
    %broadcast_in_dim3A_683 = vector.shape_cast %argmin3A_682 : vector<128xi32> to vector<1x128xi32>
    %get3A_684 = arith.constant 0 : index
    %get3A_685 = arith.constant 19 : index
    %get3A_686 = arith.constant 0 : index
    %get3A_687 = vector.load %arg2[%get3A_684, %get3A_685, %get3A_686] : memref<1x40x128xf32, #tpu.memory_space<vmem>>, vector<1x1x128xf32>
    %get3A_688 = vector.shape_cast %get3A_687 : vector<1x1x128xf32> to vector<128xf32>
    %broadcast_in_dim3A_689 = vector.shape_cast %get3A_688 : vector<128xf32> to vector<1x128xf32>
    %mul3A_690 = vector.broadcast %broadcast_in_dim3A_689 : vector<1x128xf32> to vector<64x128xf32>
    %mul3A_691 = arith.mulf %get3A_668, %mul3A_690 : vector<64x128xf32>
    %mul3A_692 = vector.broadcast %broadcast_in_dim3A_689 : vector<1x128xf32> to vector<64x128xf32>
    %mul3A_693 = arith.mulf %convert_element_type3A_5, %mul3A_692 : vector<64x128xf32>
    %concatenate3A_694 = tpu.concatenate %mul3A_691, %mul3A_693 in 0 : vector<64x128xf32>, vector<64x128xf32> -> vector<128x128xf32>
    %transpose3A_695 = tpu.transpose %concatenate3A_694, [1, 0] : vector<128x128xf32> -> vector<128x128xf32>
    %swap3A_696 = arith.constant 2432 : index
    %swap3A_697 = arith.constant 0 : index
    %swap3A_698 = vector.load %arg6[%swap3A_696, %swap3A_697] : memref<5120x128xf32, #tpu.memory_space<vmem>>, vector<128x128xf32>
    tpu.vector_store %arg6[%swap3A_696, %swap3A_697], %transpose3A_695 {strides = array<i32>} : memref<5120x128xf32, #tpu.memory_space<vmem>>, vector<128x128xf32>,
    %get3A_699 = arith.constant 20 : index
    %get3A_700 = arith.constant 0 : index
    %get3A_701 = arith.constant 0 : index
    %get3A_702 = vector.load %arg1[%get3A_699, %get3A_700, %get3A_701] : memref<40x64x128xf32, #tpu.memory_space<vmem>>, vector<1x64x128xf32>
    %get3A_703 = vector.shape_cast %get3A_702 : vector<1x64x128xf32> to vector<64x128xf32>
    %dot_general3A_704 = arith.constant dense<0.000000e+00> : vector<1024x128xf32>
    %dot_general3A_705 = tpu.matmul %get3A_1, %get3A_703, %dot_general3A_704 {dimension_numbers = #tpu.dot_dimension_numbers<[1], [0], [0], [1], [0, 0, 1, 1], [], []>, transpose_lhs_hint = false} : vector<1024x64xf32>, vector<64x128xf32>, vector<1024x128xf32> -> vector<1024x128xf32>
    %mul3A_706 = arith.mulf %get3A_703, %get3A_703 : vector<64x128xf32>
    %reduce_sum3A_707 = arith.constant dense<0.000000e+00> : vector<128xf32>
    %reduce_sum3A_708 = vector.multi_reduction <add>, %mul3A_706, %reduce_sum3A_707 [0] : vector<64x128xf32> to vector<128xf32>
    %broadcast_in_dim3A_709 = vector.shape_cast %reduce_sum3A_708 : vector<128xf32> to vector<1x128xf32>
    %mul3A_710 = arith.constant 2.000000e+00 : f32
    %mul3A_711 = vector.broadcast %mul3A_710 : f32 to vector<1024x128xf32>
    %mul3A_712 = arith.mulf %mul3A_711, %dot_general3A_705 : vector<1024x128xf32>
    %sub3A_713 = vector.broadcast %broadcast_in_dim3A_709 : vector<1x128xf32> to vector<1024x128xf32>
    %sub3A_714 = arith.subf %sub3A_713, %mul3A_712 : vector<1024x128xf32>
    %add3A_715 = vector.broadcast %broadcast_in_dim3A : vector<1024x1xf32> to vector<1024x128xf32>
    %add3A_716 = arith.addf %sub3A_714, %add3A_715 : vector<1024x128xf32>
    %argmin3A_717 = tpu.reduce_index %add3A_716 {axis = 0 : i32, kind = #tpu.reduction_kind<arg_min>} : vector<1024x128xf32> -> vector<128xi32>
    %broadcast_in_dim3A_718 = vector.shape_cast %argmin3A_717 : vector<128xi32> to vector<1x128xi32>
    %get3A_719 = arith.constant 0 : index
    %get3A_720 = arith.constant 20 : index
    %get3A_721 = arith.constant 0 : index
    %get3A_722 = vector.load %arg2[%get3A_719, %get3A_720, %get3A_721] : memref<1x40x128xf32, #tpu.memory_space<vmem>>, vector<1x1x128xf32>
    %get3A_723 = vector.shape_cast %get3A_722 : vector<1x1x128xf32> to vector<128xf32>
    %broadcast_in_dim3A_724 = vector.shape_cast %get3A_723 : vector<128xf32> to vector<1x128xf32>
    %mul3A_725 = vector.broadcast %broadcast_in_dim3A_724 : vector<1x128xf32> to vector<64x128xf32>
    %mul3A_726 = arith.mulf %get3A_703, %mul3A_725 : vector<64x128xf32>
    %mul3A_727 = vector.broadcast %broadcast_in_dim3A_724 : vector<1x128xf32> to vector<64x128xf32>
    %mul3A_728 = arith.mulf %convert_element_type3A_5, %mul3A_727 : vector<64x128xf32>
    %concatenate3A_729 = tpu.concatenate %mul3A_726, %mul3A_728 in 0 : vector<64x128xf32>, vector<64x128xf32> -> vector<128x128xf32>
    %transpose3A_730 = tpu.transpose %concatenate3A_729, [1, 0] : vector<128x128xf32> -> vector<128x128xf32>
    %swap3A_731 = arith.constant 2560 : index
    %swap3A_732 = arith.constant 0 : index
    %swap3A_733 = vector.load %arg6[%swap3A_731, %swap3A_732] : memref<5120x128xf32, #tpu.memory_space<vmem>>, vector<128x128xf32>
    tpu.vector_store %arg6[%swap3A_731, %swap3A_732], %transpose3A_730 {strides = array<i32>} : memref<5120x128xf32, #tpu.memory_space<vmem>>, vector<128x128xf32>,
    %get3A_734 = arith.constant 21 : index
    %get3A_735 = arith.constant 0 : index
    %get3A_736 = arith.constant 0 : index
    %get3A_737 = vector.load %arg1[%get3A_734, %get3A_735, %get3A_736] : memref<40x64x128xf32, #tpu.memory_space<vmem>>, vector<1x64x128xf32>
    %get3A_738 = vector.shape_cast %get3A_737 : vector<1x64x128xf32> to vector<64x128xf32>
    %dot_general3A_739 = arith.constant dense<0.000000e+00> : vector<1024x128xf32>
    %dot_general3A_740 = tpu.matmul %get3A_1, %get3A_738, %dot_general3A_739 {dimension_numbers = #tpu.dot_dimension_numbers<[1], [0], [0], [1], [0, 0, 1, 1], [], []>, transpose_lhs_hint = false} : vector<1024x64xf32>, vector<64x128xf32>, vector<1024x128xf32> -> vector<1024x128xf32>
    %mul3A_741 = arith.mulf %get3A_738, %get3A_738 : vector<64x128xf32>
    %reduce_sum3A_742 = arith.constant dense<0.000000e+00> : vector<128xf32>
    %reduce_sum3A_743 = vector.multi_reduction <add>, %mul3A_741, %reduce_sum3A_742 [0] : vector<64x128xf32> to vector<128xf32>
    %broadcast_in_dim3A_744 = vector.shape_cast %reduce_sum3A_743 : vector<128xf32> to vector<1x128xf32>
    %mul3A_745 = arith.constant 2.000000e+00 : f32
    %mul3A_746 = vector.broadcast %mul3A_745 : f32 to vector<1024x128xf32>
    %mul3A_747 = arith.mulf %mul3A_746, %dot_general3A_740 : vector<1024x128xf32>
    %sub3A_748 = vector.broadcast %broadcast_in_dim3A_744 : vector<1x128xf32> to vector<1024x128xf32>
    %sub3A_749 = arith.subf %sub3A_748, %mul3A_747 : vector<1024x128xf32>
    %add3A_750 = vector.broadcast %broadcast_in_dim3A : vector<1024x1xf32> to vector<1024x128xf32>
    %add3A_751 = arith.addf %sub3A_749, %add3A_750 : vector<1024x128xf32>
    %argmin3A_752 = tpu.reduce_index %add3A_751 {axis = 0 : i32, kind = #tpu.reduction_kind<arg_min>} : vector<1024x128xf32> -> vector<128xi32>
    %broadcast_in_dim3A_753 = vector.shape_cast %argmin3A_752 : vector<128xi32> to vector<1x128xi32>
    %get3A_754 = arith.constant 0 : index
    %get3A_755 = arith.constant 21 : index
    %get3A_756 = arith.constant 0 : index
    %get3A_757 = vector.load %arg2[%get3A_754, %get3A_755, %get3A_756] : memref<1x40x128xf32, #tpu.memory_space<vmem>>, vector<1x1x128xf32>
    %get3A_758 = vector.shape_cast %get3A_757 : vector<1x1x128xf32> to vector<128xf32>
    %broadcast_in_dim3A_759 = vector.shape_cast %get3A_758 : vector<128xf32> to vector<1x128xf32>
    %mul3A_760 = vector.broadcast %broadcast_in_dim3A_759 : vector<1x128xf32> to vector<64x128xf32>
    %mul3A_761 = arith.mulf %get3A_738, %mul3A_760 : vector<64x128xf32>
    %mul3A_762 = vector.broadcast %broadcast_in_dim3A_759 : vector<1x128xf32> to vector<64x128xf32>
    %mul3A_763 = arith.mulf %convert_element_type3A_5, %mul3A_762 : vector<64x128xf32>
    %concatenate3A_764 = tpu.concatenate %mul3A_761, %mul3A_763 in 0 : vector<64x128xf32>, vector<64x128xf32> -> vector<128x128xf32>
    %transpose3A_765 = tpu.transpose %concatenate3A_764, [1, 0] : vector<128x128xf32> -> vector<128x128xf32>
    %swap3A_766 = arith.constant 2688 : index
    %swap3A_767 = arith.constant 0 : index
    %swap3A_768 = vector.load %arg6[%swap3A_766, %swap3A_767] : memref<5120x128xf32, #tpu.memory_space<vmem>>, vector<128x128xf32>
    tpu.vector_store %arg6[%swap3A_766, %swap3A_767], %transpose3A_765 {strides = array<i32>} : memref<5120x128xf32, #tpu.memory_space<vmem>>, vector<128x128xf32>,
    %get3A_769 = arith.constant 22 : index
    %get3A_770 = arith.constant 0 : index
    %get3A_771 = arith.constant 0 : index
    %get3A_772 = vector.load %arg1[%get3A_769, %get3A_770, %get3A_771] : memref<40x64x128xf32, #tpu.memory_space<vmem>>, vector<1x64x128xf32>
    %get3A_773 = vector.shape_cast %get3A_772 : vector<1x64x128xf32> to vector<64x128xf32>
    %dot_general3A_774 = arith.constant dense<0.000000e+00> : vector<1024x128xf32>
    %dot_general3A_775 = tpu.matmul %get3A_1, %get3A_773, %dot_general3A_774 {dimension_numbers = #tpu.dot_dimension_numbers<[1], [0], [0], [1], [0, 0, 1, 1], [], []>, transpose_lhs_hint = false} : vector<1024x64xf32>, vector<64x128xf32>, vector<1024x128xf32> -> vector<1024x128xf32>
    %mul3A_776 = arith.mulf %get3A_773, %get3A_773 : vector<64x128xf32>
    %reduce_sum3A_777 = arith.constant dense<0.000000e+00> : vector<128xf32>
    %reduce_sum3A_778 = vector.multi_reduction <add>, %mul3A_776, %reduce_sum3A_777 [0] : vector<64x128xf32> to vector<128xf32>
    %broadcast_in_dim3A_779 = vector.shape_cast %reduce_sum3A_778 : vector<128xf32> to vector<1x128xf32>
    %mul3A_780 = arith.constant 2.000000e+00 : f32
    %mul3A_781 = vector.broadcast %mul3A_780 : f32 to vector<1024x128xf32>
    %mul3A_782 = arith.mulf %mul3A_781, %dot_general3A_775 : vector<1024x128xf32>
    %sub3A_783 = vector.broadcast %broadcast_in_dim3A_779 : vector<1x128xf32> to vector<1024x128xf32>
    %sub3A_784 = arith.subf %sub3A_783, %mul3A_782 : vector<1024x128xf32>
    %add3A_785 = vector.broadcast %broadcast_in_dim3A : vector<1024x1xf32> to vector<1024x128xf32>
    %add3A_786 = arith.addf %sub3A_784, %add3A_785 : vector<1024x128xf32>
    %argmin3A_787 = tpu.reduce_index %add3A_786 {axis = 0 : i32, kind = #tpu.reduction_kind<arg_min>} : vector<1024x128xf32> -> vector<128xi32>
    %broadcast_in_dim3A_788 = vector.shape_cast %argmin3A_787 : vector<128xi32> to vector<1x128xi32>
    %get3A_789 = arith.constant 0 : index
    %get3A_790 = arith.constant 22 : index
    %get3A_791 = arith.constant 0 : index
    %get3A_792 = vector.load %arg2[%get3A_789, %get3A_790, %get3A_791] : memref<1x40x128xf32, #tpu.memory_space<vmem>>, vector<1x1x128xf32>
    %get3A_793 = vector.shape_cast %get3A_792 : vector<1x1x128xf32> to vector<128xf32>
    %broadcast_in_dim3A_794 = vector.shape_cast %get3A_793 : vector<128xf32> to vector<1x128xf32>
    %mul3A_795 = vector.broadcast %broadcast_in_dim3A_794 : vector<1x128xf32> to vector<64x128xf32>
    %mul3A_796 = arith.mulf %get3A_773, %mul3A_795 : vector<64x128xf32>
    %mul3A_797 = vector.broadcast %broadcast_in_dim3A_794 : vector<1x128xf32> to vector<64x128xf32>
    %mul3A_798 = arith.mulf %convert_element_type3A_5, %mul3A_797 : vector<64x128xf32>
    %concatenate3A_799 = tpu.concatenate %mul3A_796, %mul3A_798 in 0 : vector<64x128xf32>, vector<64x128xf32> -> vector<128x128xf32>
    %transpose3A_800 = tpu.transpose %concatenate3A_799, [1, 0] : vector<128x128xf32> -> vector<128x128xf32>
    %swap3A_801 = arith.constant 2816 : index
    %swap3A_802 = arith.constant 0 : index
    %swap3A_803 = vector.load %arg6[%swap3A_801, %swap3A_802] : memref<5120x128xf32, #tpu.memory_space<vmem>>, vector<128x128xf32>
    tpu.vector_store %arg6[%swap3A_801, %swap3A_802], %transpose3A_800 {strides = array<i32>} : memref<5120x128xf32, #tpu.memory_space<vmem>>, vector<128x128xf32>,
    %get3A_804 = arith.constant 23 : index
    %get3A_805 = arith.constant 0 : index
    %get3A_806 = arith.constant 0 : index
    %get3A_807 = vector.load %arg1[%get3A_804, %get3A_805, %get3A_806] : memref<40x64x128xf32, #tpu.memory_space<vmem>>, vector<1x64x128xf32>
    %get3A_808 = vector.shape_cast %get3A_807 : vector<1x64x128xf32> to vector<64x128xf32>
    %dot_general3A_809 = arith.constant dense<0.000000e+00> : vector<1024x128xf32>
    %dot_general3A_810 = tpu.matmul %get3A_1, %get3A_808, %dot_general3A_809 {dimension_numbers = #tpu.dot_dimension_numbers<[1], [0], [0], [1], [0, 0, 1, 1], [], []>, transpose_lhs_hint = false} : vector<1024x64xf32>, vector<64x128xf32>, vector<1024x128xf32> -> vector<1024x128xf32>
    %mul3A_811 = arith.mulf %get3A_808, %get3A_808 : vector<64x128xf32>
    %reduce_sum3A_812 = arith.constant dense<0.000000e+00> : vector<128xf32>
    %reduce_sum3A_813 = vector.multi_reduction <add>, %mul3A_811, %reduce_sum3A_812 [0] : vector<64x128xf32> to vector<128xf32>
    %broadcast_in_dim3A_814 = vector.shape_cast %reduce_sum3A_813 : vector<128xf32> to vector<1x128xf32>
    %mul3A_815 = arith.constant 2.000000e+00 : f32
    %mul3A_816 = vector.broadcast %mul3A_815 : f32 to vector<1024x128xf32>
    %mul3A_817 = arith.mulf %mul3A_816, %dot_general3A_810 : vector<1024x128xf32>
    %sub3A_818 = vector.broadcast %broadcast_in_dim3A_814 : vector<1x128xf32> to vector<1024x128xf32>
    %sub3A_819 = arith.subf %sub3A_818, %mul3A_817 : vector<1024x128xf32>
    %add3A_820 = vector.broadcast %broadcast_in_dim3A : vector<1024x1xf32> to vector<1024x128xf32>
    %add3A_821 = arith.addf %sub3A_819, %add3A_820 : vector<1024x128xf32>
    %argmin3A_822 = tpu.reduce_index %add3A_821 {axis = 0 : i32, kind = #tpu.reduction_kind<arg_min>} : vector<1024x128xf32> -> vector<128xi32>
    %broadcast_in_dim3A_823 = vector.shape_cast %argmin3A_822 : vector<128xi32> to vector<1x128xi32>
    %get3A_824 = arith.constant 0 : index
    %get3A_825 = arith.constant 23 : index
    %get3A_826 = arith.constant 0 : index
    %get3A_827 = vector.load %arg2[%get3A_824, %get3A_825, %get3A_826] : memref<1x40x128xf32, #tpu.memory_space<vmem>>, vector<1x1x128xf32>
    %get3A_828 = vector.shape_cast %get3A_827 : vector<1x1x128xf32> to vector<128xf32>
    %broadcast_in_dim3A_829 = vector.shape_cast %get3A_828 : vector<128xf32> to vector<1x128xf32>
    %mul3A_830 = vector.broadcast %broadcast_in_dim3A_829 : vector<1x128xf32> to vector<64x128xf32>
    %mul3A_831 = arith.mulf %get3A_808, %mul3A_830 : vector<64x128xf32>
    %mul3A_832 = vector.broadcast %broadcast_in_dim3A_829 : vector<1x128xf32> to vector<64x128xf32>
    %mul3A_833 = arith.mulf %convert_element_type3A_5, %mul3A_832 : vector<64x128xf32>
    %concatenate3A_834 = tpu.concatenate %mul3A_831, %mul3A_833 in 0 : vector<64x128xf32>, vector<64x128xf32> -> vector<128x128xf32>
    %transpose3A_835 = tpu.transpose %concatenate3A_834, [1, 0] : vector<128x128xf32> -> vector<128x128xf32>
    %swap3A_836 = arith.constant 2944 : index
    %swap3A_837 = arith.constant 0 : index
    %swap3A_838 = vector.load %arg6[%swap3A_836, %swap3A_837] : memref<5120x128xf32, #tpu.memory_space<vmem>>, vector<128x128xf32>
    tpu.vector_store %arg6[%swap3A_836, %swap3A_837], %transpose3A_835 {strides = array<i32>} : memref<5120x128xf32, #tpu.memory_space<vmem>>, vector<128x128xf32>,
    %get3A_839 = arith.constant 24 : index
    %get3A_840 = arith.constant 0 : index
    %get3A_841 = arith.constant 0 : index
    %get3A_842 = vector.load %arg1[%get3A_839, %get3A_840, %get3A_841] : memref<40x64x128xf32, #tpu.memory_space<vmem>>, vector<1x64x128xf32>
    %get3A_843 = vector.shape_cast %get3A_842 : vector<1x64x128xf32> to vector<64x128xf32>
    %dot_general3A_844 = arith.constant dense<0.000000e+00> : vector<1024x128xf32>
    %dot_general3A_845 = tpu.matmul %get3A_1, %get3A_843, %dot_general3A_844 {dimension_numbers = #tpu.dot_dimension_numbers<[1], [0], [0], [1], [0, 0, 1, 1], [], []>, transpose_lhs_hint = false} : vector<1024x64xf32>, vector<64x128xf32>, vector<1024x128xf32> -> vector<1024x128xf32>
    %mul3A_846 = arith.mulf %get3A_843, %get3A_843 : vector<64x128xf32>
    %reduce_sum3A_847 = arith.constant dense<0.000000e+00> : vector<128xf32>
    %reduce_sum3A_848 = vector.multi_reduction <add>, %mul3A_846, %reduce_sum3A_847 [0] : vector<64x128xf32> to vector<128xf32>
    %broadcast_in_dim3A_849 = vector.shape_cast %reduce_sum3A_848 : vector<128xf32> to vector<1x128xf32>
    %mul3A_850 = arith.constant 2.000000e+00 : f32
    %mul3A_851 = vector.broadcast %mul3A_850 : f32 to vector<1024x128xf32>
    %mul3A_852 = arith.mulf %mul3A_851, %dot_general3A_845 : vector<1024x128xf32>
    %sub3A_853 = vector.broadcast %broadcast_in_dim3A_849 : vector<1x128xf32> to vector<1024x128xf32>
    %sub3A_854 = arith.subf %sub3A_853, %mul3A_852 : vector<1024x128xf32>
    %add3A_855 = vector.broadcast %broadcast_in_dim3A : vector<1024x1xf32> to vector<1024x128xf32>
    %add3A_856 = arith.addf %sub3A_854, %add3A_855 : vector<1024x128xf32>
    %argmin3A_857 = tpu.reduce_index %add3A_856 {axis = 0 : i32, kind = #tpu.reduction_kind<arg_min>} : vector<1024x128xf32> -> vector<128xi32>
    %broadcast_in_dim3A_858 = vector.shape_cast %argmin3A_857 : vector<128xi32> to vector<1x128xi32>
    %get3A_859 = arith.constant 0 : index
    %get3A_860 = arith.constant 24 : index
    %get3A_861 = arith.constant 0 : index
    %get3A_862 = vector.load %arg2[%get3A_859, %get3A_860, %get3A_861] : memref<1x40x128xf32, #tpu.memory_space<vmem>>, vector<1x1x128xf32>
    %get3A_863 = vector.shape_cast %get3A_862 : vector<1x1x128xf32> to vector<128xf32>
    %broadcast_in_dim3A_864 = vector.shape_cast %get3A_863 : vector<128xf32> to vector<1x128xf32>
    %mul3A_865 = vector.broadcast %broadcast_in_dim3A_864 : vector<1x128xf32> to vector<64x128xf32>
    %mul3A_866 = arith.mulf %get3A_843, %mul3A_865 : vector<64x128xf32>
    %mul3A_867 = vector.broadcast %broadcast_in_dim3A_864 : vector<1x128xf32> to vector<64x128xf32>
    %mul3A_868 = arith.mulf %convert_element_type3A_5, %mul3A_867 : vector<64x128xf32>
    %concatenate3A_869 = tpu.concatenate %mul3A_866, %mul3A_868 in 0 : vector<64x128xf32>, vector<64x128xf32> -> vector<128x128xf32>
    %transpose3A_870 = tpu.transpose %concatenate3A_869, [1, 0] : vector<128x128xf32> -> vector<128x128xf32>
    %swap3A_871 = arith.constant 3072 : index
    %swap3A_872 = arith.constant 0 : index
    %swap3A_873 = vector.load %arg6[%swap3A_871, %swap3A_872] : memref<5120x128xf32, #tpu.memory_space<vmem>>, vector<128x128xf32>
    tpu.vector_store %arg6[%swap3A_871, %swap3A_872], %transpose3A_870 {strides = array<i32>} : memref<5120x128xf32, #tpu.memory_space<vmem>>, vector<128x128xf32>,
    %get3A_874 = arith.constant 25 : index
    %get3A_875 = arith.constant 0 : index
    %get3A_876 = arith.constant 0 : index
    %get3A_877 = vector.load %arg1[%get3A_874, %get3A_875, %get3A_876] : memref<40x64x128xf32, #tpu.memory_space<vmem>>, vector<1x64x128xf32>
    %get3A_878 = vector.shape_cast %get3A_877 : vector<1x64x128xf32> to vector<64x128xf32>
    %dot_general3A_879 = arith.constant dense<0.000000e+00> : vector<1024x128xf32>
    %dot_general3A_880 = tpu.matmul %get3A_1, %get3A_878, %dot_general3A_879 {dimension_numbers = #tpu.dot_dimension_numbers<[1], [0], [0], [1], [0, 0, 1, 1], [], []>, transpose_lhs_hint = false} : vector<1024x64xf32>, vector<64x128xf32>, vector<1024x128xf32> -> vector<1024x128xf32>
    %mul3A_881 = arith.mulf %get3A_878, %get3A_878 : vector<64x128xf32>
    %reduce_sum3A_882 = arith.constant dense<0.000000e+00> : vector<128xf32>
    %reduce_sum3A_883 = vector.multi_reduction <add>, %mul3A_881, %reduce_sum3A_882 [0] : vector<64x128xf32> to vector<128xf32>
    %broadcast_in_dim3A_884 = vector.shape_cast %reduce_sum3A_883 : vector<128xf32> to vector<1x128xf32>
    %mul3A_885 = arith.constant 2.000000e+00 : f32
    %mul3A_886 = vector.broadcast %mul3A_885 : f32 to vector<1024x128xf32>
    %mul3A_887 = arith.mulf %mul3A_886, %dot_general3A_880 : vector<1024x128xf32>
    %sub3A_888 = vector.broadcast %broadcast_in_dim3A_884 : vector<1x128xf32> to vector<1024x128xf32>
    %sub3A_889 = arith.subf %sub3A_888, %mul3A_887 : vector<1024x128xf32>
    %add3A_890 = vector.broadcast %broadcast_in_dim3A : vector<1024x1xf32> to vector<1024x128xf32>
    %add3A_891 = arith.addf %sub3A_889, %add3A_890 : vector<1024x128xf32>
    %argmin3A_892 = tpu.reduce_index %add3A_891 {axis = 0 : i32, kind = #tpu.reduction_kind<arg_min>} : vector<1024x128xf32> -> vector<128xi32>
    %broadcast_in_dim3A_893 = vector.shape_cast %argmin3A_892 : vector<128xi32> to vector<1x128xi32>
    %get3A_894 = arith.constant 0 : index
    %get3A_895 = arith.constant 25 : index
    %get3A_896 = arith.constant 0 : index
    %get3A_897 = vector.load %arg2[%get3A_894, %get3A_895, %get3A_896] : memref<1x40x128xf32, #tpu.memory_space<vmem>>, vector<1x1x128xf32>
    %get3A_898 = vector.shape_cast %get3A_897 : vector<1x1x128xf32> to vector<128xf32>
    %broadcast_in_dim3A_899 = vector.shape_cast %get3A_898 : vector<128xf32> to vector<1x128xf32>
    %mul3A_900 = vector.broadcast %broadcast_in_dim3A_899 : vector<1x128xf32> to vector<64x128xf32>
    %mul3A_901 = arith.mulf %get3A_878, %mul3A_900 : vector<64x128xf32>
    %mul3A_902 = vector.broadcast %broadcast_in_dim3A_899 : vector<1x128xf32> to vector<64x128xf32>
    %mul3A_903 = arith.mulf %convert_element_type3A_5, %mul3A_902 : vector<64x128xf32>
    %concatenate3A_904 = tpu.concatenate %mul3A_901, %mul3A_903 in 0 : vector<64x128xf32>, vector<64x128xf32> -> vector<128x128xf32>
    %transpose3A_905 = tpu.transpose %concatenate3A_904, [1, 0] : vector<128x128xf32> -> vector<128x128xf32>
    %swap3A_906 = arith.constant 3200 : index
    %swap3A_907 = arith.constant 0 : index
    %swap3A_908 = vector.load %arg6[%swap3A_906, %swap3A_907] : memref<5120x128xf32, #tpu.memory_space<vmem>>, vector<128x128xf32>
    tpu.vector_store %arg6[%swap3A_906, %swap3A_907], %transpose3A_905 {strides = array<i32>} : memref<5120x128xf32, #tpu.memory_space<vmem>>, vector<128x128xf32>,
    %get3A_909 = arith.constant 26 : index
    %get3A_910 = arith.constant 0 : index
    %get3A_911 = arith.constant 0 : index
    %get3A_912 = vector.load %arg1[%get3A_909, %get3A_910, %get3A_911] : memref<40x64x128xf32, #tpu.memory_space<vmem>>, vector<1x64x128xf32>
    %get3A_913 = vector.shape_cast %get3A_912 : vector<1x64x128xf32> to vector<64x128xf32>
    %dot_general3A_914 = arith.constant dense<0.000000e+00> : vector<1024x128xf32>
    %dot_general3A_915 = tpu.matmul %get3A_1, %get3A_913, %dot_general3A_914 {dimension_numbers = #tpu.dot_dimension_numbers<[1], [0], [0], [1], [0, 0, 1, 1], [], []>, transpose_lhs_hint = false} : vector<1024x64xf32>, vector<64x128xf32>, vector<1024x128xf32> -> vector<1024x128xf32>
    %mul3A_916 = arith.mulf %get3A_913, %get3A_913 : vector<64x128xf32>
    %reduce_sum3A_917 = arith.constant dense<0.000000e+00> : vector<128xf32>
    %reduce_sum3A_918 = vector.multi_reduction <add>, %mul3A_916, %reduce_sum3A_917 [0] : vector<64x128xf32> to vector<128xf32>
    %broadcast_in_dim3A_919 = vector.shape_cast %reduce_sum3A_918 : vector<128xf32> to vector<1x128xf32>
    %mul3A_920 = arith.constant 2.000000e+00 : f32
    %mul3A_921 = vector.broadcast %mul3A_920 : f32 to vector<1024x128xf32>
    %mul3A_922 = arith.mulf %mul3A_921, %dot_general3A_915 : vector<1024x128xf32>
    %sub3A_923 = vector.broadcast %broadcast_in_dim3A_919 : vector<1x128xf32> to vector<1024x128xf32>
    %sub3A_924 = arith.subf %sub3A_923, %mul3A_922 : vector<1024x128xf32>
    %add3A_925 = vector.broadcast %broadcast_in_dim3A : vector<1024x1xf32> to vector<1024x128xf32>
    %add3A_926 = arith.addf %sub3A_924, %add3A_925 : vector<1024x128xf32>
    %argmin3A_927 = tpu.reduce_index %add3A_926 {axis = 0 : i32, kind = #tpu.reduction_kind<arg_min>} : vector<1024x128xf32> -> vector<128xi32>
    %broadcast_in_dim3A_928 = vector.shape_cast %argmin3A_927 : vector<128xi32> to vector<1x128xi32>
    %get3A_929 = arith.constant 0 : index
    %get3A_930 = arith.constant 26 : index
    %get3A_931 = arith.constant 0 : index
    %get3A_932 = vector.load %arg2[%get3A_929, %get3A_930, %get3A_931] : memref<1x40x128xf32, #tpu.memory_space<vmem>>, vector<1x1x128xf32>
    %get3A_933 = vector.shape_cast %get3A_932 : vector<1x1x128xf32> to vector<128xf32>
    %broadcast_in_dim3A_934 = vector.shape_cast %get3A_933 : vector<128xf32> to vector<1x128xf32>
    %mul3A_935 = vector.broadcast %broadcast_in_dim3A_934 : vector<1x128xf32> to vector<64x128xf32>
    %mul3A_936 = arith.mulf %get3A_913, %mul3A_935 : vector<64x128xf32>
    %mul3A_937 = vector.broadcast %broadcast_in_dim3A_934 : vector<1x128xf32> to vector<64x128xf32>
    %mul3A_938 = arith.mulf %convert_element_type3A_5, %mul3A_937 : vector<64x128xf32>
    %concatenate3A_939 = tpu.concatenate %mul3A_936, %mul3A_938 in 0 : vector<64x128xf32>, vector<64x128xf32> -> vector<128x128xf32>
    %transpose3A_940 = tpu.transpose %concatenate3A_939, [1, 0] : vector<128x128xf32> -> vector<128x128xf32>
    %swap3A_941 = arith.constant 3328 : index
    %swap3A_942 = arith.constant 0 : index
    %swap3A_943 = vector.load %arg6[%swap3A_941, %swap3A_942] : memref<5120x128xf32, #tpu.memory_space<vmem>>, vector<128x128xf32>
    tpu.vector_store %arg6[%swap3A_941, %swap3A_942], %transpose3A_940 {strides = array<i32>} : memref<5120x128xf32, #tpu.memory_space<vmem>>, vector<128x128xf32>,
    %get3A_944 = arith.constant 27 : index
    %get3A_945 = arith.constant 0 : index
    %get3A_946 = arith.constant 0 : index
    %get3A_947 = vector.load %arg1[%get3A_944, %get3A_945, %get3A_946] : memref<40x64x128xf32, #tpu.memory_space<vmem>>, vector<1x64x128xf32>
    %get3A_948 = vector.shape_cast %get3A_947 : vector<1x64x128xf32> to vector<64x128xf32>
    %dot_general3A_949 = arith.constant dense<0.000000e+00> : vector<1024x128xf32>
    %dot_general3A_950 = tpu.matmul %get3A_1, %get3A_948, %dot_general3A_949 {dimension_numbers = #tpu.dot_dimension_numbers<[1], [0], [0], [1], [0, 0, 1, 1], [], []>, transpose_lhs_hint = false} : vector<1024x64xf32>, vector<64x128xf32>, vector<1024x128xf32> -> vector<1024x128xf32>
    %mul3A_951 = arith.mulf %get3A_948, %get3A_948 : vector<64x128xf32>
    %reduce_sum3A_952 = arith.constant dense<0.000000e+00> : vector<128xf32>
    %reduce_sum3A_953 = vector.multi_reduction <add>, %mul3A_951, %reduce_sum3A_952 [0] : vector<64x128xf32> to vector<128xf32>
    %broadcast_in_dim3A_954 = vector.shape_cast %reduce_sum3A_953 : vector<128xf32> to vector<1x128xf32>
    %mul3A_955 = arith.constant 2.000000e+00 : f32
    %mul3A_956 = vector.broadcast %mul3A_955 : f32 to vector<1024x128xf32>
    %mul3A_957 = arith.mulf %mul3A_956, %dot_general3A_950 : vector<1024x128xf32>
    %sub3A_958 = vector.broadcast %broadcast_in_dim3A_954 : vector<1x128xf32> to vector<1024x128xf32>
    %sub3A_959 = arith.subf %sub3A_958, %mul3A_957 : vector<1024x128xf32>
    %add3A_960 = vector.broadcast %broadcast_in_dim3A : vector<1024x1xf32> to vector<1024x128xf32>
    %add3A_961 = arith.addf %sub3A_959, %add3A_960 : vector<1024x128xf32>
    %argmin3A_962 = tpu.reduce_index %add3A_961 {axis = 0 : i32, kind = #tpu.reduction_kind<arg_min>} : vector<1024x128xf32> -> vector<128xi32>
    %broadcast_in_dim3A_963 = vector.shape_cast %argmin3A_962 : vector<128xi32> to vector<1x128xi32>
    %get3A_964 = arith.constant 0 : index
    %get3A_965 = arith.constant 27 : index
    %get3A_966 = arith.constant 0 : index
    %get3A_967 = vector.load %arg2[%get3A_964, %get3A_965, %get3A_966] : memref<1x40x128xf32, #tpu.memory_space<vmem>>, vector<1x1x128xf32>
    %get3A_968 = vector.shape_cast %get3A_967 : vector<1x1x128xf32> to vector<128xf32>
    %broadcast_in_dim3A_969 = vector.shape_cast %get3A_968 : vector<128xf32> to vector<1x128xf32>
    %mul3A_970 = vector.broadcast %broadcast_in_dim3A_969 : vector<1x128xf32> to vector<64x128xf32>
    %mul3A_971 = arith.mulf %get3A_948, %mul3A_970 : vector<64x128xf32>
    %mul3A_972 = vector.broadcast %broadcast_in_dim3A_969 : vector<1x128xf32> to vector<64x128xf32>
    %mul3A_973 = arith.mulf %convert_element_type3A_5, %mul3A_972 : vector<64x128xf32>
    %concatenate3A_974 = tpu.concatenate %mul3A_971, %mul3A_973 in 0 : vector<64x128xf32>, vector<64x128xf32> -> vector<128x128xf32>
    %transpose3A_975 = tpu.transpose %concatenate3A_974, [1, 0] : vector<128x128xf32> -> vector<128x128xf32>
    %swap3A_976 = arith.constant 3456 : index
    %swap3A_977 = arith.constant 0 : index
    %swap3A_978 = vector.load %arg6[%swap3A_976, %swap3A_977] : memref<5120x128xf32, #tpu.memory_space<vmem>>, vector<128x128xf32>
    tpu.vector_store %arg6[%swap3A_976, %swap3A_977], %transpose3A_975 {strides = array<i32>} : memref<5120x128xf32, #tpu.memory_space<vmem>>, vector<128x128xf32>,
    %get3A_979 = arith.constant 28 : index
    %get3A_980 = arith.constant 0 : index
    %get3A_981 = arith.constant 0 : index
    %get3A_982 = vector.load %arg1[%get3A_979, %get3A_980, %get3A_981] : memref<40x64x128xf32, #tpu.memory_space<vmem>>, vector<1x64x128xf32>
    %get3A_983 = vector.shape_cast %get3A_982 : vector<1x64x128xf32> to vector<64x128xf32>
    %dot_general3A_984 = arith.constant dense<0.000000e+00> : vector<1024x128xf32>
    %dot_general3A_985 = tpu.matmul %get3A_1, %get3A_983, %dot_general3A_984 {dimension_numbers = #tpu.dot_dimension_numbers<[1], [0], [0], [1], [0, 0, 1, 1], [], []>, transpose_lhs_hint = false} : vector<1024x64xf32>, vector<64x128xf32>, vector<1024x128xf32> -> vector<1024x128xf32>
    %mul3A_986 = arith.mulf %get3A_983, %get3A_983 : vector<64x128xf32>
    %reduce_sum3A_987 = arith.constant dense<0.000000e+00> : vector<128xf32>
    %reduce_sum3A_988 = vector.multi_reduction <add>, %mul3A_986, %reduce_sum3A_987 [0] : vector<64x128xf32> to vector<128xf32>
    %broadcast_in_dim3A_989 = vector.shape_cast %reduce_sum3A_988 : vector<128xf32> to vector<1x128xf32>
    %mul3A_990 = arith.constant 2.000000e+00 : f32
    %mul3A_991 = vector.broadcast %mul3A_990 : f32 to vector<1024x128xf32>
    %mul3A_992 = arith.mulf %mul3A_991, %dot_general3A_985 : vector<1024x128xf32>
    %sub3A_993 = vector.broadcast %broadcast_in_dim3A_989 : vector<1x128xf32> to vector<1024x128xf32>
    %sub3A_994 = arith.subf %sub3A_993, %mul3A_992 : vector<1024x128xf32>
    %add3A_995 = vector.broadcast %broadcast_in_dim3A : vector<1024x1xf32> to vector<1024x128xf32>
    %add3A_996 = arith.addf %sub3A_994, %add3A_995 : vector<1024x128xf32>
    %argmin3A_997 = tpu.reduce_index %add3A_996 {axis = 0 : i32, kind = #tpu.reduction_kind<arg_min>} : vector<1024x128xf32> -> vector<128xi32>
    %broadcast_in_dim3A_998 = vector.shape_cast %argmin3A_997 : vector<128xi32> to vector<1x128xi32>
    %get3A_999 = arith.constant 0 : index
    %get3A_1000 = arith.constant 28 : index
    %get3A_1001 = arith.constant 0 : index
    %get3A_1002 = vector.load %arg2[%get3A_999, %get3A_1000, %get3A_1001] : memref<1x40x128xf32, #tpu.memory_space<vmem>>, vector<1x1x128xf32>
    %get3A_1003 = vector.shape_cast %get3A_1002 : vector<1x1x128xf32> to vector<128xf32>
    %broadcast_in_dim3A_1004 = vector.shape_cast %get3A_1003 : vector<128xf32> to vector<1x128xf32>
    %mul3A_1005 = vector.broadcast %broadcast_in_dim3A_1004 : vector<1x128xf32> to vector<64x128xf32>
    %mul3A_1006 = arith.mulf %get3A_983, %mul3A_1005 : vector<64x128xf32>
    %mul3A_1007 = vector.broadcast %broadcast_in_dim3A_1004 : vector<1x128xf32> to vector<64x128xf32>
    %mul3A_1008 = arith.mulf %convert_element_type3A_5, %mul3A_1007 : vector<64x128xf32>
    %concatenate3A_1009 = tpu.concatenate %mul3A_1006, %mul3A_1008 in 0 : vector<64x128xf32>, vector<64x128xf32> -> vector<128x128xf32>
    %transpose3A_1010 = tpu.transpose %concatenate3A_1009, [1, 0] : vector<128x128xf32> -> vector<128x128xf32>
    %swap3A_1011 = arith.constant 3584 : index
    %swap3A_1012 = arith.constant 0 : index
    %swap3A_1013 = vector.load %arg6[%swap3A_1011, %swap3A_1012] : memref<5120x128xf32, #tpu.memory_space<vmem>>, vector<128x128xf32>
    tpu.vector_store %arg6[%swap3A_1011, %swap3A_1012], %transpose3A_1010 {strides = array<i32>} : memref<5120x128xf32, #tpu.memory_space<vmem>>, vector<128x128xf32>,
    %get3A_1014 = arith.constant 29 : index
    %get3A_1015 = arith.constant 0 : index
    %get3A_1016 = arith.constant 0 : index
    %get3A_1017 = vector.load %arg1[%get3A_1014, %get3A_1015, %get3A_1016] : memref<40x64x128xf32, #tpu.memory_space<vmem>>, vector<1x64x128xf32>
    %get3A_1018 = vector.shape_cast %get3A_1017 : vector<1x64x128xf32> to vector<64x128xf32>
    %dot_general3A_1019 = arith.constant dense<0.000000e+00> : vector<1024x128xf32>
    %dot_general3A_1020 = tpu.matmul %get3A_1, %get3A_1018, %dot_general3A_1019 {dimension_numbers = #tpu.dot_dimension_numbers<[1], [0], [0], [1], [0, 0, 1, 1], [], []>, transpose_lhs_hint = false} : vector<1024x64xf32>, vector<64x128xf32>, vector<1024x128xf32> -> vector<1024x128xf32>
    %mul3A_1021 = arith.mulf %get3A_1018, %get3A_1018 : vector<64x128xf32>
    %reduce_sum3A_1022 = arith.constant dense<0.000000e+00> : vector<128xf32>
    %reduce_sum3A_1023 = vector.multi_reduction <add>, %mul3A_1021, %reduce_sum3A_1022 [0] : vector<64x128xf32> to vector<128xf32>
    %broadcast_in_dim3A_1024 = vector.shape_cast %reduce_sum3A_1023 : vector<128xf32> to vector<1x128xf32>
    %mul3A_1025 = arith.constant 2.000000e+00 : f32
    %mul3A_1026 = vector.broadcast %mul3A_1025 : f32 to vector<1024x128xf32>
    %mul3A_1027 = arith.mulf %mul3A_1026, %dot_general3A_1020 : vector<1024x128xf32>
    %sub3A_1028 = vector.broadcast %broadcast_in_dim3A_1024 : vector<1x128xf32> to vector<1024x128xf32>
    %sub3A_1029 = arith.subf %sub3A_1028, %mul3A_1027 : vector<1024x128xf32>
    %add3A_1030 = vector.broadcast %broadcast_in_dim3A : vector<1024x1xf32> to vector<1024x128xf32>
    %add3A_1031 = arith.addf %sub3A_1029, %add3A_1030 : vector<1024x128xf32>
    %argmin3A_1032 = tpu.reduce_index %add3A_1031 {axis = 0 : i32, kind = #tpu.reduction_kind<arg_min>} : vector<1024x128xf32> -> vector<128xi32>
    %broadcast_in_dim3A_1033 = vector.shape_cast %argmin3A_1032 : vector<128xi32> to vector<1x128xi32>
    %get3A_1034 = arith.constant 0 : index
    %get3A_1035 = arith.constant 29 : index
    %get3A_1036 = arith.constant 0 : index
    %get3A_1037 = vector.load %arg2[%get3A_1034, %get3A_1035, %get3A_1036] : memref<1x40x128xf32, #tpu.memory_space<vmem>>, vector<1x1x128xf32>
    %get3A_1038 = vector.shape_cast %get3A_1037 : vector<1x1x128xf32> to vector<128xf32>
    %broadcast_in_dim3A_1039 = vector.shape_cast %get3A_1038 : vector<128xf32> to vector<1x128xf32>
    %mul3A_1040 = vector.broadcast %broadcast_in_dim3A_1039 : vector<1x128xf32> to vector<64x128xf32>
    %mul3A_1041 = arith.mulf %get3A_1018, %mul3A_1040 : vector<64x128xf32>
    %mul3A_1042 = vector.broadcast %broadcast_in_dim3A_1039 : vector<1x128xf32> to vector<64x128xf32>
    %mul3A_1043 = arith.mulf %convert_element_type3A_5, %mul3A_1042 : vector<64x128xf32>
    %concatenate3A_1044 = tpu.concatenate %mul3A_1041, %mul3A_1043 in 0 : vector<64x128xf32>, vector<64x128xf32> -> vector<128x128xf32>
    %transpose3A_1045 = tpu.transpose %concatenate3A_1044, [1, 0] : vector<128x128xf32> -> vector<128x128xf32>
    %swap3A_1046 = arith.constant 3712 : index
    %swap3A_1047 = arith.constant 0 : index
    %swap3A_1048 = vector.load %arg6[%swap3A_1046, %swap3A_1047] : memref<5120x128xf32, #tpu.memory_space<vmem>>, vector<128x128xf32>
    tpu.vector_store %arg6[%swap3A_1046, %swap3A_1047], %transpose3A_1045 {strides = array<i32>} : memref<5120x128xf32, #tpu.memory_space<vmem>>, vector<128x128xf32>,
    %get3A_1049 = arith.constant 30 : index
    %get3A_1050 = arith.constant 0 : index
    %get3A_1051 = arith.constant 0 : index
    %get3A_1052 = vector.load %arg1[%get3A_1049, %get3A_1050, %get3A_1051] : memref<40x64x128xf32, #tpu.memory_space<vmem>>, vector<1x64x128xf32>
    %get3A_1053 = vector.shape_cast %get3A_1052 : vector<1x64x128xf32> to vector<64x128xf32>
    %dot_general3A_1054 = arith.constant dense<0.000000e+00> : vector<1024x128xf32>
    %dot_general3A_1055 = tpu.matmul %get3A_1, %get3A_1053, %dot_general3A_1054 {dimension_numbers = #tpu.dot_dimension_numbers<[1], [0], [0], [1], [0, 0, 1, 1], [], []>, transpose_lhs_hint = false} : vector<1024x64xf32>, vector<64x128xf32>, vector<1024x128xf32> -> vector<1024x128xf32>
    %mul3A_1056 = arith.mulf %get3A_1053, %get3A_1053 : vector<64x128xf32>
    %reduce_sum3A_1057 = arith.constant dense<0.000000e+00> : vector<128xf32>
    %reduce_sum3A_1058 = vector.multi_reduction <add>, %mul3A_1056, %reduce_sum3A_1057 [0] : vector<64x128xf32> to vector<128xf32>
    %broadcast_in_dim3A_1059 = vector.shape_cast %reduce_sum3A_1058 : vector<128xf32> to vector<1x128xf32>
    %mul3A_1060 = arith.constant 2.000000e+00 : f32
    %mul3A_1061 = vector.broadcast %mul3A_1060 : f32 to vector<1024x128xf32>
    %mul3A_1062 = arith.mulf %mul3A_1061, %dot_general3A_1055 : vector<1024x128xf32>
    %sub3A_1063 = vector.broadcast %broadcast_in_dim3A_1059 : vector<1x128xf32> to vector<1024x128xf32>
    %sub3A_1064 = arith.subf %sub3A_1063, %mul3A_1062 : vector<1024x128xf32>
    %add3A_1065 = vector.broadcast %broadcast_in_dim3A : vector<1024x1xf32> to vector<1024x128xf32>
    %add3A_1066 = arith.addf %sub3A_1064, %add3A_1065 : vector<1024x128xf32>
    %argmin3A_1067 = tpu.reduce_index %add3A_1066 {axis = 0 : i32, kind = #tpu.reduction_kind<arg_min>} : vector<1024x128xf32> -> vector<128xi32>
    %broadcast_in_dim3A_1068 = vector.shape_cast %argmin3A_1067 : vector<128xi32> to vector<1x128xi32>
    %get3A_1069 = arith.constant 0 : index
    %get3A_1070 = arith.constant 30 : index
    %get3A_1071 = arith.constant 0 : index
    %get3A_1072 = vector.load %arg2[%get3A_1069, %get3A_1070, %get3A_1071] : memref<1x40x128xf32, #tpu.memory_space<vmem>>, vector<1x1x128xf32>
    %get3A_1073 = vector.shape_cast %get3A_1072 : vector<1x1x128xf32> to vector<128xf32>
    %broadcast_in_dim3A_1074 = vector.shape_cast %get3A_1073 : vector<128xf32> to vector<1x128xf32>
    %mul3A_1075 = vector.broadcast %broadcast_in_dim3A_1074 : vector<1x128xf32> to vector<64x128xf32>
    %mul3A_1076 = arith.mulf %get3A_1053, %mul3A_1075 : vector<64x128xf32>
    %mul3A_1077 = vector.broadcast %broadcast_in_dim3A_1074 : vector<1x128xf32> to vector<64x128xf32>
    %mul3A_1078 = arith.mulf %convert_element_type3A_5, %mul3A_1077 : vector<64x128xf32>
    %concatenate3A_1079 = tpu.concatenate %mul3A_1076, %mul3A_1078 in 0 : vector<64x128xf32>, vector<64x128xf32> -> vector<128x128xf32>
    %transpose3A_1080 = tpu.transpose %concatenate3A_1079, [1, 0] : vector<128x128xf32> -> vector<128x128xf32>
    %swap3A_1081 = arith.constant 3840 : index
    %swap3A_1082 = arith.constant 0 : index
    %swap3A_1083 = vector.load %arg6[%swap3A_1081, %swap3A_1082] : memref<5120x128xf32, #tpu.memory_space<vmem>>, vector<128x128xf32>
    tpu.vector_store %arg6[%swap3A_1081, %swap3A_1082], %transpose3A_1080 {strides = array<i32>} : memref<5120x128xf32, #tpu.memory_space<vmem>>, vector<128x128xf32>,
    %get3A_1084 = arith.constant 31 : index
    %get3A_1085 = arith.constant 0 : index
    %get3A_1086 = arith.constant 0 : index
    %get3A_1087 = vector.load %arg1[%get3A_1084, %get3A_1085, %get3A_1086] : memref<40x64x128xf32, #tpu.memory_space<vmem>>, vector<1x64x128xf32>
    %get3A_1088 = vector.shape_cast %get3A_1087 : vector<1x64x128xf32> to vector<64x128xf32>
    %dot_general3A_1089 = arith.constant dense<0.000000e+00> : vector<1024x128xf32>
    %dot_general3A_1090 = tpu.matmul %get3A_1, %get3A_1088, %dot_general3A_1089 {dimension_numbers = #tpu.dot_dimension_numbers<[1], [0], [0], [1], [0, 0, 1, 1], [], []>, transpose_lhs_hint = false} : vector<1024x64xf32>, vector<64x128xf32>, vector<1024x128xf32> -> vector<1024x128xf32>
    %mul3A_1091 = arith.mulf %get3A_1088, %get3A_1088 : vector<64x128xf32>
    %reduce_sum3A_1092 = arith.constant dense<0.000000e+00> : vector<128xf32>
    %reduce_sum3A_1093 = vector.multi_reduction <add>, %mul3A_1091, %reduce_sum3A_1092 [0] : vector<64x128xf32> to vector<128xf32>
    %broadcast_in_dim3A_1094 = vector.shape_cast %reduce_sum3A_1093 : vector<128xf32> to vector<1x128xf32>
    %mul3A_1095 = arith.constant 2.000000e+00 : f32
    %mul3A_1096 = vector.broadcast %mul3A_1095 : f32 to vector<1024x128xf32>
    %mul3A_1097 = arith.mulf %mul3A_1096, %dot_general3A_1090 : vector<1024x128xf32>
    %sub3A_1098 = vector.broadcast %broadcast_in_dim3A_1094 : vector<1x128xf32> to vector<1024x128xf32>
    %sub3A_1099 = arith.subf %sub3A_1098, %mul3A_1097 : vector<1024x128xf32>
    %add3A_1100 = vector.broadcast %broadcast_in_dim3A : vector<1024x1xf32> to vector<1024x128xf32>
    %add3A_1101 = arith.addf %sub3A_1099, %add3A_1100 : vector<1024x128xf32>
    %argmin3A_1102 = tpu.reduce_index %add3A_1101 {axis = 0 : i32, kind = #tpu.reduction_kind<arg_min>} : vector<1024x128xf32> -> vector<128xi32>
    %broadcast_in_dim3A_1103 = vector.shape_cast %argmin3A_1102 : vector<128xi32> to vector<1x128xi32>
    %get3A_1104 = arith.constant 0 : index
    %get3A_1105 = arith.constant 31 : index
    %get3A_1106 = arith.constant 0 : index
    %get3A_1107 = vector.load %arg2[%get3A_1104, %get3A_1105, %get3A_1106] : memref<1x40x128xf32, #tpu.memory_space<vmem>>, vector<1x1x128xf32>
    %get3A_1108 = vector.shape_cast %get3A_1107 : vector<1x1x128xf32> to vector<128xf32>
    %broadcast_in_dim3A_1109 = vector.shape_cast %get3A_1108 : vector<128xf32> to vector<1x128xf32>
    %mul3A_1110 = vector.broadcast %broadcast_in_dim3A_1109 : vector<1x128xf32> to vector<64x128xf32>
    %mul3A_1111 = arith.mulf %get3A_1088, %mul3A_1110 : vector<64x128xf32>
    %mul3A_1112 = vector.broadcast %broadcast_in_dim3A_1109 : vector<1x128xf32> to vector<64x128xf32>
    %mul3A_1113 = arith.mulf %convert_element_type3A_5, %mul3A_1112 : vector<64x128xf32>
    %concatenate3A_1114 = tpu.concatenate %mul3A_1111, %mul3A_1113 in 0 : vector<64x128xf32>, vector<64x128xf32> -> vector<128x128xf32>
    %transpose3A_1115 = tpu.transpose %concatenate3A_1114, [1, 0] : vector<128x128xf32> -> vector<128x128xf32>
    %swap3A_1116 = arith.constant 3968 : index
    %swap3A_1117 = arith.constant 0 : index
    %swap3A_1118 = vector.load %arg6[%swap3A_1116, %swap3A_1117] : memref<5120x128xf32, #tpu.memory_space<vmem>>, vector<128x128xf32>
    tpu.vector_store %arg6[%swap3A_1116, %swap3A_1117], %transpose3A_1115 {strides = array<i32>} : memref<5120x128xf32, #tpu.memory_space<vmem>>, vector<128x128xf32>,
    %get3A_1119 = arith.constant 32 : index
    %get3A_1120 = arith.constant 0 : index
    %get3A_1121 = arith.constant 0 : index
    %get3A_1122 = vector.load %arg1[%get3A_1119, %get3A_1120, %get3A_1121] : memref<40x64x128xf32, #tpu.memory_space<vmem>>, vector<1x64x128xf32>
    %get3A_1123 = vector.shape_cast %get3A_1122 : vector<1x64x128xf32> to vector<64x128xf32>
    %dot_general3A_1124 = arith.constant dense<0.000000e+00> : vector<1024x128xf32>
    %dot_general3A_1125 = tpu.matmul %get3A_1, %get3A_1123, %dot_general3A_1124 {dimension_numbers = #tpu.dot_dimension_numbers<[1], [0], [0], [1], [0, 0, 1, 1], [], []>, transpose_lhs_hint = false} : vector<1024x64xf32>, vector<64x128xf32>, vector<1024x128xf32> -> vector<1024x128xf32>
    %mul3A_1126 = arith.mulf %get3A_1123, %get3A_1123 : vector<64x128xf32>
    %reduce_sum3A_1127 = arith.constant dense<0.000000e+00> : vector<128xf32>
    %reduce_sum3A_1128 = vector.multi_reduction <add>, %mul3A_1126, %reduce_sum3A_1127 [0] : vector<64x128xf32> to vector<128xf32>
    %broadcast_in_dim3A_1129 = vector.shape_cast %reduce_sum3A_1128 : vector<128xf32> to vector<1x128xf32>
    %mul3A_1130 = arith.constant 2.000000e+00 : f32
    %mul3A_1131 = vector.broadcast %mul3A_1130 : f32 to vector<1024x128xf32>
    %mul3A_1132 = arith.mulf %mul3A_1131, %dot_general3A_1125 : vector<1024x128xf32>
    %sub3A_1133 = vector.broadcast %broadcast_in_dim3A_1129 : vector<1x128xf32> to vector<1024x128xf32>
    %sub3A_1134 = arith.subf %sub3A_1133, %mul3A_1132 : vector<1024x128xf32>
    %add3A_1135 = vector.broadcast %broadcast_in_dim3A : vector<1024x1xf32> to vector<1024x128xf32>
    %add3A_1136 = arith.addf %sub3A_1134, %add3A_1135 : vector<1024x128xf32>
    %argmin3A_1137 = tpu.reduce_index %add3A_1136 {axis = 0 : i32, kind = #tpu.reduction_kind<arg_min>} : vector<1024x128xf32> -> vector<128xi32>
    %broadcast_in_dim3A_1138 = vector.shape_cast %argmin3A_1137 : vector<128xi32> to vector<1x128xi32>
    %get3A_1139 = arith.constant 0 : index
    %get3A_1140 = arith.constant 32 : index
    %get3A_1141 = arith.constant 0 : index
    %get3A_1142 = vector.load %arg2[%get3A_1139, %get3A_1140, %get3A_1141] : memref<1x40x128xf32, #tpu.memory_space<vmem>>, vector<1x1x128xf32>
    %get3A_1143 = vector.shape_cast %get3A_1142 : vector<1x1x128xf32> to vector<128xf32>
    %broadcast_in_dim3A_1144 = vector.shape_cast %get3A_1143 : vector<128xf32> to vector<1x128xf32>
    %mul3A_1145 = vector.broadcast %broadcast_in_dim3A_1144 : vector<1x128xf32> to vector<64x128xf32>
    %mul3A_1146 = arith.mulf %get3A_1123, %mul3A_1145 : vector<64x128xf32>
    %mul3A_1147 = vector.broadcast %broadcast_in_dim3A_1144 : vector<1x128xf32> to vector<64x128xf32>
    %mul3A_1148 = arith.mulf %convert_element_type3A_5, %mul3A_1147 : vector<64x128xf32>
    %concatenate3A_1149 = tpu.concatenate %mul3A_1146, %mul3A_1148 in 0 : vector<64x128xf32>, vector<64x128xf32> -> vector<128x128xf32>
    %transpose3A_1150 = tpu.transpose %concatenate3A_1149, [1, 0] : vector<128x128xf32> -> vector<128x128xf32>
    %swap3A_1151 = arith.constant 4096 : index
    %swap3A_1152 = arith.constant 0 : index
    %swap3A_1153 = vector.load %arg6[%swap3A_1151, %swap3A_1152] : memref<5120x128xf32, #tpu.memory_space<vmem>>, vector<128x128xf32>
    tpu.vector_store %arg6[%swap3A_1151, %swap3A_1152], %transpose3A_1150 {strides = array<i32>} : memref<5120x128xf32, #tpu.memory_space<vmem>>, vector<128x128xf32>,
    %get3A_1154 = arith.constant 33 : index
    %get3A_1155 = arith.constant 0 : index
    %get3A_1156 = arith.constant 0 : index
    %get3A_1157 = vector.load %arg1[%get3A_1154, %get3A_1155, %get3A_1156] : memref<40x64x128xf32, #tpu.memory_space<vmem>>, vector<1x64x128xf32>
    %get3A_1158 = vector.shape_cast %get3A_1157 : vector<1x64x128xf32> to vector<64x128xf32>
    %dot_general3A_1159 = arith.constant dense<0.000000e+00> : vector<1024x128xf32>
    %dot_general3A_1160 = tpu.matmul %get3A_1, %get3A_1158, %dot_general3A_1159 {dimension_numbers = #tpu.dot_dimension_numbers<[1], [0], [0], [1], [0, 0, 1, 1], [], []>, transpose_lhs_hint = false} : vector<1024x64xf32>, vector<64x128xf32>, vector<1024x128xf32> -> vector<1024x128xf32>
    %mul3A_1161 = arith.mulf %get3A_1158, %get3A_1158 : vector<64x128xf32>
    %reduce_sum3A_1162 = arith.constant dense<0.000000e+00> : vector<128xf32>
    %reduce_sum3A_1163 = vector.multi_reduction <add>, %mul3A_1161, %reduce_sum3A_1162 [0] : vector<64x128xf32> to vector<128xf32>
    %broadcast_in_dim3A_1164 = vector.shape_cast %reduce_sum3A_1163 : vector<128xf32> to vector<1x128xf32>
    %mul3A_1165 = arith.constant 2.000000e+00 : f32
    %mul3A_1166 = vector.broadcast %mul3A_1165 : f32 to vector<1024x128xf32>
    %mul3A_1167 = arith.mulf %mul3A_1166, %dot_general3A_1160 : vector<1024x128xf32>
    %sub3A_1168 = vector.broadcast %broadcast_in_dim3A_1164 : vector<1x128xf32> to vector<1024x128xf32>
    %sub3A_1169 = arith.subf %sub3A_1168, %mul3A_1167 : vector<1024x128xf32>
    %add3A_1170 = vector.broadcast %broadcast_in_dim3A : vector<1024x1xf32> to vector<1024x128xf32>
    %add3A_1171 = arith.addf %sub3A_1169, %add3A_1170 : vector<1024x128xf32>
    %argmin3A_1172 = tpu.reduce_index %add3A_1171 {axis = 0 : i32, kind = #tpu.reduction_kind<arg_min>} : vector<1024x128xf32> -> vector<128xi32>
    %broadcast_in_dim3A_1173 = vector.shape_cast %argmin3A_1172 : vector<128xi32> to vector<1x128xi32>
    %get3A_1174 = arith.constant 0 : index
    %get3A_1175 = arith.constant 33 : index
    %get3A_1176 = arith.constant 0 : index
    %get3A_1177 = vector.load %arg2[%get3A_1174, %get3A_1175, %get3A_1176] : memref<1x40x128xf32, #tpu.memory_space<vmem>>, vector<1x1x128xf32>
    %get3A_1178 = vector.shape_cast %get3A_1177 : vector<1x1x128xf32> to vector<128xf32>
    %broadcast_in_dim3A_1179 = vector.shape_cast %get3A_1178 : vector<128xf32> to vector<1x128xf32>
    %mul3A_1180 = vector.broadcast %broadcast_in_dim3A_1179 : vector<1x128xf32> to vector<64x128xf32>
    %mul3A_1181 = arith.mulf %get3A_1158, %mul3A_1180 : vector<64x128xf32>
    %mul3A_1182 = vector.broadcast %broadcast_in_dim3A_1179 : vector<1x128xf32> to vector<64x128xf32>
    %mul3A_1183 = arith.mulf %convert_element_type3A_5, %mul3A_1182 : vector<64x128xf32>
    %concatenate3A_1184 = tpu.concatenate %mul3A_1181, %mul3A_1183 in 0 : vector<64x128xf32>, vector<64x128xf32> -> vector<128x128xf32>
    %transpose3A_1185 = tpu.transpose %concatenate3A_1184, [1, 0] : vector<128x128xf32> -> vector<128x128xf32>
    %swap3A_1186 = arith.constant 4224 : index
    %swap3A_1187 = arith.constant 0 : index
    %swap3A_1188 = vector.load %arg6[%swap3A_1186, %swap3A_1187] : memref<5120x128xf32, #tpu.memory_space<vmem>>, vector<128x128xf32>
    tpu.vector_store %arg6[%swap3A_1186, %swap3A_1187], %transpose3A_1185 {strides = array<i32>} : memref<5120x128xf32, #tpu.memory_space<vmem>>, vector<128x128xf32>,
    %get3A_1189 = arith.constant 34 : index
    %get3A_1190 = arith.constant 0 : index
    %get3A_1191 = arith.constant 0 : index
    %get3A_1192 = vector.load %arg1[%get3A_1189, %get3A_1190, %get3A_1191] : memref<40x64x128xf32, #tpu.memory_space<vmem>>, vector<1x64x128xf32>
    %get3A_1193 = vector.shape_cast %get3A_1192 : vector<1x64x128xf32> to vector<64x128xf32>
    %dot_general3A_1194 = arith.constant dense<0.000000e+00> : vector<1024x128xf32>
    %dot_general3A_1195 = tpu.matmul %get3A_1, %get3A_1193, %dot_general3A_1194 {dimension_numbers = #tpu.dot_dimension_numbers<[1], [0], [0], [1], [0, 0, 1, 1], [], []>, transpose_lhs_hint = false} : vector<1024x64xf32>, vector<64x128xf32>, vector<1024x128xf32> -> vector<1024x128xf32>
    %mul3A_1196 = arith.mulf %get3A_1193, %get3A_1193 : vector<64x128xf32>
    %reduce_sum3A_1197 = arith.constant dense<0.000000e+00> : vector<128xf32>
    %reduce_sum3A_1198 = vector.multi_reduction <add>, %mul3A_1196, %reduce_sum3A_1197 [0] : vector<64x128xf32> to vector<128xf32>
    %broadcast_in_dim3A_1199 = vector.shape_cast %reduce_sum3A_1198 : vector<128xf32> to vector<1x128xf32>
    %mul3A_1200 = arith.constant 2.000000e+00 : f32
    %mul3A_1201 = vector.broadcast %mul3A_1200 : f32 to vector<1024x128xf32>
    %mul3A_1202 = arith.mulf %mul3A_1201, %dot_general3A_1195 : vector<1024x128xf32>
    %sub3A_1203 = vector.broadcast %broadcast_in_dim3A_1199 : vector<1x128xf32> to vector<1024x128xf32>
    %sub3A_1204 = arith.subf %sub3A_1203, %mul3A_1202 : vector<1024x128xf32>
    %add3A_1205 = vector.broadcast %broadcast_in_dim3A : vector<1024x1xf32> to vector<1024x128xf32>
    %add3A_1206 = arith.addf %sub3A_1204, %add3A_1205 : vector<1024x128xf32>
    %argmin3A_1207 = tpu.reduce_index %add3A_1206 {axis = 0 : i32, kind = #tpu.reduction_kind<arg_min>} : vector<1024x128xf32> -> vector<128xi32>
    %broadcast_in_dim3A_1208 = vector.shape_cast %argmin3A_1207 : vector<128xi32> to vector<1x128xi32>
    %get3A_1209 = arith.constant 0 : index
    %get3A_1210 = arith.constant 34 : index
    %get3A_1211 = arith.constant 0 : index
    %get3A_1212 = vector.load %arg2[%get3A_1209, %get3A_1210, %get3A_1211] : memref<1x40x128xf32, #tpu.memory_space<vmem>>, vector<1x1x128xf32>
    %get3A_1213 = vector.shape_cast %get3A_1212 : vector<1x1x128xf32> to vector<128xf32>
    %broadcast_in_dim3A_1214 = vector.shape_cast %get3A_1213 : vector<128xf32> to vector<1x128xf32>
    %mul3A_1215 = vector.broadcast %broadcast_in_dim3A_1214 : vector<1x128xf32> to vector<64x128xf32>
    %mul3A_1216 = arith.mulf %get3A_1193, %mul3A_1215 : vector<64x128xf32>
    %mul3A_1217 = vector.broadcast %broadcast_in_dim3A_1214 : vector<1x128xf32> to vector<64x128xf32>
    %mul3A_1218 = arith.mulf %convert_element_type3A_5, %mul3A_1217 : vector<64x128xf32>
    %concatenate3A_1219 = tpu.concatenate %mul3A_1216, %mul3A_1218 in 0 : vector<64x128xf32>, vector<64x128xf32> -> vector<128x128xf32>
    %transpose3A_1220 = tpu.transpose %concatenate3A_1219, [1, 0] : vector<128x128xf32> -> vector<128x128xf32>
    %swap3A_1221 = arith.constant 4352 : index
    %swap3A_1222 = arith.constant 0 : index
    %swap3A_1223 = vector.load %arg6[%swap3A_1221, %swap3A_1222] : memref<5120x128xf32, #tpu.memory_space<vmem>>, vector<128x128xf32>
    tpu.vector_store %arg6[%swap3A_1221, %swap3A_1222], %transpose3A_1220 {strides = array<i32>} : memref<5120x128xf32, #tpu.memory_space<vmem>>, vector<128x128xf32>,
    %get3A_1224 = arith.constant 35 : index
    %get3A_1225 = arith.constant 0 : index
    %get3A_1226 = arith.constant 0 : index
    %get3A_1227 = vector.load %arg1[%get3A_1224, %get3A_1225, %get3A_1226] : memref<40x64x128xf32, #tpu.memory_space<vmem>>, vector<1x64x128xf32>
    %get3A_1228 = vector.shape_cast %get3A_1227 : vector<1x64x128xf32> to vector<64x128xf32>
    %dot_general3A_1229 = arith.constant dense<0.000000e+00> : vector<1024x128xf32>
    %dot_general3A_1230 = tpu.matmul %get3A_1, %get3A_1228, %dot_general3A_1229 {dimension_numbers = #tpu.dot_dimension_numbers<[1], [0], [0], [1], [0, 0, 1, 1], [], []>, transpose_lhs_hint = false} : vector<1024x64xf32>, vector<64x128xf32>, vector<1024x128xf32> -> vector<1024x128xf32>
    %mul3A_1231 = arith.mulf %get3A_1228, %get3A_1228 : vector<64x128xf32>
    %reduce_sum3A_1232 = arith.constant dense<0.000000e+00> : vector<128xf32>
    %reduce_sum3A_1233 = vector.multi_reduction <add>, %mul3A_1231, %reduce_sum3A_1232 [0] : vector<64x128xf32> to vector<128xf32>
    %broadcast_in_dim3A_1234 = vector.shape_cast %reduce_sum3A_1233 : vector<128xf32> to vector<1x128xf32>
    %mul3A_1235 = arith.constant 2.000000e+00 : f32
    %mul3A_1236 = vector.broadcast %mul3A_1235 : f32 to vector<1024x128xf32>
    %mul3A_1237 = arith.mulf %mul3A_1236, %dot_general3A_1230 : vector<1024x128xf32>
    %sub3A_1238 = vector.broadcast %broadcast_in_dim3A_1234 : vector<1x128xf32> to vector<1024x128xf32>
    %sub3A_1239 = arith.subf %sub3A_1238, %mul3A_1237 : vector<1024x128xf32>
    %add3A_1240 = vector.broadcast %broadcast_in_dim3A : vector<1024x1xf32> to vector<1024x128xf32>
    %add3A_1241 = arith.addf %sub3A_1239, %add3A_1240 : vector<1024x128xf32>
    %argmin3A_1242 = tpu.reduce_index %add3A_1241 {axis = 0 : i32, kind = #tpu.reduction_kind<arg_min>} : vector<1024x128xf32> -> vector<128xi32>
    %broadcast_in_dim3A_1243 = vector.shape_cast %argmin3A_1242 : vector<128xi32> to vector<1x128xi32>
    %get3A_1244 = arith.constant 0 : index
    %get3A_1245 = arith.constant 35 : index
    %get3A_1246 = arith.constant 0 : index
    %get3A_1247 = vector.load %arg2[%get3A_1244, %get3A_1245, %get3A_1246] : memref<1x40x128xf32, #tpu.memory_space<vmem>>, vector<1x1x128xf32>
    %get3A_1248 = vector.shape_cast %get3A_1247 : vector<1x1x128xf32> to vector<128xf32>
    %broadcast_in_dim3A_1249 = vector.shape_cast %get3A_1248 : vector<128xf32> to vector<1x128xf32>
    %mul3A_1250 = vector.broadcast %broadcast_in_dim3A_1249 : vector<1x128xf32> to vector<64x128xf32>
    %mul3A_1251 = arith.mulf %get3A_1228, %mul3A_1250 : vector<64x128xf32>
    %mul3A_1252 = vector.broadcast %broadcast_in_dim3A_1249 : vector<1x128xf32> to vector<64x128xf32>
    %mul3A_1253 = arith.mulf %convert_element_type3A_5, %mul3A_1252 : vector<64x128xf32>
    %concatenate3A_1254 = tpu.concatenate %mul3A_1251, %mul3A_1253 in 0 : vector<64x128xf32>, vector<64x128xf32> -> vector<128x128xf32>
    %transpose3A_1255 = tpu.transpose %concatenate3A_1254, [1, 0] : vector<128x128xf32> -> vector<128x128xf32>
    %swap3A_1256 = arith.constant 4480 : index
    %swap3A_1257 = arith.constant 0 : index
    %swap3A_1258 = vector.load %arg6[%swap3A_1256, %swap3A_1257] : memref<5120x128xf32, #tpu.memory_space<vmem>>, vector<128x128xf32>
    tpu.vector_store %arg6[%swap3A_1256, %swap3A_1257], %transpose3A_1255 {strides = array<i32>} : memref<5120x128xf32, #tpu.memory_space<vmem>>, vector<128x128xf32>,
    %get3A_1259 = arith.constant 36 : index
    %get3A_1260 = arith.constant 0 : index
    %get3A_1261 = arith.constant 0 : index
    %get3A_1262 = vector.load %arg1[%get3A_1259, %get3A_1260, %get3A_1261] : memref<40x64x128xf32, #tpu.memory_space<vmem>>, vector<1x64x128xf32>
    %get3A_1263 = vector.shape_cast %get3A_1262 : vector<1x64x128xf32> to vector<64x128xf32>
    %dot_general3A_1264 = arith.constant dense<0.000000e+00> : vector<1024x128xf32>
    %dot_general3A_1265 = tpu.matmul %get3A_1, %get3A_1263, %dot_general3A_1264 {dimension_numbers = #tpu.dot_dimension_numbers<[1], [0], [0], [1], [0, 0, 1, 1], [], []>, transpose_lhs_hint = false} : vector<1024x64xf32>, vector<64x128xf32>, vector<1024x128xf32> -> vector<1024x128xf32>
    %mul3A_1266 = arith.mulf %get3A_1263, %get3A_1263 : vector<64x128xf32>
    %reduce_sum3A_1267 = arith.constant dense<0.000000e+00> : vector<128xf32>
    %reduce_sum3A_1268 = vector.multi_reduction <add>, %mul3A_1266, %reduce_sum3A_1267 [0] : vector<64x128xf32> to vector<128xf32>
    %broadcast_in_dim3A_1269 = vector.shape_cast %reduce_sum3A_1268 : vector<128xf32> to vector<1x128xf32>
    %mul3A_1270 = arith.constant 2.000000e+00 : f32
    %mul3A_1271 = vector.broadcast %mul3A_1270 : f32 to vector<1024x128xf32>
    %mul3A_1272 = arith.mulf %mul3A_1271, %dot_general3A_1265 : vector<1024x128xf32>
    %sub3A_1273 = vector.broadcast %broadcast_in_dim3A_1269 : vector<1x128xf32> to vector<1024x128xf32>
    %sub3A_1274 = arith.subf %sub3A_1273, %mul3A_1272 : vector<1024x128xf32>
    %add3A_1275 = vector.broadcast %broadcast_in_dim3A : vector<1024x1xf32> to vector<1024x128xf32>
    %add3A_1276 = arith.addf %sub3A_1274, %add3A_1275 : vector<1024x128xf32>
    %argmin3A_1277 = tpu.reduce_index %add3A_1276 {axis = 0 : i32, kind = #tpu.reduction_kind<arg_min>} : vector<1024x128xf32> -> vector<128xi32>
    %broadcast_in_dim3A_1278 = vector.shape_cast %argmin3A_1277 : vector<128xi32> to vector<1x128xi32>
    %get3A_1279 = arith.constant 0 : index
    %get3A_1280 = arith.constant 36 : index
    %get3A_1281 = arith.constant 0 : index
    %get3A_1282 = vector.load %arg2[%get3A_1279, %get3A_1280, %get3A_1281] : memref<1x40x128xf32, #tpu.memory_space<vmem>>, vector<1x1x128xf32>
    %get3A_1283 = vector.shape_cast %get3A_1282 : vector<1x1x128xf32> to vector<128xf32>
    %broadcast_in_dim3A_1284 = vector.shape_cast %get3A_1283 : vector<128xf32> to vector<1x128xf32>
    %mul3A_1285 = vector.broadcast %broadcast_in_dim3A_1284 : vector<1x128xf32> to vector<64x128xf32>
    %mul3A_1286 = arith.mulf %get3A_1263, %mul3A_1285 : vector<64x128xf32>
    %mul3A_1287 = vector.broadcast %broadcast_in_dim3A_1284 : vector<1x128xf32> to vector<64x128xf32>
    %mul3A_1288 = arith.mulf %convert_element_type3A_5, %mul3A_1287 : vector<64x128xf32>
    %concatenate3A_1289 = tpu.concatenate %mul3A_1286, %mul3A_1288 in 0 : vector<64x128xf32>, vector<64x128xf32> -> vector<128x128xf32>
    %transpose3A_1290 = tpu.transpose %concatenate3A_1289, [1, 0] : vector<128x128xf32> -> vector<128x128xf32>
    %swap3A_1291 = arith.constant 4608 : index
    %swap3A_1292 = arith.constant 0 : index
    %swap3A_1293 = vector.load %arg6[%swap3A_1291, %swap3A_1292] : memref<5120x128xf32, #tpu.memory_space<vmem>>, vector<128x128xf32>
    tpu.vector_store %arg6[%swap3A_1291, %swap3A_1292], %transpose3A_1290 {strides = array<i32>} : memref<5120x128xf32, #tpu.memory_space<vmem>>, vector<128x128xf32>,
    %get3A_1294 = arith.constant 37 : index
    %get3A_1295 = arith.constant 0 : index
    %get3A_1296 = arith.constant 0 : index
    %get3A_1297 = vector.load %arg1[%get3A_1294, %get3A_1295, %get3A_1296] : memref<40x64x128xf32, #tpu.memory_space<vmem>>, vector<1x64x128xf32>
    %get3A_1298 = vector.shape_cast %get3A_1297 : vector<1x64x128xf32> to vector<64x128xf32>
    %dot_general3A_1299 = arith.constant dense<0.000000e+00> : vector<1024x128xf32>
    %dot_general3A_1300 = tpu.matmul %get3A_1, %get3A_1298, %dot_general3A_1299 {dimension_numbers = #tpu.dot_dimension_numbers<[1], [0], [0], [1], [0, 0, 1, 1], [], []>, transpose_lhs_hint = false} : vector<1024x64xf32>, vector<64x128xf32>, vector<1024x128xf32> -> vector<1024x128xf32>
    %mul3A_1301 = arith.mulf %get3A_1298, %get3A_1298 : vector<64x128xf32>
    %reduce_sum3A_1302 = arith.constant dense<0.000000e+00> : vector<128xf32>
    %reduce_sum3A_1303 = vector.multi_reduction <add>, %mul3A_1301, %reduce_sum3A_1302 [0] : vector<64x128xf32> to vector<128xf32>
    %broadcast_in_dim3A_1304 = vector.shape_cast %reduce_sum3A_1303 : vector<128xf32> to vector<1x128xf32>
    %mul3A_1305 = arith.constant 2.000000e+00 : f32
    %mul3A_1306 = vector.broadcast %mul3A_1305 : f32 to vector<1024x128xf32>
    %mul3A_1307 = arith.mulf %mul3A_1306, %dot_general3A_1300 : vector<1024x128xf32>
    %sub3A_1308 = vector.broadcast %broadcast_in_dim3A_1304 : vector<1x128xf32> to vector<1024x128xf32>
    %sub3A_1309 = arith.subf %sub3A_1308, %mul3A_1307 : vector<1024x128xf32>
    %add3A_1310 = vector.broadcast %broadcast_in_dim3A : vector<1024x1xf32> to vector<1024x128xf32>
    %add3A_1311 = arith.addf %sub3A_1309, %add3A_1310 : vector<1024x128xf32>
    %argmin3A_1312 = tpu.reduce_index %add3A_1311 {axis = 0 : i32, kind = #tpu.reduction_kind<arg_min>} : vector<1024x128xf32> -> vector<128xi32>
    %broadcast_in_dim3A_1313 = vector.shape_cast %argmin3A_1312 : vector<128xi32> to vector<1x128xi32>
    %get3A_1314 = arith.constant 0 : index
    %get3A_1315 = arith.constant 37 : index
    %get3A_1316 = arith.constant 0 : index
    %get3A_1317 = vector.load %arg2[%get3A_1314, %get3A_1315, %get3A_1316] : memref<1x40x128xf32, #tpu.memory_space<vmem>>, vector<1x1x128xf32>
    %get3A_1318 = vector.shape_cast %get3A_1317 : vector<1x1x128xf32> to vector<128xf32>
    %broadcast_in_dim3A_1319 = vector.shape_cast %get3A_1318 : vector<128xf32> to vector<1x128xf32>
    %mul3A_1320 = vector.broadcast %broadcast_in_dim3A_1319 : vector<1x128xf32> to vector<64x128xf32>
    %mul3A_1321 = arith.mulf %get3A_1298, %mul3A_1320 : vector<64x128xf32>
    %mul3A_1322 = vector.broadcast %broadcast_in_dim3A_1319 : vector<1x128xf32> to vector<64x128xf32>
    %mul3A_1323 = arith.mulf %convert_element_type3A_5, %mul3A_1322 : vector<64x128xf32>
    %concatenate3A_1324 = tpu.concatenate %mul3A_1321, %mul3A_1323 in 0 : vector<64x128xf32>, vector<64x128xf32> -> vector<128x128xf32>
    %transpose3A_1325 = tpu.transpose %concatenate3A_1324, [1, 0] : vector<128x128xf32> -> vector<128x128xf32>
    %swap3A_1326 = arith.constant 4736 : index
    %swap3A_1327 = arith.constant 0 : index
    %swap3A_1328 = vector.load %arg6[%swap3A_1326, %swap3A_1327] : memref<5120x128xf32, #tpu.memory_space<vmem>>, vector<128x128xf32>
    tpu.vector_store %arg6[%swap3A_1326, %swap3A_1327], %transpose3A_1325 {strides = array<i32>} : memref<5120x128xf32, #tpu.memory_space<vmem>>, vector<128x128xf32>,
    %get3A_1329 = arith.constant 38 : index
    %get3A_1330 = arith.constant 0 : index
    %get3A_1331 = arith.constant 0 : index
    %get3A_1332 = vector.load %arg1[%get3A_1329, %get3A_1330, %get3A_1331] : memref<40x64x128xf32, #tpu.memory_space<vmem>>, vector<1x64x128xf32>
    %get3A_1333 = vector.shape_cast %get3A_1332 : vector<1x64x128xf32> to vector<64x128xf32>
    %dot_general3A_1334 = arith.constant dense<0.000000e+00> : vector<1024x128xf32>
    %dot_general3A_1335 = tpu.matmul %get3A_1, %get3A_1333, %dot_general3A_1334 {dimension_numbers = #tpu.dot_dimension_numbers<[1], [0], [0], [1], [0, 0, 1, 1], [], []>, transpose_lhs_hint = false} : vector<1024x64xf32>, vector<64x128xf32>, vector<1024x128xf32> -> vector<1024x128xf32>
    %mul3A_1336 = arith.mulf %get3A_1333, %get3A_1333 : vector<64x128xf32>
    %reduce_sum3A_1337 = arith.constant dense<0.000000e+00> : vector<128xf32>
    %reduce_sum3A_1338 = vector.multi_reduction <add>, %mul3A_1336, %reduce_sum3A_1337 [0] : vector<64x128xf32> to vector<128xf32>
    %broadcast_in_dim3A_1339 = vector.shape_cast %reduce_sum3A_1338 : vector<128xf32> to vector<1x128xf32>
    %mul3A_1340 = arith.constant 2.000000e+00 : f32
    %mul3A_1341 = vector.broadcast %mul3A_1340 : f32 to vector<1024x128xf32>
    %mul3A_1342 = arith.mulf %mul3A_1341, %dot_general3A_1335 : vector<1024x128xf32>
    %sub3A_1343 = vector.broadcast %broadcast_in_dim3A_1339 : vector<1x128xf32> to vector<1024x128xf32>
    %sub3A_1344 = arith.subf %sub3A_1343, %mul3A_1342 : vector<1024x128xf32>
    %add3A_1345 = vector.broadcast %broadcast_in_dim3A : vector<1024x1xf32> to vector<1024x128xf32>
    %add3A_1346 = arith.addf %sub3A_1344, %add3A_1345 : vector<1024x128xf32>
    %argmin3A_1347 = tpu.reduce_index %add3A_1346 {axis = 0 : i32, kind = #tpu.reduction_kind<arg_min>} : vector<1024x128xf32> -> vector<128xi32>
    %broadcast_in_dim3A_1348 = vector.shape_cast %argmin3A_1347 : vector<128xi32> to vector<1x128xi32>
    %get3A_1349 = arith.constant 0 : index
    %get3A_1350 = arith.constant 38 : index
    %get3A_1351 = arith.constant 0 : index
    %get3A_1352 = vector.load %arg2[%get3A_1349, %get3A_1350, %get3A_1351] : memref<1x40x128xf32, #tpu.memory_space<vmem>>, vector<1x1x128xf32>
    %get3A_1353 = vector.shape_cast %get3A_1352 : vector<1x1x128xf32> to vector<128xf32>
    %broadcast_in_dim3A_1354 = vector.shape_cast %get3A_1353 : vector<128xf32> to vector<1x128xf32>
    %mul3A_1355 = vector.broadcast %broadcast_in_dim3A_1354 : vector<1x128xf32> to vector<64x128xf32>
    %mul3A_1356 = arith.mulf %get3A_1333, %mul3A_1355 : vector<64x128xf32>
    %mul3A_1357 = vector.broadcast %broadcast_in_dim3A_1354 : vector<1x128xf32> to vector<64x128xf32>
    %mul3A_1358 = arith.mulf %convert_element_type3A_5, %mul3A_1357 : vector<64x128xf32>
    %concatenate3A_1359 = tpu.concatenate %mul3A_1356, %mul3A_1358 in 0 : vector<64x128xf32>, vector<64x128xf32> -> vector<128x128xf32>
    %transpose3A_1360 = tpu.transpose %concatenate3A_1359, [1, 0] : vector<128x128xf32> -> vector<128x128xf32>
    %swap3A_1361 = arith.constant 4864 : index
    %swap3A_1362 = arith.constant 0 : index
    %swap3A_1363 = vector.load %arg6[%swap3A_1361, %swap3A_1362] : memref<5120x128xf32, #tpu.memory_space<vmem>>, vector<128x128xf32>
    tpu.vector_store %arg6[%swap3A_1361, %swap3A_1362], %transpose3A_1360 {strides = array<i32>} : memref<5120x128xf32, #tpu.memory_space<vmem>>, vector<128x128xf32>,
    %get3A_1364 = arith.constant 39 : index
    %get3A_1365 = arith.constant 0 : index
    %get3A_1366 = arith.constant 0 : index
    %get3A_1367 = vector.load %arg1[%get3A_1364, %get3A_1365, %get3A_1366] : memref<40x64x128xf32, #tpu.memory_space<vmem>>, vector<1x64x128xf32>
    %get3A_1368 = vector.shape_cast %get3A_1367 : vector<1x64x128xf32> to vector<64x128xf32>
    %dot_general3A_1369 = arith.constant dense<0.000000e+00> : vector<1024x128xf32>
    %dot_general3A_1370 = tpu.matmul %get3A_1, %get3A_1368, %dot_general3A_1369 {dimension_numbers = #tpu.dot_dimension_numbers<[1], [0], [0], [1], [0, 0, 1, 1], [], []>, transpose_lhs_hint = false} : vector<1024x64xf32>, vector<64x128xf32>, vector<1024x128xf32> -> vector<1024x128xf32>
    %mul3A_1371 = arith.mulf %get3A_1368, %get3A_1368 : vector<64x128xf32>
    %reduce_sum3A_1372 = arith.constant dense<0.000000e+00> : vector<128xf32>
    %reduce_sum3A_1373 = vector.multi_reduction <add>, %mul3A_1371, %reduce_sum3A_1372 [0] : vector<64x128xf32> to vector<128xf32>
    %broadcast_in_dim3A_1374 = vector.shape_cast %reduce_sum3A_1373 : vector<128xf32> to vector<1x128xf32>
    %mul3A_1375 = arith.constant 2.000000e+00 : f32
    %mul3A_1376 = vector.broadcast %mul3A_1375 : f32 to vector<1024x128xf32>
    %mul3A_1377 = arith.mulf %mul3A_1376, %dot_general3A_1370 : vector<1024x128xf32>
    %sub3A_1378 = vector.broadcast %broadcast_in_dim3A_1374 : vector<1x128xf32> to vector<1024x128xf32>
    %sub3A_1379 = arith.subf %sub3A_1378, %mul3A_1377 : vector<1024x128xf32>
    %add3A_1380 = vector.broadcast %broadcast_in_dim3A : vector<1024x1xf32> to vector<1024x128xf32>
    %add3A_1381 = arith.addf %sub3A_1379, %add3A_1380 : vector<1024x128xf32>
    %argmin3A_1382 = tpu.reduce_index %add3A_1381 {axis = 0 : i32, kind = #tpu.reduction_kind<arg_min>} : vector<1024x128xf32> -> vector<128xi32>
    %broadcast_in_dim3A_1383 = vector.shape_cast %argmin3A_1382 : vector<128xi32> to vector<1x128xi32>
    %get3A_1384 = arith.constant 0 : index
    %get3A_1385 = arith.constant 39 : index
    %get3A_1386 = arith.constant 0 : index
    %get3A_1387 = vector.load %arg2[%get3A_1384, %get3A_1385, %get3A_1386] : memref<1x40x128xf32, #tpu.memory_space<vmem>>, vector<1x1x128xf32>
    %get3A_1388 = vector.shape_cast %get3A_1387 : vector<1x1x128xf32> to vector<128xf32>
    %broadcast_in_dim3A_1389 = vector.shape_cast %get3A_1388 : vector<128xf32> to vector<1x128xf32>
    %mul3A_1390 = vector.broadcast %broadcast_in_dim3A_1389 : vector<1x128xf32> to vector<64x128xf32>
    %mul3A_1391 = arith.mulf %get3A_1368, %mul3A_1390 : vector<64x128xf32>
    %mul3A_1392 = vector.broadcast %broadcast_in_dim3A_1389 : vector<1x128xf32> to vector<64x128xf32>
    %mul3A_1393 = arith.mulf %convert_element_type3A_5, %mul3A_1392 : vector<64x128xf32>
    %concatenate3A_1394 = tpu.concatenate %mul3A_1391, %mul3A_1393 in 0 : vector<64x128xf32>, vector<64x128xf32> -> vector<128x128xf32>
    %transpose3A_1395 = tpu.transpose %concatenate3A_1394, [1, 0] : vector<128x128xf32> -> vector<128x128xf32>
    %swap3A_1396 = arith.constant 4992 : index
    %swap3A_1397 = arith.constant 0 : index
    %swap3A_1398 = vector.load %arg6[%swap3A_1396, %swap3A_1397] : memref<5120x128xf32, #tpu.memory_space<vmem>>, vector<128x128xf32>
    tpu.vector_store %arg6[%swap3A_1396, %swap3A_1397], %transpose3A_1395 {strides = array<i32>} : memref<5120x128xf32, #tpu.memory_space<vmem>>, vector<128x128xf32>,
    %concatenate3A_1399 = tpu.concatenate %broadcast_in_dim3A_21, %broadcast_in_dim3A_53, %broadcast_in_dim3A_88, %broadcast_in_dim3A_123, %broadcast_in_dim3A_158, %broadcast_in_dim3A_193, %broadcast_in_dim3A_228, %broadcast_in_dim3A_263, %broadcast_in_dim3A_298, %broadcast_in_dim3A_333, %broadcast_in_dim3A_368, %broadcast_in_dim3A_403, %broadcast_in_dim3A_438, %broadcast_in_dim3A_473, %broadcast_in_dim3A_508, %broadcast_in_dim3A_543, %broadcast_in_dim3A_578, %broadcast_in_dim3A_613, %broadcast_in_dim3A_648, %broadcast_in_dim3A_683, %broadcast_in_dim3A_718, %broadcast_in_dim3A_753, %broadcast_in_dim3A_788, %broadcast_in_dim3A_823, %broadcast_in_dim3A_858, %broadcast_in_dim3A_893, %broadcast_in_dim3A_928, %broadcast_in_dim3A_963, %broadcast_in_dim3A_998, %broadcast_in_dim3A_1033, %broadcast_in_dim3A_1068, %broadcast_in_dim3A_1103, %broadcast_in_dim3A_1138, %broadcast_in_dim3A_1173, %broadcast_in_dim3A_1208, %broadcast_in_dim3A_1243, %broadcast_in_dim3A_1278, %broadcast_in_dim3A_1313, %broadcast_in_dim3A_1348, %broadcast_in_dim3A_1383 in 0 : vector<1x128xi32>, vector<1x128xi32>, vector<1x128xi32>, vector<1x128xi32>, vector<1x128xi32>, vector<1x128xi32>, vector<1x128xi32>, vector<1x128xi32>, vector<1x128xi32>, vector<1x128xi32>, vector<1x128xi32>, vector<1x128xi32>, vector<1x128xi32>, vector<1x128xi32>, vector<1x128xi32>, vector<1x128xi32>, vector<1x128xi32>, vector<1x128xi32>, vector<1x128xi32>, vector<1x128xi32>, vector<1x128xi32>, vector<1x128xi32>, vector<1x128xi32>, vector<1x128xi32>, vector<1x128xi32>, vector<1x128xi32>, vector<1x128xi32>, vector<1x128xi32>, vector<1x128xi32>, vector<1x128xi32>, vector<1x128xi32>, vector<1x128xi32>, vector<1x128xi32>, vector<1x128xi32>, vector<1x128xi32>, vector<1x128xi32>, vector<1x128xi32>, vector<1x128xi32>, vector<1x128xi32>, vector<1x128xi32> -> vector<40x128xi32>
    %get3A_1400 = arith.constant 0 : index
    %get3A_1401 = arith.constant 0 : index
    %get3A_1402 = arith.constant 0 : index
    %get3A_1403 = vector.load %arg2[%get3A_1400, %get3A_1401, %get3A_1402] : memref<1x40x128xf32, #tpu.memory_space<vmem>>, vector<1x40x128xf32>
    %get3A_1404 = vector.shape_cast %get3A_1403 : vector<1x40x128xf32> to vector<40x128xf32>
    %swap3A_1405 = arith.constant 0 : index
    %swap3A_1406 = arith.constant 0 : index
    %swap3A_1407 = arith.constant 0 : index
    %swap3A_1408 = vector.load %arg4[%swap3A_1405, %swap3A_1406, %swap3A_1407] : memref<1x40x128xi32, #tpu.memory_space<vmem>>, vector<1x40x128xi32>
    %swap3A_1409 = vector.shape_cast %swap3A_1408 : vector<1x40x128xi32> to vector<40x128xi32>
    %swap3A_1410 = vector.shape_cast %concatenate3A_1399 : vector<40x128xi32> to vector<1x40x128xi32>
    tpu.vector_store %arg4[%swap3A_1405, %swap3A_1406, %swap3A_1407], %swap3A_1410 {strides = array<i32>} : memref<1x40x128xi32, #tpu.memory_space<vmem>>, vector<1x40x128xi32>,
    %convert_element_type3A_1411 = arith.fptosi %get3A_1404 : vector<40x128xf32> to vector<40x128xi32>
    %mul3A_1412 = arith.muli %concatenate3A_1399, %convert_element_type3A_1411 : vector<40x128xi32>
    %swap3A_1413 = arith.constant 0 : index
    %swap3A_1414 = arith.constant 0 : index
    %swap3A_1415 = arith.constant 0 : index
    %swap3A_1416 = vector.load %arg5[%swap3A_1413, %swap3A_1414, %swap3A_1415] : memref<1x40x128xi32, #tpu.memory_space<vmem>>, vector<1x40x128xi32>
    %swap3A_1417 = vector.shape_cast %swap3A_1416 : vector<1x40x128xi32> to vector<40x128xi32>
    %swap3A_1418 = vector.shape_cast %mul3A_1412 : vector<40x128xi32> to vector<1x40x128xi32>
    tpu.vector_store %arg5[%swap3A_1413, %swap3A_1414, %swap3A_1415], %swap3A_1418 {strides = array<i32>} : memref<1x40x128xi32, #tpu.memory_space<vmem>>, vector<1x40x128xi32>,
    return
  }
  func.func @transform_0(%arg0: i32) -> (i32, i32, i32) {
    %c0_i32 = arith.constant 0 : i32
    %c0_i32_0 = arith.constant 0 : i32
    %c0_i32_1 = arith.constant 0 : i32
    return %arg0, %c0_i32, %c0_i32_0 : i32, i32, i32
  }
  func.func @transform_1(%arg0: i32) -> (i32, i32, i32) {
    %c0_i32 = arith.constant 0 : i32
    %c0_i32_0 = arith.constant 0 : i32
    %c0_i32_1 = arith.constant 0 : i32
    return %arg0, %c0_i32, %c0_i32_0 : i32, i32, i32
  }
  func.func @transform_2(%arg0: i32) -> (i32, i32) {
    %c0_i32 = arith.constant 0 : i32
    %c0_i32_0 = arith.constant 0 : i32
    %c0_i32_1 = arith.constant 0 : i32
    return %c0_i32, %c0_i32_0 : i32, i32
  }
  func.func @transform_3(%arg0: i32) -> (i32, i32, i32) {
    %c0_i32 = arith.constant 0 : i32
    %c0_i32_0 = arith.constant 0 : i32
    %c0_i32_1 = arith.constant 0 : i32
    return %arg0, %c0_i32, %c0_i32_0 : i32, i32, i32
  }
  func.func @transform_4(%arg0: i32) -> (i32, i32, i32) {
    %c0_i32 = arith.constant 0 : i32
    %c0_i32_0 = arith.constant 0 : i32
    %c0_i32_1 = arith.constant 0 : i32
    return %arg0, %c0_i32, %c0_i32_0 : i32, i32, i32
  }
  func.func @transform_5(%arg0: i32) -> (i32, i32) {
    %c0_i32 = arith.constant 0 : i32
    %c0_i32_0 = arith.constant 0 : i32
    return %arg0, %c0_i32 : i32, i32
  }
}

</mosaic_0001>

<sc_bundles>
// kernel: kernel.4.cloned.1.call-start
scs
__scs_entry_jumppad:
0x0: {  	(pc) =	sbr.rel $0x88, $3  }
0x1: {  	(tag) =	ssettag $0x0;
	lr =	simm.s32 $0x1  }
0x2: {  	[smem:$0x3F9C] =	sst lr;
	_ =	strace $0xD0000000  }
0x3: {  	_ = 	snop  }
0x4: {  	_ = 	snop  }
0x5: {  	_ = 	snop  }
0x6: {  	_ = 	snop  }
0x7: {  	_ = 	snop  }
__scs_overlays_trampoline_lowered:
0x8: {  	[smem:$0x3FAB] =	sst s0  }
0x9: {  	[smem:$0x3FAC] =	sst s1  }
0xa: {  	[smem:$0x3FAD] =	sst s2  }
0xb: {  	[smem:$0x3FAE] =	sst s3  }
0xc: {  	[smem:$0x3FAF] =	sst s4  }
0xd: {  	[smem:$0x3FB0] =	sst s5  }
0xe: {  	[smem:$0x3FB1] =	sst s6  }
0xf: {  	[smem:$0x3FB2] =	sst s7  }
0x10: {  	[smem:$0x3FB3] =	sst s8  }
0x11: {  	[smem:$0x3FB4] =	sst s9;
	s0 =	simm.s32 @!p0 $0x0  }
0x12: {  	s1 =	sld [smem:$0x3F9A];
	s0 =	simm.s32 @p0 $0x1  }
0x13: {  	[smem:$0x3FB5] =	sst s0;
	s0 =	simm.s32 @!p1 $0x0  }
0x14: {  	s2 =	sld [smem:$0x3F99];
	s0 =	simm.s32 @p1 $0x1  }
0x15: {  	[smem:$0x3FB6] =	sst s0;
	s0 =	simm.s32 @!p2 $0x0  }
0x16: {  	s3 =	sld [smem:$0x3FDB];
	s0 =	simm.s32 @p2 $0x1  }
0x17: {  	s4 =	simm.s32 $0x1BF5;
	[smem:$0x3FB8] =	sst s0  }
0x18: {  	s0 =	sld [smem:$0x3F9B];
	_ =	swait.ge [sflag:s4], $0x0  }
0x19: {  	s7 =	sld [smem:$0x3F9C]  }
0x1a: {  	s8 =	sadd.s32 $0xFFFFE003, lr  }
0x1b: {  	s9 =	sadd.s32 $0xFFFFFEF7, lr;
	s5 =	simm.s32 $0xFFFFFFFF;
	p2 =	slt.u32 s8, $0xFFFFF086  }
0x1c: {  	p1 =	slt.u32 s9, $0xF7A;
	s5 =	simm.s32 @!p2 $0x0  }
0x1d: {  	s5 =	simm.s32 @p1 $0x1;
	p0 =	seq.s32 s7, s2  }
0x1e: {  	s7 =	smul.u32 @!p0 $0xF7A, s2;
	p2 =	seq.s32 @!p0 s5, $0x0  }
0x1f: {  	s9 =	smul.u32 $0xF7A, s1;
	s8 =	simm.s32 @!p0 $0x1BF5;
	p2 =	por !p2, p0  }
0x20: {  	[sflag:s8] =	ssyncset.s32 @!p0 $0xFFFFF086;
	s6 =	sadd.s32 @!p0 s3, s7;
	s7 =	simm.s32 @!p0 $0x108  }
0x21: {  	s3 =	sadd.s32 s3, s9;
	s6 =	sadd.s32 @!p0 $0x88, s6;
	s7 =	simm.s32 @p2 $0x1082  }
0x22: {  	[simem:s7], [sflag:s8] =	dma.local @!p0 [hbm:s6], $0xF7A  }
0x23: {  	s9 =	sor.u32 $0xD0000000, s2;
	s6 =	simm.s32 $0x108;
	_ =	swait.ge @!p0 [sflag:s8], $0x0  }
0x24: {  	s3 =	sadd.s32 $0x88, s3;
	s6 =	simm.s32 @!p1 $0x1082;
	[sflag:s4] =	ssyncset.s32 $0xFFFFF086  }
0x25: {  	[simem:s6], [sflag:s4] =	dma.local [hbm:s3], $0xF7A  }
0x26: {  	[smem:$0x3F9C] =	sst s1;
	(tag) =	ssettag s2;
	_ =	strace s9  }
0x27: {  	s1 =	sld [smem:$0x3FAC]  }
0x28: {  	s2 =	sld [smem:$0x3FAD]  }
0x29: {  	s4 =	sld [smem:$0x3FAF]  }
0x2a: {  	p0 =	seq.s32 s5, $0x0;
	s5 =	sld [smem:$0x3FB0]  }
0x2b: {  	s6 =	sld [smem:$0x3FB1]  }
0x2c: {  	s7 =	sld [smem:$0x3FB2]  }
0x2d: {  	s3 =	simm.s32 $0x108;
	s8 =	sld [smem:$0x3FB3]  }
0x2e: {  	s3 =	simm.s32 @!p0 $0x1082;
	s9 =	sld [smem:$0x3FB4]  }
0x2f: {  	lr =	sadd.s32 s0, s3;
	s0 =	sld [smem:$0x3FAB]  }
0x30: {  	s3 =	sld [smem:$0x3FAE]  }
0x31: {  	[smem:$0x3FB7] =	sst s10  }
0x32: {  	s10 =	sld [smem:$0x3FB5];
	_ =	sdelay $0x3  }
0x33: {  	p0 =	seq.s32 s10, $0x1;
	s10 =	sld [smem:$0x3FB7];
	_ =	sdelay $0x3  }
0x34: {  	[smem:$0x3FB7] =	sst s10  }
0x35: {  	s10 =	sld [smem:$0x3FB6];
	_ =	sdelay $0x3  }
0x36: {  	p1 =	seq.s32 s10, $0x1;
	s10 =	sld [smem:$0x3FB7];
	_ =	sdelay $0x3  }
0x37: {  	[smem:$0x3FB7] =	sst s10  }
0x38: {  	s10 =	sld [smem:$0x3FB8]  }
0x39: {  	_ = 	snop;
	(pc) =	sbr.ind lr, $3  }
0x3a: {  	_ = 	snop  }
0x3b: {  	_ = 	snop  }
0x3c: {  	p2 =	seq.s32 s10, $0x1;
	s10 =	sld [smem:$0x3FB7]  }
0x3d: {  	_ =	shalt  }
0x3e: {  	_ =	shalt  }
0x3f: {  	_ =	shalt  }
0x40: {  	_ =	shalt  }
0x41: {  	_ =	shalt  }
0x42: {  	_ =	shalt  }
0x43: {  	_ =	shalt  }
0x44: {  	_ =	shalt  }
0x45: {  	_ =	shalt  }
0x46: {  	_ =	shalt  }
0x47: {  	_ =	shalt  }
0x48: {  	_ =	shalt  }
0x49: {  	_ =	shalt  }
0x4a: {  	_ =	shalt  }
0x4b: {  	_ =	shalt  }
0x4c: {  	_ =	shalt  }
0x4d: {  	_ =	shalt  }
0x4e: {  	_ =	shalt  }
0x4f: {  	_ =	shalt  }
0x50: {  	_ =	shalt  }
0x51: {  	_ =	shalt  }
0x52: {  	_ =	shalt  }
0x53: {  	_ =	shalt  }
0x54: {  	_ =	shalt  }
0x55: {  	_ =	shalt  }
0x56: {  	_ =	shalt  }
0x57: {  	_ =	shalt  }
0x58: {  	_ =	shalt  }
0x59: {  	_ =	shalt  }
0x5a: {  	_ =	shalt  }
0x5b: {  	_ =	shalt  }
0x5c: {  	_ =	shalt  }
0x5d: {  	_ =	shalt  }
0x5e: {  	_ =	shalt  }
0x5f: {  	_ =	shalt  }
0x60: {  	_ =	shalt  }
0x61: {  	_ =	shalt  }
0x62: {  	_ =	shalt  }
0x63: {  	_ =	shalt  }
0x64: {  	_ =	shalt  }
0x65: {  	_ =	shalt  }
0x66: {  	_ =	shalt  }
0x67: {  	_ =	shalt  }
0x68: {  	_ =	shalt  }
0x69: {  	_ =	shalt  }
0x6a: {  	_ =	shalt  }
0x6b: {  	_ =	shalt  }
0x6c: {  	_ =	shalt  }
0x6d: {  	_ =	shalt  }
0x6e: {  	_ =	shalt  }
0x6f: {  	_ =	shalt  }
0x70: {  	_ =	shalt  }
0x71: {  	_ =	shalt  }
0x72: {  	_ =	shalt  }
0x73: {  	_ =	shalt  }
0x74: {  	_ =	shalt  }
0x75: {  	_ =	shalt  }
0x76: {  	_ =	shalt  }
0x77: {  	_ =	shalt  }
0x78: {  	_ =	shalt  }
0x79: {  	_ =	shalt  }
0x7a: {  	_ =	shalt  }
0x7b: {  	_ =	shalt  }
0x7c: {  	_ =	shalt  }
0x7d: {  	_ =	shalt  }
0x7e: {  	_ =	shalt  }
0x7f: {  	_ =	shalt  }
0x80: {  	_ =	shalt  }
0x81: {  	_ =	shalt  }
0x82: {  	_ =	shalt  }
0x83: {  	_ =	shalt  }
0x84: {  	_ =	shalt  }
0x85: {  	_ =	shalt  }
0x86: {  	_ =	shalt  }
0x87: {  	_ =	shalt  }
.Lfunc_end0:
.L_simem_size_0:
called_computation_lowered:
.L_overlay_start_0:
0x88: {  	s2 =	sld [smem:$0x3FD9]  }
0x89: {  	s3 =	sld [smem:$0x3FFE];
	_ =	sdelay $0x1  }
0x8a: {  	s1 =	srdreg.scid  }
0x8b: {  	s0 =	sand.u32 $0x1, s1  }
0x8c: {  	s14 =	sshll.u32 s0, $0xA;
	s2 =	sadd.s32 s3, s2  }
0x8d: {  	s2 =	sadd.s32 s2, s14  }
0x8e: {  	[smem:$0x3FC3] =	sst s2  }
0x8f: {  	_ = 	snop  }
0x90: {  	s2 =	sld [smem:$0x3FD0];
	_ =	sdelay $0x2  }
0x91: {  	s15 =	simm.s32 $0xA;
	s4 =	simm.s32 $0x10  }
0x92: {  	[smem:s4], [sflag:s15] =	dma.local [hbm:s2], $0x1  }
0x93: {  	_ =	swait.eq [sflag:s15], $0x1  }
0x94: {  	[sflag:s15] =	ssyncset.done $0x0  }
0x95: {  	s16 =	sld [smem:$0x10];
	[sflag:s15] =	ssyncadd.s32 $0xFFFFFFFF  }
0x96: {  	s17 =	sld [smem:$0x12];
	(tm) =	ssettm $0x1  }
0x97: {  	s18 =	sld [smem:$0x3FFB];
	_ =	sdelay $0x3  }
0x98: {  	_ =	strace s18  }
0x99: {  	s4 =	sld [smem:$0x3FFC];
	_ =	sdelay $0x3  }
0x9a: {  	_ =	strace s4  }
0x9b: {  	s4 =	sld [smem:$0x3FFD];
	_ =	sdelay $0x3  }
0x9c: {  	_ =	strace s4  }
0x9d: {  	_ =	strace $0x8FFFFFFF  }
0x9e: {  	s19 =	sld [smem:$0x3FDB];
	_ =	sdelay $0x1  }
0x9f: {  	s5 =	simm.s32 $_scs_section_size  }
0xa0: {  	s6 =	simm.s32 $_size__tile_overlayer_lowered;
	s7 =	simm.s32 $_tile_overlayer_lowered  }
0xa1: {  	s22 =	simm.s32 $0x1BFF;
	s21 =	sshll.u32 s7, $0x1;
	s4 =	sadd.s32 s5, s19  }
0xa2: {  	s8 =	simm.s32 $0x0;
	s20 =	sshll.u32 s6, $0x1;
	s6 =	sadd.s32 s21, s4  }
0xa3: {  	[timem:s8], [sflag:s22] =	dma.local [hbm:s6], s20  }
0xa4: {  	_ =	swait.ge [sflag:s22], s20  }
0xa5: {  	s5 =	ssub.s32 $0x0, s20;
	[sflag:s22] =	ssyncset.done $0x0  }
0xa6: {  	[sflag:s22] =	ssyncadd.s32 s5;
	_ =	sdelay $0x1  }
0xa7: {  	s23 =	simm.s32 $0x1B8B  }
0xa8: {  	_ =	swait.ge [sflag:s23], $0x1  }
0xa9: {  	[sflag:s23] =	ssyncset.done $0x0  }
0xaa: {  	s25 =	simm.s32 $0x1B8E;
	s24 =	sld [smem:$0x3FFE];
	[sflag:s23] =	ssyncadd.s32 $0xFFFFFFFF  }
0xab: {  	s26 =	simm.s32 $execute0_lowered;
	[smem:$0x3FD2] =	sst s25  }
0xac: {  	s6 =	sshll.u32 s26, $0x1;
	_ =	strace $0x80000046;
	[dreg:$0x1] =	wrdreg $0xFFFFFFFF  }
0xad: {  	s28 =	simm.s32 $_size_execute0_lowered;
	s4 =	sadd.s32 s4, s6;
	[dreg:$0x0] =	wrdreg $0x0  }
0xae: {  	s6 =	sshll.u32 s28, $0x1;
	[dreg:$0x2] =	wrdreg s4  }
0xaf: {  	[dreg:$0x3] =	wrdreg s6  }
0xb0: {  	[dreg:$0x4] =	wrdreg $0xC0  }
0xb1: {  	_ =	task [dreg:s8], $0x5FFFF  }
0xb2: {  	[dreg:$0x1] =	wrdreg $0xFFFFFFFF  }
0xb3: {  	[dreg:$0x0] =	wrdreg $0x60  }
0xb4: {  	[dreg:$0x2] =	wrdreg s17  }
0xb5: {  	[dreg:$0x3] =	wrdreg s24  }
0xb6: {  	[dreg:$0x4] =	wrdreg s16  }
0xb7: {  	[dreg:$0x5] =	wrdreg $0x192800  }
0xb8: {  	[dreg:$0x6] =	wrdreg $0x9  }
0xb9: {  	_ =	task.clear_ibuf [dreg:s8], $0x7FFFF;
	_ =	strace $0x90000046  }
0xba: {  	s29 =	simm.s32 $0x9;
	_ =	strace $0x80000048  }
0xbb: {  	_ =	swait.ge [sflag:s29], $0x1  }
0xbc: {  	[sflag:s29] =	ssyncadd.s32 $0xFFFFFFFF  }
0xbd: {  	_ =	strace $0x90000048  }
0xbe: {  	_ =	sfence  }
0xbf: {  	s30 =	sld [smem:$0x0];
	_ =	sdelay $0x2  }
0xc0: {  	s31 =	sshll.u32 s1, $0xD;
	s1 =	sshrl.u32 s1, $0x2  }
0xc1: {  	s3 =	sand.u32 $0x4000, s31;
	s1 =	sadd.s32 s1, s30  }
0xc2: {  	s0 =	sor.u32 s3, s0;
	s1 =	sshll.u32 s1, $0x11  }
0xc3: {  	s0 =	sor.u32 s1, s0  }
0xc4: {  	s0 =	sadd.s32 $0x8F2B, s0  }
0xc5: {  	[sflag:s0] =	ssyncadd.remote.s32 $0x1  }
0xc6: {  	_ =	sfence.sel $0xFFFF  }
0xc7: {  	[dreg:$0x0] =	wrdreg $0xFFFFFFFF;
	(pc) =	sbr.abs _section_cstart, $3  }
0xc8: {  	[dreg:$0x1] =	wrdreg $0xFFFFFFFF  }
0xc9: {  	_ =	task.clear_ibuf [dreg:s8], $0x2FFFF;
	_ =	strace $0x9FFFFFFF  }
0xca: {  	(tm) =	ssettm $0x7FFFFFFF  }
0xcb: {  	_ =	shalt  }
tec
execute0_lowered:
.L_overlay_start_1:
0x0: {  	(tag) =	ssettag $0x1  }
0x1: {  	s0 =	rddreg [dreg:$0x0]  }
0x2: {  	s2 =	rddreg [dreg:$0x1];
	s1 =	simm.s32 $0x0;
	s3 =	srdreg.scid  }
0x3: {  	s16 =	stileid.u32;
	[smem:$0x7FF] =	sst s1;
	s3 =	sand.u32 $0x1, s3  }
0x4: {  	s4 =	sadd.s32 $0xE00, s2;
	s6 =	smul.u32 $0x640, s16;
	s7 =	sshll.u32 s16, $0xA  }
0x5: {  	s9 =	smul.u32 $0x32000, s16;
	s10 =	sadd.s32 $0x6CE00, s2;
	s5 =	ssub.s32 $0x2, s3  }
0x6: {  	s7 =	sadd.s32 s7, s2;
	p0 =	seq.s32 s3, $0x1;
	s8 =	sshrl.u32 s5, $0x1  }
0x7: {  	s26 =	sshrl.u32 s6, $0x3;
	s31 =	sshrl.u32 s9, $0x3;
	s5 =	ssub.s32 s5, s8  }
0x8: {  	s2 =	sadd.s32 s0, s26;
	s6 =	sadd.s32 s4, s31;
	s8 =	sadd.s32 $0xA00, s31  }
0x9: {  	s19 =	sadd.s32 $0x1400, s31;
	[dreg:$0x5] =	wrdreg s6;
	s18 =	sadd.s32 s4, s8  }
0xa: {  	s20 =	sadd.s32 $0x1E00, s31;
	s21 =	sadd.s32 s4, s19;
	[dreg:$0x6] =	wrdreg s18  }
0xb: {  	s23 =	sadd.s32 $0x2800, s31;
	s22 =	sadd.s32 s4, s20;
	[dreg:$0x7] =	wrdreg s21  }
0xc: {  	s24 =	sadd.s32 $0x3200, s31;
	s11 =	sadd.s32 s4, s23;
	[dreg:$0x8] =	wrdreg s22  }
0xd: {  	s12 =	sadd.s32 $0x3C00, s31;
	s13 =	sadd.s32 s4, s24;
	[dreg:$0x9] =	wrdreg s11  }
0xe: {  	s26 =	sadd.s32 $0x4600, s31;
	s25 =	sadd.s32 s4, s12;
	[dreg:$0xa] =	wrdreg s13  }
0xf: {  	s14 =	sadd.s32 $0x5000, s31;
	s17 =	sadd.s32 s4, s26;
	[dreg:$0xb] =	wrdreg s25  }
0x10: {  	s3 =	sadd.s32 $0x5A00, s31;
	s31 =	sadd.s32 s4, s14;
	[dreg:$0xc] =	wrdreg s17  }
0x11: {  	s4 =	sadd.s32 s4, s3;
	[dreg:$0xd] =	wrdreg s31  }
0x12: {  	s0 =	sadd.s32 s10, s8;
	[dreg:$0xe] =	wrdreg s4  }
0x13: {  	s19 =	sadd.s32 s10, s19;
	[dreg:$0x10] =	wrdreg s0  }
0x14: {  	s15 =	smul.u32 $0x6400, s16;
	s20 =	sadd.s32 s10, s20;
	[dreg:$0x11] =	wrdreg s19  }
0x15: {  	[dreg:$0x12] =	wrdreg s20  }
0x16: {  	s18 =	sadd.s32 s10, s15;
	s19 =	rddreg [dreg:$0x2]  }
0x17: {  	s21 =	sadd.s32 s10, s23;
	[dreg:$0xf] =	wrdreg s18  }
0x18: {  	s22 =	sadd.s32 s10, s24;
	[dreg:$0x13] =	wrdreg s21  }
0x19: {  	s23 =	sadd.s32 s10, s12;
	[dreg:$0x14] =	wrdreg s22  }
0x1a: {  	[dreg:$0x15] =	wrdreg s23  }
0x1b: {  	s24 =	sadd.s32 s10, s26;
	s22 =	rddreg [dreg:$0x3]  }
0x1c: {  	s25 =	sadd.s32 s10, s14;
	[dreg:$0x16] =	wrdreg s24  }
0x1d: {  	s26 =	sadd.s32 s10, s3;
	[dreg:$0x17] =	wrdreg s25  }
0x1e: {  	s3 =	sadd.s32 $0x68E00, s7;
	[dreg:$0x18] =	wrdreg s26  }
0x1f: {  	s4 =	sadd.s32 $0x64E00, s7;
	_ =	strace $0x80000047;
	[dreg:$0x19] =	wrdreg s3  }
0x20: {  	s6 =	sadd.s32 $0xD0E00, s7;
	[dreg:$0x1a] =	wrdreg s4  }
0x21: {  	s7 =	sadd.s32 $0xA, s2;
	[dreg:$0x1b] =	wrdreg s6  }
0x22: {  	s8 =	sadd.s32 $0x14, s2;
	[dreg:$0x1c] =	wrdreg s7  }
0x23: {  	s9 =	sadd.s32 $0x1E, s2;
	[dreg:$0x1d] =	wrdreg s8  }
0x24: {  	s10 =	sadd.s32 $0x28, s2;
	[dreg:$0x1e] =	wrdreg s9  }
0x25: {  	s11 =	sadd.s32 $0x32, s2;
	[dreg:$0x1f] =	wrdreg s10  }
0x26: {  	s12 =	sadd.s32 $0x3C, s2;
	[smem:$0x7ED] =	sst s11  }
0x27: {  	s13 =	sadd.s32 $0x46, s2;
	[smem:$0x7EE] =	sst s12  }
0x28: {  	s14 =	sadd.s32 $0x50, s2;
	[smem:$0x7EF] =	sst s13  }
0x29: {  	s15 =	sadd.s32 $0x5A, s2;
	[smem:$0x7F0] =	sst s14  }
0x2a: {  	s31 =	sshll.u32 s16, $0xD;
	s16 =	sadd.s32 $0x64, s2;
	[smem:$0x7F1] =	sst s15  }
0x2b: {  	s17 =	sadd.s32 $0x6E, s2;
	[smem:$0x7F2] =	sst s16  }
0x2c: {  	s18 =	sadd.s32 $0x78, s2;
	[smem:$0x7F3] =	sst s17  }
0x2d: {  	s20 =	sadd.s32 $0x82, s2;
	[smem:$0x7F4] =	sst s18  }
0x2e: {  	s21 =	sadd.s32 $0x8C, s2;
	[smem:$0x7F5] =	sst s20  }
0x2f: {  	s29 =	simm.s32 $0x1;
	s23 =	sadd.s32 $0x96, s2;
	[smem:$0x7F6] =	sst s21  }
0x30: {  	s30 =	simm.s32 $0x6280;
	s24 =	sadd.s32 $0xA0, s2;
	[smem:$0x7F7] =	sst s23  }
0x31: {  	s28 =	smax.u32 s5, $0x1;
	s25 =	sadd.s32 $0xAA, s2;
	[smem:$0x7F8] =	sst s24  }
0x32: {  	s5 =	simm.s32 $0x900;
	s26 =	sadd.s32 $0xB4, s2;
	[smem:$0x7F9] =	sst s25  }
0x33: {  	s0 =	sadd.s32 s31, s22;
	[smem:$0x7FA] =	sst s26;
	s31 =	sadd.s32 $0xBE, s2  }
0x34: {  	s23 =	simm.s32 $0x4;
	s24 =	simm.s32 $0x50;
	s25 =	simm.s32 $0x1280  }
0x35: {  	s6 =	simm.s32 $0xB280;
	s7 =	simm.s32 $0x3;
	s8 =	simm.s32 $0x10280  }
.Ltmp0:
0x36: {  	s12 =	simm.s32 $0x0;
	[smem:$0x7FC] =	sst s2;
	(pc) =	sbr.rel .LBB2_1-.Ltmp0, $4  }
0x37: {  	[smem:$0x7FD] =	sst s28;
	s17 =	simm.s32 $0x680;
	s20 =	simm.s32 $0x700  }
0x38: {  	s21 =	simm.s32 $0x780;
	s11 =	simm.s32 $0x980;
	s26 =	simm.s32 $0xA00  }
0x39: {  	s18 =	simm.s32 $0xA80;
	s9 =	simm.s32 $0xB00;
	[smem:$0x7EC] =	sst s0  }
0x3a: {  	s10 =	simm.s32 $0xB80;
	[smem:$0x7FB] =	sst s31;
	s0 =	simm.s32 $0x2  }
.LBB2_2:
0x3b: {  	[tilespmem:s1], [sflag:$0x4] =	stream.linear.gather [hbm4b:s2+s1], $0x640, $0x38;
	[tilespmem:$0x1B280] =	vst v63  }
0x3c: {  	_ =	swait.ge [sflag:s23], $0x640  }
0x3d: {  	[sflag:s23] =	ssyncset.done $0x0  }
0x3e: {  	[sflag:s23] =	ssyncadd.s32 $0xFFFFF9C0  }
0x3f: {  	[tilespmem:s25], [sflag:$0x1] =	stream.indirect.gather [hbm4b:s19+s24], $0x80, s1, s24, $0xb8;
	[tilespmem:$0x1B280] =	vst v63  }
0x40: {  	s3 =	simm.s32 $0x3A80  }
0x41: {  	[tilespmem:s3], [sflag:$0x1] =	stream.indirect.gather [hbm4b:s19+s24], $0x80, s24, s24, $0xb8;
	[tilespmem:$0x1B280] =	vst v63  }
0x42: {  	_ =	swait.ge [sflag:s29], $0x2800  }
0x43: {  	[sflag:s29] =	ssyncset.done $0x0  }
0x44: {  	[sflag:s29] =	ssyncadd.s32 $0xFFFFD800  }
0x45: {  	_ =	swait.ge [sflag:s29], $0x2800  }
0x46: {  	[sflag:s29] =	ssyncset.done $0x0  }
0x47: {  	s13 =	rddreg [dreg:$0xf];
	[sflag:s29] =	ssyncadd.s32 $0xFFFFD800  }
0x48: {  	[hbm4b:s13+s1] =	stream.linear.scatter [tilespmem:s25], [sflag:$0x2], $0x5000, $0x38;
	[tilespmem:$0x1B280] =	vst v63  }
0x49: {  	s15 =	simm.s32 $0xA0  }
0x4a: {  	[tilespmem:s30], [sflag:$0x1] =	stream.indirect.gather [hbm4b:s19+s24], $0x80, s15, s24, $0xb8;
	[tilespmem:$0x1B280] =	vst v63  }
0x4b: {  	s16 =	simm.s32 $0xF0;
	s4 =	simm.s32 $0x8A80  }
0x4c: {  	[tilespmem:s4], [sflag:$0x1] =	stream.indirect.gather [hbm4b:s19+s24], $0x80, s16, s24, $0xb8;
	[tilespmem:$0x1B280] =	vst v63  }
0x4d: {  	_ =	swait.ge [sflag:s29], $0x2800  }
0x4e: {  	[sflag:s29] =	ssyncset.done $0x0  }
0x4f: {  	[sflag:s29] =	ssyncadd.s32 $0xFFFFD800  }
0x50: {  	_ =	swait.ge [sflag:s29], $0x2800  }
0x51: {  	[sflag:s29] =	ssyncset.done $0x0  }
0x52: {  	s31 =	rddreg [dreg:$0x10];
	[sflag:s29] =	ssyncadd.s32 $0xFFFFD800  }
0x53: {  	[hbm4b:s31+s1] =	stream.linear.scatter [tilespmem:s30], [sflag:$0x2], $0x5000, $0x38;
	[tilespmem:$0x1B280] =	vst v63  }
0x54: {  	_ =	swait.ge [sflag:s0], $0x5000  }
0x55: {  	[sflag:s0] =	ssyncset.done $0x0  }
0x56: {  	s14 =	simm.s32 $0x140;
	[sflag:s0] =	ssyncadd.s32 $0xFFFFB000  }
0x57: {  	[tilespmem:s25], [sflag:$0x1] =	stream.indirect.gather [hbm4b:s19+s24], $0x80, s14, s24, $0xb8;
	[tilespmem:$0x1B280] =	vst v63  }
0x58: {  	s15 =	simm.s32 $0x190  }
0x59: {  	[tilespmem:s3], [sflag:$0x1] =	stream.indirect.gather [hbm4b:s19+s24], $0x80, s15, s24, $0xb8;
	[tilespmem:$0x1B280] =	vst v63  }
0x5a: {  	_ =	swait.ge [sflag:s29], $0x2800  }
0x5b: {  	[sflag:s29] =	ssyncset.done $0x0  }
0x5c: {  	[sflag:s29] =	ssyncadd.s32 $0xFFFFD800  }
0x5d: {  	_ =	swait.ge [sflag:s29], $0x2800  }
0x5e: {  	[sflag:s29] =	ssyncset.done $0x0  }
0x5f: {  	s16 =	rddreg [dreg:$0x11];
	[sflag:s29] =	ssyncadd.s32 $0xFFFFD800  }
0x60: {  	[hbm4b:s16+s1] =	stream.linear.scatter [tilespmem:s25], [sflag:$0x2], $0x5000, $0x38;
	[tilespmem:$0x1B280] =	vst v63  }
0x61: {  	_ =	swait.ge [sflag:s0], $0x5000  }
0x62: {  	[sflag:s0] =	ssyncset.done $0x0  }
0x63: {  	s31 =	simm.s32 $0x1E0;
	[sflag:s0] =	ssyncadd.s32 $0xFFFFB000  }
0x64: {  	[tilespmem:s30], [sflag:$0x1] =	stream.indirect.gather [hbm4b:s19+s24], $0x80, s31, s24, $0xb8;
	[tilespmem:$0x1B280] =	vst v63  }
0x65: {  	s14 =	simm.s32 $0x230  }
0x66: {  	[tilespmem:s4], [sflag:$0x1] =	stream.indirect.gather [hbm4b:s19+s24], $0x80, s14, s24, $0xb8;
	[tilespmem:$0x1B280] =	vst v63  }
0x67: {  	_ =	swait.ge [sflag:s29], $0x2800  }
0x68: {  	[sflag:s29] =	ssyncset.done $0x0  }
0x69: {  	[sflag:s29] =	ssyncadd.s32 $0xFFFFD800  }
0x6a: {  	_ =	swait.ge [sflag:s29], $0x2800  }
0x6b: {  	[sflag:s29] =	ssyncset.done $0x0  }
0x6c: {  	s15 =	rddreg [dreg:$0x12];
	[sflag:s29] =	ssyncadd.s32 $0xFFFFD800  }
0x6d: {  	[hbm4b:s15+s1] =	stream.linear.scatter [tilespmem:s30], [sflag:$0x2], $0x5000, $0x38;
	[tilespmem:$0x1B280] =	vst v63  }
0x6e: {  	_ =	swait.ge [sflag:s0], $0x5000  }
0x6f: {  	[sflag:s0] =	ssyncset.done $0x0  }
0x70: {  	s16 =	simm.s32 $0x280;
	[sflag:s0] =	ssyncadd.s32 $0xFFFFB000  }
0x71: {  	[tilespmem:s25], [sflag:$0x1] =	stream.indirect.gather [hbm4b:s19+s24], $0x80, s16, s24, $0xb8;
	[tilespmem:$0x1B280] =	vst v63  }
0x72: {  	s31 =	simm.s32 $0x2D0  }
0x73: {  	[tilespmem:s3], [sflag:$0x1] =	stream.indirect.gather [hbm4b:s19+s24], $0x80, s31, s24, $0xb8;
	[tilespmem:$0x1B280] =	vst v63  }
0x74: {  	_ =	swait.ge [sflag:s29], $0x2800  }
0x75: {  	[sflag:s29] =	ssyncset.done $0x0  }
0x76: {  	[sflag:s29] =	ssyncadd.s32 $0xFFFFD800  }
0x77: {  	_ =	swait.ge [sflag:s29], $0x2800  }
0x78: {  	[sflag:s29] =	ssyncset.done $0x0  }
0x79: {  	s14 =	rddreg [dreg:$0x13];
	[sflag:s29] =	ssyncadd.s32 $0xFFFFD800  }
0x7a: {  	[hbm4b:s14+s1] =	stream.linear.scatter [tilespmem:s25], [sflag:$0x2], $0x5000, $0x38;
	[tilespmem:$0x1B280] =	vst v63  }
0x7b: {  	_ =	swait.ge [sflag:s0], $0x5000  }
0x7c: {  	[sflag:s0] =	ssyncset.done $0x0  }
0x7d: {  	s15 =	simm.s32 $0x320;
	[sflag:s0] =	ssyncadd.s32 $0xFFFFB000  }
0x7e: {  	[tilespmem:s30], [sflag:$0x1] =	stream.indirect.gather [hbm4b:s19+s24], $0x80, s15, s24, $0xb8;
	[tilespmem:$0x1B280] =	vst v63  }
0x7f: {  	s16 =	simm.s32 $0x370  }
0x80: {  	[tilespmem:s4], [sflag:$0x1] =	stream.indirect.gather [hbm4b:s19+s24], $0x80, s16, s24, $0xb8;
	[tilespmem:$0x1B280] =	vst v63  }
0x81: {  	_ =	swait.ge [sflag:s29], $0x2800  }
0x82: {  	[sflag:s29] =	ssyncset.done $0x0  }
0x83: {  	[sflag:s29] =	ssyncadd.s32 $0xFFFFD800  }
0x84: {  	_ =	swait.ge [sflag:s29], $0x2800  }
0x85: {  	[sflag:s29] =	ssyncset.done $0x0  }
0x86: {  	s31 =	rddreg [dreg:$0x14];
	[sflag:s29] =	ssyncadd.s32 $0xFFFFD800  }
0x87: {  	[hbm4b:s31+s1] =	stream.linear.scatter [tilespmem:s30], [sflag:$0x2], $0x5000, $0x38;
	[tilespmem:$0x1B280] =	vst v63  }
0x88: {  	_ =	swait.ge [sflag:s0], $0x5000  }
0x89: {  	[sflag:s0] =	ssyncset.done $0x0  }
0x8a: {  	s14 =	simm.s32 $0x3C0;
	[sflag:s0] =	ssyncadd.s32 $0xFFFFB000  }
0x8b: {  	[tilespmem:s25], [sflag:$0x1] =	stream.indirect.gather [hbm4b:s19+s24], $0x80, s14, s24, $0xb8;
	[tilespmem:$0x1B280] =	vst v63  }
0x8c: {  	s15 =	simm.s32 $0x410  }
0x8d: {  	[tilespmem:s3], [sflag:$0x1] =	stream.indirect.gather [hbm4b:s19+s24], $0x80, s15, s24, $0xb8;
	[tilespmem:$0x1B280] =	vst v63  }
0x8e: {  	_ =	swait.ge [sflag:s29], $0x2800  }
0x8f: {  	[sflag:s29] =	ssyncset.done $0x0  }
0x90: {  	[sflag:s29] =	ssyncadd.s32 $0xFFFFD800  }
0x91: {  	_ =	swait.ge [sflag:s29], $0x2800  }
0x92: {  	[sflag:s29] =	ssyncset.done $0x0  }
0x93: {  	s16 =	rddreg [dreg:$0x15];
	[sflag:s29] =	ssyncadd.s32 $0xFFFFD800  }
0x94: {  	[hbm4b:s16+s1] =	stream.linear.scatter [tilespmem:s25], [sflag:$0x2], $0x5000, $0x38;
	[tilespmem:$0x1B280] =	vst v63  }
0x95: {  	_ =	swait.ge [sflag:s0], $0x5000  }
0x96: {  	[sflag:s0] =	ssyncset.done $0x0  }
0x97: {  	s31 =	simm.s32 $0x460;
	[sflag:s0] =	ssyncadd.s32 $0xFFFFB000  }
0x98: {  	[tilespmem:s30], [sflag:$0x1] =	stream.indirect.gather [hbm4b:s19+s24], $0x80, s31, s24, $0xb8;
	[tilespmem:$0x1B280] =	vst v63  }
0x99: {  	s14 =	simm.s32 $0x4B0  }
0x9a: {  	[tilespmem:s4], [sflag:$0x1] =	stream.indirect.gather [hbm4b:s19+s24], $0x80, s14, s24, $0xb8;
	[tilespmem:$0x1B280] =	vst v63  }
0x9b: {  	_ =	swait.ge [sflag:s29], $0x2800  }
0x9c: {  	[sflag:s29] =	ssyncset.done $0x0  }
0x9d: {  	[sflag:s29] =	ssyncadd.s32 $0xFFFFD800  }
0x9e: {  	_ =	swait.ge [sflag:s29], $0x2800  }
0x9f: {  	[sflag:s29] =	ssyncset.done $0x0  }
0xa0: {  	s15 =	rddreg [dreg:$0x16];
	[sflag:s29] =	ssyncadd.s32 $0xFFFFD800  }
0xa1: {  	[hbm4b:s15+s1] =	stream.linear.scatter [tilespmem:s30], [sflag:$0x2], $0x5000, $0x38;
	[tilespmem:$0x1B280] =	vst v63  }
0xa2: {  	_ =	swait.ge [sflag:s0], $0x5000  }
0xa3: {  	[sflag:s0] =	ssyncset.done $0x0  }
0xa4: {  	s16 =	simm.s32 $0x500;
	[sflag:s0] =	ssyncadd.s32 $0xFFFFB000  }
0xa5: {  	[tilespmem:s25], [sflag:$0x1] =	stream.indirect.gather [hbm4b:s19+s24], $0x80, s16, s24, $0xb8;
	[tilespmem:$0x1B280] =	vst v63  }
0xa6: {  	s31 =	simm.s32 $0x550  }
0xa7: {  	[tilespmem:s3], [sflag:$0x1] =	stream.indirect.gather [hbm4b:s19+s24], $0x80, s31, s24, $0xb8;
	[tilespmem:$0x1B280] =	vst v63  }
0xa8: {  	_ =	swait.ge [sflag:s29], $0x2800  }
0xa9: {  	[sflag:s29] =	ssyncset.done $0x0  }
0xaa: {  	[sflag:s29] =	ssyncadd.s32 $0xFFFFD800  }
0xab: {  	_ =	swait.ge [sflag:s29], $0x2800  }
0xac: {  	[sflag:s29] =	ssyncset.done $0x0  }
0xad: {  	s14 =	rddreg [dreg:$0x17];
	[sflag:s29] =	ssyncadd.s32 $0xFFFFD800  }
0xae: {  	[hbm4b:s14+s1] =	stream.linear.scatter [tilespmem:s25], [sflag:$0x2], $0x5000, $0x38;
	[tilespmem:$0x1B280] =	vst v63  }
0xaf: {  	_ =	swait.ge [sflag:s0], $0x5000  }
0xb0: {  	[sflag:s0] =	ssyncset.done $0x0  }
0xb1: {  	s15 =	simm.s32 $0x5A0;
	[sflag:s0] =	ssyncadd.s32 $0xFFFFB000  }
0xb2: {  	[tilespmem:s30], [sflag:$0x1] =	stream.indirect.gather [hbm4b:s19+s24], $0x80, s15, s24, $0xb8;
	[tilespmem:$0x1B280] =	vst v63  }
0xb3: {  	s16 =	simm.s32 $0x5F0  }
0xb4: {  	[tilespmem:s4], [sflag:$0x1] =	stream.indirect.gather [hbm4b:s19+s24], $0x80, s16, s24, $0xb8;
	[tilespmem:$0x1B280] =	vst v63  }
0xb5: {  	_ =	swait.ge [sflag:s29], $0x2800  }
0xb6: {  	[sflag:s29] =	ssyncset.done $0x0  }
0xb7: {  	[sflag:s29] =	ssyncadd.s32 $0xFFFFD800  }
0xb8: {  	_ =	swait.ge [sflag:s29], $0x2800  }
0xb9: {  	[sflag:s29] =	ssyncset.done $0x0  }
0xba: {  	s31 =	rddreg [dreg:$0x18];
	[sflag:s29] =	ssyncadd.s32 $0xFFFFD800  }
0xbb: {  	[hbm4b:s31+s1] =	stream.linear.scatter [tilespmem:s30], [sflag:$0x2], $0x5000, $0x38;
	[tilespmem:$0x1B280] =	vst v63  }
0xbc: {  	_ =	swait.ge [sflag:s0], $0x5000  }
0xbd: {  	[sflag:s0] =	ssyncset.done $0x0  }
0xbe: {  	[sflag:s0] =	ssyncadd.s32 $0xFFFFB000  }
0xbf: {  	_ =	swait.ge [sflag:s0], $0x5000  }
0xc0: {  	[sflag:s0] =	ssyncset.done $0x0  }
0xc1: {  	[sflag:s0] =	ssyncadd.s32 $0xFFFFB000  }
.LBB2_6:
0xc2: {  	s12 =	sadd.s32 $0x1, s12  }
0xc3: {  	p1 =	sne.s32 s12, s28  }
.Ltmp1:
0xc4: {  	_ = 	snop;
	(pc) =	sbr.rel @!p1 .LBB2_7-.Ltmp1, $1  }
0xc5: {  	_ =	sdelay $0x3  }
.LBB2_1:
.Ltmp2:
0xc6: {  	(pc) =	sbr.rel @p0 .LBB2_2-.Ltmp2, $1  }
0xc7: {  	_ =	sdelay $0x3  }
0xc8: {  	s13 =	simm.s32 $0x0;
	s14 =	rddreg [dreg:$0x1c]  }
0xc9: {  	[tilespmem:s17], [sflag:$0x1] =	stream.linear.gather [hbm4b:s2+s13], $0x50, $0x38;
	[tilespmem:$0x1B280] =	vst v63  }
0xca: {  	s16 =	rddreg [dreg:$0x1d]  }
0xcb: {  	[tilespmem:s20], [sflag:$0x1] =	stream.linear.gather [hbm4b:s14+s13], $0x50, $0x38;
	[tilespmem:$0x1B280] =	vst v63  }
0xcc: {  	s28 =	rddreg [dreg:$0x1e]  }
0xcd: {  	[tilespmem:s21], [sflag:$0x1] =	stream.linear.gather [hbm4b:s16+s13], $0x50, $0x38;
	[tilespmem:$0x1B280] =	vst v63  }
0xce: {  	s3 =	simm.s32 $0x800;
	s31 =	rddreg [dreg:$0x1f]  }
0xcf: {  	[tilespmem:s3], [sflag:$0x1] =	stream.linear.gather [hbm4b:s28+s13], $0x50, $0x38;
	[tilespmem:$0x1B280] =	vst v63  }
0xd0: {  	s4 =	simm.s32 $0x880;
	s2 =	sld [smem:$0x7ED]  }
0xd1: {  	[tilespmem:s4], [sflag:$0x1] =	stream.linear.gather [hbm4b:s31+s13], $0x50, $0x38;
	[tilespmem:$0x1B280] =	vst v63  }
0xd2: {  	s15 =	sld [smem:$0x7EE]  }
0xd3: {  	[tilespmem:s5], [sflag:$0x1] =	stream.linear.gather [hbm4b:s2+s13], $0x50, $0x38;
	[tilespmem:$0x1B280] =	vst v63  }
0xd4: {  	s16 =	sld [smem:$0x7EF]  }
0xd5: {  	[tilespmem:s11], [sflag:$0x1] =	stream.linear.gather [hbm4b:s15+s13], $0x50, $0x38;
	[tilespmem:$0x1B280] =	vst v63  }
0xd6: {  	s28 =	sld [smem:$0x7F0]  }
0xd7: {  	[tilespmem:s26], [sflag:$0x1] =	stream.linear.gather [hbm4b:s16+s13], $0x50, $0x38;
	[tilespmem:$0x1B280] =	vst v63  }
0xd8: {  	s31 =	sld [smem:$0x7F1]  }
0xd9: {  	[tilespmem:s18], [sflag:$0x1] =	stream.linear.gather [hbm4b:s28+s13], $0x50, $0x38;
	[tilespmem:$0x1B280] =	vst v63  }
0xda: {  	s2 =	sld [smem:$0x7F2]  }
0xdb: {  	[tilespmem:s9], [sflag:$0x1] =	stream.linear.gather [hbm4b:s31+s13], $0x50, $0x38;
	[tilespmem:$0x1B280] =	vst v63  }
0xdc: {  	s15 =	sld [smem:$0x7F3]  }
0xdd: {  	[tilespmem:s10], [sflag:$0x1] =	stream.linear.gather [hbm4b:s2+s13], $0x50, $0x38;
	[tilespmem:$0x1B280] =	vst v63  }
0xde: {  	s16 =	sld [smem:$0x7F4];
	s2 =	simm.s32 $0xC00  }
0xdf: {  	[tilespmem:s2], [sflag:$0x1] =	stream.linear.gather [hbm4b:s15+s13], $0x50, $0x38;
	[tilespmem:$0x1B280] =	vst v63  }
0xe0: {  	s28 =	simm.s32 $0xC80;
	s31 =	sld [smem:$0x7F5]  }
0xe1: {  	[tilespmem:s28], [sflag:$0x1] =	stream.linear.gather [hbm4b:s16+s13], $0x50, $0x38;
	[tilespmem:$0x1B280] =	vst v63  }
0xe2: {  	s15 =	simm.s32 $0xD00;
	s16 =	sld [smem:$0x7F6]  }
0xe3: {  	[tilespmem:s15], [sflag:$0x1] =	stream.linear.gather [hbm4b:s31+s13], $0x50, $0x38;
	[tilespmem:$0x1B280] =	vst v63  }
0xe4: {  	s31 =	simm.s32 $0xD80  }
0xe5: {  	[tilespmem:s31], [sflag:$0x1] =	stream.linear.gather [hbm4b:s16+s13], $0x50, $0x38;
	[tilespmem:$0x1B280] =	vst v63  }
0xe6: {  	s16 =	sld [smem:$0x7F7];
	_ =	sdelay $0x1  }
0xe7: {  	s31 =	simm.s32 $0xE00  }
0xe8: {  	[tilespmem:s31], [sflag:$0x1] =	stream.linear.gather [hbm4b:s16+s13], $0x50, $0x38;
	[tilespmem:$0x1B280] =	vst v63  }
0xe9: {  	s16 =	sld [smem:$0x7F8];
	_ =	sdelay $0x1  }
0xea: {  	s31 =	simm.s32 $0xE80  }
0xeb: {  	[tilespmem:s31], [sflag:$0x1] =	stream.linear.gather [hbm4b:s16+s13], $0x50, $0x38;
	[tilespmem:$0x1B280] =	vst v63  }
0xec: {  	s16 =	sld [smem:$0x7F9];
	_ =	sdelay $0x1  }
0xed: {  	s31 =	simm.s32 $0xF00  }
0xee: {  	[tilespmem:s31], [sflag:$0x1] =	stream.linear.gather [hbm4b:s16+s13], $0x50, $0x38;
	[tilespmem:$0x1B280] =	vst v63  }
0xef: {  	s16 =	sld [smem:$0x7FA];
	_ =	sdelay $0x1  }
0xf0: {  	s31 =	simm.s32 $0xF80  }
0xf1: {  	[tilespmem:s31], [sflag:$0x1] =	stream.linear.gather [hbm4b:s16+s13], $0x50, $0x38;
	[tilespmem:$0x1B280] =	vst v63  }
0xf2: {  	s16 =	sld [smem:$0x7FB];
	_ =	sdelay $0x1  }
0xf3: {  	s31 =	simm.s32 $0x1000  }
0xf4: {  	[tilespmem:s31], [sflag:$0x1] =	stream.linear.gather [hbm4b:s16+s13], $0x50, $0x38;
	[tilespmem:$0x1B280] =	vst v63  }
0xf5: {  	s31 =	sld [smem:$0x7EC]  }
0xf6: {  	s15 =	stileid.u32  }
0xf7: {  	s14 =	sshll.u32 s15, $0x6  }
0xf8: {  	s14 =	sor.u32 $0x1C04, s14;
	s16 =	rddreg [dreg:$0x19];
	s15 =	sshrl.u32 s31, $0x3  }
0xf9: {  	[spmem:s15], [sflag:s14] =	dma.local [hbm:s16], $0x400  }
0xfa: {  	_ =	swait.ge [sflag:s23], $0x400  }
0xfb: {  	[sflag:s23] =	ssyncset.done $0x0  }
0xfc: {  	s16 =	rddreg [dreg:$0x5];
	[sflag:s23] =	ssyncadd.s32 $0xFFFFFC00  }
0xfd: {  	[tilespmem:s6], [sflag:$0x3] =	stream.linear.gather [hbm4b:s16+s13], $0x5000, $0x38;
	[tilespmem:$0x1B280] =	vst v63  }
0xfe: {  	_ =	swait.ge [sflag:s29], $0x50  }
0xff: {  	[sflag:s29] =	ssyncset.done $0x0  }
0x100: {  	[sflag:s29] =	ssyncadd.s32 $0xFFFFFFB0  }
0x101: {  	_ =	swait.ge [sflag:s29], $0x50  }
0x102: {  	[sflag:s29] =	ssyncset.done $0x0  }
0x103: {  	[sflag:s29] =	ssyncadd.s32 $0xFFFFFFB0  }
0x104: {  	_ =	swait.ge [sflag:s29], $0x50  }
0x105: {  	[sflag:s29] =	ssyncset.done $0x0  }
0x106: {  	[sflag:s29] =	ssyncadd.s32 $0xFFFFFFB0  }
0x107: {  	_ =	swait.ge [sflag:s29], $0x50  }
0x108: {  	[sflag:s29] =	ssyncset.done $0x0  }
0x109: {  	[sflag:s29] =	ssyncadd.s32 $0xFFFFFFB0  }
0x10a: {  	_ =	swait.ge [sflag:s29], $0x50  }
0x10b: {  	[sflag:s29] =	ssyncset.done $0x0  }
0x10c: {  	[sflag:s29] =	ssyncadd.s32 $0xFFFFFFB0  }
0x10d: {  	_ =	swait.ge [sflag:s29], $0x50  }
0x10e: {  	[sflag:s29] =	ssyncset.done $0x0  }
0x10f: {  	[sflag:s29] =	ssyncadd.s32 $0xFFFFFFB0  }
0x110: {  	_ =	swait.ge [sflag:s29], $0x50  }
0x111: {  	[sflag:s29] =	ssyncset.done $0x0  }
0x112: {  	[sflag:s29] =	ssyncadd.s32 $0xFFFFFFB0  }
0x113: {  	_ =	swait.ge [sflag:s29], $0x50  }
0x114: {  	[sflag:s29] =	ssyncset.done $0x0  }
0x115: {  	[sflag:s29] =	ssyncadd.s32 $0xFFFFFFB0  }
0x116: {  	_ =	swait.ge [sflag:s29], $0x50  }
0x117: {  	[sflag:s29] =	ssyncset.done $0x0  }
0x118: {  	[sflag:s29] =	ssyncadd.s32 $0xFFFFFFB0  }
0x119: {  	_ =	swait.ge [sflag:s29], $0x50  }
0x11a: {  	[sflag:s29] =	ssyncset.done $0x0  }
0x11b: {  	[sflag:s29] =	ssyncadd.s32 $0xFFFFFFB0  }
0x11c: {  	_ =	swait.ge [sflag:s29], $0x50  }
0x11d: {  	[sflag:s29] =	ssyncset.done $0x0  }
0x11e: {  	[sflag:s29] =	ssyncadd.s32 $0xFFFFFFB0  }
0x11f: {  	_ =	swait.ge [sflag:s29], $0x50  }
0x120: {  	[sflag:s29] =	ssyncset.done $0x0  }
0x121: {  	[sflag:s29] =	ssyncadd.s32 $0xFFFFFFB0  }
0x122: {  	_ =	swait.ge [sflag:s29], $0x50  }
0x123: {  	[sflag:s29] =	ssyncset.done $0x0  }
0x124: {  	[sflag:s29] =	ssyncadd.s32 $0xFFFFFFB0  }
0x125: {  	_ =	swait.ge [sflag:s29], $0x50  }
0x126: {  	[sflag:s29] =	ssyncset.done $0x0  }
0x127: {  	[sflag:s29] =	ssyncadd.s32 $0xFFFFFFB0  }
0x128: {  	_ =	swait.ge [sflag:s29], $0x50  }
0x129: {  	[sflag:s29] =	ssyncset.done $0x0  }
0x12a: {  	[sflag:s29] =	ssyncadd.s32 $0xFFFFFFB0  }
0x12b: {  	_ =	swait.ge [sflag:s29], $0x50  }
0x12c: {  	[sflag:s29] =	ssyncset.done $0x0  }
0x12d: {  	[sflag:s29] =	ssyncadd.s32 $0xFFFFFFB0  }
0x12e: {  	_ =	swait.ge [sflag:s29], $0x50  }
0x12f: {  	[sflag:s29] =	ssyncset.done $0x0  }
0x130: {  	[sflag:s29] =	ssyncadd.s32 $0xFFFFFFB0  }
0x131: {  	_ =	swait.ge [sflag:s29], $0x50  }
0x132: {  	[sflag:s29] =	ssyncset.done $0x0  }
0x133: {  	[sflag:s29] =	ssyncadd.s32 $0xFFFFFFB0  }
0x134: {  	_ =	swait.ge [sflag:s29], $0x50  }
0x135: {  	[sflag:s29] =	ssyncset.done $0x0  }
0x136: {  	[sflag:s29] =	ssyncadd.s32 $0xFFFFFFB0  }
0x137: {  	_ =	swait.ge [sflag:s29], $0x50  }
0x138: {  	[sflag:s29] =	ssyncset.done $0x0  }
0x139: {  	[sflag:s29] =	ssyncadd.s32 $0xFFFFFFB0  }
0x13a: {  	[bflag:$0x0] =	sbarrier.arrive $0xFFFF  }
0x13b: {  	_ =	swait.ge [sflag:s7], $0x5000  }
0x13c: {  	[sflag:s7] =	ssyncset.done $0x0  }
0x13d: {  	s15 =	rddreg [dreg:$0x6];
	[sflag:s7] =	ssyncadd.s32 $0xFFFFB000  }
0x13e: {  	[tilespmem:s8], [sflag:$0x3] =	stream.linear.gather [hbm4b:s15+s13], $0x5000, $0x38;
	[tilespmem:$0x1B280] =	vst v63  }
0x13f: {  	_ = 	snop  }
0x140: {  	[spmem:s22] =	stream.indirect.scatter.add.f32 [tilespmem:s6], [sflag:$0x4], $0x80, s17, s24, $0xb8;
	[tilespmem:$0x1B280] =	vst v63  }
0x141: {  	_ =	swait.ge [sflag:s23], $0x2800  }
0x142: {  	[sflag:s23] =	ssyncset.done $0x0  }
0x143: {  	s15 =	simm.s32 $0xDA80;
	[sflag:s23] =	ssyncadd.s32 $0xFFFFD800  }
0x144: {  	[spmem:s22] =	stream.indirect.scatter.add.f32 [tilespmem:s15], [sflag:$0x4], $0x80, s20, s24, $0xb8;
	[tilespmem:$0x1B280] =	vst v63  }
0x145: {  	_ =	swait.ge [sflag:s23], $0x2800  }
0x146: {  	[sflag:s23] =	ssyncset.done $0x0  }
0x147: {  	[sflag:s23] =	ssyncadd.s32 $0xFFFFD800  }
0x148: {  	_ =	swait.ge [sflag:s7], $0x5000  }
0x149: {  	[sflag:s7] =	ssyncset.done $0x0  }
0x14a: {  	s16 =	rddreg [dreg:$0x7];
	[sflag:s7] =	ssyncadd.s32 $0xFFFFB000  }
0x14b: {  	[tilespmem:s6], [sflag:$0x3] =	stream.linear.gather [hbm4b:s16+s13], $0x5000, $0x38;
	[tilespmem:$0x1B280] =	vst v63  }
0x14c: {  	_ = 	snop  }
0x14d: {  	[spmem:s22] =	stream.indirect.scatter.add.f32 [tilespmem:s8], [sflag:$0x4], $0x80, s21, s24, $0xb8;
	[tilespmem:$0x1B280] =	vst v63  }
0x14e: {  	_ =	swait.ge [sflag:s23], $0x2800  }
0x14f: {  	[sflag:s23] =	ssyncset.done $0x0  }
0x150: {  	s16 =	simm.s32 $0x12A80;
	[sflag:s23] =	ssyncadd.s32 $0xFFFFD800  }
0x151: {  	[spmem:s22] =	stream.indirect.scatter.add.f32 [tilespmem:s16], [sflag:$0x4], $0x80, s3, s24, $0xb8;
	[tilespmem:$0x1B280] =	vst v63  }
0x152: {  	_ =	swait.ge [sflag:s23], $0x2800  }
0x153: {  	[sflag:s23] =	ssyncset.done $0x0  }
0x154: {  	[sflag:s23] =	ssyncadd.s32 $0xFFFFD800  }
0x155: {  	_ =	swait.ge [sflag:s7], $0x5000  }
0x156: {  	[sflag:s7] =	ssyncset.done $0x0  }
0x157: {  	s3 =	rddreg [dreg:$0x8];
	[sflag:s7] =	ssyncadd.s32 $0xFFFFB000  }
0x158: {  	[tilespmem:s8], [sflag:$0x3] =	stream.linear.gather [hbm4b:s3+s13], $0x5000, $0x38;
	[tilespmem:$0x1B280] =	vst v63  }
0x159: {  	_ = 	snop  }
0x15a: {  	[spmem:s22] =	stream.indirect.scatter.add.f32 [tilespmem:s6], [sflag:$0x4], $0x80, s4, s24, $0xb8;
	[tilespmem:$0x1B280] =	vst v63  }
0x15b: {  	_ =	swait.ge [sflag:s23], $0x2800  }
0x15c: {  	[sflag:s23] =	ssyncset.done $0x0  }
0x15d: {  	[sflag:s23] =	ssyncadd.s32 $0xFFFFD800  }
0x15e: {  	[spmem:s22] =	stream.indirect.scatter.add.f32 [tilespmem:s15], [sflag:$0x4], $0x80, s5, s24, $0xb8;
	[tilespmem:$0x1B280] =	vst v63  }
0x15f: {  	_ =	swait.ge [sflag:s23], $0x2800  }
0x160: {  	[sflag:s23] =	ssyncset.done $0x0  }
0x161: {  	[sflag:s23] =	ssyncadd.s32 $0xFFFFD800  }
0x162: {  	_ =	swait.ge [sflag:s7], $0x5000  }
0x163: {  	[sflag:s7] =	ssyncset.done $0x0  }
0x164: {  	s4 =	rddreg [dreg:$0x9];
	[sflag:s7] =	ssyncadd.s32 $0xFFFFB000  }
0x165: {  	[tilespmem:s6], [sflag:$0x3] =	stream.linear.gather [hbm4b:s4+s13], $0x5000, $0x38;
	[tilespmem:$0x1B280] =	vst v63  }
0x166: {  	_ = 	snop  }
0x167: {  	[spmem:s22] =	stream.indirect.scatter.add.f32 [tilespmem:s8], [sflag:$0x4], $0x80, s11, s24, $0xb8;
	[tilespmem:$0x1B280] =	vst v63  }
0x168: {  	_ =	swait.ge [sflag:s23], $0x2800  }
0x169: {  	[sflag:s23] =	ssyncset.done $0x0  }
0x16a: {  	[sflag:s23] =	ssyncadd.s32 $0xFFFFD800  }
0x16b: {  	[spmem:s22] =	stream.indirect.scatter.add.f32 [tilespmem:s16], [sflag:$0x4], $0x80, s26, s24, $0xb8;
	[tilespmem:$0x1B280] =	vst v63  }
0x16c: {  	_ =	swait.ge [sflag:s23], $0x2800  }
0x16d: {  	[sflag:s23] =	ssyncset.done $0x0  }
0x16e: {  	[sflag:s23] =	ssyncadd.s32 $0xFFFFD800  }
0x16f: {  	_ =	swait.ge [sflag:s7], $0x5000  }
0x170: {  	[sflag:s7] =	ssyncset.done $0x0  }
0x171: {  	s4 =	rddreg [dreg:$0xa];
	[sflag:s7] =	ssyncadd.s32 $0xFFFFB000  }
0x172: {  	[tilespmem:s8], [sflag:$0x3] =	stream.linear.gather [hbm4b:s4+s13], $0x5000, $0x38;
	[tilespmem:$0x1B280] =	vst v63  }
0x173: {  	_ = 	snop  }
0x174: {  	[spmem:s22] =	stream.indirect.scatter.add.f32 [tilespmem:s6], [sflag:$0x4], $0x80, s18, s24, $0xb8;
	[tilespmem:$0x1B280] =	vst v63  }
0x175: {  	_ =	swait.ge [sflag:s23], $0x2800  }
0x176: {  	[sflag:s23] =	ssyncset.done $0x0  }
0x177: {  	[sflag:s23] =	ssyncadd.s32 $0xFFFFD800  }
0x178: {  	[spmem:s22] =	stream.indirect.scatter.add.f32 [tilespmem:s15], [sflag:$0x4], $0x80, s9, s24, $0xb8;
	[tilespmem:$0x1B280] =	vst v63  }
0x179: {  	_ =	swait.ge [sflag:s23], $0x2800  }
0x17a: {  	[sflag:s23] =	ssyncset.done $0x0  }
0x17b: {  	[sflag:s23] =	ssyncadd.s32 $0xFFFFD800  }
0x17c: {  	_ =	swait.ge [sflag:s7], $0x5000  }
0x17d: {  	[sflag:s7] =	ssyncset.done $0x0  }
0x17e: {  	s4 =	rddreg [dreg:$0xb];
	[sflag:s7] =	ssyncadd.s32 $0xFFFFB000  }
0x17f: {  	[tilespmem:s6], [sflag:$0x3] =	stream.linear.gather [hbm4b:s4+s13], $0x5000, $0x38;
	[tilespmem:$0x1B280] =	vst v63  }
0x180: {  	_ = 	snop  }
0x181: {  	[spmem:s22] =	stream.indirect.scatter.add.f32 [tilespmem:s8], [sflag:$0x4], $0x80, s10, s24, $0xb8;
	[tilespmem:$0x1B280] =	vst v63  }
0x182: {  	_ =	swait.ge [sflag:s23], $0x2800  }
0x183: {  	[sflag:s23] =	ssyncset.done $0x0  }
0x184: {  	[sflag:s23] =	ssyncadd.s32 $0xFFFFD800  }
0x185: {  	[spmem:s22] =	stream.indirect.scatter.add.f32 [tilespmem:s16], [sflag:$0x4], $0x80, s2, s24, $0xb8;
	[tilespmem:$0x1B280] =	vst v63  }
0x186: {  	_ =	swait.ge [sflag:s23], $0x2800  }
0x187: {  	[sflag:s23] =	ssyncset.done $0x0  }
0x188: {  	[sflag:s23] =	ssyncadd.s32 $0xFFFFD800  }
0x189: {  	_ =	swait.ge [sflag:s7], $0x5000  }
0x18a: {  	[sflag:s7] =	ssyncset.done $0x0  }
0x18b: {  	s4 =	rddreg [dreg:$0xc];
	[sflag:s7] =	ssyncadd.s32 $0xFFFFB000  }
0x18c: {  	[tilespmem:s8], [sflag:$0x3] =	stream.linear.gather [hbm4b:s4+s13], $0x5000, $0x38;
	[tilespmem:$0x1B280] =	vst v63  }
0x18d: {  	_ = 	snop  }
0x18e: {  	[spmem:s22] =	stream.indirect.scatter.add.f32 [tilespmem:s6], [sflag:$0x4], $0x80, s28, s24, $0xb8;
	[tilespmem:$0x1B280] =	vst v63  }
0x18f: {  	_ =	swait.ge [sflag:s23], $0x2800  }
0x190: {  	[sflag:s23] =	ssyncset.done $0x0  }
0x191: {  	s28 =	simm.s32 $0xD00;
	[sflag:s23] =	ssyncadd.s32 $0xFFFFD800  }
0x192: {  	[spmem:s22] =	stream.indirect.scatter.add.f32 [tilespmem:s15], [sflag:$0x4], $0x80, s28, s24, $0xb8;
	[tilespmem:$0x1B280] =	vst v63  }
0x193: {  	_ =	swait.ge [sflag:s23], $0x2800  }
0x194: {  	[sflag:s23] =	ssyncset.done $0x0  }
0x195: {  	[sflag:s23] =	ssyncadd.s32 $0xFFFFD800  }
0x196: {  	_ =	swait.ge [sflag:s7], $0x5000  }
0x197: {  	[sflag:s7] =	ssyncset.done $0x0  }
0x198: {  	s4 =	rddreg [dreg:$0xd];
	[sflag:s7] =	ssyncadd.s32 $0xFFFFB000  }
0x199: {  	[tilespmem:s6], [sflag:$0x3] =	stream.linear.gather [hbm4b:s4+s13], $0x5000, $0x38;
	[tilespmem:$0x1B280] =	vst v63  }
0x19a: {  	s14 =	simm.s32 $0xD80  }
0x19b: {  	[spmem:s22] =	stream.indirect.scatter.add.f32 [tilespmem:s8], [sflag:$0x4], $0x80, s14, s24, $0xb8;
	[tilespmem:$0x1B280] =	vst v63  }
0x19c: {  	_ =	swait.ge [sflag:s23], $0x2800  }
0x19d: {  	[sflag:s23] =	ssyncset.done $0x0  }
0x19e: {  	s28 =	simm.s32 $0xE00;
	[sflag:s23] =	ssyncadd.s32 $0xFFFFD800  }
0x19f: {  	[spmem:s22] =	stream.indirect.scatter.add.f32 [tilespmem:s16], [sflag:$0x4], $0x80, s28, s24, $0xb8;
	[tilespmem:$0x1B280] =	vst v63  }
0x1a0: {  	_ =	swait.ge [sflag:s23], $0x2800  }
0x1a1: {  	[sflag:s23] =	ssyncset.done $0x0  }
0x1a2: {  	[sflag:s23] =	ssyncadd.s32 $0xFFFFD800  }
0x1a3: {  	_ =	swait.ge [sflag:s7], $0x5000  }
0x1a4: {  	[sflag:s7] =	ssyncset.done $0x0  }
0x1a5: {  	s4 =	rddreg [dreg:$0xe];
	[sflag:s7] =	ssyncadd.s32 $0xFFFFB000  }
0x1a6: {  	[tilespmem:s8], [sflag:$0x3] =	stream.linear.gather [hbm4b:s4+s13], $0x5000, $0x38;
	[tilespmem:$0x1B280] =	vst v63  }
0x1a7: {  	s28 =	simm.s32 $0xE80  }
0x1a8: {  	[spmem:s22] =	stream.indirect.scatter.add.f32 [tilespmem:s6], [sflag:$0x4], $0x80, s28, s24, $0xb8;
	[tilespmem:$0x1B280] =	vst v63  }
0x1a9: {  	_ =	swait.ge [sflag:s23], $0x2800  }
0x1aa: {  	[sflag:s23] =	ssyncset.done $0x0  }
0x1ab: {  	s4 =	simm.s32 $0xF00;
	[sflag:s23] =	ssyncadd.s32 $0xFFFFD800  }
0x1ac: {  	[spmem:s22] =	stream.indirect.scatter.add.f32 [tilespmem:s15], [sflag:$0x4], $0x80, s4, s24, $0xb8;
	[tilespmem:$0x1B280] =	vst v63  }
0x1ad: {  	_ =	swait.ge [sflag:s23], $0x2800  }
0x1ae: {  	[sflag:s23] =	ssyncset.done $0x0  }
0x1af: {  	[sflag:s23] =	ssyncadd.s32 $0xFFFFD800  }
0x1b0: {  	_ =	swait.ge [sflag:s7], $0x5000  }
0x1b1: {  	[sflag:s7] =	ssyncset.done $0x0  }
0x1b2: {  	s14 =	simm.s32 $0xF80;
	[sflag:s7] =	ssyncadd.s32 $0xFFFFB000  }
0x1b3: {  	[spmem:s22] =	stream.indirect.scatter.add.f32 [tilespmem:s8], [sflag:$0x4], $0x80, s14, s24, $0xb8;
	[tilespmem:$0x1B280] =	vst v63  }
0x1b4: {  	_ =	swait.ge [sflag:s23], $0x2800  }
0x1b5: {  	[sflag:s23] =	ssyncset.done $0x0  }
0x1b6: {  	s15 =	simm.s32 $0x1000;
	[sflag:s23] =	ssyncadd.s32 $0xFFFFD800  }
0x1b7: {  	[spmem:s22] =	stream.indirect.scatter.add.f32 [tilespmem:s16], [sflag:$0x4], $0x80, s15, s24, $0xb8;
	[tilespmem:$0x1B280] =	vst v63  }
0x1b8: {  	_ =	swait.ge [sflag:s23], $0x2800  }
0x1b9: {  	[sflag:s23] =	ssyncset.done $0x0  }
0x1ba: {  	[sflag:s23] =	ssyncadd.s32 $0xFFFFD800  }
0x1bb: {  	s28 =	simm.s32 $0x15280;
	[bflag:$0x0] =	sbarrier.arrive $0xFFFF  }
0x1bc: {  	[tilespmem:s28], [sflag:$0x4] =	stream.linear.gather [spmem:s31], $0x2000, $0x38;
	[tilespmem:$0x1B280] =	vst v63  }
0x1bd: {  	_ =	swait.ge [sflag:s23], $0x2000  }
0x1be: {  	[sflag:s23] =	ssyncset.done $0x0  }
0x1bf: {  	s3 =	simm.s32 $0x17280;
	s31 =	rddreg [dreg:$0x1a];
	[sflag:s23] =	ssyncadd.s32 $0xFFFFE000  }
0x1c0: {  	[tilespmem:s3], [sflag:$0x4] =	stream.linear.gather [hbm4b:s31+s13], $0x2000, $0x38;
	[tilespmem:$0x1B280] =	vst v63  }
0x1c1: {  	_ =	swait.ge [sflag:s23], $0x2000  }
0x1c2: {  	[sflag:s23] =	ssyncset.done $0x0  }
0x1c3: {  	s13 =	simm.s32 $0x0;
	[sflag:s23] =	ssyncadd.s32 $0xFFFFE000  }
0x1c4: {  	v5 =	vld [tilespmem:s13+$0x15280]  }
0x1c5: {  	v6 =	vld [tilespmem:s13+$0x15290]  }
0x1c6: {  	v9 =	vld [tilespmem:s13+$0x152A0]  }
0x1c7: {  	v4 =	vld [tilespmem:s13+$0x152B0]  }
0x1c8: {  	v3 =	vld [tilespmem:s13+$0x152C0]  }
0x1c9: {  	v2 =	vld [tilespmem:s13+$0x152D0]  }
0x1ca: {  	v1 =	vld [tilespmem:s13+$0x152E0]  }
0x1cb: {  	v0 =	vld [tilespmem:s13+$0x152F0]  }
0x1cc: {  	v13 =	vld [tilespmem:s13+$0x17280]  }
0x1cd: {  	v15 =	vld [tilespmem:s13+$0x17290]  }
0x1ce: {  	v10 =	vld [tilespmem:s13+$0x172A0]  }
0x1cf: {  	v8 =	vld [tilespmem:s13+$0x172B0]  }
0x1d0: {  	v7 =	vld [tilespmem:s13+$0x172C0];
	v12 =	vmul.f32 $9.999999770e-03, v5  }
0x1d1: {  	s14 =	simm.s32 $0x200;
	v11 =	vmul.f32 $9.999999770e-03, v6;
	v6 =	vld [tilespmem:s13+$0x172D0];
	v14 =	vmul.f32 $9.900000090e-01, v13  }
0x1d2: {  	v9 =	vmul.f32 $9.999999770e-03, v9;
	v13 =	vmul.f32 $9.900000090e-01, v15;
	v5 =	vld [tilespmem:s13+$0x172E0]  }
.LBB2_4:
0x1d3: {  	s15 =	sshra.s32 s14, $0x2;
	p1 =	sne.s32 s14, $0x7E00;
	v12 =	vadd.f32 v12, v14;
	v10 =	vmul.f32 $9.900000090e-01, v10;
	v14 =	vld [tilespmem:s13+$0x172F0]  }
0x1d4: {  	v4 =	vmul.f32 $9.999999770e-03, v4;
	v15 =	vld [tilespmem:s15+$0x15280];
	v11 =	vadd.f32 v11, v13;
	v8 =	vmul.f32 $9.900000090e-01, v8  }
0x1d5: {  	v3 =	vmul.f32 $9.999999770e-03, v3;
	v13 =	vld [tilespmem:s15+$0x15290];
	[tilespmem:s13+$0x17280] =	vst v12;
	v9 =	vadd.f32 v9, v10;
	v7 =	vmul.f32 $9.900000090e-01, v7  }
0x1d6: {  	v2 =	vmul.f32 $9.999999770e-03, v2;
	v16 =	vld [tilespmem:s15+$0x152A0];
	[tilespmem:s13+$0x17290] =	vst v11;
	v8 =	vadd.f32 v4, v8;
	v6 =	vmul.f32 $9.900000090e-01, v6  }
0x1d7: {  	v1 =	vmul.f32 $9.999999770e-03, v1;
	v4 =	vld [tilespmem:s15+$0x152B0];
	[tilespmem:s13+$0x172A0] =	vst v9;
	v7 =	vadd.f32 v3, v7;
	v5 =	vmul.f32 $9.900000090e-01, v5  }
0x1d8: {  	v0 =	vmul.f32 $9.999999770e-03, v0;
	v3 =	vld [tilespmem:s15+$0x152C0];
	[tilespmem:s13+$0x172B0] =	vst v8;
	v6 =	vadd.f32 v2, v6;
	v8 =	vmul.f32 $9.900000090e-01, v14  }
0x1d9: {  	v2 =	vld [tilespmem:s15+$0x152D0];
	[tilespmem:s13+$0x172C0] =	vst v7;
	v5 =	vadd.f32 v1, v5  }
0x1da: {  	v1 =	vld [tilespmem:s15+$0x152E0];
	[tilespmem:s13+$0x172D0] =	vst v6;
	v6 =	vadd.f32 v0, v8  }
0x1db: {  	v0 =	vld [tilespmem:s15+$0x152F0];
	[tilespmem:s13+$0x172E0] =	vst v5  }
0x1dc: {  	v5 =	vld [tilespmem:s15+$0x17280];
	[tilespmem:s13+$0x172F0] =	vst v6;
	s13 =	smov.u32 s15  }
0x1dd: {  	v17 =	vld [tilespmem:s13+$0x17290]  }
.Ltmp3:
0x1de: {  	v10 =	vld [tilespmem:s13+$0x172A0];
	(pc) =	sbr.rel @p1 .LBB2_4-.Ltmp3, $4  }
0x1df: {  	v8 =	vld [tilespmem:s13+$0x172B0]  }
0x1e0: {  	v12 =	vmul.f32 $9.999999770e-03, v15;
	v11 =	vmul.f32 $9.999999770e-03, v13;
	v7 =	vld [tilespmem:s13+$0x172C0]  }
0x1e1: {  	v9 =	vmul.f32 $9.999999770e-03, v16;
	v14 =	vmul.f32 $9.900000090e-01, v5;
	v6 =	vld [tilespmem:s13+$0x172D0]  }
0x1e2: {  	s14 =	sadd.s32 $0x200, s14;
	v13 =	vmul.f32 $9.900000090e-01, v17;
	v5 =	vld [tilespmem:s13+$0x172E0]  }
0x1e3: {  	v12 =	vadd.f32 v12, v14;
	v10 =	vmul.f32 $9.900000090e-01, v10;
	v62 =	vld [tilespmem:s13+$0x172F0]  }
0x1e4: {  	v4 =	vmul.f32 $9.999999770e-03, v4;
	v11 =	vadd.f32 v11, v13;
	v8 =	vmul.f32 $9.900000090e-01, v8  }
0x1e5: {  	v3 =	vmul.f32 $9.999999770e-03, v3;
	[tilespmem:s13+$0x17280] =	vst v12;
	v9 =	vadd.f32 v9, v10;
	v7 =	vmul.f32 $9.900000090e-01, v7  }
0x1e6: {  	v2 =	vmul.f32 $9.999999770e-03, v2;
	[tilespmem:s13+$0x17290] =	vst v11;
	v4 =	vadd.f32 v4, v8;
	v6 =	vmul.f32 $9.900000090e-01, v6  }
0x1e7: {  	v1 =	vmul.f32 $9.999999770e-03, v1;
	[tilespmem:s13+$0x172A0] =	vst v9;
	v3 =	vadd.f32 v3, v7;
	v5 =	vmul.f32 $9.900000090e-01, v5  }
0x1e8: {  	v0 =	vmul.f32 $9.999999770e-03, v0;
	[tilespmem:s13+$0x172B0] =	vst v4;
	v2 =	vadd.f32 v2, v6;
	v63 =	vmul.f32 $9.900000090e-01, v62  }
0x1e9: {  	[tilespmem:s13+$0x172C0] =	vst v3;
	v1 =	vadd.f32 v1, v5  }
0x1ea: {  	[tilespmem:s13+$0x172D0] =	vst v2;
	v0 =	vadd.f32 v0, v63  }
0x1eb: {  	[tilespmem:s13+$0x172E0] =	vst v1  }
0x1ec: {  	s31 =	rddreg [dreg:$0x1b];
	[tilespmem:s13+$0x172F0] =	vst v0  }
0x1ed: {  	[hbm4b:s31+s1] =	stream.linear.scatter [tilespmem:s3], [sflag:$0x4], $0x2000, $0x38;
	[tilespmem:$0x1B280] =	vst v63  }
.Ltmp4:
0x1ee: {  	_ = 	snop;
	(pc) =	sbr.rel .LBB2_6-.Ltmp4, $4  }
0x1ef: {  	_ =	swait.ge [sflag:s23], $0x2000  }
0x1f0: {  	s2 =	sld [smem:$0x7FC]  }
0x1f1: {  	[sflag:s23] =	ssyncset.done $0x0;
	s28 =	sld [smem:$0x7FD]  }
0x1f2: {  	[sflag:s23] =	ssyncadd.s32 $0xFFFFE000  }
.LBB2_7:
0x1f3: {  	_ =	sfence.sel $0x180000  }
0x1f4: {  	[bflag:$0x0] =	sbarrier.arrive $0xFFFF  }
0x1f5: {  	_ =	strace $0x90000047  }
0x1f6: {  	s0 =	stileid.u32;
	[bflag:$0x2] =	sbarrier.arrive $0xFFFF  }
0x1f7: {  	p0 =	sne.s32 s0, $0x0;
	s0 =	rddreg [dreg:$0x4]  }
0x1f8: {  	s0 =	sadd.s32 @!p0 $0x100000, s0  }
0x1f9: {  	[sflag:s0] =	ssyncadd.tile.s32 @!p0 $0x1;
	_ =	shalt  }
.Lfunc_end2:
_tile_overlayer_lowered:
.L_overlay_start_2:
0x1fa: {  	(tag) =	ssettag $0x2  }
0x1fb: {  	s0 =	rddreg [dreg:$0x0];
	s2 =	stileid.u32  }
0x1fc: {  	s1 =	rddreg [dreg:$0x1];
	p0 =	sne.s32 s2, $0x0  }
0x1fd: {  	s3 =	rddreg [dreg:$0x2];
	[bflag:$0x3] =	sbarrier.arrive $0xFFFF;
	s2 =	simm.s32 @!p0 $0x1C04  }
0x1fe: {  	[timem:s3], [sflag:s2] =	dma.local @!p0 [hbm:s0], s1  }
0x1ff: {  	s0 =	simm.s32 @!p0 $0x4  }
0x200: {  	_ =	swait.ge @!p0 [sflag:s0], s1  }
0x201: {  	s1 =	ssub.s32 @!p0 $0x0, s1;
	[sflag:s0] =	ssyncset.done @!p0 $0x0  }
0x202: {  	[sflag:s0] =	ssyncadd.s32 @!p0 s1  }
0x203: {  	[bflag:$0x3] =	sbarrier.arrive $0xFFFF  }
0x204: {  	_ =	shalt  }

</sc_bundles>
